<compile_context>
chip_gen: v7x
topology: tpu7x:2x2x1
jax: 0.10.2.dev20260603
libtpu: 0.0.44.dev20260713+nightly
codegen_flags: <defaults>
</compile_context>

<pallas_src>
import functools

import jax
import jax.numpy as jnp
import numpy as np
from jax import lax
from jax.experimental import pallas as pl
from jax.experimental.pallas import tpu as pltpu
from jax.experimental.pallas import tpu_sc as plsc

_N = 10000
_E = 320000
_IN = 128
_HID = 32
_HEADS = 4
_F = _HID * _HEADS

_NPAD = 10240
_NW = 32
_EPW = 10240
_EPAD = _NW * _EPW
_C0 = 64
_C2 = 128
_RPT = _NPAD // 16

_EPS = 1e-16
_LEAK = 0.01

_SEL = np.kron(np.eye(_HEADS, dtype=np.float32), np.ones((1, _HID), np.float32))


def _dense0_body(x_ref, wq, wk, wv, ws, bq, bk, bv, bs, weh,
                 q_ref, k_ref, v_ref, s_ref, qwe_ref):
    xb = x_ref[...]
    scale = 1.0 / np.sqrt(_HID)
    q = (jnp.dot(xb, wq[...], preferred_element_type=jnp.float32) + bq[...]) * scale
    q_ref[...] = q
    k_ref[...] = jnp.dot(xb, wk[...], preferred_element_type=jnp.float32) + bk[...]
    v_ref[...] = jnp.dot(xb, wv[...], preferred_element_type=jnp.float32) + bv[...]
    s_ref[...] = jnp.dot(xb, ws[...], preferred_element_type=jnp.float32) + bs[...]
    qwe_ref[...] = jnp.dot(q, weh[...], preferred_element_type=jnp.float32)


def _dense0(xp, wq, wk, wv, ws, bq, bk, bv, bs, weh):
    grid = (_NPAD // 128,)
    row = pl.BlockSpec((128, _IN), lambda i: (i, 0))
    full = pl.BlockSpec((_IN, _F), lambda i: (0, 0))
    brow = pl.BlockSpec((1, _F), lambda i: (0, 0))
    out = jax.ShapeDtypeStruct((_NPAD, _F), jnp.float32)
    return pl.pallas_call(
        _dense0_body,
        grid=grid,
        in_specs=[row, full, full, full, full, brow, brow, brow, brow,
                  pl.BlockSpec((_F, 8), lambda i: (0, 0))],
        out_specs=[pl.BlockSpec((128, _F), lambda i: (i, 0))] * 4
        + [pl.BlockSpec((128, 8), lambda i: (i, 0))],
        out_shape=[out] * 4 + [jax.ShapeDtypeStruct((_NPAD, 8), jnp.float32)],
    )(xp, wq, wk, wv, ws, bq, bk, bv, bs, weh)


def _edge0_body(q_hbm, k_hbm, v_hbm, qwe_hbm, src_hbm, dst_hbm, ea_hbm,
                zn_hbm, zd_hbm,
                num_out, denu_out,
                num_sh, denu_sh, srcv, dstv, eav, qd, ks, vs, qwed, exu,
                sem1, sem2, sem3, sem4):
    cid = lax.axis_index("c")
    sid = lax.axis_index("s")
    wid = sid * 2 + cid
    tbase = sid * _RPT
    pltpu.sync_copy(zn_hbm.at[pl.ds(tbase, _RPT)], num_sh.at[pl.ds(tbase, _RPT)])
    pltpu.sync_copy(zd_hbm.at[pl.ds(tbase, _RPT)], denu_sh.at[pl.ds(tbase, _RPT)])
    plsc.subcore_barrier()

    ebase = wid * _EPW
    iota16 = lax.iota(jnp.int32, 16)

    def chunk(g, carry):
        base = ebase + g * _C0
        ci1 = pltpu.async_copy(src_hbm.at[pl.ds(base, _C0)], srcv, sem1)
        ci2 = pltpu.async_copy(dst_hbm.at[pl.ds(base, _C0)], dstv, sem2)
        ci3 = pltpu.async_copy(ea_hbm.at[pl.ds(base, _C0)], eav, sem3)
        ci1.wait()
        ci2.wait()
        ci3.wait()
        cp1 = pltpu.async_copy(q_hbm.at[dstv], qd, sem1)
        cp2 = pltpu.async_copy(k_hbm.at[srcv], ks, sem2)
        cp3 = pltpu.async_copy(v_hbm.at[srcv], vs, sem3)
        cp4 = pltpu.async_copy(qwe_hbm.at[dstv], qwed, sem4)
        cp1.wait()
        cp2.wait()
        cp3.wait()
        cp4.wait()

        def tgroup(t, c2):
            rows = iota16 + t * 16
            eav_v = plsc.load_gather(eav, [rows])
            exs = []
            for h in range(_HEADS):
                aqk = jnp.zeros((16,), jnp.float32)
                for cc in range(_HID):
                    f = h * _HID + cc
                    cols = jnp.full((16,), f, jnp.int32)
                    qv = plsc.load_gather(qd, [rows, cols])
                    kv = plsc.load_gather(ks, [rows, cols])
                    aqk = aqk + qv * kv
                qweh = plsc.load_gather(qwed, [rows, jnp.full((16,), h, jnp.int32)])
                ex = jnp.exp(aqk + eav_v * qweh)
                exs.append(ex)
                plsc.store_scatter(exu, [rows, jnp.full((16,), h, jnp.int32)], ex)
                plsc.store_scatter(exu, [rows, jnp.full((16,), h + _HEADS, jnp.int32)],
                                   ex * eav_v)
            for h in range(_HEADS):
                for cc in range(_HID):
                    f = h * _HID + cc
                    cols = jnp.full((16,), f, jnp.int32)
                    vv = plsc.load_gather(vs, [rows, cols])
                    plsc.store_scatter(vs, [rows, cols], exs[h] * vv)
            return c2

        lax.fori_loop(0, _C0 // 16, tgroup, 0)
        cs1 = pltpu.async_copy(vs, num_sh.at[dstv], sem1, add=True)
        cs2 = pltpu.async_copy(exu, denu_sh.at[dstv], sem2, add=True)
        cs1.wait()
        cs2.wait()
        return carry

    lax.fori_loop(0, _EPW // _C0, chunk, 0)
    plsc.subcore_barrier()
    pltpu.sync_copy(num_sh.at[pl.ds(tbase, _RPT)], num_out.at[cid, pl.ds(tbase, _RPT)])
    pltpu.sync_copy(denu_sh.at[pl.ds(tbase, _RPT)], denu_out.at[cid, pl.ds(tbase, _RPT)])


_edge0 = functools.partial(
    pl.kernel,
    out_type=[jax.ShapeDtypeStruct((2, _NPAD, _F), jnp.float32),
              jax.ShapeDtypeStruct((2, _NPAD, 8), jnp.float32)],
    mesh=plsc.VectorSubcoreMesh(core_axis_name="c", subcore_axis_name="s"),
    compiler_params=pltpu.CompilerParams(needs_layout_passes=False, use_tc_tiling_on_sc=False),
    scratch_types=[
        pltpu.VMEM_SHARED((_NPAD, _F), jnp.float32),
        pltpu.VMEM_SHARED((_NPAD, 8), jnp.float32),
        pltpu.VMEM((_C0,), jnp.int32),
        pltpu.VMEM((_C0,), jnp.int32),
        pltpu.VMEM((_C0,), jnp.float32),
        pltpu.VMEM((_C0, _F), jnp.float32),
        pltpu.VMEM((_C0, _F), jnp.float32),
        pltpu.VMEM((_C0, _F), jnp.float32),
        pltpu.VMEM((_C0, 8), jnp.float32),
        pltpu.VMEM((_C0, 8), jnp.float32),
        pltpu.SemaphoreType.DMA,
        pltpu.SemaphoreType.DMA,
        pltpu.SemaphoreType.DMA,
        pltpu.SemaphoreType.DMA,
    ],
)(_edge0_body)


def _post0_body(n0, n1, d0, d1, sk, we_r, sel, w2, b2, o_ref):
    num = n0[0] + n1[0]
    du = d0[0] + d1[0]
    den_e = jnp.dot(du[:, 0:_HEADS], sel[...], preferred_element_type=jnp.float32)
    u_e = jnp.dot(du[:, _HEADS:2 * _HEADS], sel[...], preferred_element_type=jnp.float32)
    h = (num + we_r[...] * u_e) / (den_e + _EPS) + sk[...]
    h = jnp.where(h >= 0, h, _LEAK * h)
    o_ref[...] = jnp.dot(h, w2[...], preferred_element_type=jnp.float32) + b2[...]


def _post0(num_p, denu_p, skip0, werow, w2all, b2all):
    grid = (_NPAD // 128,)
    sel = jnp.asarray(_SEL)
    return pl.pallas_call(
        _post0_body,
        grid=grid,
        in_specs=[
            pl.BlockSpec((1, 128, _F), lambda i: (0, i, 0)),
            pl.BlockSpec((1, 128, _F), lambda i: (1, i, 0)),
            pl.BlockSpec((1, 128, 8), lambda i: (0, i, 0)),
            pl.BlockSpec((1, 128, 8), lambda i: (1, i, 0)),
            pl.BlockSpec((128, _F), lambda i: (i, 0)),
            pl.BlockSpec((1, _F), lambda i: (0, 0)),
            pl.BlockSpec((_HEADS, _F), lambda i: (0, 0)),
            pl.BlockSpec((_F, 16), lambda i: (0, 0)),
            pl.BlockSpec((1, 16), lambda i: (0, 0)),
        ],
        out_specs=pl.BlockSpec((128, 16), lambda i: (i, 0)),
        out_shape=jax.ShapeDtypeStruct((_NPAD, 16), jnp.float32),
    )(num_p, num_p, denu_p, denu_p, skip0, werow, sel, w2all, b2all)


def _edge2_body(t_hbm, src_hbm, dst_hbm, ea_hbm, we2_hbm, zd_hbm, acc_out,
                acc_sh, srcv, dstv, eav, dd, ss, stg, we2v, sem1, sem2):
    cid = lax.axis_index("c")
    sid = lax.axis_index("s")
    wid = sid * 2 + cid
    tbase = sid * _RPT
    pltpu.sync_copy(zd_hbm.at[pl.ds(tbase, _RPT)], acc_sh.at[pl.ds(tbase, _RPT)])
    pltpu.sync_copy(we2_hbm, we2v)
    z16 = jnp.zeros((16,), jnp.float32)

    def zrow(i, c):
        stg[i, :] = z16
        return c

    lax.fori_loop(0, _C2, zrow, 0)
    plsc.subcore_barrier()

    ebase = wid * _EPW
    iota16 = lax.iota(jnp.int32, 16)
    col0 = jnp.zeros((16,), jnp.int32)
    col1 = jnp.full((16,), 1, jnp.int32)
    col2 = jnp.full((16,), 2, jnp.int32)

    def chunk(g, carry):
        base = ebase + g * _C2
        ci1 = pltpu.async_copy(src_hbm.at[pl.ds(base, _C2)], srcv, sem1)
        ci2 = pltpu.async_copy(dst_hbm.at[pl.ds(base, _C2)], dstv, sem2)
        ci3 = pltpu.async_copy(ea_hbm.at[pl.ds(base, _C2)], eav, sem1)
        ci1.wait()
        ci2.wait()
        ci3.wait()
        cp1 = pltpu.async_copy(t_hbm.at[dstv], dd, sem1)
        cp2 = pltpu.async_copy(t_hbm.at[srcv], ss, sem2)
        cp1.wait()
        cp2.wait()
        we2r = we2v[...]

        def tgroup(t, c2):
            rows = iota16 + t * 16
            eav_v = plsc.load_gather(eav, [rows])
            q2d = plsc.load_gather(dd, [rows, col0])
            k2s = plsc.load_gather(ss, [rows, col1])
            v2s = plsc.load_gather(ss, [rows, col2])
            e2 = eav_v * we2r
            ex2 = jnp.exp(q2d * (k2s + e2))
            plsc.store_scatter(stg, [rows, col0], ex2 * (v2s + e2))
            plsc.store_scatter(stg, [rows, col1], ex2)
            return c2

        lax.fori_loop(0, _C2 // 16, tgroup, 0)
        pltpu.sync_copy(stg, acc_sh.at[dstv], add=True)
        return carry

    lax.fori_loop(0, _EPW // _C2, chunk, 0)
    plsc.subcore_barrier()
    pltpu.sync_copy(acc_sh.at[pl.ds(tbase, _RPT)], acc_out.at[cid, pl.ds(tbase, _RPT)])


_edge2 = functools.partial(
    pl.kernel,
    out_type=jax.ShapeDtypeStruct((2, _NPAD, 16), jnp.float32),
    mesh=plsc.VectorSubcoreMesh(core_axis_name="c", subcore_axis_name="s"),
    compiler_params=pltpu.CompilerParams(needs_layout_passes=False, use_tc_tiling_on_sc=False),
    scratch_types=[
        pltpu.VMEM_SHARED((_NPAD, 16), jnp.float32),
        pltpu.VMEM((_C2,), jnp.int32),
        pltpu.VMEM((_C2,), jnp.int32),
        pltpu.VMEM((_C2,), jnp.float32),
        pltpu.VMEM((_C2, 16), jnp.float32),
        pltpu.VMEM((_C2, 16), jnp.float32),
        pltpu.VMEM((_C2, 16), jnp.float32),
        pltpu.VMEM((16,), jnp.float32),
        pltpu.SemaphoreType.DMA,
        pltpu.SemaphoreType.DMA,
    ],
)(_edge2_body)


def _post2_body(a0, a1, t_ref, o_ref):
    a = a0[0] + a1[0]
    skip2 = t_ref[...][:, 3:4]
    o_ref[...] = a[:, 0:1] / (a[:, 1:2] + _EPS) + skip2


def _post2(acc2, qkv2):
    grid = (_NPAD // 1024,)
    return pl.pallas_call(
        _post2_body,
        grid=grid,
        in_specs=[
            pl.BlockSpec((1, 1024, 16), lambda i: (0, i, 0)),
            pl.BlockSpec((1, 1024, 16), lambda i: (1, i, 0)),
            pl.BlockSpec((1024, 16), lambda i: (i, 0)),
        ],
        out_specs=pl.BlockSpec((1024, 1), lambda i: (i, 0)),
        out_shape=jax.ShapeDtypeStruct((_NPAD, 1), jnp.float32),
    )(acc2, acc2, qkv2)


def kernel(x, edge_index, edge_attr, params):
    p0 = params['l0']
    p2 = params['lout']

    xp = jnp.pad(x, ((0, _NPAD - _N), (0, 0)))
    pad_e = _EPAD - _E
    src = jnp.concatenate([edge_index[0], jnp.full((pad_e,), _N, jnp.int32)])
    dst = jnp.concatenate([edge_index[1], jnp.full((pad_e,), _N, jnp.int32)])
    ea = jnp.concatenate([edge_attr[:, 0], jnp.zeros((pad_e,), jnp.float32)])

    weh = jnp.pad(jnp.asarray(_SEL).T * p0['We'].reshape(_F, 1),
                  ((0, 0), (0, 8 - _HEADS)))

    b2 = lambda b: b.reshape(1, -1)
    qs, kk, vv, skip0, qwe = _dense0(
        xp, p0['Wq'], p0['Wk'], p0['Wv'], p0['Wskip'],
        b2(p0['bq']), b2(p0['bk']), b2(p0['bv']), b2(p0['bskip']), weh)

    zn = jnp.zeros((_NPAD, _F), jnp.float32)
    zd8 = jnp.zeros((_NPAD, 8), jnp.float32)
    num_p, denu_p = _edge0(qs, kk, vv, qwe, src, dst, ea, zn, zd8)

    w2all = jnp.concatenate(
        [p2['Wq'], p2['Wk'], p2['Wv'], p2['Wskip'], jnp.zeros((_F, 12), jnp.float32)],
        axis=1)
    b2all = jnp.concatenate(
        [p2['bq'], p2['bk'], p2['bv'], p2['bskip'],
         jnp.zeros((12,), jnp.float32)]).reshape(1, 16)
    qkv2 = _post0(num_p, denu_p, skip0, p0['We'].reshape(1, _F), w2all, b2all)

    we2bc = jnp.full((16,), p2['We'][0, 0], jnp.float32)
    zd16 = jnp.zeros((_NPAD, 16), jnp.float32)
    acc2 = _edge2(qkv2, src, dst, ea, we2bc, zd16)

    out = _post2(acc2, qkv2)
    return out[:_N]

# --- scband reference (transcript-rebuilt; emitter-appended) ---
"""Pipeline reference for scband-gcn-28724741276160 (READ-ONLY COPY).

The authoritative reference and input builder live on the scoring server;
editing this copy changes nothing except your own understanding.
"""

import jax, jax.numpy as jnp
import numpy as np

N = 10000
E = 320000
IN = 128
HID = 32
HEADS = 4


def _lin(key, fi, fo, bias=True):
    k1, k2 = jax.random.split(key)
    bound = 1.0 / np.sqrt(fi)
    W = jax.random.uniform(k1, (fi, fo), minval=-bound, maxval=bound, dtype=jnp.float32)
    if bias:
        b = jax.random.uniform(k2, (fo,), minval=-bound, maxval=bound, dtype=jnp.float32)
        return W, b
    return W


def _make_layer(key, in_dim, heads, c, edge_dim=1):
    ks = jax.random.split(key, 5)
    Wq, bq = _lin(ks[0], in_dim, heads * c)
    Wk, bk = _lin(ks[1], in_dim, heads * c)
    Wv, bv = _lin(ks[2], in_dim, heads * c)
    We = _lin(ks[3], edge_dim, heads * c, bias=False)
    Wskip, bskip = _lin(ks[4], in_dim, heads * c)
    return {'Wq': Wq, 'bq': bq, 'Wk': Wk, 'bk': bk, 'Wv': Wv, 'bv': bv, 'We': We, 'Wskip': Wskip, 'bskip': bskip}


def setup_inputs(seed: int = 0):
    key = jax.random.key(seed)
    ks = jax.random.split(key, 5)
    x = jax.random.normal(ks[0], (N, IN), dtype=jnp.float32)
    edge_index = jax.random.randint(ks[1], (2, E), 0, N, dtype=jnp.int32)
    edge_attr = jax.random.normal(ks[2], (E, 1), dtype=jnp.float32)
    params = {'l0': _make_layer(ks[3], IN, HEADS, HID), 'lout': _make_layer(ks[4], HID * HEADS, 1, 1)}
    return {'x': x, 'edge_index': edge_index, 'edge_attr': edge_attr, 'params': params}


def _tconv(x, src, dst, edge_attr, p, heads, c):
    Nn = x.shape[0]
    q = (x @ p['Wq'] + p['bq']).reshape(Nn, heads, c)
    k = (x @ p['Wk'] + p['bk']).reshape(Nn, heads, c)
    v = (x @ p['Wv'] + p['bv']).reshape(Nn, heads, c)
    e = (edge_attr @ p['We']).reshape(-1, heads, c)
    kj = k[src] + e
    alpha = (q[dst] * kj).sum(-1) / np.sqrt(c)  # [E, H]
    amax = jax.ops.segment_max(alpha, dst, num_segments=Nn)
    amax = jnp.where(jnp.isfinite(amax), amax, 0.0)
    ex = jnp.exp(alpha - amax[dst])
    den = jax.ops.segment_sum(ex, dst, num_segments=Nn)
    a = ex / (den[dst] + 1e-16)
    msg = (v[src] + e) * a[..., None]
    out = jax.ops.segment_sum(msg, dst, num_segments=Nn).reshape(Nn, heads * c)
    return out + x @ p['Wskip'] + p['bskip']


def reference(x, edge_index, edge_attr, params):
    src = edge_index[0]
    dst = edge_index[1]
    h = _tconv(x, src, dst, edge_attr, params['l0'], HEADS, HID)
    h = jnp.where(h >= 0, h, 0.01 * h)  # leaky_relu
    out = _tconv(h, src, dst, edge_attr, params['lout'], 1, 1)
    return out

if __name__ == "__main__":
    import jax
    _d = setup_inputs()
    print(jax.jit(kernel)(*tuple(_d.values())))

</pallas_src>

<mosaic_0001>
#map = affine_map<(d0, d1) -> (0, 0)>
#map1 = affine_map<(d0, d1) -> (0)>
#map2 = affine_map<(d0, d1) -> (0, 0, 0)>
module attributes {stable_mosaic.version = 14 : i64} {
  func.func @_edge0_body(%arg0: i32, %arg1: i32, %arg2: memref<10240x128xf32, #tpu.memory_space<hbm>>, %arg3: memref<10240x128xf32, #tpu.memory_space<hbm>>, %arg4: memref<10240x128xf32, #tpu.memory_space<hbm>>, %arg5: memref<10240x8xf32, #tpu.memory_space<hbm>>, %arg6: memref<327680xi32, #tpu.memory_space<hbm>>, %arg7: memref<327680xi32, #tpu.memory_space<hbm>>, %arg8: memref<327680xf32, #tpu.memory_space<hbm>>, %arg9: memref<10240x128xf32, #tpu.memory_space<hbm>>, %arg10: memref<10240x8xf32, #tpu.memory_space<hbm>>, %arg11: memref<2x10240x128xf32, #tpu.memory_space<hbm>>, %arg12: memref<2x10240x8xf32, #tpu.memory_space<hbm>>, %arg13: memref<10240x128xf32, #tpu.memory_space<vmem_shared>>, %arg14: memref<10240x8xf32, #tpu.memory_space<vmem_shared>>, %arg15: memref<64xi32, #tpu.memory_space<vmem>>, %arg16: memref<64xi32, #tpu.memory_space<vmem>>, %arg17: memref<64xf32, #tpu.memory_space<vmem>>, %arg18: memref<64x128xf32, #tpu.memory_space<vmem>>, %arg19: memref<64x128xf32, #tpu.memory_space<vmem>>, %arg20: memref<64x128xf32, #tpu.memory_space<vmem>>, %arg21: memref<64x8xf32, #tpu.memory_space<vmem>>, %arg22: memref<64x8xf32, #tpu.memory_space<vmem>>, %arg23: memref<!tpu.dma_semaphore, #tpu.memory_space<semaphore_mem>>, %arg24: memref<!tpu.dma_semaphore, #tpu.memory_space<semaphore_mem>>, %arg25: memref<!tpu.dma_semaphore, #tpu.memory_space<semaphore_mem>>, %arg26: memref<!tpu.dma_semaphore, #tpu.memory_space<semaphore_mem>>) attributes {dimension_semantics = [#tpu.dimension_semantics<core_parallel>, #tpu.dimension_semantics<subcore_parallel>], iteration_bounds = array<i64: 2, 16>, scalar_prefetch = 0 : i64, scratch_operands = 14 : i64, tpu.core_type = #tpu.core_type<sc_vector_subcore>, window_params = [{transform_indices = #map}, {transform_indices = #map}, {transform_indices = #map}, {transform_indices = #map}, {transform_indices = #map1}, {transform_indices = #map1}, {transform_indices = #map1}, {transform_indices = #map}, {transform_indices = #map}, {transform_indices = #map2}, {transform_indices = #map2}]} {
    %mul3A = arith.constant 2 : i32
    %mul3A_0 = arith.muli %arg1, %mul3A : i32
    %add3A = arith.addi %mul3A_0, %arg0 : i32
    %mul3A_1 = arith.constant 640 : i32
    %mul3A_2 = arith.muli %arg1, %mul3A_1 : i32
    "tpu.region"() ({
      %run_scoped3A = tpu.sem_alloc : memref<!tpu.dma_semaphore, #tpu.memory_space<semaphore_mem>>
      %dma_start3A = arith.constant 0 : i32
      %dma_start3A_11 = tpu.memref_slice %arg13[%mul3A_2, %dma_start3A] : memref<10240x128xf32, #tpu.memory_space<vmem_shared>> -> memref<640x128xf32, #tpu.memory_space<vmem_shared>>
      %dma_start3A_12 = arith.constant 0 : i32
      %dma_start3A_13 = tpu.memref_slice %arg9[%mul3A_2, %dma_start3A_12] : memref<10240x128xf32, #tpu.memory_space<hbm>> -> memref<640x128xf32, #tpu.memory_space<hbm>>
      tpu.enqueue_dma source(%dma_start3A_13 : memref<640x128xf32, #tpu.memory_space<hbm>>) target(%dma_start3A_11 : memref<640x128xf32, #tpu.memory_space<vmem_shared>>) target_semaphore(%run_scoped3A : memref<!tpu.dma_semaphore, #tpu.memory_space<semaphore_mem>>)
      %dma_wait3A = arith.constant 0 : i32
      %dma_wait3A_14 = tpu.memref_slice %arg13[%mul3A_2, %dma_wait3A] : memref<10240x128xf32, #tpu.memory_space<vmem_shared>> -> memref<640x128xf32, #tpu.memory_space<vmem_shared>>
      %dma_wait3A_15 = arith.constant 0 : i32
      %dma_wait3A_16 = tpu.memref_slice %arg9[%mul3A_2, %dma_wait3A_15] : memref<10240x128xf32, #tpu.memory_space<hbm>> -> memref<640x128xf32, #tpu.memory_space<hbm>>
      tpu.wait_dma2 semaphore(%run_scoped3A : memref<!tpu.dma_semaphore, #tpu.memory_space<semaphore_mem>>) src(%dma_wait3A_16 : memref<640x128xf32, #tpu.memory_space<hbm>>) dst(%dma_wait3A_14 : memref<640x128xf32, #tpu.memory_space<vmem_shared>>)
      tpu.yield
    }) : () -> ()
    "tpu.region"() ({
      %run_scoped3A = tpu.sem_alloc : memref<!tpu.dma_semaphore, #tpu.memory_space<semaphore_mem>>
      %dma_start3A = arith.constant 0 : i32
      %dma_start3A_11 = tpu.memref_slice %arg14[%mul3A_2, %dma_start3A] : memref<10240x8xf32, #tpu.memory_space<vmem_shared>> -> memref<640x8xf32, #tpu.memory_space<vmem_shared>>
      %dma_start3A_12 = arith.constant 0 : i32
      %dma_start3A_13 = tpu.memref_slice %arg10[%mul3A_2, %dma_start3A_12] : memref<10240x8xf32, #tpu.memory_space<hbm>> -> memref<640x8xf32, #tpu.memory_space<hbm>>
      tpu.enqueue_dma source(%dma_start3A_13 : memref<640x8xf32, #tpu.memory_space<hbm>>) target(%dma_start3A_11 : memref<640x8xf32, #tpu.memory_space<vmem_shared>>) target_semaphore(%run_scoped3A : memref<!tpu.dma_semaphore, #tpu.memory_space<semaphore_mem>>)
      %dma_wait3A = arith.constant 0 : i32
      %dma_wait3A_14 = tpu.memref_slice %arg14[%mul3A_2, %dma_wait3A] : memref<10240x8xf32, #tpu.memory_space<vmem_shared>> -> memref<640x8xf32, #tpu.memory_space<vmem_shared>>
      %dma_wait3A_15 = arith.constant 0 : i32
      %dma_wait3A_16 = tpu.memref_slice %arg10[%mul3A_2, %dma_wait3A_15] : memref<10240x8xf32, #tpu.memory_space<hbm>> -> memref<640x8xf32, #tpu.memory_space<hbm>>
      tpu.wait_dma2 semaphore(%run_scoped3A : memref<!tpu.dma_semaphore, #tpu.memory_space<semaphore_mem>>) src(%dma_wait3A_16 : memref<640x8xf32, #tpu.memory_space<hbm>>) dst(%dma_wait3A_14 : memref<640x8xf32, #tpu.memory_space<vmem_shared>>)
      tpu.yield
    }) : () -> ()
    %barrier3A = arith.constant 0 : index
    tpu.barrier barrier_id(%barrier3A)
    %mul3A_3 = arith.constant 10240 : i32
    %mul3A_4 = arith.muli %add3A, %mul3A_3 : i32
    %iota3A = tpu.iota {dimensions = array<i32: 0>} : vector<16xi32>
    %scan3A = arith.constant 0 : i32
    %scan3A_5 = arith.constant 0 : i32
    %scan3A_6 = arith.constant 160 : i32
    %scan3A_7 = arith.addi %scan3A_5, %scan3A_6 : i32
    %scan3A_8 = arith.constant 1 : i32
    scf.for %scan3A_11 = %scan3A_5 to %scan3A_7 step %scan3A_8  : i32 {
      %mul3A_12 = arith.constant 64 : i32
      %mul3A_13 = arith.muli %scan3A_11, %mul3A_12 : i32
      %add3A_14 = arith.addi %mul3A_4, %mul3A_13 : i32
      %dma_start3A = tpu.memref_slice %arg6[%add3A_14] : memref<327680xi32, #tpu.memory_space<hbm>> -> memref<64xi32, #tpu.memory_space<hbm>>
      %dma_start3A_15 = tpu.memref_slice %arg6[%add3A_14] : memref<327680xi32, #tpu.memory_space<hbm>> -> memref<64xi32, #tpu.memory_space<hbm>>
      tpu.enqueue_dma source(%dma_start3A_15 : memref<64xi32, #tpu.memory_space<hbm>>) target(%arg15 : memref<64xi32, #tpu.memory_space<vmem>>) target_semaphore(%arg23 : memref<!tpu.dma_semaphore, #tpu.memory_space<semaphore_mem>>)
      %dma_start3A_16 = tpu.memref_slice %arg7[%add3A_14] : memref<327680xi32, #tpu.memory_space<hbm>> -> memref<64xi32, #tpu.memory_space<hbm>>
      %dma_start3A_17 = tpu.memref_slice %arg7[%add3A_14] : memref<327680xi32, #tpu.memory_space<hbm>> -> memref<64xi32, #tpu.memory_space<hbm>>
      tpu.enqueue_dma source(%dma_start3A_17 : memref<64xi32, #tpu.memory_space<hbm>>) target(%arg16 : memref<64xi32, #tpu.memory_space<vmem>>) target_semaphore(%arg24 : memref<!tpu.dma_semaphore, #tpu.memory_space<semaphore_mem>>)
      %dma_start3A_18 = tpu.memref_slice %arg8[%add3A_14] : memref<327680xf32, #tpu.memory_space<hbm>> -> memref<64xf32, #tpu.memory_space<hbm>>
      %dma_start3A_19 = tpu.memref_slice %arg8[%add3A_14] : memref<327680xf32, #tpu.memory_space<hbm>> -> memref<64xf32, #tpu.memory_space<hbm>>
      tpu.enqueue_dma source(%dma_start3A_19 : memref<64xf32, #tpu.memory_space<hbm>>) target(%arg17 : memref<64xf32, #tpu.memory_space<vmem>>) target_semaphore(%arg25 : memref<!tpu.dma_semaphore, #tpu.memory_space<semaphore_mem>>)
      %dma_wait3A = tpu.memref_slice %arg6[%add3A_14] : memref<327680xi32, #tpu.memory_space<hbm>> -> memref<64xi32, #tpu.memory_space<hbm>>
      %dma_wait3A_20 = tpu.memref_slice %arg6[%add3A_14] : memref<327680xi32, #tpu.memory_space<hbm>> -> memref<64xi32, #tpu.memory_space<hbm>>
      tpu.wait_dma2 semaphore(%arg23 : memref<!tpu.dma_semaphore, #tpu.memory_space<semaphore_mem>>) src(%dma_wait3A_20 : memref<64xi32, #tpu.memory_space<hbm>>) dst(%arg15 : memref<64xi32, #tpu.memory_space<vmem>>)
      %dma_wait3A_21 = tpu.memref_slice %arg7[%add3A_14] : memref<327680xi32, #tpu.memory_space<hbm>> -> memref<64xi32, #tpu.memory_space<hbm>>
      %dma_wait3A_22 = tpu.memref_slice %arg7[%add3A_14] : memref<327680xi32, #tpu.memory_space<hbm>> -> memref<64xi32, #tpu.memory_space<hbm>>
      tpu.wait_dma2 semaphore(%arg24 : memref<!tpu.dma_semaphore, #tpu.memory_space<semaphore_mem>>) src(%dma_wait3A_22 : memref<64xi32, #tpu.memory_space<hbm>>) dst(%arg16 : memref<64xi32, #tpu.memory_space<vmem>>)
      %dma_wait3A_23 = tpu.memref_slice %arg8[%add3A_14] : memref<327680xf32, #tpu.memory_space<hbm>> -> memref<64xf32, #tpu.memory_space<hbm>>
      %dma_wait3A_24 = tpu.memref_slice %arg8[%add3A_14] : memref<327680xf32, #tpu.memory_space<hbm>> -> memref<64xf32, #tpu.memory_space<hbm>>
      tpu.wait_dma2 semaphore(%arg25 : memref<!tpu.dma_semaphore, #tpu.memory_space<semaphore_mem>>) src(%dma_wait3A_24 : memref<64xf32, #tpu.memory_space<hbm>>) dst(%arg17 : memref<64xf32, #tpu.memory_space<vmem>>)
      %dma_start3A_25 = arith.constant 0 : i32
      %dma_start3A_26 = arith.constant 0 : i32
      %dma_start3A_27 = tpu.memref_slice %arg2[%dma_start3A_25, %dma_start3A_26] : memref<10240x128xf32, #tpu.memory_space<hbm>> -> memref<10240x128xf32, #tpu.memory_space<hbm>>
      tpu.enqueue_indirect_dma source(%dma_start3A_27 : memref<10240x128xf32, #tpu.memory_space<hbm>>) target(%arg18 : memref<64x128xf32, #tpu.memory_space<vmem>>) offsets(%arg16 : memref<64xi32, #tpu.memory_space<vmem>>) semaphore(%arg23 : memref<!tpu.dma_semaphore, #tpu.memory_space<semaphore_mem>>)
      %dma_start3A_28 = arith.constant 0 : i32
      %dma_start3A_29 = arith.constant 0 : i32
      %dma_start3A_30 = tpu.memref_slice %arg3[%dma_start3A_28, %dma_start3A_29] : memref<10240x128xf32, #tpu.memory_space<hbm>> -> memref<10240x128xf32, #tpu.memory_space<hbm>>
      tpu.enqueue_indirect_dma source(%dma_start3A_30 : memref<10240x128xf32, #tpu.memory_space<hbm>>) target(%arg19 : memref<64x128xf32, #tpu.memory_space<vmem>>) offsets(%arg15 : memref<64xi32, #tpu.memory_space<vmem>>) semaphore(%arg24 : memref<!tpu.dma_semaphore, #tpu.memory_space<semaphore_mem>>)
      %dma_start3A_31 = arith.constant 0 : i32
      %dma_start3A_32 = arith.constant 0 : i32
      %dma_start3A_33 = tpu.memref_slice %arg4[%dma_start3A_31, %dma_start3A_32] : memref<10240x128xf32, #tpu.memory_space<hbm>> -> memref<10240x128xf32, #tpu.memory_space<hbm>>
      tpu.enqueue_indirect_dma source(%dma_start3A_33 : memref<10240x128xf32, #tpu.memory_space<hbm>>) target(%arg20 : memref<64x128xf32, #tpu.memory_space<vmem>>) offsets(%arg15 : memref<64xi32, #tpu.memory_space<vmem>>) semaphore(%arg25 : memref<!tpu.dma_semaphore, #tpu.memory_space<semaphore_mem>>)
      %dma_start3A_34 = arith.constant 0 : i32
      %dma_start3A_35 = arith.constant 0 : i32
      %dma_start3A_36 = tpu.memref_slice %arg5[%dma_start3A_34, %dma_start3A_35] : memref<10240x8xf32, #tpu.memory_space<hbm>> -> memref<10240x8xf32, #tpu.memory_space<hbm>>
      tpu.enqueue_indirect_dma source(%dma_start3A_36 : memref<10240x8xf32, #tpu.memory_space<hbm>>) target(%arg21 : memref<64x8xf32, #tpu.memory_space<vmem>>) offsets(%arg16 : memref<64xi32, #tpu.memory_space<vmem>>) semaphore(%arg26 : memref<!tpu.dma_semaphore, #tpu.memory_space<semaphore_mem>>)
      %dma_wait3A_37 = arith.constant 0 : i32
      %dma_wait3A_38 = arith.constant 0 : i32
      %dma_wait3A_39 = tpu.memref_slice %arg2[%dma_wait3A_37, %dma_wait3A_38] : memref<10240x128xf32, #tpu.memory_space<hbm>> -> memref<10240x128xf32, #tpu.memory_space<hbm>>
      tpu.wait_indirect_dma semaphore(%arg23 : memref<!tpu.dma_semaphore, #tpu.memory_space<semaphore_mem>>) src(%dma_wait3A_39 : memref<10240x128xf32, #tpu.memory_space<hbm>>) dst(%arg18 : memref<64x128xf32, #tpu.memory_space<vmem>>)
      %dma_wait3A_40 = arith.constant 0 : i32
      %dma_wait3A_41 = arith.constant 0 : i32
      %dma_wait3A_42 = tpu.memref_slice %arg3[%dma_wait3A_40, %dma_wait3A_41] : memref<10240x128xf32, #tpu.memory_space<hbm>> -> memref<10240x128xf32, #tpu.memory_space<hbm>>
      tpu.wait_indirect_dma semaphore(%arg24 : memref<!tpu.dma_semaphore, #tpu.memory_space<semaphore_mem>>) src(%dma_wait3A_42 : memref<10240x128xf32, #tpu.memory_space<hbm>>) dst(%arg19 : memref<64x128xf32, #tpu.memory_space<vmem>>)
      %dma_wait3A_43 = arith.constant 0 : i32
      %dma_wait3A_44 = arith.constant 0 : i32
      %dma_wait3A_45 = tpu.memref_slice %arg4[%dma_wait3A_43, %dma_wait3A_44] : memref<10240x128xf32, #tpu.memory_space<hbm>> -> memref<10240x128xf32, #tpu.memory_space<hbm>>
      tpu.wait_indirect_dma semaphore(%arg25 : memref<!tpu.dma_semaphore, #tpu.memory_space<semaphore_mem>>) src(%dma_wait3A_45 : memref<10240x128xf32, #tpu.memory_space<hbm>>) dst(%arg20 : memref<64x128xf32, #tpu.memory_space<vmem>>)
      %dma_wait3A_46 = arith.constant 0 : i32
      %dma_wait3A_47 = arith.constant 0 : i32
      %dma_wait3A_48 = tpu.memref_slice %arg5[%dma_wait3A_46, %dma_wait3A_47] : memref<10240x8xf32, #tpu.memory_space<hbm>> -> memref<10240x8xf32, #tpu.memory_space<hbm>>
      tpu.wait_indirect_dma semaphore(%arg26 : memref<!tpu.dma_semaphore, #tpu.memory_space<semaphore_mem>>) src(%dma_wait3A_48 : memref<10240x8xf32, #tpu.memory_space<hbm>>) dst(%arg21 : memref<64x8xf32, #tpu.memory_space<vmem>>)
      %scan3A_49 = arith.constant 0 : i32
      %scan3A_50 = arith.constant 0 : i32
      %scan3A_51 = arith.constant 4 : i32
      %scan3A_52 = arith.addi %scan3A_50, %scan3A_51 : i32
      %scan3A_53 = arith.constant 1 : i32
      scf.for %scan3A_67 = %scan3A_50 to %scan3A_52 step %scan3A_53  : i32 {
        %mul3A_68 = arith.constant 16 : i32
        %mul3A_69 = arith.muli %scan3A_67, %mul3A_68 : i32
        %add3A_70 = vector.broadcast %mul3A_69 : i32 to vector<16xi32>
        %add3A_71 = arith.addi %iota3A, %add3A_70 : vector<16xi32>
        %gather3A = tpu.vector_load_idx %arg17[%add3A_71] : memref<64xf32, #tpu.memory_space<vmem>>[vector<16xi32>], vector<16xf32>,
        %broadcast_in_dim3A = arith.constant 0.000000e+00 : f32
        %broadcast_in_dim3A_72 = vector.broadcast %broadcast_in_dim3A : f32 to vector<16xf32>
        %broadcast_in_dim3A_73 = arith.constant 0 : i32
        %broadcast_in_dim3A_74 = vector.broadcast %broadcast_in_dim3A_73 : i32 to vector<16xi32>
        %gather3A_75 = tpu.vector_load_idx %arg18[%add3A_71, %broadcast_in_dim3A_74] : memref<64x128xf32, #tpu.memory_space<vmem>>[vector<16xi32>, vector<16xi32>], vector<16xf32>,
        %gather3A_76 = tpu.vector_load_idx %arg19[%add3A_71, %broadcast_in_dim3A_74] : memref<64x128xf32, #tpu.memory_space<vmem>>[vector<16xi32>, vector<16xi32>], vector<16xf32>,
        %mul3A_77 = arith.mulf %gather3A_75, %gather3A_76 : vector<16xf32>
        %add3A_78 = arith.addf %broadcast_in_dim3A_72, %mul3A_77 : vector<16xf32>
        %broadcast_in_dim3A_79 = arith.constant 1 : i32
        %broadcast_in_dim3A_80 = vector.broadcast %broadcast_in_dim3A_79 : i32 to vector<16xi32>
        %gather3A_81 = tpu.vector_load_idx %arg18[%add3A_71, %broadcast_in_dim3A_80] : memref<64x128xf32, #tpu.memory_space<vmem>>[vector<16xi32>, vector<16xi32>], vector<16xf32>,
        %gather3A_82 = tpu.vector_load_idx %arg19[%add3A_71, %broadcast_in_dim3A_80] : memref<64x128xf32, #tpu.memory_space<vmem>>[vector<16xi32>, vector<16xi32>], vector<16xf32>,
        %mul3A_83 = arith.mulf %gather3A_81, %gather3A_82 : vector<16xf32>
        %add3A_84 = arith.addf %add3A_78, %mul3A_83 : vector<16xf32>
        %broadcast_in_dim3A_85 = arith.constant 2 : i32
        %broadcast_in_dim3A_86 = vector.broadcast %broadcast_in_dim3A_85 : i32 to vector<16xi32>
        %gather3A_87 = tpu.vector_load_idx %arg18[%add3A_71, %broadcast_in_dim3A_86] : memref<64x128xf32, #tpu.memory_space<vmem>>[vector<16xi32>, vector<16xi32>], vector<16xf32>,
        %gather3A_88 = tpu.vector_load_idx %arg19[%add3A_71, %broadcast_in_dim3A_86] : memref<64x128xf32, #tpu.memory_space<vmem>>[vector<16xi32>, vector<16xi32>], vector<16xf32>,
        %mul3A_89 = arith.mulf %gather3A_87, %gather3A_88 : vector<16xf32>
        %add3A_90 = arith.addf %add3A_84, %mul3A_89 : vector<16xf32>
        %broadcast_in_dim3A_91 = arith.constant 3 : i32
        %broadcast_in_dim3A_92 = vector.broadcast %broadcast_in_dim3A_91 : i32 to vector<16xi32>
        %gather3A_93 = tpu.vector_load_idx %arg18[%add3A_71, %broadcast_in_dim3A_92] : memref<64x128xf32, #tpu.memory_space<vmem>>[vector<16xi32>, vector<16xi32>], vector<16xf32>,
        %gather3A_94 = tpu.vector_load_idx %arg19[%add3A_71, %broadcast_in_dim3A_92] : memref<64x128xf32, #tpu.memory_space<vmem>>[vector<16xi32>, vector<16xi32>], vector<16xf32>,
        %mul3A_95 = arith.mulf %gather3A_93, %gather3A_94 : vector<16xf32>
        %add3A_96 = arith.addf %add3A_90, %mul3A_95 : vector<16xf32>
        %broadcast_in_dim3A_97 = arith.constant 4 : i32
        %broadcast_in_dim3A_98 = vector.broadcast %broadcast_in_dim3A_97 : i32 to vector<16xi32>
        %gather3A_99 = tpu.vector_load_idx %arg18[%add3A_71, %broadcast_in_dim3A_98] : memref<64x128xf32, #tpu.memory_space<vmem>>[vector<16xi32>, vector<16xi32>], vector<16xf32>,
        %gather3A_100 = tpu.vector_load_idx %arg19[%add3A_71, %broadcast_in_dim3A_98] : memref<64x128xf32, #tpu.memory_space<vmem>>[vector<16xi32>, vector<16xi32>], vector<16xf32>,
        %mul3A_101 = arith.mulf %gather3A_99, %gather3A_100 : vector<16xf32>
        %add3A_102 = arith.addf %add3A_96, %mul3A_101 : vector<16xf32>
        %broadcast_in_dim3A_103 = arith.constant 5 : i32
        %broadcast_in_dim3A_104 = vector.broadcast %broadcast_in_dim3A_103 : i32 to vector<16xi32>
        %gather3A_105 = tpu.vector_load_idx %arg18[%add3A_71, %broadcast_in_dim3A_104] : memref<64x128xf32, #tpu.memory_space<vmem>>[vector<16xi32>, vector<16xi32>], vector<16xf32>,
        %gather3A_106 = tpu.vector_load_idx %arg19[%add3A_71, %broadcast_in_dim3A_104] : memref<64x128xf32, #tpu.memory_space<vmem>>[vector<16xi32>, vector<16xi32>], vector<16xf32>,
        %mul3A_107 = arith.mulf %gather3A_105, %gather3A_106 : vector<16xf32>
        %add3A_108 = arith.addf %add3A_102, %mul3A_107 : vector<16xf32>
        %broadcast_in_dim3A_109 = arith.constant 6 : i32
        %broadcast_in_dim3A_110 = vector.broadcast %broadcast_in_dim3A_109 : i32 to vector<16xi32>
        %gather3A_111 = tpu.vector_load_idx %arg18[%add3A_71, %broadcast_in_dim3A_110] : memref<64x128xf32, #tpu.memory_space<vmem>>[vector<16xi32>, vector<16xi32>], vector<16xf32>,
        %gather3A_112 = tpu.vector_load_idx %arg19[%add3A_71, %broadcast_in_dim3A_110] : memref<64x128xf32, #tpu.memory_space<vmem>>[vector<16xi32>, vector<16xi32>], vector<16xf32>,
        %mul3A_113 = arith.mulf %gather3A_111, %gather3A_112 : vector<16xf32>
        %add3A_114 = arith.addf %add3A_108, %mul3A_113 : vector<16xf32>
        %broadcast_in_dim3A_115 = arith.constant 7 : i32
        %broadcast_in_dim3A_116 = vector.broadcast %broadcast_in_dim3A_115 : i32 to vector<16xi32>
        %gather3A_117 = tpu.vector_load_idx %arg18[%add3A_71, %broadcast_in_dim3A_116] : memref<64x128xf32, #tpu.memory_space<vmem>>[vector<16xi32>, vector<16xi32>], vector<16xf32>,
        %gather3A_118 = tpu.vector_load_idx %arg19[%add3A_71, %broadcast_in_dim3A_116] : memref<64x128xf32, #tpu.memory_space<vmem>>[vector<16xi32>, vector<16xi32>], vector<16xf32>,
        %mul3A_119 = arith.mulf %gather3A_117, %gather3A_118 : vector<16xf32>
        %add3A_120 = arith.addf %add3A_114, %mul3A_119 : vector<16xf32>
        %broadcast_in_dim3A_121 = arith.constant 8 : i32
        %broadcast_in_dim3A_122 = vector.broadcast %broadcast_in_dim3A_121 : i32 to vector<16xi32>
        %gather3A_123 = tpu.vector_load_idx %arg18[%add3A_71, %broadcast_in_dim3A_122] : memref<64x128xf32, #tpu.memory_space<vmem>>[vector<16xi32>, vector<16xi32>], vector<16xf32>,
        %gather3A_124 = tpu.vector_load_idx %arg19[%add3A_71, %broadcast_in_dim3A_122] : memref<64x128xf32, #tpu.memory_space<vmem>>[vector<16xi32>, vector<16xi32>], vector<16xf32>,
        %mul3A_125 = arith.mulf %gather3A_123, %gather3A_124 : vector<16xf32>
        %add3A_126 = arith.addf %add3A_120, %mul3A_125 : vector<16xf32>
        %broadcast_in_dim3A_127 = arith.constant 9 : i32
        %broadcast_in_dim3A_128 = vector.broadcast %broadcast_in_dim3A_127 : i32 to vector<16xi32>
        %gather3A_129 = tpu.vector_load_idx %arg18[%add3A_71, %broadcast_in_dim3A_128] : memref<64x128xf32, #tpu.memory_space<vmem>>[vector<16xi32>, vector<16xi32>], vector<16xf32>,
        %gather3A_130 = tpu.vector_load_idx %arg19[%add3A_71, %broadcast_in_dim3A_128] : memref<64x128xf32, #tpu.memory_space<vmem>>[vector<16xi32>, vector<16xi32>], vector<16xf32>,
        %mul3A_131 = arith.mulf %gather3A_129, %gather3A_130 : vector<16xf32>
        %add3A_132 = arith.addf %add3A_126, %mul3A_131 : vector<16xf32>
        %broadcast_in_dim3A_133 = arith.constant 10 : i32
        %broadcast_in_dim3A_134 = vector.broadcast %broadcast_in_dim3A_133 : i32 to vector<16xi32>
        %gather3A_135 = tpu.vector_load_idx %arg18[%add3A_71, %broadcast_in_dim3A_134] : memref<64x128xf32, #tpu.memory_space<vmem>>[vector<16xi32>, vector<16xi32>], vector<16xf32>,
        %gather3A_136 = tpu.vector_load_idx %arg19[%add3A_71, %broadcast_in_dim3A_134] : memref<64x128xf32, #tpu.memory_space<vmem>>[vector<16xi32>, vector<16xi32>], vector<16xf32>,
        %mul3A_137 = arith.mulf %gather3A_135, %gather3A_136 : vector<16xf32>
        %add3A_138 = arith.addf %add3A_132, %mul3A_137 : vector<16xf32>
        %broadcast_in_dim3A_139 = arith.constant 11 : i32
        %broadcast_in_dim3A_140 = vector.broadcast %broadcast_in_dim3A_139 : i32 to vector<16xi32>
        %gather3A_141 = tpu.vector_load_idx %arg18[%add3A_71, %broadcast_in_dim3A_140] : memref<64x128xf32, #tpu.memory_space<vmem>>[vector<16xi32>, vector<16xi32>], vector<16xf32>,
        %gather3A_142 = tpu.vector_load_idx %arg19[%add3A_71, %broadcast_in_dim3A_140] : memref<64x128xf32, #tpu.memory_space<vmem>>[vector<16xi32>, vector<16xi32>], vector<16xf32>,
        %mul3A_143 = arith.mulf %gather3A_141, %gather3A_142 : vector<16xf32>
        %add3A_144 = arith.addf %add3A_138, %mul3A_143 : vector<16xf32>
        %broadcast_in_dim3A_145 = arith.constant 12 : i32
        %broadcast_in_dim3A_146 = vector.broadcast %broadcast_in_dim3A_145 : i32 to vector<16xi32>
        %gather3A_147 = tpu.vector_load_idx %arg18[%add3A_71, %broadcast_in_dim3A_146] : memref<64x128xf32, #tpu.memory_space<vmem>>[vector<16xi32>, vector<16xi32>], vector<16xf32>,
        %gather3A_148 = tpu.vector_load_idx %arg19[%add3A_71, %broadcast_in_dim3A_146] : memref<64x128xf32, #tpu.memory_space<vmem>>[vector<16xi32>, vector<16xi32>], vector<16xf32>,
        %mul3A_149 = arith.mulf %gather3A_147, %gather3A_148 : vector<16xf32>
        %add3A_150 = arith.addf %add3A_144, %mul3A_149 : vector<16xf32>
        %broadcast_in_dim3A_151 = arith.constant 13 : i32
        %broadcast_in_dim3A_152 = vector.broadcast %broadcast_in_dim3A_151 : i32 to vector<16xi32>
        %gather3A_153 = tpu.vector_load_idx %arg18[%add3A_71, %broadcast_in_dim3A_152] : memref<64x128xf32, #tpu.memory_space<vmem>>[vector<16xi32>, vector<16xi32>], vector<16xf32>,
        %gather3A_154 = tpu.vector_load_idx %arg19[%add3A_71, %broadcast_in_dim3A_152] : memref<64x128xf32, #tpu.memory_space<vmem>>[vector<16xi32>, vector<16xi32>], vector<16xf32>,
        %mul3A_155 = arith.mulf %gather3A_153, %gather3A_154 : vector<16xf32>
        %add3A_156 = arith.addf %add3A_150, %mul3A_155 : vector<16xf32>
        %broadcast_in_dim3A_157 = arith.constant 14 : i32
        %broadcast_in_dim3A_158 = vector.broadcast %broadcast_in_dim3A_157 : i32 to vector<16xi32>
        %gather3A_159 = tpu.vector_load_idx %arg18[%add3A_71, %broadcast_in_dim3A_158] : memref<64x128xf32, #tpu.memory_space<vmem>>[vector<16xi32>, vector<16xi32>], vector<16xf32>,
        %gather3A_160 = tpu.vector_load_idx %arg19[%add3A_71, %broadcast_in_dim3A_158] : memref<64x128xf32, #tpu.memory_space<vmem>>[vector<16xi32>, vector<16xi32>], vector<16xf32>,
        %mul3A_161 = arith.mulf %gather3A_159, %gather3A_160 : vector<16xf32>
        %add3A_162 = arith.addf %add3A_156, %mul3A_161 : vector<16xf32>
        %broadcast_in_dim3A_163 = arith.constant 15 : i32
        %broadcast_in_dim3A_164 = vector.broadcast %broadcast_in_dim3A_163 : i32 to vector<16xi32>
        %gather3A_165 = tpu.vector_load_idx %arg18[%add3A_71, %broadcast_in_dim3A_164] : memref<64x128xf32, #tpu.memory_space<vmem>>[vector<16xi32>, vector<16xi32>], vector<16xf32>,
        %gather3A_166 = tpu.vector_load_idx %arg19[%add3A_71, %broadcast_in_dim3A_164] : memref<64x128xf32, #tpu.memory_space<vmem>>[vector<16xi32>, vector<16xi32>], vector<16xf32>,
        %mul3A_167 = arith.mulf %gather3A_165, %gather3A_166 : vector<16xf32>
        %add3A_168 = arith.addf %add3A_162, %mul3A_167 : vector<16xf32>
        %broadcast_in_dim3A_169 = arith.constant 16 : i32
        %broadcast_in_dim3A_170 = vector.broadcast %broadcast_in_dim3A_169 : i32 to vector<16xi32>
        %gather3A_171 = tpu.vector_load_idx %arg18[%add3A_71, %broadcast_in_dim3A_170] : memref<64x128xf32, #tpu.memory_space<vmem>>[vector<16xi32>, vector<16xi32>], vector<16xf32>,
        %gather3A_172 = tpu.vector_load_idx %arg19[%add3A_71, %broadcast_in_dim3A_170] : memref<64x128xf32, #tpu.memory_space<vmem>>[vector<16xi32>, vector<16xi32>], vector<16xf32>,
        %mul3A_173 = arith.mulf %gather3A_171, %gather3A_172 : vector<16xf32>
        %add3A_174 = arith.addf %add3A_168, %mul3A_173 : vector<16xf32>
        %broadcast_in_dim3A_175 = arith.constant 17 : i32
        %broadcast_in_dim3A_176 = vector.broadcast %broadcast_in_dim3A_175 : i32 to vector<16xi32>
        %gather3A_177 = tpu.vector_load_idx %arg18[%add3A_71, %broadcast_in_dim3A_176] : memref<64x128xf32, #tpu.memory_space<vmem>>[vector<16xi32>, vector<16xi32>], vector<16xf32>,
        %gather3A_178 = tpu.vector_load_idx %arg19[%add3A_71, %broadcast_in_dim3A_176] : memref<64x128xf32, #tpu.memory_space<vmem>>[vector<16xi32>, vector<16xi32>], vector<16xf32>,
        %mul3A_179 = arith.mulf %gather3A_177, %gather3A_178 : vector<16xf32>
        %add3A_180 = arith.addf %add3A_174, %mul3A_179 : vector<16xf32>
        %broadcast_in_dim3A_181 = arith.constant 18 : i32
        %broadcast_in_dim3A_182 = vector.broadcast %broadcast_in_dim3A_181 : i32 to vector<16xi32>
        %gather3A_183 = tpu.vector_load_idx %arg18[%add3A_71, %broadcast_in_dim3A_182] : memref<64x128xf32, #tpu.memory_space<vmem>>[vector<16xi32>, vector<16xi32>], vector<16xf32>,
        %gather3A_184 = tpu.vector_load_idx %arg19[%add3A_71, %broadcast_in_dim3A_182] : memref<64x128xf32, #tpu.memory_space<vmem>>[vector<16xi32>, vector<16xi32>], vector<16xf32>,
        %mul3A_185 = arith.mulf %gather3A_183, %gather3A_184 : vector<16xf32>
        %add3A_186 = arith.addf %add3A_180, %mul3A_185 : vector<16xf32>
        %broadcast_in_dim3A_187 = arith.constant 19 : i32
        %broadcast_in_dim3A_188 = vector.broadcast %broadcast_in_dim3A_187 : i32 to vector<16xi32>
        %gather3A_189 = tpu.vector_load_idx %arg18[%add3A_71, %broadcast_in_dim3A_188] : memref<64x128xf32, #tpu.memory_space<vmem>>[vector<16xi32>, vector<16xi32>], vector<16xf32>,
        %gather3A_190 = tpu.vector_load_idx %arg19[%add3A_71, %broadcast_in_dim3A_188] : memref<64x128xf32, #tpu.memory_space<vmem>>[vector<16xi32>, vector<16xi32>], vector<16xf32>,
        %mul3A_191 = arith.mulf %gather3A_189, %gather3A_190 : vector<16xf32>
        %add3A_192 = arith.addf %add3A_186, %mul3A_191 : vector<16xf32>
        %broadcast_in_dim3A_193 = arith.constant 20 : i32
        %broadcast_in_dim3A_194 = vector.broadcast %broadcast_in_dim3A_193 : i32 to vector<16xi32>
        %gather3A_195 = tpu.vector_load_idx %arg18[%add3A_71, %broadcast_in_dim3A_194] : memref<64x128xf32, #tpu.memory_space<vmem>>[vector<16xi32>, vector<16xi32>], vector<16xf32>,
        %gather3A_196 = tpu.vector_load_idx %arg19[%add3A_71, %broadcast_in_dim3A_194] : memref<64x128xf32, #tpu.memory_space<vmem>>[vector<16xi32>, vector<16xi32>], vector<16xf32>,
        %mul3A_197 = arith.mulf %gather3A_195, %gather3A_196 : vector<16xf32>
        %add3A_198 = arith.addf %add3A_192, %mul3A_197 : vector<16xf32>
        %broadcast_in_dim3A_199 = arith.constant 21 : i32
        %broadcast_in_dim3A_200 = vector.broadcast %broadcast_in_dim3A_199 : i32 to vector<16xi32>
        %gather3A_201 = tpu.vector_load_idx %arg18[%add3A_71, %broadcast_in_dim3A_200] : memref<64x128xf32, #tpu.memory_space<vmem>>[vector<16xi32>, vector<16xi32>], vector<16xf32>,
        %gather3A_202 = tpu.vector_load_idx %arg19[%add3A_71, %broadcast_in_dim3A_200] : memref<64x128xf32, #tpu.memory_space<vmem>>[vector<16xi32>, vector<16xi32>], vector<16xf32>,
        %mul3A_203 = arith.mulf %gather3A_201, %gather3A_202 : vector<16xf32>
        %add3A_204 = arith.addf %add3A_198, %mul3A_203 : vector<16xf32>
        %broadcast_in_dim3A_205 = arith.constant 22 : i32
        %broadcast_in_dim3A_206 = vector.broadcast %broadcast_in_dim3A_205 : i32 to vector<16xi32>
        %gather3A_207 = tpu.vector_load_idx %arg18[%add3A_71, %broadcast_in_dim3A_206] : memref<64x128xf32, #tpu.memory_space<vmem>>[vector<16xi32>, vector<16xi32>], vector<16xf32>,
        %gather3A_208 = tpu.vector_load_idx %arg19[%add3A_71, %broadcast_in_dim3A_206] : memref<64x128xf32, #tpu.memory_space<vmem>>[vector<16xi32>, vector<16xi32>], vector<16xf32>,
        %mul3A_209 = arith.mulf %gather3A_207, %gather3A_208 : vector<16xf32>
        %add3A_210 = arith.addf %add3A_204, %mul3A_209 : vector<16xf32>
        %broadcast_in_dim3A_211 = arith.constant 23 : i32
        %broadcast_in_dim3A_212 = vector.broadcast %broadcast_in_dim3A_211 : i32 to vector<16xi32>
        %gather3A_213 = tpu.vector_load_idx %arg18[%add3A_71, %broadcast_in_dim3A_212] : memref<64x128xf32, #tpu.memory_space<vmem>>[vector<16xi32>, vector<16xi32>], vector<16xf32>,
        %gather3A_214 = tpu.vector_load_idx %arg19[%add3A_71, %broadcast_in_dim3A_212] : memref<64x128xf32, #tpu.memory_space<vmem>>[vector<16xi32>, vector<16xi32>], vector<16xf32>,
        %mul3A_215 = arith.mulf %gather3A_213, %gather3A_214 : vector<16xf32>
        %add3A_216 = arith.addf %add3A_210, %mul3A_215 : vector<16xf32>
        %broadcast_in_dim3A_217 = arith.constant 24 : i32
        %broadcast_in_dim3A_218 = vector.broadcast %broadcast_in_dim3A_217 : i32 to vector<16xi32>
        %gather3A_219 = tpu.vector_load_idx %arg18[%add3A_71, %broadcast_in_dim3A_218] : memref<64x128xf32, #tpu.memory_space<vmem>>[vector<16xi32>, vector<16xi32>], vector<16xf32>,
        %gather3A_220 = tpu.vector_load_idx %arg19[%add3A_71, %broadcast_in_dim3A_218] : memref<64x128xf32, #tpu.memory_space<vmem>>[vector<16xi32>, vector<16xi32>], vector<16xf32>,
        %mul3A_221 = arith.mulf %gather3A_219, %gather3A_220 : vector<16xf32>
        %add3A_222 = arith.addf %add3A_216, %mul3A_221 : vector<16xf32>
        %broadcast_in_dim3A_223 = arith.constant 25 : i32
        %broadcast_in_dim3A_224 = vector.broadcast %broadcast_in_dim3A_223 : i32 to vector<16xi32>
        %gather3A_225 = tpu.vector_load_idx %arg18[%add3A_71, %broadcast_in_dim3A_224] : memref<64x128xf32, #tpu.memory_space<vmem>>[vector<16xi32>, vector<16xi32>], vector<16xf32>,
        %gather3A_226 = tpu.vector_load_idx %arg19[%add3A_71, %broadcast_in_dim3A_224] : memref<64x128xf32, #tpu.memory_space<vmem>>[vector<16xi32>, vector<16xi32>], vector<16xf32>,
        %mul3A_227 = arith.mulf %gather3A_225, %gather3A_226 : vector<16xf32>
        %add3A_228 = arith.addf %add3A_222, %mul3A_227 : vector<16xf32>
        %broadcast_in_dim3A_229 = arith.constant 26 : i32
        %broadcast_in_dim3A_230 = vector.broadcast %broadcast_in_dim3A_229 : i32 to vector<16xi32>
        %gather3A_231 = tpu.vector_load_idx %arg18[%add3A_71, %broadcast_in_dim3A_230] : memref<64x128xf32, #tpu.memory_space<vmem>>[vector<16xi32>, vector<16xi32>], vector<16xf32>,
        %gather3A_232 = tpu.vector_load_idx %arg19[%add3A_71, %broadcast_in_dim3A_230] : memref<64x128xf32, #tpu.memory_space<vmem>>[vector<16xi32>, vector<16xi32>], vector<16xf32>,
        %mul3A_233 = arith.mulf %gather3A_231, %gather3A_232 : vector<16xf32>
        %add3A_234 = arith.addf %add3A_228, %mul3A_233 : vector<16xf32>
        %broadcast_in_dim3A_235 = arith.constant 27 : i32
        %broadcast_in_dim3A_236 = vector.broadcast %broadcast_in_dim3A_235 : i32 to vector<16xi32>
        %gather3A_237 = tpu.vector_load_idx %arg18[%add3A_71, %broadcast_in_dim3A_236] : memref<64x128xf32, #tpu.memory_space<vmem>>[vector<16xi32>, vector<16xi32>], vector<16xf32>,
        %gather3A_238 = tpu.vector_load_idx %arg19[%add3A_71, %broadcast_in_dim3A_236] : memref<64x128xf32, #tpu.memory_space<vmem>>[vector<16xi32>, vector<16xi32>], vector<16xf32>,
        %mul3A_239 = arith.mulf %gather3A_237, %gather3A_238 : vector<16xf32>
        %add3A_240 = arith.addf %add3A_234, %mul3A_239 : vector<16xf32>
        %broadcast_in_dim3A_241 = arith.constant 28 : i32
        %broadcast_in_dim3A_242 = vector.broadcast %broadcast_in_dim3A_241 : i32 to vector<16xi32>
        %gather3A_243 = tpu.vector_load_idx %arg18[%add3A_71, %broadcast_in_dim3A_242] : memref<64x128xf32, #tpu.memory_space<vmem>>[vector<16xi32>, vector<16xi32>], vector<16xf32>,
        %gather3A_244 = tpu.vector_load_idx %arg19[%add3A_71, %broadcast_in_dim3A_242] : memref<64x128xf32, #tpu.memory_space<vmem>>[vector<16xi32>, vector<16xi32>], vector<16xf32>,
        %mul3A_245 = arith.mulf %gather3A_243, %gather3A_244 : vector<16xf32>
        %add3A_246 = arith.addf %add3A_240, %mul3A_245 : vector<16xf32>
        %broadcast_in_dim3A_247 = arith.constant 29 : i32
        %broadcast_in_dim3A_248 = vector.broadcast %broadcast_in_dim3A_247 : i32 to vector<16xi32>
        %gather3A_249 = tpu.vector_load_idx %arg18[%add3A_71, %broadcast_in_dim3A_248] : memref<64x128xf32, #tpu.memory_space<vmem>>[vector<16xi32>, vector<16xi32>], vector<16xf32>,
        %gather3A_250 = tpu.vector_load_idx %arg19[%add3A_71, %broadcast_in_dim3A_248] : memref<64x128xf32, #tpu.memory_space<vmem>>[vector<16xi32>, vector<16xi32>], vector<16xf32>,
        %mul3A_251 = arith.mulf %gather3A_249, %gather3A_250 : vector<16xf32>
        %add3A_252 = arith.addf %add3A_246, %mul3A_251 : vector<16xf32>
        %broadcast_in_dim3A_253 = arith.constant 30 : i32
        %broadcast_in_dim3A_254 = vector.broadcast %broadcast_in_dim3A_253 : i32 to vector<16xi32>
        %gather3A_255 = tpu.vector_load_idx %arg18[%add3A_71, %broadcast_in_dim3A_254] : memref<64x128xf32, #tpu.memory_space<vmem>>[vector<16xi32>, vector<16xi32>], vector<16xf32>,
        %gather3A_256 = tpu.vector_load_idx %arg19[%add3A_71, %broadcast_in_dim3A_254] : memref<64x128xf32, #tpu.memory_space<vmem>>[vector<16xi32>, vector<16xi32>], vector<16xf32>,
        %mul3A_257 = arith.mulf %gather3A_255, %gather3A_256 : vector<16xf32>
        %add3A_258 = arith.addf %add3A_252, %mul3A_257 : vector<16xf32>
        %broadcast_in_dim3A_259 = arith.constant 31 : i32
        %broadcast_in_dim3A_260 = vector.broadcast %broadcast_in_dim3A_259 : i32 to vector<16xi32>
        %gather3A_261 = tpu.vector_load_idx %arg18[%add3A_71, %broadcast_in_dim3A_260] : memref<64x128xf32, #tpu.memory_space<vmem>>[vector<16xi32>, vector<16xi32>], vector<16xf32>,
        %gather3A_262 = tpu.vector_load_idx %arg19[%add3A_71, %broadcast_in_dim3A_260] : memref<64x128xf32, #tpu.memory_space<vmem>>[vector<16xi32>, vector<16xi32>], vector<16xf32>,
        %mul3A_263 = arith.mulf %gather3A_261, %gather3A_262 : vector<16xf32>
        %add3A_264 = arith.addf %add3A_258, %mul3A_263 : vector<16xf32>
        %broadcast_in_dim3A_265 = arith.constant 0 : i32
        %broadcast_in_dim3A_266 = vector.broadcast %broadcast_in_dim3A_265 : i32 to vector<16xi32>
        %gather3A_267 = tpu.vector_load_idx %arg21[%add3A_71, %broadcast_in_dim3A_266] : memref<64x8xf32, #tpu.memory_space<vmem>>[vector<16xi32>, vector<16xi32>], vector<16xf32>,
        %mul3A_268 = arith.mulf %gather3A, %gather3A_267 : vector<16xf32>
        %add3A_269 = arith.addf %add3A_264, %mul3A_268 : vector<16xf32>
        %exp3A = math.exp %add3A_269 : vector<16xf32>
        %broadcast_in_dim3A_270 = arith.constant 0 : i32
        %broadcast_in_dim3A_271 = vector.broadcast %broadcast_in_dim3A_270 : i32 to vector<16xi32>
        tpu.vector_store_idx %arg22[%add3A_71, %broadcast_in_dim3A_271], %exp3A : memref<64x8xf32, #tpu.memory_space<vmem>>[vector<16xi32>, vector<16xi32>], vector<16xf32>,
        %broadcast_in_dim3A_272 = arith.constant 4 : i32
        %broadcast_in_dim3A_273 = vector.broadcast %broadcast_in_dim3A_272 : i32 to vector<16xi32>
        %mul3A_274 = arith.mulf %exp3A, %gather3A : vector<16xf32>
        tpu.vector_store_idx %arg22[%add3A_71, %broadcast_in_dim3A_273], %mul3A_274 : memref<64x8xf32, #tpu.memory_space<vmem>>[vector<16xi32>, vector<16xi32>], vector<16xf32>,
        %broadcast_in_dim3A_275 = arith.constant 0.000000e+00 : f32
        %broadcast_in_dim3A_276 = vector.broadcast %broadcast_in_dim3A_275 : f32 to vector<16xf32>
        %broadcast_in_dim3A_277 = arith.constant 32 : i32
        %broadcast_in_dim3A_278 = vector.broadcast %broadcast_in_dim3A_277 : i32 to vector<16xi32>
        %gather3A_279 = tpu.vector_load_idx %arg18[%add3A_71, %broadcast_in_dim3A_278] : memref<64x128xf32, #tpu.memory_space<vmem>>[vector<16xi32>, vector<16xi32>], vector<16xf32>,
        %gather3A_280 = tpu.vector_load_idx %arg19[%add3A_71, %broadcast_in_dim3A_278] : memref<64x128xf32, #tpu.memory_space<vmem>>[vector<16xi32>, vector<16xi32>], vector<16xf32>,
        %mul3A_281 = arith.mulf %gather3A_279, %gather3A_280 : vector<16xf32>
        %add3A_282 = arith.addf %broadcast_in_dim3A_276, %mul3A_281 : vector<16xf32>
        %broadcast_in_dim3A_283 = arith.constant 33 : i32
        %broadcast_in_dim3A_284 = vector.broadcast %broadcast_in_dim3A_283 : i32 to vector<16xi32>
        %gather3A_285 = tpu.vector_load_idx %arg18[%add3A_71, %broadcast_in_dim3A_284] : memref<64x128xf32, #tpu.memory_space<vmem>>[vector<16xi32>, vector<16xi32>], vector<16xf32>,
        %gather3A_286 = tpu.vector_load_idx %arg19[%add3A_71, %broadcast_in_dim3A_284] : memref<64x128xf32, #tpu.memory_space<vmem>>[vector<16xi32>, vector<16xi32>], vector<16xf32>,
        %mul3A_287 = arith.mulf %gather3A_285, %gather3A_286 : vector<16xf32>
        %add3A_288 = arith.addf %add3A_282, %mul3A_287 : vector<16xf32>
        %broadcast_in_dim3A_289 = arith.constant 34 : i32
        %broadcast_in_dim3A_290 = vector.broadcast %broadcast_in_dim3A_289 : i32 to vector<16xi32>
        %gather3A_291 = tpu.vector_load_idx %arg18[%add3A_71, %broadcast_in_dim3A_290] : memref<64x128xf32, #tpu.memory_space<vmem>>[vector<16xi32>, vector<16xi32>], vector<16xf32>,
        %gather3A_292 = tpu.vector_load_idx %arg19[%add3A_71, %broadcast_in_dim3A_290] : memref<64x128xf32, #tpu.memory_space<vmem>>[vector<16xi32>, vector<16xi32>], vector<16xf32>,
        %mul3A_293 = arith.mulf %gather3A_291, %gather3A_292 : vector<16xf32>
        %add3A_294 = arith.addf %add3A_288, %mul3A_293 : vector<16xf32>
        %broadcast_in_dim3A_295 = arith.constant 35 : i32
        %broadcast_in_dim3A_296 = vector.broadcast %broadcast_in_dim3A_295 : i32 to vector<16xi32>
        %gather3A_297 = tpu.vector_load_idx %arg18[%add3A_71, %broadcast_in_dim3A_296] : memref<64x128xf32, #tpu.memory_space<vmem>>[vector<16xi32>, vector<16xi32>], vector<16xf32>,
        %gather3A_298 = tpu.vector_load_idx %arg19[%add3A_71, %broadcast_in_dim3A_296] : memref<64x128xf32, #tpu.memory_space<vmem>>[vector<16xi32>, vector<16xi32>], vector<16xf32>,
        %mul3A_299 = arith.mulf %gather3A_297, %gather3A_298 : vector<16xf32>
        %add3A_300 = arith.addf %add3A_294, %mul3A_299 : vector<16xf32>
        %broadcast_in_dim3A_301 = arith.constant 36 : i32
        %broadcast_in_dim3A_302 = vector.broadcast %broadcast_in_dim3A_301 : i32 to vector<16xi32>
        %gather3A_303 = tpu.vector_load_idx %arg18[%add3A_71, %broadcast_in_dim3A_302] : memref<64x128xf32, #tpu.memory_space<vmem>>[vector<16xi32>, vector<16xi32>], vector<16xf32>,
        %gather3A_304 = tpu.vector_load_idx %arg19[%add3A_71, %broadcast_in_dim3A_302] : memref<64x128xf32, #tpu.memory_space<vmem>>[vector<16xi32>, vector<16xi32>], vector<16xf32>,
        %mul3A_305 = arith.mulf %gather3A_303, %gather3A_304 : vector<16xf32>
        %add3A_306 = arith.addf %add3A_300, %mul3A_305 : vector<16xf32>
        %broadcast_in_dim3A_307 = arith.constant 37 : i32
        %broadcast_in_dim3A_308 = vector.broadcast %broadcast_in_dim3A_307 : i32 to vector<16xi32>
        %gather3A_309 = tpu.vector_load_idx %arg18[%add3A_71, %broadcast_in_dim3A_308] : memref<64x128xf32, #tpu.memory_space<vmem>>[vector<16xi32>, vector<16xi32>], vector<16xf32>,
        %gather3A_310 = tpu.vector_load_idx %arg19[%add3A_71, %broadcast_in_dim3A_308] : memref<64x128xf32, #tpu.memory_space<vmem>>[vector<16xi32>, vector<16xi32>], vector<16xf32>,
        %mul3A_311 = arith.mulf %gather3A_309, %gather3A_310 : vector<16xf32>
        %add3A_312 = arith.addf %add3A_306, %mul3A_311 : vector<16xf32>
        %broadcast_in_dim3A_313 = arith.constant 38 : i32
        %broadcast_in_dim3A_314 = vector.broadcast %broadcast_in_dim3A_313 : i32 to vector<16xi32>
        %gather3A_315 = tpu.vector_load_idx %arg18[%add3A_71, %broadcast_in_dim3A_314] : memref<64x128xf32, #tpu.memory_space<vmem>>[vector<16xi32>, vector<16xi32>], vector<16xf32>,
        %gather3A_316 = tpu.vector_load_idx %arg19[%add3A_71, %broadcast_in_dim3A_314] : memref<64x128xf32, #tpu.memory_space<vmem>>[vector<16xi32>, vector<16xi32>], vector<16xf32>,
        %mul3A_317 = arith.mulf %gather3A_315, %gather3A_316 : vector<16xf32>
        %add3A_318 = arith.addf %add3A_312, %mul3A_317 : vector<16xf32>
        %broadcast_in_dim3A_319 = arith.constant 39 : i32
        %broadcast_in_dim3A_320 = vector.broadcast %broadcast_in_dim3A_319 : i32 to vector<16xi32>
        %gather3A_321 = tpu.vector_load_idx %arg18[%add3A_71, %broadcast_in_dim3A_320] : memref<64x128xf32, #tpu.memory_space<vmem>>[vector<16xi32>, vector<16xi32>], vector<16xf32>,
        %gather3A_322 = tpu.vector_load_idx %arg19[%add3A_71, %broadcast_in_dim3A_320] : memref<64x128xf32, #tpu.memory_space<vmem>>[vector<16xi32>, vector<16xi32>], vector<16xf32>,
        %mul3A_323 = arith.mulf %gather3A_321, %gather3A_322 : vector<16xf32>
        %add3A_324 = arith.addf %add3A_318, %mul3A_323 : vector<16xf32>
        %broadcast_in_dim3A_325 = arith.constant 40 : i32
        %broadcast_in_dim3A_326 = vector.broadcast %broadcast_in_dim3A_325 : i32 to vector<16xi32>
        %gather3A_327 = tpu.vector_load_idx %arg18[%add3A_71, %broadcast_in_dim3A_326] : memref<64x128xf32, #tpu.memory_space<vmem>>[vector<16xi32>, vector<16xi32>], vector<16xf32>,
        %gather3A_328 = tpu.vector_load_idx %arg19[%add3A_71, %broadcast_in_dim3A_326] : memref<64x128xf32, #tpu.memory_space<vmem>>[vector<16xi32>, vector<16xi32>], vector<16xf32>,
        %mul3A_329 = arith.mulf %gather3A_327, %gather3A_328 : vector<16xf32>
        %add3A_330 = arith.addf %add3A_324, %mul3A_329 : vector<16xf32>
        %broadcast_in_dim3A_331 = arith.constant 41 : i32
        %broadcast_in_dim3A_332 = vector.broadcast %broadcast_in_dim3A_331 : i32 to vector<16xi32>
        %gather3A_333 = tpu.vector_load_idx %arg18[%add3A_71, %broadcast_in_dim3A_332] : memref<64x128xf32, #tpu.memory_space<vmem>>[vector<16xi32>, vector<16xi32>], vector<16xf32>,
        %gather3A_334 = tpu.vector_load_idx %arg19[%add3A_71, %broadcast_in_dim3A_332] : memref<64x128xf32, #tpu.memory_space<vmem>>[vector<16xi32>, vector<16xi32>], vector<16xf32>,
        %mul3A_335 = arith.mulf %gather3A_333, %gather3A_334 : vector<16xf32>
        %add3A_336 = arith.addf %add3A_330, %mul3A_335 : vector<16xf32>
        %broadcast_in_dim3A_337 = arith.constant 42 : i32
        %broadcast_in_dim3A_338 = vector.broadcast %broadcast_in_dim3A_337 : i32 to vector<16xi32>
        %gather3A_339 = tpu.vector_load_idx %arg18[%add3A_71, %broadcast_in_dim3A_338] : memref<64x128xf32, #tpu.memory_space<vmem>>[vector<16xi32>, vector<16xi32>], vector<16xf32>,
        %gather3A_340 = tpu.vector_load_idx %arg19[%add3A_71, %broadcast_in_dim3A_338] : memref<64x128xf32, #tpu.memory_space<vmem>>[vector<16xi32>, vector<16xi32>], vector<16xf32>,
        %mul3A_341 = arith.mulf %gather3A_339, %gather3A_340 : vector<16xf32>
        %add3A_342 = arith.addf %add3A_336, %mul3A_341 : vector<16xf32>
        %broadcast_in_dim3A_343 = arith.constant 43 : i32
        %broadcast_in_dim3A_344 = vector.broadcast %broadcast_in_dim3A_343 : i32 to vector<16xi32>
        %gather3A_345 = tpu.vector_load_idx %arg18[%add3A_71, %broadcast_in_dim3A_344] : memref<64x128xf32, #tpu.memory_space<vmem>>[vector<16xi32>, vector<16xi32>], vector<16xf32>,
        %gather3A_346 = tpu.vector_load_idx %arg19[%add3A_71, %broadcast_in_dim3A_344] : memref<64x128xf32, #tpu.memory_space<vmem>>[vector<16xi32>, vector<16xi32>], vector<16xf32>,
        %mul3A_347 = arith.mulf %gather3A_345, %gather3A_346 : vector<16xf32>
        %add3A_348 = arith.addf %add3A_342, %mul3A_347 : vector<16xf32>
        %broadcast_in_dim3A_349 = arith.constant 44 : i32
        %broadcast_in_dim3A_350 = vector.broadcast %broadcast_in_dim3A_349 : i32 to vector<16xi32>
        %gather3A_351 = tpu.vector_load_idx %arg18[%add3A_71, %broadcast_in_dim3A_350] : memref<64x128xf32, #tpu.memory_space<vmem>>[vector<16xi32>, vector<16xi32>], vector<16xf32>,
        %gather3A_352 = tpu.vector_load_idx %arg19[%add3A_71, %broadcast_in_dim3A_350] : memref<64x128xf32, #tpu.memory_space<vmem>>[vector<16xi32>, vector<16xi32>], vector<16xf32>,
        %mul3A_353 = arith.mulf %gather3A_351, %gather3A_352 : vector<16xf32>
        %add3A_354 = arith.addf %add3A_348, %mul3A_353 : vector<16xf32>
        %broadcast_in_dim3A_355 = arith.constant 45 : i32
        %broadcast_in_dim3A_356 = vector.broadcast %broadcast_in_dim3A_355 : i32 to vector<16xi32>
        %gather3A_357 = tpu.vector_load_idx %arg18[%add3A_71, %broadcast_in_dim3A_356] : memref<64x128xf32, #tpu.memory_space<vmem>>[vector<16xi32>, vector<16xi32>], vector<16xf32>,
        %gather3A_358 = tpu.vector_load_idx %arg19[%add3A_71, %broadcast_in_dim3A_356] : memref<64x128xf32, #tpu.memory_space<vmem>>[vector<16xi32>, vector<16xi32>], vector<16xf32>,
        %mul3A_359 = arith.mulf %gather3A_357, %gather3A_358 : vector<16xf32>
        %add3A_360 = arith.addf %add3A_354, %mul3A_359 : vector<16xf32>
        %broadcast_in_dim3A_361 = arith.constant 46 : i32
        %broadcast_in_dim3A_362 = vector.broadcast %broadcast_in_dim3A_361 : i32 to vector<16xi32>
        %gather3A_363 = tpu.vector_load_idx %arg18[%add3A_71, %broadcast_in_dim3A_362] : memref<64x128xf32, #tpu.memory_space<vmem>>[vector<16xi32>, vector<16xi32>], vector<16xf32>,
        %gather3A_364 = tpu.vector_load_idx %arg19[%add3A_71, %broadcast_in_dim3A_362] : memref<64x128xf32, #tpu.memory_space<vmem>>[vector<16xi32>, vector<16xi32>], vector<16xf32>,
        %mul3A_365 = arith.mulf %gather3A_363, %gather3A_364 : vector<16xf32>
        %add3A_366 = arith.addf %add3A_360, %mul3A_365 : vector<16xf32>
        %broadcast_in_dim3A_367 = arith.constant 47 : i32
        %broadcast_in_dim3A_368 = vector.broadcast %broadcast_in_dim3A_367 : i32 to vector<16xi32>
        %gather3A_369 = tpu.vector_load_idx %arg18[%add3A_71, %broadcast_in_dim3A_368] : memref<64x128xf32, #tpu.memory_space<vmem>>[vector<16xi32>, vector<16xi32>], vector<16xf32>,
        %gather3A_370 = tpu.vector_load_idx %arg19[%add3A_71, %broadcast_in_dim3A_368] : memref<64x128xf32, #tpu.memory_space<vmem>>[vector<16xi32>, vector<16xi32>], vector<16xf32>,
        %mul3A_371 = arith.mulf %gather3A_369, %gather3A_370 : vector<16xf32>
        %add3A_372 = arith.addf %add3A_366, %mul3A_371 : vector<16xf32>
        %broadcast_in_dim3A_373 = arith.constant 48 : i32
        %broadcast_in_dim3A_374 = vector.broadcast %broadcast_in_dim3A_373 : i32 to vector<16xi32>
        %gather3A_375 = tpu.vector_load_idx %arg18[%add3A_71, %broadcast_in_dim3A_374] : memref<64x128xf32, #tpu.memory_space<vmem>>[vector<16xi32>, vector<16xi32>], vector<16xf32>,
        %gather3A_376 = tpu.vector_load_idx %arg19[%add3A_71, %broadcast_in_dim3A_374] : memref<64x128xf32, #tpu.memory_space<vmem>>[vector<16xi32>, vector<16xi32>], vector<16xf32>,
        %mul3A_377 = arith.mulf %gather3A_375, %gather3A_376 : vector<16xf32>
        %add3A_378 = arith.addf %add3A_372, %mul3A_377 : vector<16xf32>
        %broadcast_in_dim3A_379 = arith.constant 49 : i32
        %broadcast_in_dim3A_380 = vector.broadcast %broadcast_in_dim3A_379 : i32 to vector<16xi32>
        %gather3A_381 = tpu.vector_load_idx %arg18[%add3A_71, %broadcast_in_dim3A_380] : memref<64x128xf32, #tpu.memory_space<vmem>>[vector<16xi32>, vector<16xi32>], vector<16xf32>,
        %gather3A_382 = tpu.vector_load_idx %arg19[%add3A_71, %broadcast_in_dim3A_380] : memref<64x128xf32, #tpu.memory_space<vmem>>[vector<16xi32>, vector<16xi32>], vector<16xf32>,
        %mul3A_383 = arith.mulf %gather3A_381, %gather3A_382 : vector<16xf32>
        %add3A_384 = arith.addf %add3A_378, %mul3A_383 : vector<16xf32>
        %broadcast_in_dim3A_385 = arith.constant 50 : i32
        %broadcast_in_dim3A_386 = vector.broadcast %broadcast_in_dim3A_385 : i32 to vector<16xi32>
        %gather3A_387 = tpu.vector_load_idx %arg18[%add3A_71, %broadcast_in_dim3A_386] : memref<64x128xf32, #tpu.memory_space<vmem>>[vector<16xi32>, vector<16xi32>], vector<16xf32>,
        %gather3A_388 = tpu.vector_load_idx %arg19[%add3A_71, %broadcast_in_dim3A_386] : memref<64x128xf32, #tpu.memory_space<vmem>>[vector<16xi32>, vector<16xi32>], vector<16xf32>,
        %mul3A_389 = arith.mulf %gather3A_387, %gather3A_388 : vector<16xf32>
        %add3A_390 = arith.addf %add3A_384, %mul3A_389 : vector<16xf32>
        %broadcast_in_dim3A_391 = arith.constant 51 : i32
        %broadcast_in_dim3A_392 = vector.broadcast %broadcast_in_dim3A_391 : i32 to vector<16xi32>
        %gather3A_393 = tpu.vector_load_idx %arg18[%add3A_71, %broadcast_in_dim3A_392] : memref<64x128xf32, #tpu.memory_space<vmem>>[vector<16xi32>, vector<16xi32>], vector<16xf32>,
        %gather3A_394 = tpu.vector_load_idx %arg19[%add3A_71, %broadcast_in_dim3A_392] : memref<64x128xf32, #tpu.memory_space<vmem>>[vector<16xi32>, vector<16xi32>], vector<16xf32>,
        %mul3A_395 = arith.mulf %gather3A_393, %gather3A_394 : vector<16xf32>
        %add3A_396 = arith.addf %add3A_390, %mul3A_395 : vector<16xf32>
        %broadcast_in_dim3A_397 = arith.constant 52 : i32
        %broadcast_in_dim3A_398 = vector.broadcast %broadcast_in_dim3A_397 : i32 to vector<16xi32>
        %gather3A_399 = tpu.vector_load_idx %arg18[%add3A_71, %broadcast_in_dim3A_398] : memref<64x128xf32, #tpu.memory_space<vmem>>[vector<16xi32>, vector<16xi32>], vector<16xf32>,
        %gather3A_400 = tpu.vector_load_idx %arg19[%add3A_71, %broadcast_in_dim3A_398] : memref<64x128xf32, #tpu.memory_space<vmem>>[vector<16xi32>, vector<16xi32>], vector<16xf32>,
        %mul3A_401 = arith.mulf %gather3A_399, %gather3A_400 : vector<16xf32>
        %add3A_402 = arith.addf %add3A_396, %mul3A_401 : vector<16xf32>
        %broadcast_in_dim3A_403 = arith.constant 53 : i32
        %broadcast_in_dim3A_404 = vector.broadcast %broadcast_in_dim3A_403 : i32 to vector<16xi32>
        %gather3A_405 = tpu.vector_load_idx %arg18[%add3A_71, %broadcast_in_dim3A_404] : memref<64x128xf32, #tpu.memory_space<vmem>>[vector<16xi32>, vector<16xi32>], vector<16xf32>,
        %gather3A_406 = tpu.vector_load_idx %arg19[%add3A_71, %broadcast_in_dim3A_404] : memref<64x128xf32, #tpu.memory_space<vmem>>[vector<16xi32>, vector<16xi32>], vector<16xf32>,
        %mul3A_407 = arith.mulf %gather3A_405, %gather3A_406 : vector<16xf32>
        %add3A_408 = arith.addf %add3A_402, %mul3A_407 : vector<16xf32>
        %broadcast_in_dim3A_409 = arith.constant 54 : i32
        %broadcast_in_dim3A_410 = vector.broadcast %broadcast_in_dim3A_409 : i32 to vector<16xi32>
        %gather3A_411 = tpu.vector_load_idx %arg18[%add3A_71, %broadcast_in_dim3A_410] : memref<64x128xf32, #tpu.memory_space<vmem>>[vector<16xi32>, vector<16xi32>], vector<16xf32>,
        %gather3A_412 = tpu.vector_load_idx %arg19[%add3A_71, %broadcast_in_dim3A_410] : memref<64x128xf32, #tpu.memory_space<vmem>>[vector<16xi32>, vector<16xi32>], vector<16xf32>,
        %mul3A_413 = arith.mulf %gather3A_411, %gather3A_412 : vector<16xf32>
        %add3A_414 = arith.addf %add3A_408, %mul3A_413 : vector<16xf32>
        %broadcast_in_dim3A_415 = arith.constant 55 : i32
        %broadcast_in_dim3A_416 = vector.broadcast %broadcast_in_dim3A_415 : i32 to vector<16xi32>
        %gather3A_417 = tpu.vector_load_idx %arg18[%add3A_71, %broadcast_in_dim3A_416] : memref<64x128xf32, #tpu.memory_space<vmem>>[vector<16xi32>, vector<16xi32>], vector<16xf32>,
        %gather3A_418 = tpu.vector_load_idx %arg19[%add3A_71, %broadcast_in_dim3A_416] : memref<64x128xf32, #tpu.memory_space<vmem>>[vector<16xi32>, vector<16xi32>], vector<16xf32>,
        %mul3A_419 = arith.mulf %gather3A_417, %gather3A_418 : vector<16xf32>
        %add3A_420 = arith.addf %add3A_414, %mul3A_419 : vector<16xf32>
        %broadcast_in_dim3A_421 = arith.constant 56 : i32
        %broadcast_in_dim3A_422 = vector.broadcast %broadcast_in_dim3A_421 : i32 to vector<16xi32>
        %gather3A_423 = tpu.vector_load_idx %arg18[%add3A_71, %broadcast_in_dim3A_422] : memref<64x128xf32, #tpu.memory_space<vmem>>[vector<16xi32>, vector<16xi32>], vector<16xf32>,
        %gather3A_424 = tpu.vector_load_idx %arg19[%add3A_71, %broadcast_in_dim3A_422] : memref<64x128xf32, #tpu.memory_space<vmem>>[vector<16xi32>, vector<16xi32>], vector<16xf32>,
        %mul3A_425 = arith.mulf %gather3A_423, %gather3A_424 : vector<16xf32>
        %add3A_426 = arith.addf %add3A_420, %mul3A_425 : vector<16xf32>
        %broadcast_in_dim3A_427 = arith.constant 57 : i32
        %broadcast_in_dim3A_428 = vector.broadcast %broadcast_in_dim3A_427 : i32 to vector<16xi32>
        %gather3A_429 = tpu.vector_load_idx %arg18[%add3A_71, %broadcast_in_dim3A_428] : memref<64x128xf32, #tpu.memory_space<vmem>>[vector<16xi32>, vector<16xi32>], vector<16xf32>,
        %gather3A_430 = tpu.vector_load_idx %arg19[%add3A_71, %broadcast_in_dim3A_428] : memref<64x128xf32, #tpu.memory_space<vmem>>[vector<16xi32>, vector<16xi32>], vector<16xf32>,
        %mul3A_431 = arith.mulf %gather3A_429, %gather3A_430 : vector<16xf32>
        %add3A_432 = arith.addf %add3A_426, %mul3A_431 : vector<16xf32>
        %broadcast_in_dim3A_433 = arith.constant 58 : i32
        %broadcast_in_dim3A_434 = vector.broadcast %broadcast_in_dim3A_433 : i32 to vector<16xi32>
        %gather3A_435 = tpu.vector_load_idx %arg18[%add3A_71, %broadcast_in_dim3A_434] : memref<64x128xf32, #tpu.memory_space<vmem>>[vector<16xi32>, vector<16xi32>], vector<16xf32>,
        %gather3A_436 = tpu.vector_load_idx %arg19[%add3A_71, %broadcast_in_dim3A_434] : memref<64x128xf32, #tpu.memory_space<vmem>>[vector<16xi32>, vector<16xi32>], vector<16xf32>,
        %mul3A_437 = arith.mulf %gather3A_435, %gather3A_436 : vector<16xf32>
        %add3A_438 = arith.addf %add3A_432, %mul3A_437 : vector<16xf32>
        %broadcast_in_dim3A_439 = arith.constant 59 : i32
        %broadcast_in_dim3A_440 = vector.broadcast %broadcast_in_dim3A_439 : i32 to vector<16xi32>
        %gather3A_441 = tpu.vector_load_idx %arg18[%add3A_71, %broadcast_in_dim3A_440] : memref<64x128xf32, #tpu.memory_space<vmem>>[vector<16xi32>, vector<16xi32>], vector<16xf32>,
        %gather3A_442 = tpu.vector_load_idx %arg19[%add3A_71, %broadcast_in_dim3A_440] : memref<64x128xf32, #tpu.memory_space<vmem>>[vector<16xi32>, vector<16xi32>], vector<16xf32>,
        %mul3A_443 = arith.mulf %gather3A_441, %gather3A_442 : vector<16xf32>
        %add3A_444 = arith.addf %add3A_438, %mul3A_443 : vector<16xf32>
        %broadcast_in_dim3A_445 = arith.constant 60 : i32
        %broadcast_in_dim3A_446 = vector.broadcast %broadcast_in_dim3A_445 : i32 to vector<16xi32>
        %gather3A_447 = tpu.vector_load_idx %arg18[%add3A_71, %broadcast_in_dim3A_446] : memref<64x128xf32, #tpu.memory_space<vmem>>[vector<16xi32>, vector<16xi32>], vector<16xf32>,
        %gather3A_448 = tpu.vector_load_idx %arg19[%add3A_71, %broadcast_in_dim3A_446] : memref<64x128xf32, #tpu.memory_space<vmem>>[vector<16xi32>, vector<16xi32>], vector<16xf32>,
        %mul3A_449 = arith.mulf %gather3A_447, %gather3A_448 : vector<16xf32>
        %add3A_450 = arith.addf %add3A_444, %mul3A_449 : vector<16xf32>
        %broadcast_in_dim3A_451 = arith.constant 61 : i32
        %broadcast_in_dim3A_452 = vector.broadcast %broadcast_in_dim3A_451 : i32 to vector<16xi32>
        %gather3A_453 = tpu.vector_load_idx %arg18[%add3A_71, %broadcast_in_dim3A_452] : memref<64x128xf32, #tpu.memory_space<vmem>>[vector<16xi32>, vector<16xi32>], vector<16xf32>,
        %gather3A_454 = tpu.vector_load_idx %arg19[%add3A_71, %broadcast_in_dim3A_452] : memref<64x128xf32, #tpu.memory_space<vmem>>[vector<16xi32>, vector<16xi32>], vector<16xf32>,
        %mul3A_455 = arith.mulf %gather3A_453, %gather3A_454 : vector<16xf32>
        %add3A_456 = arith.addf %add3A_450, %mul3A_455 : vector<16xf32>
        %broadcast_in_dim3A_457 = arith.constant 62 : i32
        %broadcast_in_dim3A_458 = vector.broadcast %broadcast_in_dim3A_457 : i32 to vector<16xi32>
        %gather3A_459 = tpu.vector_load_idx %arg18[%add3A_71, %broadcast_in_dim3A_458] : memref<64x128xf32, #tpu.memory_space<vmem>>[vector<16xi32>, vector<16xi32>], vector<16xf32>,
        %gather3A_460 = tpu.vector_load_idx %arg19[%add3A_71, %broadcast_in_dim3A_458] : memref<64x128xf32, #tpu.memory_space<vmem>>[vector<16xi32>, vector<16xi32>], vector<16xf32>,
        %mul3A_461 = arith.mulf %gather3A_459, %gather3A_460 : vector<16xf32>
        %add3A_462 = arith.addf %add3A_456, %mul3A_461 : vector<16xf32>
        %broadcast_in_dim3A_463 = arith.constant 63 : i32
        %broadcast_in_dim3A_464 = vector.broadcast %broadcast_in_dim3A_463 : i32 to vector<16xi32>
        %gather3A_465 = tpu.vector_load_idx %arg18[%add3A_71, %broadcast_in_dim3A_464] : memref<64x128xf32, #tpu.memory_space<vmem>>[vector<16xi32>, vector<16xi32>], vector<16xf32>,
        %gather3A_466 = tpu.vector_load_idx %arg19[%add3A_71, %broadcast_in_dim3A_464] : memref<64x128xf32, #tpu.memory_space<vmem>>[vector<16xi32>, vector<16xi32>], vector<16xf32>,
        %mul3A_467 = arith.mulf %gather3A_465, %gather3A_466 : vector<16xf32>
        %add3A_468 = arith.addf %add3A_462, %mul3A_467 : vector<16xf32>
        %broadcast_in_dim3A_469 = arith.constant 1 : i32
        %broadcast_in_dim3A_470 = vector.broadcast %broadcast_in_dim3A_469 : i32 to vector<16xi32>
        %gather3A_471 = tpu.vector_load_idx %arg21[%add3A_71, %broadcast_in_dim3A_470] : memref<64x8xf32, #tpu.memory_space<vmem>>[vector<16xi32>, vector<16xi32>], vector<16xf32>,
        %mul3A_472 = arith.mulf %gather3A, %gather3A_471 : vector<16xf32>
        %add3A_473 = arith.addf %add3A_468, %mul3A_472 : vector<16xf32>
        %exp3A_474 = math.exp %add3A_473 : vector<16xf32>
        %broadcast_in_dim3A_475 = arith.constant 1 : i32
        %broadcast_in_dim3A_476 = vector.broadcast %broadcast_in_dim3A_475 : i32 to vector<16xi32>
        tpu.vector_store_idx %arg22[%add3A_71, %broadcast_in_dim3A_476], %exp3A_474 : memref<64x8xf32, #tpu.memory_space<vmem>>[vector<16xi32>, vector<16xi32>], vector<16xf32>,
        %broadcast_in_dim3A_477 = arith.constant 5 : i32
        %broadcast_in_dim3A_478 = vector.broadcast %broadcast_in_dim3A_477 : i32 to vector<16xi32>
        %mul3A_479 = arith.mulf %exp3A_474, %gather3A : vector<16xf32>
        tpu.vector_store_idx %arg22[%add3A_71, %broadcast_in_dim3A_478], %mul3A_479 : memref<64x8xf32, #tpu.memory_space<vmem>>[vector<16xi32>, vector<16xi32>], vector<16xf32>,
        %broadcast_in_dim3A_480 = arith.constant 0.000000e+00 : f32
        %broadcast_in_dim3A_481 = vector.broadcast %broadcast_in_dim3A_480 : f32 to vector<16xf32>
        %broadcast_in_dim3A_482 = arith.constant 64 : i32
        %broadcast_in_dim3A_483 = vector.broadcast %broadcast_in_dim3A_482 : i32 to vector<16xi32>
        %gather3A_484 = tpu.vector_load_idx %arg18[%add3A_71, %broadcast_in_dim3A_483] : memref<64x128xf32, #tpu.memory_space<vmem>>[vector<16xi32>, vector<16xi32>], vector<16xf32>,
        %gather3A_485 = tpu.vector_load_idx %arg19[%add3A_71, %broadcast_in_dim3A_483] : memref<64x128xf32, #tpu.memory_space<vmem>>[vector<16xi32>, vector<16xi32>], vector<16xf32>,
        %mul3A_486 = arith.mulf %gather3A_484, %gather3A_485 : vector<16xf32>
        %add3A_487 = arith.addf %broadcast_in_dim3A_481, %mul3A_486 : vector<16xf32>
        %broadcast_in_dim3A_488 = arith.constant 65 : i32
        %broadcast_in_dim3A_489 = vector.broadcast %broadcast_in_dim3A_488 : i32 to vector<16xi32>
        %gather3A_490 = tpu.vector_load_idx %arg18[%add3A_71, %broadcast_in_dim3A_489] : memref<64x128xf32, #tpu.memory_space<vmem>>[vector<16xi32>, vector<16xi32>], vector<16xf32>,
        %gather3A_491 = tpu.vector_load_idx %arg19[%add3A_71, %broadcast_in_dim3A_489] : memref<64x128xf32, #tpu.memory_space<vmem>>[vector<16xi32>, vector<16xi32>], vector<16xf32>,
        %mul3A_492 = arith.mulf %gather3A_490, %gather3A_491 : vector<16xf32>
        %add3A_493 = arith.addf %add3A_487, %mul3A_492 : vector<16xf32>
        %broadcast_in_dim3A_494 = arith.constant 66 : i32
        %broadcast_in_dim3A_495 = vector.broadcast %broadcast_in_dim3A_494 : i32 to vector<16xi32>
        %gather3A_496 = tpu.vector_load_idx %arg18[%add3A_71, %broadcast_in_dim3A_495] : memref<64x128xf32, #tpu.memory_space<vmem>>[vector<16xi32>, vector<16xi32>], vector<16xf32>,
        %gather3A_497 = tpu.vector_load_idx %arg19[%add3A_71, %broadcast_in_dim3A_495] : memref<64x128xf32, #tpu.memory_space<vmem>>[vector<16xi32>, vector<16xi32>], vector<16xf32>,
        %mul3A_498 = arith.mulf %gather3A_496, %gather3A_497 : vector<16xf32>
        %add3A_499 = arith.addf %add3A_493, %mul3A_498 : vector<16xf32>
        %broadcast_in_dim3A_500 = arith.constant 67 : i32
        %broadcast_in_dim3A_501 = vector.broadcast %broadcast_in_dim3A_500 : i32 to vector<16xi32>
        %gather3A_502 = tpu.vector_load_idx %arg18[%add3A_71, %broadcast_in_dim3A_501] : memref<64x128xf32, #tpu.memory_space<vmem>>[vector<16xi32>, vector<16xi32>], vector<16xf32>,
        %gather3A_503 = tpu.vector_load_idx %arg19[%add3A_71, %broadcast_in_dim3A_501] : memref<64x128xf32, #tpu.memory_space<vmem>>[vector<16xi32>, vector<16xi32>], vector<16xf32>,
        %mul3A_504 = arith.mulf %gather3A_502, %gather3A_503 : vector<16xf32>
        %add3A_505 = arith.addf %add3A_499, %mul3A_504 : vector<16xf32>
        %broadcast_in_dim3A_506 = arith.constant 68 : i32
        %broadcast_in_dim3A_507 = vector.broadcast %broadcast_in_dim3A_506 : i32 to vector<16xi32>
        %gather3A_508 = tpu.vector_load_idx %arg18[%add3A_71, %broadcast_in_dim3A_507] : memref<64x128xf32, #tpu.memory_space<vmem>>[vector<16xi32>, vector<16xi32>], vector<16xf32>,
        %gather3A_509 = tpu.vector_load_idx %arg19[%add3A_71, %broadcast_in_dim3A_507] : memref<64x128xf32, #tpu.memory_space<vmem>>[vector<16xi32>, vector<16xi32>], vector<16xf32>,
        %mul3A_510 = arith.mulf %gather3A_508, %gather3A_509 : vector<16xf32>
        %add3A_511 = arith.addf %add3A_505, %mul3A_510 : vector<16xf32>
        %broadcast_in_dim3A_512 = arith.constant 69 : i32
        %broadcast_in_dim3A_513 = vector.broadcast %broadcast_in_dim3A_512 : i32 to vector<16xi32>
        %gather3A_514 = tpu.vector_load_idx %arg18[%add3A_71, %broadcast_in_dim3A_513] : memref<64x128xf32, #tpu.memory_space<vmem>>[vector<16xi32>, vector<16xi32>], vector<16xf32>,
        %gather3A_515 = tpu.vector_load_idx %arg19[%add3A_71, %broadcast_in_dim3A_513] : memref<64x128xf32, #tpu.memory_space<vmem>>[vector<16xi32>, vector<16xi32>], vector<16xf32>,
        %mul3A_516 = arith.mulf %gather3A_514, %gather3A_515 : vector<16xf32>
        %add3A_517 = arith.addf %add3A_511, %mul3A_516 : vector<16xf32>
        %broadcast_in_dim3A_518 = arith.constant 70 : i32
        %broadcast_in_dim3A_519 = vector.broadcast %broadcast_in_dim3A_518 : i32 to vector<16xi32>
        %gather3A_520 = tpu.vector_load_idx %arg18[%add3A_71, %broadcast_in_dim3A_519] : memref<64x128xf32, #tpu.memory_space<vmem>>[vector<16xi32>, vector<16xi32>], vector<16xf32>,
        %gather3A_521 = tpu.vector_load_idx %arg19[%add3A_71, %broadcast_in_dim3A_519] : memref<64x128xf32, #tpu.memory_space<vmem>>[vector<16xi32>, vector<16xi32>], vector<16xf32>,
        %mul3A_522 = arith.mulf %gather3A_520, %gather3A_521 : vector<16xf32>
        %add3A_523 = arith.addf %add3A_517, %mul3A_522 : vector<16xf32>
        %broadcast_in_dim3A_524 = arith.constant 71 : i32
        %broadcast_in_dim3A_525 = vector.broadcast %broadcast_in_dim3A_524 : i32 to vector<16xi32>
        %gather3A_526 = tpu.vector_load_idx %arg18[%add3A_71, %broadcast_in_dim3A_525] : memref<64x128xf32, #tpu.memory_space<vmem>>[vector<16xi32>, vector<16xi32>], vector<16xf32>,
        %gather3A_527 = tpu.vector_load_idx %arg19[%add3A_71, %broadcast_in_dim3A_525] : memref<64x128xf32, #tpu.memory_space<vmem>>[vector<16xi32>, vector<16xi32>], vector<16xf32>,
        %mul3A_528 = arith.mulf %gather3A_526, %gather3A_527 : vector<16xf32>
        %add3A_529 = arith.addf %add3A_523, %mul3A_528 : vector<16xf32>
        %broadcast_in_dim3A_530 = arith.constant 72 : i32
        %broadcast_in_dim3A_531 = vector.broadcast %broadcast_in_dim3A_530 : i32 to vector<16xi32>
        %gather3A_532 = tpu.vector_load_idx %arg18[%add3A_71, %broadcast_in_dim3A_531] : memref<64x128xf32, #tpu.memory_space<vmem>>[vector<16xi32>, vector<16xi32>], vector<16xf32>,
        %gather3A_533 = tpu.vector_load_idx %arg19[%add3A_71, %broadcast_in_dim3A_531] : memref<64x128xf32, #tpu.memory_space<vmem>>[vector<16xi32>, vector<16xi32>], vector<16xf32>,
        %mul3A_534 = arith.mulf %gather3A_532, %gather3A_533 : vector<16xf32>
        %add3A_535 = arith.addf %add3A_529, %mul3A_534 : vector<16xf32>
        %broadcast_in_dim3A_536 = arith.constant 73 : i32
        %broadcast_in_dim3A_537 = vector.broadcast %broadcast_in_dim3A_536 : i32 to vector<16xi32>
        %gather3A_538 = tpu.vector_load_idx %arg18[%add3A_71, %broadcast_in_dim3A_537] : memref<64x128xf32, #tpu.memory_space<vmem>>[vector<16xi32>, vector<16xi32>], vector<16xf32>,
        %gather3A_539 = tpu.vector_load_idx %arg19[%add3A_71, %broadcast_in_dim3A_537] : memref<64x128xf32, #tpu.memory_space<vmem>>[vector<16xi32>, vector<16xi32>], vector<16xf32>,
        %mul3A_540 = arith.mulf %gather3A_538, %gather3A_539 : vector<16xf32>
        %add3A_541 = arith.addf %add3A_535, %mul3A_540 : vector<16xf32>
        %broadcast_in_dim3A_542 = arith.constant 74 : i32
        %broadcast_in_dim3A_543 = vector.broadcast %broadcast_in_dim3A_542 : i32 to vector<16xi32>
        %gather3A_544 = tpu.vector_load_idx %arg18[%add3A_71, %broadcast_in_dim3A_543] : memref<64x128xf32, #tpu.memory_space<vmem>>[vector<16xi32>, vector<16xi32>], vector<16xf32>,
        %gather3A_545 = tpu.vector_load_idx %arg19[%add3A_71, %broadcast_in_dim3A_543] : memref<64x128xf32, #tpu.memory_space<vmem>>[vector<16xi32>, vector<16xi32>], vector<16xf32>,
        %mul3A_546 = arith.mulf %gather3A_544, %gather3A_545 : vector<16xf32>
        %add3A_547 = arith.addf %add3A_541, %mul3A_546 : vector<16xf32>
        %broadcast_in_dim3A_548 = arith.constant 75 : i32
        %broadcast_in_dim3A_549 = vector.broadcast %broadcast_in_dim3A_548 : i32 to vector<16xi32>
        %gather3A_550 = tpu.vector_load_idx %arg18[%add3A_71, %broadcast_in_dim3A_549] : memref<64x128xf32, #tpu.memory_space<vmem>>[vector<16xi32>, vector<16xi32>], vector<16xf32>,
        %gather3A_551 = tpu.vector_load_idx %arg19[%add3A_71, %broadcast_in_dim3A_549] : memref<64x128xf32, #tpu.memory_space<vmem>>[vector<16xi32>, vector<16xi32>], vector<16xf32>,
        %mul3A_552 = arith.mulf %gather3A_550, %gather3A_551 : vector<16xf32>
        %add3A_553 = arith.addf %add3A_547, %mul3A_552 : vector<16xf32>
        %broadcast_in_dim3A_554 = arith.constant 76 : i32
        %broadcast_in_dim3A_555 = vector.broadcast %broadcast_in_dim3A_554 : i32 to vector<16xi32>
        %gather3A_556 = tpu.vector_load_idx %arg18[%add3A_71, %broadcast_in_dim3A_555] : memref<64x128xf32, #tpu.memory_space<vmem>>[vector<16xi32>, vector<16xi32>], vector<16xf32>,
        %gather3A_557 = tpu.vector_load_idx %arg19[%add3A_71, %broadcast_in_dim3A_555] : memref<64x128xf32, #tpu.memory_space<vmem>>[vector<16xi32>, vector<16xi32>], vector<16xf32>,
        %mul3A_558 = arith.mulf %gather3A_556, %gather3A_557 : vector<16xf32>
        %add3A_559 = arith.addf %add3A_553, %mul3A_558 : vector<16xf32>
        %broadcast_in_dim3A_560 = arith.constant 77 : i32
        %broadcast_in_dim3A_561 = vector.broadcast %broadcast_in_dim3A_560 : i32 to vector<16xi32>
        %gather3A_562 = tpu.vector_load_idx %arg18[%add3A_71, %broadcast_in_dim3A_561] : memref<64x128xf32, #tpu.memory_space<vmem>>[vector<16xi32>, vector<16xi32>], vector<16xf32>,
        %gather3A_563 = tpu.vector_load_idx %arg19[%add3A_71, %broadcast_in_dim3A_561] : memref<64x128xf32, #tpu.memory_space<vmem>>[vector<16xi32>, vector<16xi32>], vector<16xf32>,
        %mul3A_564 = arith.mulf %gather3A_562, %gather3A_563 : vector<16xf32>
        %add3A_565 = arith.addf %add3A_559, %mul3A_564 : vector<16xf32>
        %broadcast_in_dim3A_566 = arith.constant 78 : i32
        %broadcast_in_dim3A_567 = vector.broadcast %broadcast_in_dim3A_566 : i32 to vector<16xi32>
        %gather3A_568 = tpu.vector_load_idx %arg18[%add3A_71, %broadcast_in_dim3A_567] : memref<64x128xf32, #tpu.memory_space<vmem>>[vector<16xi32>, vector<16xi32>], vector<16xf32>,
        %gather3A_569 = tpu.vector_load_idx %arg19[%add3A_71, %broadcast_in_dim3A_567] : memref<64x128xf32, #tpu.memory_space<vmem>>[vector<16xi32>, vector<16xi32>], vector<16xf32>,
        %mul3A_570 = arith.mulf %gather3A_568, %gather3A_569 : vector<16xf32>
        %add3A_571 = arith.addf %add3A_565, %mul3A_570 : vector<16xf32>
        %broadcast_in_dim3A_572 = arith.constant 79 : i32
        %broadcast_in_dim3A_573 = vector.broadcast %broadcast_in_dim3A_572 : i32 to vector<16xi32>
        %gather3A_574 = tpu.vector_load_idx %arg18[%add3A_71, %broadcast_in_dim3A_573] : memref<64x128xf32, #tpu.memory_space<vmem>>[vector<16xi32>, vector<16xi32>], vector<16xf32>,
        %gather3A_575 = tpu.vector_load_idx %arg19[%add3A_71, %broadcast_in_dim3A_573] : memref<64x128xf32, #tpu.memory_space<vmem>>[vector<16xi32>, vector<16xi32>], vector<16xf32>,
        %mul3A_576 = arith.mulf %gather3A_574, %gather3A_575 : vector<16xf32>
        %add3A_577 = arith.addf %add3A_571, %mul3A_576 : vector<16xf32>
        %broadcast_in_dim3A_578 = arith.constant 80 : i32
        %broadcast_in_dim3A_579 = vector.broadcast %broadcast_in_dim3A_578 : i32 to vector<16xi32>
        %gather3A_580 = tpu.vector_load_idx %arg18[%add3A_71, %broadcast_in_dim3A_579] : memref<64x128xf32, #tpu.memory_space<vmem>>[vector<16xi32>, vector<16xi32>], vector<16xf32>,
        %gather3A_581 = tpu.vector_load_idx %arg19[%add3A_71, %broadcast_in_dim3A_579] : memref<64x128xf32, #tpu.memory_space<vmem>>[vector<16xi32>, vector<16xi32>], vector<16xf32>,
        %mul3A_582 = arith.mulf %gather3A_580, %gather3A_581 : vector<16xf32>
        %add3A_583 = arith.addf %add3A_577, %mul3A_582 : vector<16xf32>
        %broadcast_in_dim3A_584 = arith.constant 81 : i32
        %broadcast_in_dim3A_585 = vector.broadcast %broadcast_in_dim3A_584 : i32 to vector<16xi32>
        %gather3A_586 = tpu.vector_load_idx %arg18[%add3A_71, %broadcast_in_dim3A_585] : memref<64x128xf32, #tpu.memory_space<vmem>>[vector<16xi32>, vector<16xi32>], vector<16xf32>,
        %gather3A_587 = tpu.vector_load_idx %arg19[%add3A_71, %broadcast_in_dim3A_585] : memref<64x128xf32, #tpu.memory_space<vmem>>[vector<16xi32>, vector<16xi32>], vector<16xf32>,
        %mul3A_588 = arith.mulf %gather3A_586, %gather3A_587 : vector<16xf32>
        %add3A_589 = arith.addf %add3A_583, %mul3A_588 : vector<16xf32>
        %broadcast_in_dim3A_590 = arith.constant 82 : i32
        %broadcast_in_dim3A_591 = vector.broadcast %broadcast_in_dim3A_590 : i32 to vector<16xi32>
        %gather3A_592 = tpu.vector_load_idx %arg18[%add3A_71, %broadcast_in_dim3A_591] : memref<64x128xf32, #tpu.memory_space<vmem>>[vector<16xi32>, vector<16xi32>], vector<16xf32>,
        %gather3A_593 = tpu.vector_load_idx %arg19[%add3A_71, %broadcast_in_dim3A_591] : memref<64x128xf32, #tpu.memory_space<vmem>>[vector<16xi32>, vector<16xi32>], vector<16xf32>,
        %mul3A_594 = arith.mulf %gather3A_592, %gather3A_593 : vector<16xf32>
        %add3A_595 = arith.addf %add3A_589, %mul3A_594 : vector<16xf32>
        %broadcast_in_dim3A_596 = arith.constant 83 : i32
        %broadcast_in_dim3A_597 = vector.broadcast %broadcast_in_dim3A_596 : i32 to vector<16xi32>
        %gather3A_598 = tpu.vector_load_idx %arg18[%add3A_71, %broadcast_in_dim3A_597] : memref<64x128xf32, #tpu.memory_space<vmem>>[vector<16xi32>, vector<16xi32>], vector<16xf32>,
        %gather3A_599 = tpu.vector_load_idx %arg19[%add3A_71, %broadcast_in_dim3A_597] : memref<64x128xf32, #tpu.memory_space<vmem>>[vector<16xi32>, vector<16xi32>], vector<16xf32>,
        %mul3A_600 = arith.mulf %gather3A_598, %gather3A_599 : vector<16xf32>
        %add3A_601 = arith.addf %add3A_595, %mul3A_600 : vector<16xf32>
        %broadcast_in_dim3A_602 = arith.constant 84 : i32
        %broadcast_in_dim3A_603 = vector.broadcast %broadcast_in_dim3A_602 : i32 to vector<16xi32>
        %gather3A_604 = tpu.vector_load_idx %arg18[%add3A_71, %broadcast_in_dim3A_603] : memref<64x128xf32, #tpu.memory_space<vmem>>[vector<16xi32>, vector<16xi32>], vector<16xf32>,
        %gather3A_605 = tpu.vector_load_idx %arg19[%add3A_71, %broadcast_in_dim3A_603] : memref<64x128xf32, #tpu.memory_space<vmem>>[vector<16xi32>, vector<16xi32>], vector<16xf32>,
        %mul3A_606 = arith.mulf %gather3A_604, %gather3A_605 : vector<16xf32>
        %add3A_607 = arith.addf %add3A_601, %mul3A_606 : vector<16xf32>
        %broadcast_in_dim3A_608 = arith.constant 85 : i32
        %broadcast_in_dim3A_609 = vector.broadcast %broadcast_in_dim3A_608 : i32 to vector<16xi32>
        %gather3A_610 = tpu.vector_load_idx %arg18[%add3A_71, %broadcast_in_dim3A_609] : memref<64x128xf32, #tpu.memory_space<vmem>>[vector<16xi32>, vector<16xi32>], vector<16xf32>,
        %gather3A_611 = tpu.vector_load_idx %arg19[%add3A_71, %broadcast_in_dim3A_609] : memref<64x128xf32, #tpu.memory_space<vmem>>[vector<16xi32>, vector<16xi32>], vector<16xf32>,
        %mul3A_612 = arith.mulf %gather3A_610, %gather3A_611 : vector<16xf32>
        %add3A_613 = arith.addf %add3A_607, %mul3A_612 : vector<16xf32>
        %broadcast_in_dim3A_614 = arith.constant 86 : i32
        %broadcast_in_dim3A_615 = vector.broadcast %broadcast_in_dim3A_614 : i32 to vector<16xi32>
        %gather3A_616 = tpu.vector_load_idx %arg18[%add3A_71, %broadcast_in_dim3A_615] : memref<64x128xf32, #tpu.memory_space<vmem>>[vector<16xi32>, vector<16xi32>], vector<16xf32>,
        %gather3A_617 = tpu.vector_load_idx %arg19[%add3A_71, %broadcast_in_dim3A_615] : memref<64x128xf32, #tpu.memory_space<vmem>>[vector<16xi32>, vector<16xi32>], vector<16xf32>,
        %mul3A_618 = arith.mulf %gather3A_616, %gather3A_617 : vector<16xf32>
        %add3A_619 = arith.addf %add3A_613, %mul3A_618 : vector<16xf32>
        %broadcast_in_dim3A_620 = arith.constant 87 : i32
        %broadcast_in_dim3A_621 = vector.broadcast %broadcast_in_dim3A_620 : i32 to vector<16xi32>
        %gather3A_622 = tpu.vector_load_idx %arg18[%add3A_71, %broadcast_in_dim3A_621] : memref<64x128xf32, #tpu.memory_space<vmem>>[vector<16xi32>, vector<16xi32>], vector<16xf32>,
        %gather3A_623 = tpu.vector_load_idx %arg19[%add3A_71, %broadcast_in_dim3A_621] : memref<64x128xf32, #tpu.memory_space<vmem>>[vector<16xi32>, vector<16xi32>], vector<16xf32>,
        %mul3A_624 = arith.mulf %gather3A_622, %gather3A_623 : vector<16xf32>
        %add3A_625 = arith.addf %add3A_619, %mul3A_624 : vector<16xf32>
        %broadcast_in_dim3A_626 = arith.constant 88 : i32
        %broadcast_in_dim3A_627 = vector.broadcast %broadcast_in_dim3A_626 : i32 to vector<16xi32>
        %gather3A_628 = tpu.vector_load_idx %arg18[%add3A_71, %broadcast_in_dim3A_627] : memref<64x128xf32, #tpu.memory_space<vmem>>[vector<16xi32>, vector<16xi32>], vector<16xf32>,
        %gather3A_629 = tpu.vector_load_idx %arg19[%add3A_71, %broadcast_in_dim3A_627] : memref<64x128xf32, #tpu.memory_space<vmem>>[vector<16xi32>, vector<16xi32>], vector<16xf32>,
        %mul3A_630 = arith.mulf %gather3A_628, %gather3A_629 : vector<16xf32>
        %add3A_631 = arith.addf %add3A_625, %mul3A_630 : vector<16xf32>
        %broadcast_in_dim3A_632 = arith.constant 89 : i32
        %broadcast_in_dim3A_633 = vector.broadcast %broadcast_in_dim3A_632 : i32 to vector<16xi32>
        %gather3A_634 = tpu.vector_load_idx %arg18[%add3A_71, %broadcast_in_dim3A_633] : memref<64x128xf32, #tpu.memory_space<vmem>>[vector<16xi32>, vector<16xi32>], vector<16xf32>,
        %gather3A_635 = tpu.vector_load_idx %arg19[%add3A_71, %broadcast_in_dim3A_633] : memref<64x128xf32, #tpu.memory_space<vmem>>[vector<16xi32>, vector<16xi32>], vector<16xf32>,
        %mul3A_636 = arith.mulf %gather3A_634, %gather3A_635 : vector<16xf32>
        %add3A_637 = arith.addf %add3A_631, %mul3A_636 : vector<16xf32>
        %broadcast_in_dim3A_638 = arith.constant 90 : i32
        %broadcast_in_dim3A_639 = vector.broadcast %broadcast_in_dim3A_638 : i32 to vector<16xi32>
        %gather3A_640 = tpu.vector_load_idx %arg18[%add3A_71, %broadcast_in_dim3A_639] : memref<64x128xf32, #tpu.memory_space<vmem>>[vector<16xi32>, vector<16xi32>], vector<16xf32>,
        %gather3A_641 = tpu.vector_load_idx %arg19[%add3A_71, %broadcast_in_dim3A_639] : memref<64x128xf32, #tpu.memory_space<vmem>>[vector<16xi32>, vector<16xi32>], vector<16xf32>,
        %mul3A_642 = arith.mulf %gather3A_640, %gather3A_641 : vector<16xf32>
        %add3A_643 = arith.addf %add3A_637, %mul3A_642 : vector<16xf32>
        %broadcast_in_dim3A_644 = arith.constant 91 : i32
        %broadcast_in_dim3A_645 = vector.broadcast %broadcast_in_dim3A_644 : i32 to vector<16xi32>
        %gather3A_646 = tpu.vector_load_idx %arg18[%add3A_71, %broadcast_in_dim3A_645] : memref<64x128xf32, #tpu.memory_space<vmem>>[vector<16xi32>, vector<16xi32>], vector<16xf32>,
        %gather3A_647 = tpu.vector_load_idx %arg19[%add3A_71, %broadcast_in_dim3A_645] : memref<64x128xf32, #tpu.memory_space<vmem>>[vector<16xi32>, vector<16xi32>], vector<16xf32>,
        %mul3A_648 = arith.mulf %gather3A_646, %gather3A_647 : vector<16xf32>
        %add3A_649 = arith.addf %add3A_643, %mul3A_648 : vector<16xf32>
        %broadcast_in_dim3A_650 = arith.constant 92 : i32
        %broadcast_in_dim3A_651 = vector.broadcast %broadcast_in_dim3A_650 : i32 to vector<16xi32>
        %gather3A_652 = tpu.vector_load_idx %arg18[%add3A_71, %broadcast_in_dim3A_651] : memref<64x128xf32, #tpu.memory_space<vmem>>[vector<16xi32>, vector<16xi32>], vector<16xf32>,
        %gather3A_653 = tpu.vector_load_idx %arg19[%add3A_71, %broadcast_in_dim3A_651] : memref<64x128xf32, #tpu.memory_space<vmem>>[vector<16xi32>, vector<16xi32>], vector<16xf32>,
        %mul3A_654 = arith.mulf %gather3A_652, %gather3A_653 : vector<16xf32>
        %add3A_655 = arith.addf %add3A_649, %mul3A_654 : vector<16xf32>
        %broadcast_in_dim3A_656 = arith.constant 93 : i32
        %broadcast_in_dim3A_657 = vector.broadcast %broadcast_in_dim3A_656 : i32 to vector<16xi32>
        %gather3A_658 = tpu.vector_load_idx %arg18[%add3A_71, %broadcast_in_dim3A_657] : memref<64x128xf32, #tpu.memory_space<vmem>>[vector<16xi32>, vector<16xi32>], vector<16xf32>,
        %gather3A_659 = tpu.vector_load_idx %arg19[%add3A_71, %broadcast_in_dim3A_657] : memref<64x128xf32, #tpu.memory_space<vmem>>[vector<16xi32>, vector<16xi32>], vector<16xf32>,
        %mul3A_660 = arith.mulf %gather3A_658, %gather3A_659 : vector<16xf32>
        %add3A_661 = arith.addf %add3A_655, %mul3A_660 : vector<16xf32>
        %broadcast_in_dim3A_662 = arith.constant 94 : i32
        %broadcast_in_dim3A_663 = vector.broadcast %broadcast_in_dim3A_662 : i32 to vector<16xi32>
        %gather3A_664 = tpu.vector_load_idx %arg18[%add3A_71, %broadcast_in_dim3A_663] : memref<64x128xf32, #tpu.memory_space<vmem>>[vector<16xi32>, vector<16xi32>], vector<16xf32>,
        %gather3A_665 = tpu.vector_load_idx %arg19[%add3A_71, %broadcast_in_dim3A_663] : memref<64x128xf32, #tpu.memory_space<vmem>>[vector<16xi32>, vector<16xi32>], vector<16xf32>,
        %mul3A_666 = arith.mulf %gather3A_664, %gather3A_665 : vector<16xf32>
        %add3A_667 = arith.addf %add3A_661, %mul3A_666 : vector<16xf32>
        %broadcast_in_dim3A_668 = arith.constant 95 : i32
        %broadcast_in_dim3A_669 = vector.broadcast %broadcast_in_dim3A_668 : i32 to vector<16xi32>
        %gather3A_670 = tpu.vector_load_idx %arg18[%add3A_71, %broadcast_in_dim3A_669] : memref<64x128xf32, #tpu.memory_space<vmem>>[vector<16xi32>, vector<16xi32>], vector<16xf32>,
        %gather3A_671 = tpu.vector_load_idx %arg19[%add3A_71, %broadcast_in_dim3A_669] : memref<64x128xf32, #tpu.memory_space<vmem>>[vector<16xi32>, vector<16xi32>], vector<16xf32>,
        %mul3A_672 = arith.mulf %gather3A_670, %gather3A_671 : vector<16xf32>
        %add3A_673 = arith.addf %add3A_667, %mul3A_672 : vector<16xf32>
        %broadcast_in_dim3A_674 = arith.constant 2 : i32
        %broadcast_in_dim3A_675 = vector.broadcast %broadcast_in_dim3A_674 : i32 to vector<16xi32>
        %gather3A_676 = tpu.vector_load_idx %arg21[%add3A_71, %broadcast_in_dim3A_675] : memref<64x8xf32, #tpu.memory_space<vmem>>[vector<16xi32>, vector<16xi32>], vector<16xf32>,
        %mul3A_677 = arith.mulf %gather3A, %gather3A_676 : vector<16xf32>
        %add3A_678 = arith.addf %add3A_673, %mul3A_677 : vector<16xf32>
        %exp3A_679 = math.exp %add3A_678 : vector<16xf32>
        %broadcast_in_dim3A_680 = arith.constant 2 : i32
        %broadcast_in_dim3A_681 = vector.broadcast %broadcast_in_dim3A_680 : i32 to vector<16xi32>
        tpu.vector_store_idx %arg22[%add3A_71, %broadcast_in_dim3A_681], %exp3A_679 : memref<64x8xf32, #tpu.memory_space<vmem>>[vector<16xi32>, vector<16xi32>], vector<16xf32>,
        %broadcast_in_dim3A_682 = arith.constant 6 : i32
        %broadcast_in_dim3A_683 = vector.broadcast %broadcast_in_dim3A_682 : i32 to vector<16xi32>
        %mul3A_684 = arith.mulf %exp3A_679, %gather3A : vector<16xf32>
        tpu.vector_store_idx %arg22[%add3A_71, %broadcast_in_dim3A_683], %mul3A_684 : memref<64x8xf32, #tpu.memory_space<vmem>>[vector<16xi32>, vector<16xi32>], vector<16xf32>,
        %broadcast_in_dim3A_685 = arith.constant 0.000000e+00 : f32
        %broadcast_in_dim3A_686 = vector.broadcast %broadcast_in_dim3A_685 : f32 to vector<16xf32>
        %broadcast_in_dim3A_687 = arith.constant 96 : i32
        %broadcast_in_dim3A_688 = vector.broadcast %broadcast_in_dim3A_687 : i32 to vector<16xi32>
        %gather3A_689 = tpu.vector_load_idx %arg18[%add3A_71, %broadcast_in_dim3A_688] : memref<64x128xf32, #tpu.memory_space<vmem>>[vector<16xi32>, vector<16xi32>], vector<16xf32>,
        %gather3A_690 = tpu.vector_load_idx %arg19[%add3A_71, %broadcast_in_dim3A_688] : memref<64x128xf32, #tpu.memory_space<vmem>>[vector<16xi32>, vector<16xi32>], vector<16xf32>,
        %mul3A_691 = arith.mulf %gather3A_689, %gather3A_690 : vector<16xf32>
        %add3A_692 = arith.addf %broadcast_in_dim3A_686, %mul3A_691 : vector<16xf32>
        %broadcast_in_dim3A_693 = arith.constant 97 : i32
        %broadcast_in_dim3A_694 = vector.broadcast %broadcast_in_dim3A_693 : i32 to vector<16xi32>
        %gather3A_695 = tpu.vector_load_idx %arg18[%add3A_71, %broadcast_in_dim3A_694] : memref<64x128xf32, #tpu.memory_space<vmem>>[vector<16xi32>, vector<16xi32>], vector<16xf32>,
        %gather3A_696 = tpu.vector_load_idx %arg19[%add3A_71, %broadcast_in_dim3A_694] : memref<64x128xf32, #tpu.memory_space<vmem>>[vector<16xi32>, vector<16xi32>], vector<16xf32>,
        %mul3A_697 = arith.mulf %gather3A_695, %gather3A_696 : vector<16xf32>
        %add3A_698 = arith.addf %add3A_692, %mul3A_697 : vector<16xf32>
        %broadcast_in_dim3A_699 = arith.constant 98 : i32
        %broadcast_in_dim3A_700 = vector.broadcast %broadcast_in_dim3A_699 : i32 to vector<16xi32>
        %gather3A_701 = tpu.vector_load_idx %arg18[%add3A_71, %broadcast_in_dim3A_700] : memref<64x128xf32, #tpu.memory_space<vmem>>[vector<16xi32>, vector<16xi32>], vector<16xf32>,
        %gather3A_702 = tpu.vector_load_idx %arg19[%add3A_71, %broadcast_in_dim3A_700] : memref<64x128xf32, #tpu.memory_space<vmem>>[vector<16xi32>, vector<16xi32>], vector<16xf32>,
        %mul3A_703 = arith.mulf %gather3A_701, %gather3A_702 : vector<16xf32>
        %add3A_704 = arith.addf %add3A_698, %mul3A_703 : vector<16xf32>
        %broadcast_in_dim3A_705 = arith.constant 99 : i32
        %broadcast_in_dim3A_706 = vector.broadcast %broadcast_in_dim3A_705 : i32 to vector<16xi32>
        %gather3A_707 = tpu.vector_load_idx %arg18[%add3A_71, %broadcast_in_dim3A_706] : memref<64x128xf32, #tpu.memory_space<vmem>>[vector<16xi32>, vector<16xi32>], vector<16xf32>,
        %gather3A_708 = tpu.vector_load_idx %arg19[%add3A_71, %broadcast_in_dim3A_706] : memref<64x128xf32, #tpu.memory_space<vmem>>[vector<16xi32>, vector<16xi32>], vector<16xf32>,
        %mul3A_709 = arith.mulf %gather3A_707, %gather3A_708 : vector<16xf32>
        %add3A_710 = arith.addf %add3A_704, %mul3A_709 : vector<16xf32>
        %broadcast_in_dim3A_711 = arith.constant 100 : i32
        %broadcast_in_dim3A_712 = vector.broadcast %broadcast_in_dim3A_711 : i32 to vector<16xi32>
        %gather3A_713 = tpu.vector_load_idx %arg18[%add3A_71, %broadcast_in_dim3A_712] : memref<64x128xf32, #tpu.memory_space<vmem>>[vector<16xi32>, vector<16xi32>], vector<16xf32>,
        %gather3A_714 = tpu.vector_load_idx %arg19[%add3A_71, %broadcast_in_dim3A_712] : memref<64x128xf32, #tpu.memory_space<vmem>>[vector<16xi32>, vector<16xi32>], vector<16xf32>,
        %mul3A_715 = arith.mulf %gather3A_713, %gather3A_714 : vector<16xf32>
        %add3A_716 = arith.addf %add3A_710, %mul3A_715 : vector<16xf32>
        %broadcast_in_dim3A_717 = arith.constant 101 : i32
        %broadcast_in_dim3A_718 = vector.broadcast %broadcast_in_dim3A_717 : i32 to vector<16xi32>
        %gather3A_719 = tpu.vector_load_idx %arg18[%add3A_71, %broadcast_in_dim3A_718] : memref<64x128xf32, #tpu.memory_space<vmem>>[vector<16xi32>, vector<16xi32>], vector<16xf32>,
        %gather3A_720 = tpu.vector_load_idx %arg19[%add3A_71, %broadcast_in_dim3A_718] : memref<64x128xf32, #tpu.memory_space<vmem>>[vector<16xi32>, vector<16xi32>], vector<16xf32>,
        %mul3A_721 = arith.mulf %gather3A_719, %gather3A_720 : vector<16xf32>
        %add3A_722 = arith.addf %add3A_716, %mul3A_721 : vector<16xf32>
        %broadcast_in_dim3A_723 = arith.constant 102 : i32
        %broadcast_in_dim3A_724 = vector.broadcast %broadcast_in_dim3A_723 : i32 to vector<16xi32>
        %gather3A_725 = tpu.vector_load_idx %arg18[%add3A_71, %broadcast_in_dim3A_724] : memref<64x128xf32, #tpu.memory_space<vmem>>[vector<16xi32>, vector<16xi32>], vector<16xf32>,
        %gather3A_726 = tpu.vector_load_idx %arg19[%add3A_71, %broadcast_in_dim3A_724] : memref<64x128xf32, #tpu.memory_space<vmem>>[vector<16xi32>, vector<16xi32>], vector<16xf32>,
        %mul3A_727 = arith.mulf %gather3A_725, %gather3A_726 : vector<16xf32>
        %add3A_728 = arith.addf %add3A_722, %mul3A_727 : vector<16xf32>
        %broadcast_in_dim3A_729 = arith.constant 103 : i32
        %broadcast_in_dim3A_730 = vector.broadcast %broadcast_in_dim3A_729 : i32 to vector<16xi32>
        %gather3A_731 = tpu.vector_load_idx %arg18[%add3A_71, %broadcast_in_dim3A_730] : memref<64x128xf32, #tpu.memory_space<vmem>>[vector<16xi32>, vector<16xi32>], vector<16xf32>,
        %gather3A_732 = tpu.vector_load_idx %arg19[%add3A_71, %broadcast_in_dim3A_730] : memref<64x128xf32, #tpu.memory_space<vmem>>[vector<16xi32>, vector<16xi32>], vector<16xf32>,
        %mul3A_733 = arith.mulf %gather3A_731, %gather3A_732 : vector<16xf32>
        %add3A_734 = arith.addf %add3A_728, %mul3A_733 : vector<16xf32>
        %broadcast_in_dim3A_735 = arith.constant 104 : i32
        %broadcast_in_dim3A_736 = vector.broadcast %broadcast_in_dim3A_735 : i32 to vector<16xi32>
        %gather3A_737 = tpu.vector_load_idx %arg18[%add3A_71, %broadcast_in_dim3A_736] : memref<64x128xf32, #tpu.memory_space<vmem>>[vector<16xi32>, vector<16xi32>], vector<16xf32>,
        %gather3A_738 = tpu.vector_load_idx %arg19[%add3A_71, %broadcast_in_dim3A_736] : memref<64x128xf32, #tpu.memory_space<vmem>>[vector<16xi32>, vector<16xi32>], vector<16xf32>,
        %mul3A_739 = arith.mulf %gather3A_737, %gather3A_738 : vector<16xf32>
        %add3A_740 = arith.addf %add3A_734, %mul3A_739 : vector<16xf32>
        %broadcast_in_dim3A_741 = arith.constant 105 : i32
        %broadcast_in_dim3A_742 = vector.broadcast %broadcast_in_dim3A_741 : i32 to vector<16xi32>
        %gather3A_743 = tpu.vector_load_idx %arg18[%add3A_71, %broadcast_in_dim3A_742] : memref<64x128xf32, #tpu.memory_space<vmem>>[vector<16xi32>, vector<16xi32>], vector<16xf32>,
        %gather3A_744 = tpu.vector_load_idx %arg19[%add3A_71, %broadcast_in_dim3A_742] : memref<64x128xf32, #tpu.memory_space<vmem>>[vector<16xi32>, vector<16xi32>], vector<16xf32>,
        %mul3A_745 = arith.mulf %gather3A_743, %gather3A_744 : vector<16xf32>
        %add3A_746 = arith.addf %add3A_740, %mul3A_745 : vector<16xf32>
        %broadcast_in_dim3A_747 = arith.constant 106 : i32
        %broadcast_in_dim3A_748 = vector.broadcast %broadcast_in_dim3A_747 : i32 to vector<16xi32>
        %gather3A_749 = tpu.vector_load_idx %arg18[%add3A_71, %broadcast_in_dim3A_748] : memref<64x128xf32, #tpu.memory_space<vmem>>[vector<16xi32>, vector<16xi32>], vector<16xf32>,
        %gather3A_750 = tpu.vector_load_idx %arg19[%add3A_71, %broadcast_in_dim3A_748] : memref<64x128xf32, #tpu.memory_space<vmem>>[vector<16xi32>, vector<16xi32>], vector<16xf32>,
        %mul3A_751 = arith.mulf %gather3A_749, %gather3A_750 : vector<16xf32>
        %add3A_752 = arith.addf %add3A_746, %mul3A_751 : vector<16xf32>
        %broadcast_in_dim3A_753 = arith.constant 107 : i32
        %broadcast_in_dim3A_754 = vector.broadcast %broadcast_in_dim3A_753 : i32 to vector<16xi32>
        %gather3A_755 = tpu.vector_load_idx %arg18[%add3A_71, %broadcast_in_dim3A_754] : memref<64x128xf32, #tpu.memory_space<vmem>>[vector<16xi32>, vector<16xi32>], vector<16xf32>,
        %gather3A_756 = tpu.vector_load_idx %arg19[%add3A_71, %broadcast_in_dim3A_754] : memref<64x128xf32, #tpu.memory_space<vmem>>[vector<16xi32>, vector<16xi32>], vector<16xf32>,
        %mul3A_757 = arith.mulf %gather3A_755, %gather3A_756 : vector<16xf32>
        %add3A_758 = arith.addf %add3A_752, %mul3A_757 : vector<16xf32>
        %broadcast_in_dim3A_759 = arith.constant 108 : i32
        %broadcast_in_dim3A_760 = vector.broadcast %broadcast_in_dim3A_759 : i32 to vector<16xi32>
        %gather3A_761 = tpu.vector_load_idx %arg18[%add3A_71, %broadcast_in_dim3A_760] : memref<64x128xf32, #tpu.memory_space<vmem>>[vector<16xi32>, vector<16xi32>], vector<16xf32>,
        %gather3A_762 = tpu.vector_load_idx %arg19[%add3A_71, %broadcast_in_dim3A_760] : memref<64x128xf32, #tpu.memory_space<vmem>>[vector<16xi32>, vector<16xi32>], vector<16xf32>,
        %mul3A_763 = arith.mulf %gather3A_761, %gather3A_762 : vector<16xf32>
        %add3A_764 = arith.addf %add3A_758, %mul3A_763 : vector<16xf32>
        %broadcast_in_dim3A_765 = arith.constant 109 : i32
        %broadcast_in_dim3A_766 = vector.broadcast %broadcast_in_dim3A_765 : i32 to vector<16xi32>
        %gather3A_767 = tpu.vector_load_idx %arg18[%add3A_71, %broadcast_in_dim3A_766] : memref<64x128xf32, #tpu.memory_space<vmem>>[vector<16xi32>, vector<16xi32>], vector<16xf32>,
        %gather3A_768 = tpu.vector_load_idx %arg19[%add3A_71, %broadcast_in_dim3A_766] : memref<64x128xf32, #tpu.memory_space<vmem>>[vector<16xi32>, vector<16xi32>], vector<16xf32>,
        %mul3A_769 = arith.mulf %gather3A_767, %gather3A_768 : vector<16xf32>
        %add3A_770 = arith.addf %add3A_764, %mul3A_769 : vector<16xf32>
        %broadcast_in_dim3A_771 = arith.constant 110 : i32
        %broadcast_in_dim3A_772 = vector.broadcast %broadcast_in_dim3A_771 : i32 to vector<16xi32>
        %gather3A_773 = tpu.vector_load_idx %arg18[%add3A_71, %broadcast_in_dim3A_772] : memref<64x128xf32, #tpu.memory_space<vmem>>[vector<16xi32>, vector<16xi32>], vector<16xf32>,
        %gather3A_774 = tpu.vector_load_idx %arg19[%add3A_71, %broadcast_in_dim3A_772] : memref<64x128xf32, #tpu.memory_space<vmem>>[vector<16xi32>, vector<16xi32>], vector<16xf32>,
        %mul3A_775 = arith.mulf %gather3A_773, %gather3A_774 : vector<16xf32>
        %add3A_776 = arith.addf %add3A_770, %mul3A_775 : vector<16xf32>
        %broadcast_in_dim3A_777 = arith.constant 111 : i32
        %broadcast_in_dim3A_778 = vector.broadcast %broadcast_in_dim3A_777 : i32 to vector<16xi32>
        %gather3A_779 = tpu.vector_load_idx %arg18[%add3A_71, %broadcast_in_dim3A_778] : memref<64x128xf32, #tpu.memory_space<vmem>>[vector<16xi32>, vector<16xi32>], vector<16xf32>,
        %gather3A_780 = tpu.vector_load_idx %arg19[%add3A_71, %broadcast_in_dim3A_778] : memref<64x128xf32, #tpu.memory_space<vmem>>[vector<16xi32>, vector<16xi32>], vector<16xf32>,
        %mul3A_781 = arith.mulf %gather3A_779, %gather3A_780 : vector<16xf32>
        %add3A_782 = arith.addf %add3A_776, %mul3A_781 : vector<16xf32>
        %broadcast_in_dim3A_783 = arith.constant 112 : i32
        %broadcast_in_dim3A_784 = vector.broadcast %broadcast_in_dim3A_783 : i32 to vector<16xi32>
        %gather3A_785 = tpu.vector_load_idx %arg18[%add3A_71, %broadcast_in_dim3A_784] : memref<64x128xf32, #tpu.memory_space<vmem>>[vector<16xi32>, vector<16xi32>], vector<16xf32>,
        %gather3A_786 = tpu.vector_load_idx %arg19[%add3A_71, %broadcast_in_dim3A_784] : memref<64x128xf32, #tpu.memory_space<vmem>>[vector<16xi32>, vector<16xi32>], vector<16xf32>,
        %mul3A_787 = arith.mulf %gather3A_785, %gather3A_786 : vector<16xf32>
        %add3A_788 = arith.addf %add3A_782, %mul3A_787 : vector<16xf32>
        %broadcast_in_dim3A_789 = arith.constant 113 : i32
        %broadcast_in_dim3A_790 = vector.broadcast %broadcast_in_dim3A_789 : i32 to vector<16xi32>
        %gather3A_791 = tpu.vector_load_idx %arg18[%add3A_71, %broadcast_in_dim3A_790] : memref<64x128xf32, #tpu.memory_space<vmem>>[vector<16xi32>, vector<16xi32>], vector<16xf32>,
        %gather3A_792 = tpu.vector_load_idx %arg19[%add3A_71, %broadcast_in_dim3A_790] : memref<64x128xf32, #tpu.memory_space<vmem>>[vector<16xi32>, vector<16xi32>], vector<16xf32>,
        %mul3A_793 = arith.mulf %gather3A_791, %gather3A_792 : vector<16xf32>
        %add3A_794 = arith.addf %add3A_788, %mul3A_793 : vector<16xf32>
        %broadcast_in_dim3A_795 = arith.constant 114 : i32
        %broadcast_in_dim3A_796 = vector.broadcast %broadcast_in_dim3A_795 : i32 to vector<16xi32>
        %gather3A_797 = tpu.vector_load_idx %arg18[%add3A_71, %broadcast_in_dim3A_796] : memref<64x128xf32, #tpu.memory_space<vmem>>[vector<16xi32>, vector<16xi32>], vector<16xf32>,
        %gather3A_798 = tpu.vector_load_idx %arg19[%add3A_71, %broadcast_in_dim3A_796] : memref<64x128xf32, #tpu.memory_space<vmem>>[vector<16xi32>, vector<16xi32>], vector<16xf32>,
        %mul3A_799 = arith.mulf %gather3A_797, %gather3A_798 : vector<16xf32>
        %add3A_800 = arith.addf %add3A_794, %mul3A_799 : vector<16xf32>
        %broadcast_in_dim3A_801 = arith.constant 115 : i32
        %broadcast_in_dim3A_802 = vector.broadcast %broadcast_in_dim3A_801 : i32 to vector<16xi32>
        %gather3A_803 = tpu.vector_load_idx %arg18[%add3A_71, %broadcast_in_dim3A_802] : memref<64x128xf32, #tpu.memory_space<vmem>>[vector<16xi32>, vector<16xi32>], vector<16xf32>,
        %gather3A_804 = tpu.vector_load_idx %arg19[%add3A_71, %broadcast_in_dim3A_802] : memref<64x128xf32, #tpu.memory_space<vmem>>[vector<16xi32>, vector<16xi32>], vector<16xf32>,
        %mul3A_805 = arith.mulf %gather3A_803, %gather3A_804 : vector<16xf32>
        %add3A_806 = arith.addf %add3A_800, %mul3A_805 : vector<16xf32>
        %broadcast_in_dim3A_807 = arith.constant 116 : i32
        %broadcast_in_dim3A_808 = vector.broadcast %broadcast_in_dim3A_807 : i32 to vector<16xi32>
        %gather3A_809 = tpu.vector_load_idx %arg18[%add3A_71, %broadcast_in_dim3A_808] : memref<64x128xf32, #tpu.memory_space<vmem>>[vector<16xi32>, vector<16xi32>], vector<16xf32>,
        %gather3A_810 = tpu.vector_load_idx %arg19[%add3A_71, %broadcast_in_dim3A_808] : memref<64x128xf32, #tpu.memory_space<vmem>>[vector<16xi32>, vector<16xi32>], vector<16xf32>,
        %mul3A_811 = arith.mulf %gather3A_809, %gather3A_810 : vector<16xf32>
        %add3A_812 = arith.addf %add3A_806, %mul3A_811 : vector<16xf32>
        %broadcast_in_dim3A_813 = arith.constant 117 : i32
        %broadcast_in_dim3A_814 = vector.broadcast %broadcast_in_dim3A_813 : i32 to vector<16xi32>
        %gather3A_815 = tpu.vector_load_idx %arg18[%add3A_71, %broadcast_in_dim3A_814] : memref<64x128xf32, #tpu.memory_space<vmem>>[vector<16xi32>, vector<16xi32>], vector<16xf32>,
        %gather3A_816 = tpu.vector_load_idx %arg19[%add3A_71, %broadcast_in_dim3A_814] : memref<64x128xf32, #tpu.memory_space<vmem>>[vector<16xi32>, vector<16xi32>], vector<16xf32>,
        %mul3A_817 = arith.mulf %gather3A_815, %gather3A_816 : vector<16xf32>
        %add3A_818 = arith.addf %add3A_812, %mul3A_817 : vector<16xf32>
        %broadcast_in_dim3A_819 = arith.constant 118 : i32
        %broadcast_in_dim3A_820 = vector.broadcast %broadcast_in_dim3A_819 : i32 to vector<16xi32>
        %gather3A_821 = tpu.vector_load_idx %arg18[%add3A_71, %broadcast_in_dim3A_820] : memref<64x128xf32, #tpu.memory_space<vmem>>[vector<16xi32>, vector<16xi32>], vector<16xf32>,
        %gather3A_822 = tpu.vector_load_idx %arg19[%add3A_71, %broadcast_in_dim3A_820] : memref<64x128xf32, #tpu.memory_space<vmem>>[vector<16xi32>, vector<16xi32>], vector<16xf32>,
        %mul3A_823 = arith.mulf %gather3A_821, %gather3A_822 : vector<16xf32>
        %add3A_824 = arith.addf %add3A_818, %mul3A_823 : vector<16xf32>
        %broadcast_in_dim3A_825 = arith.constant 119 : i32
        %broadcast_in_dim3A_826 = vector.broadcast %broadcast_in_dim3A_825 : i32 to vector<16xi32>
        %gather3A_827 = tpu.vector_load_idx %arg18[%add3A_71, %broadcast_in_dim3A_826] : memref<64x128xf32, #tpu.memory_space<vmem>>[vector<16xi32>, vector<16xi32>], vector<16xf32>,
        %gather3A_828 = tpu.vector_load_idx %arg19[%add3A_71, %broadcast_in_dim3A_826] : memref<64x128xf32, #tpu.memory_space<vmem>>[vector<16xi32>, vector<16xi32>], vector<16xf32>,
        %mul3A_829 = arith.mulf %gather3A_827, %gather3A_828 : vector<16xf32>
        %add3A_830 = arith.addf %add3A_824, %mul3A_829 : vector<16xf32>
        %broadcast_in_dim3A_831 = arith.constant 120 : i32
        %broadcast_in_dim3A_832 = vector.broadcast %broadcast_in_dim3A_831 : i32 to vector<16xi32>
        %gather3A_833 = tpu.vector_load_idx %arg18[%add3A_71, %broadcast_in_dim3A_832] : memref<64x128xf32, #tpu.memory_space<vmem>>[vector<16xi32>, vector<16xi32>], vector<16xf32>,
        %gather3A_834 = tpu.vector_load_idx %arg19[%add3A_71, %broadcast_in_dim3A_832] : memref<64x128xf32, #tpu.memory_space<vmem>>[vector<16xi32>, vector<16xi32>], vector<16xf32>,
        %mul3A_835 = arith.mulf %gather3A_833, %gather3A_834 : vector<16xf32>
        %add3A_836 = arith.addf %add3A_830, %mul3A_835 : vector<16xf32>
        %broadcast_in_dim3A_837 = arith.constant 121 : i32
        %broadcast_in_dim3A_838 = vector.broadcast %broadcast_in_dim3A_837 : i32 to vector<16xi32>
        %gather3A_839 = tpu.vector_load_idx %arg18[%add3A_71, %broadcast_in_dim3A_838] : memref<64x128xf32, #tpu.memory_space<vmem>>[vector<16xi32>, vector<16xi32>], vector<16xf32>,
        %gather3A_840 = tpu.vector_load_idx %arg19[%add3A_71, %broadcast_in_dim3A_838] : memref<64x128xf32, #tpu.memory_space<vmem>>[vector<16xi32>, vector<16xi32>], vector<16xf32>,
        %mul3A_841 = arith.mulf %gather3A_839, %gather3A_840 : vector<16xf32>
        %add3A_842 = arith.addf %add3A_836, %mul3A_841 : vector<16xf32>
        %broadcast_in_dim3A_843 = arith.constant 122 : i32
        %broadcast_in_dim3A_844 = vector.broadcast %broadcast_in_dim3A_843 : i32 to vector<16xi32>
        %gather3A_845 = tpu.vector_load_idx %arg18[%add3A_71, %broadcast_in_dim3A_844] : memref<64x128xf32, #tpu.memory_space<vmem>>[vector<16xi32>, vector<16xi32>], vector<16xf32>,
        %gather3A_846 = tpu.vector_load_idx %arg19[%add3A_71, %broadcast_in_dim3A_844] : memref<64x128xf32, #tpu.memory_space<vmem>>[vector<16xi32>, vector<16xi32>], vector<16xf32>,
        %mul3A_847 = arith.mulf %gather3A_845, %gather3A_846 : vector<16xf32>
        %add3A_848 = arith.addf %add3A_842, %mul3A_847 : vector<16xf32>
        %broadcast_in_dim3A_849 = arith.constant 123 : i32
        %broadcast_in_dim3A_850 = vector.broadcast %broadcast_in_dim3A_849 : i32 to vector<16xi32>
        %gather3A_851 = tpu.vector_load_idx %arg18[%add3A_71, %broadcast_in_dim3A_850] : memref<64x128xf32, #tpu.memory_space<vmem>>[vector<16xi32>, vector<16xi32>], vector<16xf32>,
        %gather3A_852 = tpu.vector_load_idx %arg19[%add3A_71, %broadcast_in_dim3A_850] : memref<64x128xf32, #tpu.memory_space<vmem>>[vector<16xi32>, vector<16xi32>], vector<16xf32>,
        %mul3A_853 = arith.mulf %gather3A_851, %gather3A_852 : vector<16xf32>
        %add3A_854 = arith.addf %add3A_848, %mul3A_853 : vector<16xf32>
        %broadcast_in_dim3A_855 = arith.constant 124 : i32
        %broadcast_in_dim3A_856 = vector.broadcast %broadcast_in_dim3A_855 : i32 to vector<16xi32>
        %gather3A_857 = tpu.vector_load_idx %arg18[%add3A_71, %broadcast_in_dim3A_856] : memref<64x128xf32, #tpu.memory_space<vmem>>[vector<16xi32>, vector<16xi32>], vector<16xf32>,
        %gather3A_858 = tpu.vector_load_idx %arg19[%add3A_71, %broadcast_in_dim3A_856] : memref<64x128xf32, #tpu.memory_space<vmem>>[vector<16xi32>, vector<16xi32>], vector<16xf32>,
        %mul3A_859 = arith.mulf %gather3A_857, %gather3A_858 : vector<16xf32>
        %add3A_860 = arith.addf %add3A_854, %mul3A_859 : vector<16xf32>
        %broadcast_in_dim3A_861 = arith.constant 125 : i32
        %broadcast_in_dim3A_862 = vector.broadcast %broadcast_in_dim3A_861 : i32 to vector<16xi32>
        %gather3A_863 = tpu.vector_load_idx %arg18[%add3A_71, %broadcast_in_dim3A_862] : memref<64x128xf32, #tpu.memory_space<vmem>>[vector<16xi32>, vector<16xi32>], vector<16xf32>,
        %gather3A_864 = tpu.vector_load_idx %arg19[%add3A_71, %broadcast_in_dim3A_862] : memref<64x128xf32, #tpu.memory_space<vmem>>[vector<16xi32>, vector<16xi32>], vector<16xf32>,
        %mul3A_865 = arith.mulf %gather3A_863, %gather3A_864 : vector<16xf32>
        %add3A_866 = arith.addf %add3A_860, %mul3A_865 : vector<16xf32>
        %broadcast_in_dim3A_867 = arith.constant 126 : i32
        %broadcast_in_dim3A_868 = vector.broadcast %broadcast_in_dim3A_867 : i32 to vector<16xi32>
        %gather3A_869 = tpu.vector_load_idx %arg18[%add3A_71, %broadcast_in_dim3A_868] : memref<64x128xf32, #tpu.memory_space<vmem>>[vector<16xi32>, vector<16xi32>], vector<16xf32>,
        %gather3A_870 = tpu.vector_load_idx %arg19[%add3A_71, %broadcast_in_dim3A_868] : memref<64x128xf32, #tpu.memory_space<vmem>>[vector<16xi32>, vector<16xi32>], vector<16xf32>,
        %mul3A_871 = arith.mulf %gather3A_869, %gather3A_870 : vector<16xf32>
        %add3A_872 = arith.addf %add3A_866, %mul3A_871 : vector<16xf32>
        %broadcast_in_dim3A_873 = arith.constant 127 : i32
        %broadcast_in_dim3A_874 = vector.broadcast %broadcast_in_dim3A_873 : i32 to vector<16xi32>
        %gather3A_875 = tpu.vector_load_idx %arg18[%add3A_71, %broadcast_in_dim3A_874] : memref<64x128xf32, #tpu.memory_space<vmem>>[vector<16xi32>, vector<16xi32>], vector<16xf32>,
        %gather3A_876 = tpu.vector_load_idx %arg19[%add3A_71, %broadcast_in_dim3A_874] : memref<64x128xf32, #tpu.memory_space<vmem>>[vector<16xi32>, vector<16xi32>], vector<16xf32>,
        %mul3A_877 = arith.mulf %gather3A_875, %gather3A_876 : vector<16xf32>
        %add3A_878 = arith.addf %add3A_872, %mul3A_877 : vector<16xf32>
        %broadcast_in_dim3A_879 = arith.constant 3 : i32
        %broadcast_in_dim3A_880 = vector.broadcast %broadcast_in_dim3A_879 : i32 to vector<16xi32>
        %gather3A_881 = tpu.vector_load_idx %arg21[%add3A_71, %broadcast_in_dim3A_880] : memref<64x8xf32, #tpu.memory_space<vmem>>[vector<16xi32>, vector<16xi32>], vector<16xf32>,
        %mul3A_882 = arith.mulf %gather3A, %gather3A_881 : vector<16xf32>
        %add3A_883 = arith.addf %add3A_878, %mul3A_882 : vector<16xf32>
        %exp3A_884 = math.exp %add3A_883 : vector<16xf32>
        %broadcast_in_dim3A_885 = arith.constant 3 : i32
        %broadcast_in_dim3A_886 = vector.broadcast %broadcast_in_dim3A_885 : i32 to vector<16xi32>
        tpu.vector_store_idx %arg22[%add3A_71, %broadcast_in_dim3A_886], %exp3A_884 : memref<64x8xf32, #tpu.memory_space<vmem>>[vector<16xi32>, vector<16xi32>], vector<16xf32>,
        %broadcast_in_dim3A_887 = arith.constant 7 : i32
        %broadcast_in_dim3A_888 = vector.broadcast %broadcast_in_dim3A_887 : i32 to vector<16xi32>
        %mul3A_889 = arith.mulf %exp3A_884, %gather3A : vector<16xf32>
        tpu.vector_store_idx %arg22[%add3A_71, %broadcast_in_dim3A_888], %mul3A_889 : memref<64x8xf32, #tpu.memory_space<vmem>>[vector<16xi32>, vector<16xi32>], vector<16xf32>,
        %broadcast_in_dim3A_890 = arith.constant 0 : i32
        %broadcast_in_dim3A_891 = vector.broadcast %broadcast_in_dim3A_890 : i32 to vector<16xi32>
        %gather3A_892 = tpu.vector_load_idx %arg20[%add3A_71, %broadcast_in_dim3A_891] : memref<64x128xf32, #tpu.memory_space<vmem>>[vector<16xi32>, vector<16xi32>], vector<16xf32>,
        %mul3A_893 = arith.mulf %exp3A, %gather3A_892 : vector<16xf32>
        tpu.vector_store_idx %arg20[%add3A_71, %broadcast_in_dim3A_891], %mul3A_893 : memref<64x128xf32, #tpu.memory_space<vmem>>[vector<16xi32>, vector<16xi32>], vector<16xf32>,
        %broadcast_in_dim3A_894 = arith.constant 1 : i32
        %broadcast_in_dim3A_895 = vector.broadcast %broadcast_in_dim3A_894 : i32 to vector<16xi32>
        %gather3A_896 = tpu.vector_load_idx %arg20[%add3A_71, %broadcast_in_dim3A_895] : memref<64x128xf32, #tpu.memory_space<vmem>>[vector<16xi32>, vector<16xi32>], vector<16xf32>,
        %mul3A_897 = arith.mulf %exp3A, %gather3A_896 : vector<16xf32>
        tpu.vector_store_idx %arg20[%add3A_71, %broadcast_in_dim3A_895], %mul3A_897 : memref<64x128xf32, #tpu.memory_space<vmem>>[vector<16xi32>, vector<16xi32>], vector<16xf32>,
        %broadcast_in_dim3A_898 = arith.constant 2 : i32
        %broadcast_in_dim3A_899 = vector.broadcast %broadcast_in_dim3A_898 : i32 to vector<16xi32>
        %gather3A_900 = tpu.vector_load_idx %arg20[%add3A_71, %broadcast_in_dim3A_899] : memref<64x128xf32, #tpu.memory_space<vmem>>[vector<16xi32>, vector<16xi32>], vector<16xf32>,
        %mul3A_901 = arith.mulf %exp3A, %gather3A_900 : vector<16xf32>
        tpu.vector_store_idx %arg20[%add3A_71, %broadcast_in_dim3A_899], %mul3A_901 : memref<64x128xf32, #tpu.memory_space<vmem>>[vector<16xi32>, vector<16xi32>], vector<16xf32>,
        %broadcast_in_dim3A_902 = arith.constant 3 : i32
        %broadcast_in_dim3A_903 = vector.broadcast %broadcast_in_dim3A_902 : i32 to vector<16xi32>
        %gather3A_904 = tpu.vector_load_idx %arg20[%add3A_71, %broadcast_in_dim3A_903] : memref<64x128xf32, #tpu.memory_space<vmem>>[vector<16xi32>, vector<16xi32>], vector<16xf32>,
        %mul3A_905 = arith.mulf %exp3A, %gather3A_904 : vector<16xf32>
        tpu.vector_store_idx %arg20[%add3A_71, %broadcast_in_dim3A_903], %mul3A_905 : memref<64x128xf32, #tpu.memory_space<vmem>>[vector<16xi32>, vector<16xi32>], vector<16xf32>,
        %broadcast_in_dim3A_906 = arith.constant 4 : i32
        %broadcast_in_dim3A_907 = vector.broadcast %broadcast_in_dim3A_906 : i32 to vector<16xi32>
        %gather3A_908 = tpu.vector_load_idx %arg20[%add3A_71, %broadcast_in_dim3A_907] : memref<64x128xf32, #tpu.memory_space<vmem>>[vector<16xi32>, vector<16xi32>], vector<16xf32>,
        %mul3A_909 = arith.mulf %exp3A, %gather3A_908 : vector<16xf32>
        tpu.vector_store_idx %arg20[%add3A_71, %broadcast_in_dim3A_907], %mul3A_909 : memref<64x128xf32, #tpu.memory_space<vmem>>[vector<16xi32>, vector<16xi32>], vector<16xf32>,
        %broadcast_in_dim3A_910 = arith.constant 5 : i32
        %broadcast_in_dim3A_911 = vector.broadcast %broadcast_in_dim3A_910 : i32 to vector<16xi32>
        %gather3A_912 = tpu.vector_load_idx %arg20[%add3A_71, %broadcast_in_dim3A_911] : memref<64x128xf32, #tpu.memory_space<vmem>>[vector<16xi32>, vector<16xi32>], vector<16xf32>,
        %mul3A_913 = arith.mulf %exp3A, %gather3A_912 : vector<16xf32>
        tpu.vector_store_idx %arg20[%add3A_71, %broadcast_in_dim3A_911], %mul3A_913 : memref<64x128xf32, #tpu.memory_space<vmem>>[vector<16xi32>, vector<16xi32>], vector<16xf32>,
        %broadcast_in_dim3A_914 = arith.constant 6 : i32
        %broadcast_in_dim3A_915 = vector.broadcast %broadcast_in_dim3A_914 : i32 to vector<16xi32>
        %gather3A_916 = tpu.vector_load_idx %arg20[%add3A_71, %broadcast_in_dim3A_915] : memref<64x128xf32, #tpu.memory_space<vmem>>[vector<16xi32>, vector<16xi32>], vector<16xf32>,
        %mul3A_917 = arith.mulf %exp3A, %gather3A_916 : vector<16xf32>
        tpu.vector_store_idx %arg20[%add3A_71, %broadcast_in_dim3A_915], %mul3A_917 : memref<64x128xf32, #tpu.memory_space<vmem>>[vector<16xi32>, vector<16xi32>], vector<16xf32>,
        %broadcast_in_dim3A_918 = arith.constant 7 : i32
        %broadcast_in_dim3A_919 = vector.broadcast %broadcast_in_dim3A_918 : i32 to vector<16xi32>
        %gather3A_920 = tpu.vector_load_idx %arg20[%add3A_71, %broadcast_in_dim3A_919] : memref<64x128xf32, #tpu.memory_space<vmem>>[vector<16xi32>, vector<16xi32>], vector<16xf32>,
        %mul3A_921 = arith.mulf %exp3A, %gather3A_920 : vector<16xf32>
        tpu.vector_store_idx %arg20[%add3A_71, %broadcast_in_dim3A_919], %mul3A_921 : memref<64x128xf32, #tpu.memory_space<vmem>>[vector<16xi32>, vector<16xi32>], vector<16xf32>,
        %broadcast_in_dim3A_922 = arith.constant 8 : i32
        %broadcast_in_dim3A_923 = vector.broadcast %broadcast_in_dim3A_922 : i32 to vector<16xi32>
        %gather3A_924 = tpu.vector_load_idx %arg20[%add3A_71, %broadcast_in_dim3A_923] : memref<64x128xf32, #tpu.memory_space<vmem>>[vector<16xi32>, vector<16xi32>], vector<16xf32>,
        %mul3A_925 = arith.mulf %exp3A, %gather3A_924 : vector<16xf32>
        tpu.vector_store_idx %arg20[%add3A_71, %broadcast_in_dim3A_923], %mul3A_925 : memref<64x128xf32, #tpu.memory_space<vmem>>[vector<16xi32>, vector<16xi32>], vector<16xf32>,
        %broadcast_in_dim3A_926 = arith.constant 9 : i32
        %broadcast_in_dim3A_927 = vector.broadcast %broadcast_in_dim3A_926 : i32 to vector<16xi32>
        %gather3A_928 = tpu.vector_load_idx %arg20[%add3A_71, %broadcast_in_dim3A_927] : memref<64x128xf32, #tpu.memory_space<vmem>>[vector<16xi32>, vector<16xi32>], vector<16xf32>,
        %mul3A_929 = arith.mulf %exp3A, %gather3A_928 : vector<16xf32>
        tpu.vector_store_idx %arg20[%add3A_71, %broadcast_in_dim3A_927], %mul3A_929 : memref<64x128xf32, #tpu.memory_space<vmem>>[vector<16xi32>, vector<16xi32>], vector<16xf32>,
        %broadcast_in_dim3A_930 = arith.constant 10 : i32
        %broadcast_in_dim3A_931 = vector.broadcast %broadcast_in_dim3A_930 : i32 to vector<16xi32>
        %gather3A_932 = tpu.vector_load_idx %arg20[%add3A_71, %broadcast_in_dim3A_931] : memref<64x128xf32, #tpu.memory_space<vmem>>[vector<16xi32>, vector<16xi32>], vector<16xf32>,
        %mul3A_933 = arith.mulf %exp3A, %gather3A_932 : vector<16xf32>
        tpu.vector_store_idx %arg20[%add3A_71, %broadcast_in_dim3A_931], %mul3A_933 : memref<64x128xf32, #tpu.memory_space<vmem>>[vector<16xi32>, vector<16xi32>], vector<16xf32>,
        %broadcast_in_dim3A_934 = arith.constant 11 : i32
        %broadcast_in_dim3A_935 = vector.broadcast %broadcast_in_dim3A_934 : i32 to vector<16xi32>
        %gather3A_936 = tpu.vector_load_idx %arg20[%add3A_71, %broadcast_in_dim3A_935] : memref<64x128xf32, #tpu.memory_space<vmem>>[vector<16xi32>, vector<16xi32>], vector<16xf32>,
        %mul3A_937 = arith.mulf %exp3A, %gather3A_936 : vector<16xf32>
        tpu.vector_store_idx %arg20[%add3A_71, %broadcast_in_dim3A_935], %mul3A_937 : memref<64x128xf32, #tpu.memory_space<vmem>>[vector<16xi32>, vector<16xi32>], vector<16xf32>,
        %broadcast_in_dim3A_938 = arith.constant 12 : i32
        %broadcast_in_dim3A_939 = vector.broadcast %broadcast_in_dim3A_938 : i32 to vector<16xi32>
        %gather3A_940 = tpu.vector_load_idx %arg20[%add3A_71, %broadcast_in_dim3A_939] : memref<64x128xf32, #tpu.memory_space<vmem>>[vector<16xi32>, vector<16xi32>], vector<16xf32>,
        %mul3A_941 = arith.mulf %exp3A, %gather3A_940 : vector<16xf32>
        tpu.vector_store_idx %arg20[%add3A_71, %broadcast_in_dim3A_939], %mul3A_941 : memref<64x128xf32, #tpu.memory_space<vmem>>[vector<16xi32>, vector<16xi32>], vector<16xf32>,
        %broadcast_in_dim3A_942 = arith.constant 13 : i32
        %broadcast_in_dim3A_943 = vector.broadcast %broadcast_in_dim3A_942 : i32 to vector<16xi32>
        %gather3A_944 = tpu.vector_load_idx %arg20[%add3A_71, %broadcast_in_dim3A_943] : memref<64x128xf32, #tpu.memory_space<vmem>>[vector<16xi32>, vector<16xi32>], vector<16xf32>,
        %mul3A_945 = arith.mulf %exp3A, %gather3A_944 : vector<16xf32>
        tpu.vector_store_idx %arg20[%add3A_71, %broadcast_in_dim3A_943], %mul3A_945 : memref<64x128xf32, #tpu.memory_space<vmem>>[vector<16xi32>, vector<16xi32>], vector<16xf32>,
        %broadcast_in_dim3A_946 = arith.constant 14 : i32
        %broadcast_in_dim3A_947 = vector.broadcast %broadcast_in_dim3A_946 : i32 to vector<16xi32>
        %gather3A_948 = tpu.vector_load_idx %arg20[%add3A_71, %broadcast_in_dim3A_947] : memref<64x128xf32, #tpu.memory_space<vmem>>[vector<16xi32>, vector<16xi32>], vector<16xf32>,
        %mul3A_949 = arith.mulf %exp3A, %gather3A_948 : vector<16xf32>
        tpu.vector_store_idx %arg20[%add3A_71, %broadcast_in_dim3A_947], %mul3A_949 : memref<64x128xf32, #tpu.memory_space<vmem>>[vector<16xi32>, vector<16xi32>], vector<16xf32>,
        %broadcast_in_dim3A_950 = arith.constant 15 : i32
        %broadcast_in_dim3A_951 = vector.broadcast %broadcast_in_dim3A_950 : i32 to vector<16xi32>
        %gather3A_952 = tpu.vector_load_idx %arg20[%add3A_71, %broadcast_in_dim3A_951] : memref<64x128xf32, #tpu.memory_space<vmem>>[vector<16xi32>, vector<16xi32>], vector<16xf32>,
        %mul3A_953 = arith.mulf %exp3A, %gather3A_952 : vector<16xf32>
        tpu.vector_store_idx %arg20[%add3A_71, %broadcast_in_dim3A_951], %mul3A_953 : memref<64x128xf32, #tpu.memory_space<vmem>>[vector<16xi32>, vector<16xi32>], vector<16xf32>,
        %broadcast_in_dim3A_954 = arith.constant 16 : i32
        %broadcast_in_dim3A_955 = vector.broadcast %broadcast_in_dim3A_954 : i32 to vector<16xi32>
        %gather3A_956 = tpu.vector_load_idx %arg20[%add3A_71, %broadcast_in_dim3A_955] : memref<64x128xf32, #tpu.memory_space<vmem>>[vector<16xi32>, vector<16xi32>], vector<16xf32>,
        %mul3A_957 = arith.mulf %exp3A, %gather3A_956 : vector<16xf32>
        tpu.vector_store_idx %arg20[%add3A_71, %broadcast_in_dim3A_955], %mul3A_957 : memref<64x128xf32, #tpu.memory_space<vmem>>[vector<16xi32>, vector<16xi32>], vector<16xf32>,
        %broadcast_in_dim3A_958 = arith.constant 17 : i32
        %broadcast_in_dim3A_959 = vector.broadcast %broadcast_in_dim3A_958 : i32 to vector<16xi32>
        %gather3A_960 = tpu.vector_load_idx %arg20[%add3A_71, %broadcast_in_dim3A_959] : memref<64x128xf32, #tpu.memory_space<vmem>>[vector<16xi32>, vector<16xi32>], vector<16xf32>,
        %mul3A_961 = arith.mulf %exp3A, %gather3A_960 : vector<16xf32>
        tpu.vector_store_idx %arg20[%add3A_71, %broadcast_in_dim3A_959], %mul3A_961 : memref<64x128xf32, #tpu.memory_space<vmem>>[vector<16xi32>, vector<16xi32>], vector<16xf32>,
        %broadcast_in_dim3A_962 = arith.constant 18 : i32
        %broadcast_in_dim3A_963 = vector.broadcast %broadcast_in_dim3A_962 : i32 to vector<16xi32>
        %gather3A_964 = tpu.vector_load_idx %arg20[%add3A_71, %broadcast_in_dim3A_963] : memref<64x128xf32, #tpu.memory_space<vmem>>[vector<16xi32>, vector<16xi32>], vector<16xf32>,
        %mul3A_965 = arith.mulf %exp3A, %gather3A_964 : vector<16xf32>
        tpu.vector_store_idx %arg20[%add3A_71, %broadcast_in_dim3A_963], %mul3A_965 : memref<64x128xf32, #tpu.memory_space<vmem>>[vector<16xi32>, vector<16xi32>], vector<16xf32>,
        %broadcast_in_dim3A_966 = arith.constant 19 : i32
        %broadcast_in_dim3A_967 = vector.broadcast %broadcast_in_dim3A_966 : i32 to vector<16xi32>
        %gather3A_968 = tpu.vector_load_idx %arg20[%add3A_71, %broadcast_in_dim3A_967] : memref<64x128xf32, #tpu.memory_space<vmem>>[vector<16xi32>, vector<16xi32>], vector<16xf32>,
        %mul3A_969 = arith.mulf %exp3A, %gather3A_968 : vector<16xf32>
        tpu.vector_store_idx %arg20[%add3A_71, %broadcast_in_dim3A_967], %mul3A_969 : memref<64x128xf32, #tpu.memory_space<vmem>>[vector<16xi32>, vector<16xi32>], vector<16xf32>,
        %broadcast_in_dim3A_970 = arith.constant 20 : i32
        %broadcast_in_dim3A_971 = vector.broadcast %broadcast_in_dim3A_970 : i32 to vector<16xi32>
        %gather3A_972 = tpu.vector_load_idx %arg20[%add3A_71, %broadcast_in_dim3A_971] : memref<64x128xf32, #tpu.memory_space<vmem>>[vector<16xi32>, vector<16xi32>], vector<16xf32>,
        %mul3A_973 = arith.mulf %exp3A, %gather3A_972 : vector<16xf32>
        tpu.vector_store_idx %arg20[%add3A_71, %broadcast_in_dim3A_971], %mul3A_973 : memref<64x128xf32, #tpu.memory_space<vmem>>[vector<16xi32>, vector<16xi32>], vector<16xf32>,
        %broadcast_in_dim3A_974 = arith.constant 21 : i32
        %broadcast_in_dim3A_975 = vector.broadcast %broadcast_in_dim3A_974 : i32 to vector<16xi32>
        %gather3A_976 = tpu.vector_load_idx %arg20[%add3A_71, %broadcast_in_dim3A_975] : memref<64x128xf32, #tpu.memory_space<vmem>>[vector<16xi32>, vector<16xi32>], vector<16xf32>,
        %mul3A_977 = arith.mulf %exp3A, %gather3A_976 : vector<16xf32>
        tpu.vector_store_idx %arg20[%add3A_71, %broadcast_in_dim3A_975], %mul3A_977 : memref<64x128xf32, #tpu.memory_space<vmem>>[vector<16xi32>, vector<16xi32>], vector<16xf32>,
        %broadcast_in_dim3A_978 = arith.constant 22 : i32
        %broadcast_in_dim3A_979 = vector.broadcast %broadcast_in_dim3A_978 : i32 to vector<16xi32>
        %gather3A_980 = tpu.vector_load_idx %arg20[%add3A_71, %broadcast_in_dim3A_979] : memref<64x128xf32, #tpu.memory_space<vmem>>[vector<16xi32>, vector<16xi32>], vector<16xf32>,
        %mul3A_981 = arith.mulf %exp3A, %gather3A_980 : vector<16xf32>
        tpu.vector_store_idx %arg20[%add3A_71, %broadcast_in_dim3A_979], %mul3A_981 : memref<64x128xf32, #tpu.memory_space<vmem>>[vector<16xi32>, vector<16xi32>], vector<16xf32>,
        %broadcast_in_dim3A_982 = arith.constant 23 : i32
        %broadcast_in_dim3A_983 = vector.broadcast %broadcast_in_dim3A_982 : i32 to vector<16xi32>
        %gather3A_984 = tpu.vector_load_idx %arg20[%add3A_71, %broadcast_in_dim3A_983] : memref<64x128xf32, #tpu.memory_space<vmem>>[vector<16xi32>, vector<16xi32>], vector<16xf32>,
        %mul3A_985 = arith.mulf %exp3A, %gather3A_984 : vector<16xf32>
        tpu.vector_store_idx %arg20[%add3A_71, %broadcast_in_dim3A_983], %mul3A_985 : memref<64x128xf32, #tpu.memory_space<vmem>>[vector<16xi32>, vector<16xi32>], vector<16xf32>,
        %broadcast_in_dim3A_986 = arith.constant 24 : i32
        %broadcast_in_dim3A_987 = vector.broadcast %broadcast_in_dim3A_986 : i32 to vector<16xi32>
        %gather3A_988 = tpu.vector_load_idx %arg20[%add3A_71, %broadcast_in_dim3A_987] : memref<64x128xf32, #tpu.memory_space<vmem>>[vector<16xi32>, vector<16xi32>], vector<16xf32>,
        %mul3A_989 = arith.mulf %exp3A, %gather3A_988 : vector<16xf32>
        tpu.vector_store_idx %arg20[%add3A_71, %broadcast_in_dim3A_987], %mul3A_989 : memref<64x128xf32, #tpu.memory_space<vmem>>[vector<16xi32>, vector<16xi32>], vector<16xf32>,
        %broadcast_in_dim3A_990 = arith.constant 25 : i32
        %broadcast_in_dim3A_991 = vector.broadcast %broadcast_in_dim3A_990 : i32 to vector<16xi32>
        %gather3A_992 = tpu.vector_load_idx %arg20[%add3A_71, %broadcast_in_dim3A_991] : memref<64x128xf32, #tpu.memory_space<vmem>>[vector<16xi32>, vector<16xi32>], vector<16xf32>,
        %mul3A_993 = arith.mulf %exp3A, %gather3A_992 : vector<16xf32>
        tpu.vector_store_idx %arg20[%add3A_71, %broadcast_in_dim3A_991], %mul3A_993 : memref<64x128xf32, #tpu.memory_space<vmem>>[vector<16xi32>, vector<16xi32>], vector<16xf32>,
        %broadcast_in_dim3A_994 = arith.constant 26 : i32
        %broadcast_in_dim3A_995 = vector.broadcast %broadcast_in_dim3A_994 : i32 to vector<16xi32>
        %gather3A_996 = tpu.vector_load_idx %arg20[%add3A_71, %broadcast_in_dim3A_995] : memref<64x128xf32, #tpu.memory_space<vmem>>[vector<16xi32>, vector<16xi32>], vector<16xf32>,
        %mul3A_997 = arith.mulf %exp3A, %gather3A_996 : vector<16xf32>
        tpu.vector_store_idx %arg20[%add3A_71, %broadcast_in_dim3A_995], %mul3A_997 : memref<64x128xf32, #tpu.memory_space<vmem>>[vector<16xi32>, vector<16xi32>], vector<16xf32>,
        %broadcast_in_dim3A_998 = arith.constant 27 : i32
        %broadcast_in_dim3A_999 = vector.broadcast %broadcast_in_dim3A_998 : i32 to vector<16xi32>
        %gather3A_1000 = tpu.vector_load_idx %arg20[%add3A_71, %broadcast_in_dim3A_999] : memref<64x128xf32, #tpu.memory_space<vmem>>[vector<16xi32>, vector<16xi32>], vector<16xf32>,
        %mul3A_1001 = arith.mulf %exp3A, %gather3A_1000 : vector<16xf32>
        tpu.vector_store_idx %arg20[%add3A_71, %broadcast_in_dim3A_999], %mul3A_1001 : memref<64x128xf32, #tpu.memory_space<vmem>>[vector<16xi32>, vector<16xi32>], vector<16xf32>,
        %broadcast_in_dim3A_1002 = arith.constant 28 : i32
        %broadcast_in_dim3A_1003 = vector.broadcast %broadcast_in_dim3A_1002 : i32 to vector<16xi32>
        %gather3A_1004 = tpu.vector_load_idx %arg20[%add3A_71, %broadcast_in_dim3A_1003] : memref<64x128xf32, #tpu.memory_space<vmem>>[vector<16xi32>, vector<16xi32>], vector<16xf32>,
        %mul3A_1005 = arith.mulf %exp3A, %gather3A_1004 : vector<16xf32>
        tpu.vector_store_idx %arg20[%add3A_71, %broadcast_in_dim3A_1003], %mul3A_1005 : memref<64x128xf32, #tpu.memory_space<vmem>>[vector<16xi32>, vector<16xi32>], vector<16xf32>,
        %broadcast_in_dim3A_1006 = arith.constant 29 : i32
        %broadcast_in_dim3A_1007 = vector.broadcast %broadcast_in_dim3A_1006 : i32 to vector<16xi32>
        %gather3A_1008 = tpu.vector_load_idx %arg20[%add3A_71, %broadcast_in_dim3A_1007] : memref<64x128xf32, #tpu.memory_space<vmem>>[vector<16xi32>, vector<16xi32>], vector<16xf32>,
        %mul3A_1009 = arith.mulf %exp3A, %gather3A_1008 : vector<16xf32>
        tpu.vector_store_idx %arg20[%add3A_71, %broadcast_in_dim3A_1007], %mul3A_1009 : memref<64x128xf32, #tpu.memory_space<vmem>>[vector<16xi32>, vector<16xi32>], vector<16xf32>,
        %broadcast_in_dim3A_1010 = arith.constant 30 : i32
        %broadcast_in_dim3A_1011 = vector.broadcast %broadcast_in_dim3A_1010 : i32 to vector<16xi32>
        %gather3A_1012 = tpu.vector_load_idx %arg20[%add3A_71, %broadcast_in_dim3A_1011] : memref<64x128xf32, #tpu.memory_space<vmem>>[vector<16xi32>, vector<16xi32>], vector<16xf32>,
        %mul3A_1013 = arith.mulf %exp3A, %gather3A_1012 : vector<16xf32>
        tpu.vector_store_idx %arg20[%add3A_71, %broadcast_in_dim3A_1011], %mul3A_1013 : memref<64x128xf32, #tpu.memory_space<vmem>>[vector<16xi32>, vector<16xi32>], vector<16xf32>,
        %broadcast_in_dim3A_1014 = arith.constant 31 : i32
        %broadcast_in_dim3A_1015 = vector.broadcast %broadcast_in_dim3A_1014 : i32 to vector<16xi32>
        %gather3A_1016 = tpu.vector_load_idx %arg20[%add3A_71, %broadcast_in_dim3A_1015] : memref<64x128xf32, #tpu.memory_space<vmem>>[vector<16xi32>, vector<16xi32>], vector<16xf32>,
        %mul3A_1017 = arith.mulf %exp3A, %gather3A_1016 : vector<16xf32>
        tpu.vector_store_idx %arg20[%add3A_71, %broadcast_in_dim3A_1015], %mul3A_1017 : memref<64x128xf32, #tpu.memory_space<vmem>>[vector<16xi32>, vector<16xi32>], vector<16xf32>,
        %broadcast_in_dim3A_1018 = arith.constant 32 : i32
        %broadcast_in_dim3A_1019 = vector.broadcast %broadcast_in_dim3A_1018 : i32 to vector<16xi32>
        %gather3A_1020 = tpu.vector_load_idx %arg20[%add3A_71, %broadcast_in_dim3A_1019] : memref<64x128xf32, #tpu.memory_space<vmem>>[vector<16xi32>, vector<16xi32>], vector<16xf32>,
        %mul3A_1021 = arith.mulf %exp3A_474, %gather3A_1020 : vector<16xf32>
        tpu.vector_store_idx %arg20[%add3A_71, %broadcast_in_dim3A_1019], %mul3A_1021 : memref<64x128xf32, #tpu.memory_space<vmem>>[vector<16xi32>, vector<16xi32>], vector<16xf32>,
        %broadcast_in_dim3A_1022 = arith.constant 33 : i32
        %broadcast_in_dim3A_1023 = vector.broadcast %broadcast_in_dim3A_1022 : i32 to vector<16xi32>
        %gather3A_1024 = tpu.vector_load_idx %arg20[%add3A_71, %broadcast_in_dim3A_1023] : memref<64x128xf32, #tpu.memory_space<vmem>>[vector<16xi32>, vector<16xi32>], vector<16xf32>,
        %mul3A_1025 = arith.mulf %exp3A_474, %gather3A_1024 : vector<16xf32>
        tpu.vector_store_idx %arg20[%add3A_71, %broadcast_in_dim3A_1023], %mul3A_1025 : memref<64x128xf32, #tpu.memory_space<vmem>>[vector<16xi32>, vector<16xi32>], vector<16xf32>,
        %broadcast_in_dim3A_1026 = arith.constant 34 : i32
        %broadcast_in_dim3A_1027 = vector.broadcast %broadcast_in_dim3A_1026 : i32 to vector<16xi32>
        %gather3A_1028 = tpu.vector_load_idx %arg20[%add3A_71, %broadcast_in_dim3A_1027] : memref<64x128xf32, #tpu.memory_space<vmem>>[vector<16xi32>, vector<16xi32>], vector<16xf32>,
        %mul3A_1029 = arith.mulf %exp3A_474, %gather3A_1028 : vector<16xf32>
        tpu.vector_store_idx %arg20[%add3A_71, %broadcast_in_dim3A_1027], %mul3A_1029 : memref<64x128xf32, #tpu.memory_space<vmem>>[vector<16xi32>, vector<16xi32>], vector<16xf32>,
        %broadcast_in_dim3A_1030 = arith.constant 35 : i32
        %broadcast_in_dim3A_1031 = vector.broadcast %broadcast_in_dim3A_1030 : i32 to vector<16xi32>
        %gather3A_1032 = tpu.vector_load_idx %arg20[%add3A_71, %broadcast_in_dim3A_1031] : memref<64x128xf32, #tpu.memory_space<vmem>>[vector<16xi32>, vector<16xi32>], vector<16xf32>,
        %mul3A_1033 = arith.mulf %exp3A_474, %gather3A_1032 : vector<16xf32>
        tpu.vector_store_idx %arg20[%add3A_71, %broadcast_in_dim3A_1031], %mul3A_1033 : memref<64x128xf32, #tpu.memory_space<vmem>>[vector<16xi32>, vector<16xi32>], vector<16xf32>,
        %broadcast_in_dim3A_1034 = arith.constant 36 : i32
        %broadcast_in_dim3A_1035 = vector.broadcast %broadcast_in_dim3A_1034 : i32 to vector<16xi32>
        %gather3A_1036 = tpu.vector_load_idx %arg20[%add3A_71, %broadcast_in_dim3A_1035] : memref<64x128xf32, #tpu.memory_space<vmem>>[vector<16xi32>, vector<16xi32>], vector<16xf32>,
        %mul3A_1037 = arith.mulf %exp3A_474, %gather3A_1036 : vector<16xf32>
        tpu.vector_store_idx %arg20[%add3A_71, %broadcast_in_dim3A_1035], %mul3A_1037 : memref<64x128xf32, #tpu.memory_space<vmem>>[vector<16xi32>, vector<16xi32>], vector<16xf32>,
        %broadcast_in_dim3A_1038 = arith.constant 37 : i32
        %broadcast_in_dim3A_1039 = vector.broadcast %broadcast_in_dim3A_1038 : i32 to vector<16xi32>
        %gather3A_1040 = tpu.vector_load_idx %arg20[%add3A_71, %broadcast_in_dim3A_1039] : memref<64x128xf32, #tpu.memory_space<vmem>>[vector<16xi32>, vector<16xi32>], vector<16xf32>,
        %mul3A_1041 = arith.mulf %exp3A_474, %gather3A_1040 : vector<16xf32>
        tpu.vector_store_idx %arg20[%add3A_71, %broadcast_in_dim3A_1039], %mul3A_1041 : memref<64x128xf32, #tpu.memory_space<vmem>>[vector<16xi32>, vector<16xi32>], vector<16xf32>,
        %broadcast_in_dim3A_1042 = arith.constant 38 : i32
        %broadcast_in_dim3A_1043 = vector.broadcast %broadcast_in_dim3A_1042 : i32 to vector<16xi32>
        %gather3A_1044 = tpu.vector_load_idx %arg20[%add3A_71, %broadcast_in_dim3A_1043] : memref<64x128xf32, #tpu.memory_space<vmem>>[vector<16xi32>, vector<16xi32>], vector<16xf32>,
        %mul3A_1045 = arith.mulf %exp3A_474, %gather3A_1044 : vector<16xf32>
        tpu.vector_store_idx %arg20[%add3A_71, %broadcast_in_dim3A_1043], %mul3A_1045 : memref<64x128xf32, #tpu.memory_space<vmem>>[vector<16xi32>, vector<16xi32>], vector<16xf32>,
        %broadcast_in_dim3A_1046 = arith.constant 39 : i32
        %broadcast_in_dim3A_1047 = vector.broadcast %broadcast_in_dim3A_1046 : i32 to vector<16xi32>
        %gather3A_1048 = tpu.vector_load_idx %arg20[%add3A_71, %broadcast_in_dim3A_1047] : memref<64x128xf32, #tpu.memory_space<vmem>>[vector<16xi32>, vector<16xi32>], vector<16xf32>,
        %mul3A_1049 = arith.mulf %exp3A_474, %gather3A_1048 : vector<16xf32>
        tpu.vector_store_idx %arg20[%add3A_71, %broadcast_in_dim3A_1047], %mul3A_1049 : memref<64x128xf32, #tpu.memory_space<vmem>>[vector<16xi32>, vector<16xi32>], vector<16xf32>,
        %broadcast_in_dim3A_1050 = arith.constant 40 : i32
        %broadcast_in_dim3A_1051 = vector.broadcast %broadcast_in_dim3A_1050 : i32 to vector<16xi32>
        %gather3A_1052 = tpu.vector_load_idx %arg20[%add3A_71, %broadcast_in_dim3A_1051] : memref<64x128xf32, #tpu.memory_space<vmem>>[vector<16xi32>, vector<16xi32>], vector<16xf32>,
        %mul3A_1053 = arith.mulf %exp3A_474, %gather3A_1052 : vector<16xf32>
        tpu.vector_store_idx %arg20[%add3A_71, %broadcast_in_dim3A_1051], %mul3A_1053 : memref<64x128xf32, #tpu.memory_space<vmem>>[vector<16xi32>, vector<16xi32>], vector<16xf32>,
        %broadcast_in_dim3A_1054 = arith.constant 41 : i32
        %broadcast_in_dim3A_1055 = vector.broadcast %broadcast_in_dim3A_1054 : i32 to vector<16xi32>
        %gather3A_1056 = tpu.vector_load_idx %arg20[%add3A_71, %broadcast_in_dim3A_1055] : memref<64x128xf32, #tpu.memory_space<vmem>>[vector<16xi32>, vector<16xi32>], vector<16xf32>,
        %mul3A_1057 = arith.mulf %exp3A_474, %gather3A_1056 : vector<16xf32>
        tpu.vector_store_idx %arg20[%add3A_71, %broadcast_in_dim3A_1055], %mul3A_1057 : memref<64x128xf32, #tpu.memory_space<vmem>>[vector<16xi32>, vector<16xi32>], vector<16xf32>,
        %broadcast_in_dim3A_1058 = arith.constant 42 : i32
        %broadcast_in_dim3A_1059 = vector.broadcast %broadcast_in_dim3A_1058 : i32 to vector<16xi32>
        %gather3A_1060 = tpu.vector_load_idx %arg20[%add3A_71, %broadcast_in_dim3A_1059] : memref<64x128xf32, #tpu.memory_space<vmem>>[vector<16xi32>, vector<16xi32>], vector<16xf32>,
        %mul3A_1061 = arith.mulf %exp3A_474, %gather3A_1060 : vector<16xf32>
        tpu.vector_store_idx %arg20[%add3A_71, %broadcast_in_dim3A_1059], %mul3A_1061 : memref<64x128xf32, #tpu.memory_space<vmem>>[vector<16xi32>, vector<16xi32>], vector<16xf32>,
        %broadcast_in_dim3A_1062 = arith.constant 43 : i32
        %broadcast_in_dim3A_1063 = vector.broadcast %broadcast_in_dim3A_1062 : i32 to vector<16xi32>
        %gather3A_1064 = tpu.vector_load_idx %arg20[%add3A_71, %broadcast_in_dim3A_1063] : memref<64x128xf32, #tpu.memory_space<vmem>>[vector<16xi32>, vector<16xi32>], vector<16xf32>,
        %mul3A_1065 = arith.mulf %exp3A_474, %gather3A_1064 : vector<16xf32>
        tpu.vector_store_idx %arg20[%add3A_71, %broadcast_in_dim3A_1063], %mul3A_1065 : memref<64x128xf32, #tpu.memory_space<vmem>>[vector<16xi32>, vector<16xi32>], vector<16xf32>,
        %broadcast_in_dim3A_1066 = arith.constant 44 : i32
        %broadcast_in_dim3A_1067 = vector.broadcast %broadcast_in_dim3A_1066 : i32 to vector<16xi32>
        %gather3A_1068 = tpu.vector_load_idx %arg20[%add3A_71, %broadcast_in_dim3A_1067] : memref<64x128xf32, #tpu.memory_space<vmem>>[vector<16xi32>, vector<16xi32>], vector<16xf32>,
        %mul3A_1069 = arith.mulf %exp3A_474, %gather3A_1068 : vector<16xf32>
        tpu.vector_store_idx %arg20[%add3A_71, %broadcast_in_dim3A_1067], %mul3A_1069 : memref<64x128xf32, #tpu.memory_space<vmem>>[vector<16xi32>, vector<16xi32>], vector<16xf32>,
        %broadcast_in_dim3A_1070 = arith.constant 45 : i32
        %broadcast_in_dim3A_1071 = vector.broadcast %broadcast_in_dim3A_1070 : i32 to vector<16xi32>
        %gather3A_1072 = tpu.vector_load_idx %arg20[%add3A_71, %broadcast_in_dim3A_1071] : memref<64x128xf32, #tpu.memory_space<vmem>>[vector<16xi32>, vector<16xi32>], vector<16xf32>,
        %mul3A_1073 = arith.mulf %exp3A_474, %gather3A_1072 : vector<16xf32>
        tpu.vector_store_idx %arg20[%add3A_71, %broadcast_in_dim3A_1071], %mul3A_1073 : memref<64x128xf32, #tpu.memory_space<vmem>>[vector<16xi32>, vector<16xi32>], vector<16xf32>,
        %broadcast_in_dim3A_1074 = arith.constant 46 : i32
        %broadcast_in_dim3A_1075 = vector.broadcast %broadcast_in_dim3A_1074 : i32 to vector<16xi32>
        %gather3A_1076 = tpu.vector_load_idx %arg20[%add3A_71, %broadcast_in_dim3A_1075] : memref<64x128xf32, #tpu.memory_space<vmem>>[vector<16xi32>, vector<16xi32>], vector<16xf32>,
        %mul3A_1077 = arith.mulf %exp3A_474, %gather3A_1076 : vector<16xf32>
        tpu.vector_store_idx %arg20[%add3A_71, %broadcast_in_dim3A_1075], %mul3A_1077 : memref<64x128xf32, #tpu.memory_space<vmem>>[vector<16xi32>, vector<16xi32>], vector<16xf32>,
        %broadcast_in_dim3A_1078 = arith.constant 47 : i32
        %broadcast_in_dim3A_1079 = vector.broadcast %broadcast_in_dim3A_1078 : i32 to vector<16xi32>
        %gather3A_1080 = tpu.vector_load_idx %arg20[%add3A_71, %broadcast_in_dim3A_1079] : memref<64x128xf32, #tpu.memory_space<vmem>>[vector<16xi32>, vector<16xi32>], vector<16xf32>,
        %mul3A_1081 = arith.mulf %exp3A_474, %gather3A_1080 : vector<16xf32>
        tpu.vector_store_idx %arg20[%add3A_71, %broadcast_in_dim3A_1079], %mul3A_1081 : memref<64x128xf32, #tpu.memory_space<vmem>>[vector<16xi32>, vector<16xi32>], vector<16xf32>,
        %broadcast_in_dim3A_1082 = arith.constant 48 : i32
        %broadcast_in_dim3A_1083 = vector.broadcast %broadcast_in_dim3A_1082 : i32 to vector<16xi32>
        %gather3A_1084 = tpu.vector_load_idx %arg20[%add3A_71, %broadcast_in_dim3A_1083] : memref<64x128xf32, #tpu.memory_space<vmem>>[vector<16xi32>, vector<16xi32>], vector<16xf32>,
        %mul3A_1085 = arith.mulf %exp3A_474, %gather3A_1084 : vector<16xf32>
        tpu.vector_store_idx %arg20[%add3A_71, %broadcast_in_dim3A_1083], %mul3A_1085 : memref<64x128xf32, #tpu.memory_space<vmem>>[vector<16xi32>, vector<16xi32>], vector<16xf32>,
        %broadcast_in_dim3A_1086 = arith.constant 49 : i32
        %broadcast_in_dim3A_1087 = vector.broadcast %broadcast_in_dim3A_1086 : i32 to vector<16xi32>
        %gather3A_1088 = tpu.vector_load_idx %arg20[%add3A_71, %broadcast_in_dim3A_1087] : memref<64x128xf32, #tpu.memory_space<vmem>>[vector<16xi32>, vector<16xi32>], vector<16xf32>,
        %mul3A_1089 = arith.mulf %exp3A_474, %gather3A_1088 : vector<16xf32>
        tpu.vector_store_idx %arg20[%add3A_71, %broadcast_in_dim3A_1087], %mul3A_1089 : memref<64x128xf32, #tpu.memory_space<vmem>>[vector<16xi32>, vector<16xi32>], vector<16xf32>,
        %broadcast_in_dim3A_1090 = arith.constant 50 : i32
        %broadcast_in_dim3A_1091 = vector.broadcast %broadcast_in_dim3A_1090 : i32 to vector<16xi32>
        %gather3A_1092 = tpu.vector_load_idx %arg20[%add3A_71, %broadcast_in_dim3A_1091] : memref<64x128xf32, #tpu.memory_space<vmem>>[vector<16xi32>, vector<16xi32>], vector<16xf32>,
        %mul3A_1093 = arith.mulf %exp3A_474, %gather3A_1092 : vector<16xf32>
        tpu.vector_store_idx %arg20[%add3A_71, %broadcast_in_dim3A_1091], %mul3A_1093 : memref<64x128xf32, #tpu.memory_space<vmem>>[vector<16xi32>, vector<16xi32>], vector<16xf32>,
        %broadcast_in_dim3A_1094 = arith.constant 51 : i32
        %broadcast_in_dim3A_1095 = vector.broadcast %broadcast_in_dim3A_1094 : i32 to vector<16xi32>
        %gather3A_1096 = tpu.vector_load_idx %arg20[%add3A_71, %broadcast_in_dim3A_1095] : memref<64x128xf32, #tpu.memory_space<vmem>>[vector<16xi32>, vector<16xi32>], vector<16xf32>,
        %mul3A_1097 = arith.mulf %exp3A_474, %gather3A_1096 : vector<16xf32>
        tpu.vector_store_idx %arg20[%add3A_71, %broadcast_in_dim3A_1095], %mul3A_1097 : memref<64x128xf32, #tpu.memory_space<vmem>>[vector<16xi32>, vector<16xi32>], vector<16xf32>,
        %broadcast_in_dim3A_1098 = arith.constant 52 : i32
        %broadcast_in_dim3A_1099 = vector.broadcast %broadcast_in_dim3A_1098 : i32 to vector<16xi32>
        %gather3A_1100 = tpu.vector_load_idx %arg20[%add3A_71, %broadcast_in_dim3A_1099] : memref<64x128xf32, #tpu.memory_space<vmem>>[vector<16xi32>, vector<16xi32>], vector<16xf32>,
        %mul3A_1101 = arith.mulf %exp3A_474, %gather3A_1100 : vector<16xf32>
        tpu.vector_store_idx %arg20[%add3A_71, %broadcast_in_dim3A_1099], %mul3A_1101 : memref<64x128xf32, #tpu.memory_space<vmem>>[vector<16xi32>, vector<16xi32>], vector<16xf32>,
        %broadcast_in_dim3A_1102 = arith.constant 53 : i32
        %broadcast_in_dim3A_1103 = vector.broadcast %broadcast_in_dim3A_1102 : i32 to vector<16xi32>
        %gather3A_1104 = tpu.vector_load_idx %arg20[%add3A_71, %broadcast_in_dim3A_1103] : memref<64x128xf32, #tpu.memory_space<vmem>>[vector<16xi32>, vector<16xi32>], vector<16xf32>,
        %mul3A_1105 = arith.mulf %exp3A_474, %gather3A_1104 : vector<16xf32>
        tpu.vector_store_idx %arg20[%add3A_71, %broadcast_in_dim3A_1103], %mul3A_1105 : memref<64x128xf32, #tpu.memory_space<vmem>>[vector<16xi32>, vector<16xi32>], vector<16xf32>,
        %broadcast_in_dim3A_1106 = arith.constant 54 : i32
        %broadcast_in_dim3A_1107 = vector.broadcast %broadcast_in_dim3A_1106 : i32 to vector<16xi32>
        %gather3A_1108 = tpu.vector_load_idx %arg20[%add3A_71, %broadcast_in_dim3A_1107] : memref<64x128xf32, #tpu.memory_space<vmem>>[vector<16xi32>, vector<16xi32>], vector<16xf32>,
        %mul3A_1109 = arith.mulf %exp3A_474, %gather3A_1108 : vector<16xf32>
        tpu.vector_store_idx %arg20[%add3A_71, %broadcast_in_dim3A_1107], %mul3A_1109 : memref<64x128xf32, #tpu.memory_space<vmem>>[vector<16xi32>, vector<16xi32>], vector<16xf32>,
        %broadcast_in_dim3A_1110 = arith.constant 55 : i32
        %broadcast_in_dim3A_1111 = vector.broadcast %broadcast_in_dim3A_1110 : i32 to vector<16xi32>
        %gather3A_1112 = tpu.vector_load_idx %arg20[%add3A_71, %broadcast_in_dim3A_1111] : memref<64x128xf32, #tpu.memory_space<vmem>>[vector<16xi32>, vector<16xi32>], vector<16xf32>,
        %mul3A_1113 = arith.mulf %exp3A_474, %gather3A_1112 : vector<16xf32>
        tpu.vector_store_idx %arg20[%add3A_71, %broadcast_in_dim3A_1111], %mul3A_1113 : memref<64x128xf32, #tpu.memory_space<vmem>>[vector<16xi32>, vector<16xi32>], vector<16xf32>,
        %broadcast_in_dim3A_1114 = arith.constant 56 : i32
        %broadcast_in_dim3A_1115 = vector.broadcast %broadcast_in_dim3A_1114 : i32 to vector<16xi32>
        %gather3A_1116 = tpu.vector_load_idx %arg20[%add3A_71, %broadcast_in_dim3A_1115] : memref<64x128xf32, #tpu.memory_space<vmem>>[vector<16xi32>, vector<16xi32>], vector<16xf32>,
        %mul3A_1117 = arith.mulf %exp3A_474, %gather3A_1116 : vector<16xf32>
        tpu.vector_store_idx %arg20[%add3A_71, %broadcast_in_dim3A_1115], %mul3A_1117 : memref<64x128xf32, #tpu.memory_space<vmem>>[vector<16xi32>, vector<16xi32>], vector<16xf32>,
        %broadcast_in_dim3A_1118 = arith.constant 57 : i32
        %broadcast_in_dim3A_1119 = vector.broadcast %broadcast_in_dim3A_1118 : i32 to vector<16xi32>
        %gather3A_1120 = tpu.vector_load_idx %arg20[%add3A_71, %broadcast_in_dim3A_1119] : memref<64x128xf32, #tpu.memory_space<vmem>>[vector<16xi32>, vector<16xi32>], vector<16xf32>,
        %mul3A_1121 = arith.mulf %exp3A_474, %gather3A_1120 : vector<16xf32>
        tpu.vector_store_idx %arg20[%add3A_71, %broadcast_in_dim3A_1119], %mul3A_1121 : memref<64x128xf32, #tpu.memory_space<vmem>>[vector<16xi32>, vector<16xi32>], vector<16xf32>,
        %broadcast_in_dim3A_1122 = arith.constant 58 : i32
        %broadcast_in_dim3A_1123 = vector.broadcast %broadcast_in_dim3A_1122 : i32 to vector<16xi32>
        %gather3A_1124 = tpu.vector_load_idx %arg20[%add3A_71, %broadcast_in_dim3A_1123] : memref<64x128xf32, #tpu.memory_space<vmem>>[vector<16xi32>, vector<16xi32>], vector<16xf32>,
        %mul3A_1125 = arith.mulf %exp3A_474, %gather3A_1124 : vector<16xf32>
        tpu.vector_store_idx %arg20[%add3A_71, %broadcast_in_dim3A_1123], %mul3A_1125 : memref<64x128xf32, #tpu.memory_space<vmem>>[vector<16xi32>, vector<16xi32>], vector<16xf32>,
        %broadcast_in_dim3A_1126 = arith.constant 59 : i32
        %broadcast_in_dim3A_1127 = vector.broadcast %broadcast_in_dim3A_1126 : i32 to vector<16xi32>
        %gather3A_1128 = tpu.vector_load_idx %arg20[%add3A_71, %broadcast_in_dim3A_1127] : memref<64x128xf32, #tpu.memory_space<vmem>>[vector<16xi32>, vector<16xi32>], vector<16xf32>,
        %mul3A_1129 = arith.mulf %exp3A_474, %gather3A_1128 : vector<16xf32>
        tpu.vector_store_idx %arg20[%add3A_71, %broadcast_in_dim3A_1127], %mul3A_1129 : memref<64x128xf32, #tpu.memory_space<vmem>>[vector<16xi32>, vector<16xi32>], vector<16xf32>,
        %broadcast_in_dim3A_1130 = arith.constant 60 : i32
        %broadcast_in_dim3A_1131 = vector.broadcast %broadcast_in_dim3A_1130 : i32 to vector<16xi32>
        %gather3A_1132 = tpu.vector_load_idx %arg20[%add3A_71, %broadcast_in_dim3A_1131] : memref<64x128xf32, #tpu.memory_space<vmem>>[vector<16xi32>, vector<16xi32>], vector<16xf32>,
        %mul3A_1133 = arith.mulf %exp3A_474, %gather3A_1132 : vector<16xf32>
        tpu.vector_store_idx %arg20[%add3A_71, %broadcast_in_dim3A_1131], %mul3A_1133 : memref<64x128xf32, #tpu.memory_space<vmem>>[vector<16xi32>, vector<16xi32>], vector<16xf32>,
        %broadcast_in_dim3A_1134 = arith.constant 61 : i32
        %broadcast_in_dim3A_1135 = vector.broadcast %broadcast_in_dim3A_1134 : i32 to vector<16xi32>
        %gather3A_1136 = tpu.vector_load_idx %arg20[%add3A_71, %broadcast_in_dim3A_1135] : memref<64x128xf32, #tpu.memory_space<vmem>>[vector<16xi32>, vector<16xi32>], vector<16xf32>,
        %mul3A_1137 = arith.mulf %exp3A_474, %gather3A_1136 : vector<16xf32>
        tpu.vector_store_idx %arg20[%add3A_71, %broadcast_in_dim3A_1135], %mul3A_1137 : memref<64x128xf32, #tpu.memory_space<vmem>>[vector<16xi32>, vector<16xi32>], vector<16xf32>,
        %broadcast_in_dim3A_1138 = arith.constant 62 : i32
        %broadcast_in_dim3A_1139 = vector.broadcast %broadcast_in_dim3A_1138 : i32 to vector<16xi32>
        %gather3A_1140 = tpu.vector_load_idx %arg20[%add3A_71, %broadcast_in_dim3A_1139] : memref<64x128xf32, #tpu.memory_space<vmem>>[vector<16xi32>, vector<16xi32>], vector<16xf32>,
        %mul3A_1141 = arith.mulf %exp3A_474, %gather3A_1140 : vector<16xf32>
        tpu.vector_store_idx %arg20[%add3A_71, %broadcast_in_dim3A_1139], %mul3A_1141 : memref<64x128xf32, #tpu.memory_space<vmem>>[vector<16xi32>, vector<16xi32>], vector<16xf32>,
        %broadcast_in_dim3A_1142 = arith.constant 63 : i32
        %broadcast_in_dim3A_1143 = vector.broadcast %broadcast_in_dim3A_1142 : i32 to vector<16xi32>
        %gather3A_1144 = tpu.vector_load_idx %arg20[%add3A_71, %broadcast_in_dim3A_1143] : memref<64x128xf32, #tpu.memory_space<vmem>>[vector<16xi32>, vector<16xi32>], vector<16xf32>,
        %mul3A_1145 = arith.mulf %exp3A_474, %gather3A_1144 : vector<16xf32>
        tpu.vector_store_idx %arg20[%add3A_71, %broadcast_in_dim3A_1143], %mul3A_1145 : memref<64x128xf32, #tpu.memory_space<vmem>>[vector<16xi32>, vector<16xi32>], vector<16xf32>,
        %broadcast_in_dim3A_1146 = arith.constant 64 : i32
        %broadcast_in_dim3A_1147 = vector.broadcast %broadcast_in_dim3A_1146 : i32 to vector<16xi32>
        %gather3A_1148 = tpu.vector_load_idx %arg20[%add3A_71, %broadcast_in_dim3A_1147] : memref<64x128xf32, #tpu.memory_space<vmem>>[vector<16xi32>, vector<16xi32>], vector<16xf32>,
        %mul3A_1149 = arith.mulf %exp3A_679, %gather3A_1148 : vector<16xf32>
        tpu.vector_store_idx %arg20[%add3A_71, %broadcast_in_dim3A_1147], %mul3A_1149 : memref<64x128xf32, #tpu.memory_space<vmem>>[vector<16xi32>, vector<16xi32>], vector<16xf32>,
        %broadcast_in_dim3A_1150 = arith.constant 65 : i32
        %broadcast_in_dim3A_1151 = vector.broadcast %broadcast_in_dim3A_1150 : i32 to vector<16xi32>
        %gather3A_1152 = tpu.vector_load_idx %arg20[%add3A_71, %broadcast_in_dim3A_1151] : memref<64x128xf32, #tpu.memory_space<vmem>>[vector<16xi32>, vector<16xi32>], vector<16xf32>,
        %mul3A_1153 = arith.mulf %exp3A_679, %gather3A_1152 : vector<16xf32>
        tpu.vector_store_idx %arg20[%add3A_71, %broadcast_in_dim3A_1151], %mul3A_1153 : memref<64x128xf32, #tpu.memory_space<vmem>>[vector<16xi32>, vector<16xi32>], vector<16xf32>,
        %broadcast_in_dim3A_1154 = arith.constant 66 : i32
        %broadcast_in_dim3A_1155 = vector.broadcast %broadcast_in_dim3A_1154 : i32 to vector<16xi32>
        %gather3A_1156 = tpu.vector_load_idx %arg20[%add3A_71, %broadcast_in_dim3A_1155] : memref<64x128xf32, #tpu.memory_space<vmem>>[vector<16xi32>, vector<16xi32>], vector<16xf32>,
        %mul3A_1157 = arith.mulf %exp3A_679, %gather3A_1156 : vector<16xf32>
        tpu.vector_store_idx %arg20[%add3A_71, %broadcast_in_dim3A_1155], %mul3A_1157 : memref<64x128xf32, #tpu.memory_space<vmem>>[vector<16xi32>, vector<16xi32>], vector<16xf32>,
        %broadcast_in_dim3A_1158 = arith.constant 67 : i32
        %broadcast_in_dim3A_1159 = vector.broadcast %broadcast_in_dim3A_1158 : i32 to vector<16xi32>
        %gather3A_1160 = tpu.vector_load_idx %arg20[%add3A_71, %broadcast_in_dim3A_1159] : memref<64x128xf32, #tpu.memory_space<vmem>>[vector<16xi32>, vector<16xi32>], vector<16xf32>,
        %mul3A_1161 = arith.mulf %exp3A_679, %gather3A_1160 : vector<16xf32>
        tpu.vector_store_idx %arg20[%add3A_71, %broadcast_in_dim3A_1159], %mul3A_1161 : memref<64x128xf32, #tpu.memory_space<vmem>>[vector<16xi32>, vector<16xi32>], vector<16xf32>,
        %broadcast_in_dim3A_1162 = arith.constant 68 : i32
        %broadcast_in_dim3A_1163 = vector.broadcast %broadcast_in_dim3A_1162 : i32 to vector<16xi32>
        %gather3A_1164 = tpu.vector_load_idx %arg20[%add3A_71, %broadcast_in_dim3A_1163] : memref<64x128xf32, #tpu.memory_space<vmem>>[vector<16xi32>, vector<16xi32>], vector<16xf32>,
        %mul3A_1165 = arith.mulf %exp3A_679, %gather3A_1164 : vector<16xf32>
        tpu.vector_store_idx %arg20[%add3A_71, %broadcast_in_dim3A_1163], %mul3A_1165 : memref<64x128xf32, #tpu.memory_space<vmem>>[vector<16xi32>, vector<16xi32>], vector<16xf32>,
        %broadcast_in_dim3A_1166 = arith.constant 69 : i32
        %broadcast_in_dim3A_1167 = vector.broadcast %broadcast_in_dim3A_1166 : i32 to vector<16xi32>
        %gather3A_1168 = tpu.vector_load_idx %arg20[%add3A_71, %broadcast_in_dim3A_1167] : memref<64x128xf32, #tpu.memory_space<vmem>>[vector<16xi32>, vector<16xi32>], vector<16xf32>,
        %mul3A_1169 = arith.mulf %exp3A_679, %gather3A_1168 : vector<16xf32>
        tpu.vector_store_idx %arg20[%add3A_71, %broadcast_in_dim3A_1167], %mul3A_1169 : memref<64x128xf32, #tpu.memory_space<vmem>>[vector<16xi32>, vector<16xi32>], vector<16xf32>,
        %broadcast_in_dim3A_1170 = arith.constant 70 : i32
        %broadcast_in_dim3A_1171 = vector.broadcast %broadcast_in_dim3A_1170 : i32 to vector<16xi32>
        %gather3A_1172 = tpu.vector_load_idx %arg20[%add3A_71, %broadcast_in_dim3A_1171] : memref<64x128xf32, #tpu.memory_space<vmem>>[vector<16xi32>, vector<16xi32>], vector<16xf32>,
        %mul3A_1173 = arith.mulf %exp3A_679, %gather3A_1172 : vector<16xf32>
        tpu.vector_store_idx %arg20[%add3A_71, %broadcast_in_dim3A_1171], %mul3A_1173 : memref<64x128xf32, #tpu.memory_space<vmem>>[vector<16xi32>, vector<16xi32>], vector<16xf32>,
        %broadcast_in_dim3A_1174 = arith.constant 71 : i32
        %broadcast_in_dim3A_1175 = vector.broadcast %broadcast_in_dim3A_1174 : i32 to vector<16xi32>
        %gather3A_1176 = tpu.vector_load_idx %arg20[%add3A_71, %broadcast_in_dim3A_1175] : memref<64x128xf32, #tpu.memory_space<vmem>>[vector<16xi32>, vector<16xi32>], vector<16xf32>,
        %mul3A_1177 = arith.mulf %exp3A_679, %gather3A_1176 : vector<16xf32>
        tpu.vector_store_idx %arg20[%add3A_71, %broadcast_in_dim3A_1175], %mul3A_1177 : memref<64x128xf32, #tpu.memory_space<vmem>>[vector<16xi32>, vector<16xi32>], vector<16xf32>,
        %broadcast_in_dim3A_1178 = arith.constant 72 : i32
        %broadcast_in_dim3A_1179 = vector.broadcast %broadcast_in_dim3A_1178 : i32 to vector<16xi32>
        %gather3A_1180 = tpu.vector_load_idx %arg20[%add3A_71, %broadcast_in_dim3A_1179] : memref<64x128xf32, #tpu.memory_space<vmem>>[vector<16xi32>, vector<16xi32>], vector<16xf32>,
        %mul3A_1181 = arith.mulf %exp3A_679, %gather3A_1180 : vector<16xf32>
        tpu.vector_store_idx %arg20[%add3A_71, %broadcast_in_dim3A_1179], %mul3A_1181 : memref<64x128xf32, #tpu.memory_space<vmem>>[vector<16xi32>, vector<16xi32>], vector<16xf32>,
        %broadcast_in_dim3A_1182 = arith.constant 73 : i32
        %broadcast_in_dim3A_1183 = vector.broadcast %broadcast_in_dim3A_1182 : i32 to vector<16xi32>
        %gather3A_1184 = tpu.vector_load_idx %arg20[%add3A_71, %broadcast_in_dim3A_1183] : memref<64x128xf32, #tpu.memory_space<vmem>>[vector<16xi32>, vector<16xi32>], vector<16xf32>,
        %mul3A_1185 = arith.mulf %exp3A_679, %gather3A_1184 : vector<16xf32>
        tpu.vector_store_idx %arg20[%add3A_71, %broadcast_in_dim3A_1183], %mul3A_1185 : memref<64x128xf32, #tpu.memory_space<vmem>>[vector<16xi32>, vector<16xi32>], vector<16xf32>,
        %broadcast_in_dim3A_1186 = arith.constant 74 : i32
        %broadcast_in_dim3A_1187 = vector.broadcast %broadcast_in_dim3A_1186 : i32 to vector<16xi32>
        %gather3A_1188 = tpu.vector_load_idx %arg20[%add3A_71, %broadcast_in_dim3A_1187] : memref<64x128xf32, #tpu.memory_space<vmem>>[vector<16xi32>, vector<16xi32>], vector<16xf32>,
        %mul3A_1189 = arith.mulf %exp3A_679, %gather3A_1188 : vector<16xf32>
        tpu.vector_store_idx %arg20[%add3A_71, %broadcast_in_dim3A_1187], %mul3A_1189 : memref<64x128xf32, #tpu.memory_space<vmem>>[vector<16xi32>, vector<16xi32>], vector<16xf32>,
        %broadcast_in_dim3A_1190 = arith.constant 75 : i32
        %broadcast_in_dim3A_1191 = vector.broadcast %broadcast_in_dim3A_1190 : i32 to vector<16xi32>
        %gather3A_1192 = tpu.vector_load_idx %arg20[%add3A_71, %broadcast_in_dim3A_1191] : memref<64x128xf32, #tpu.memory_space<vmem>>[vector<16xi32>, vector<16xi32>], vector<16xf32>,
        %mul3A_1193 = arith.mulf %exp3A_679, %gather3A_1192 : vector<16xf32>
        tpu.vector_store_idx %arg20[%add3A_71, %broadcast_in_dim3A_1191], %mul3A_1193 : memref<64x128xf32, #tpu.memory_space<vmem>>[vector<16xi32>, vector<16xi32>], vector<16xf32>,
        %broadcast_in_dim3A_1194 = arith.constant 76 : i32
        %broadcast_in_dim3A_1195 = vector.broadcast %broadcast_in_dim3A_1194 : i32 to vector<16xi32>
        %gather3A_1196 = tpu.vector_load_idx %arg20[%add3A_71, %broadcast_in_dim3A_1195] : memref<64x128xf32, #tpu.memory_space<vmem>>[vector<16xi32>, vector<16xi32>], vector<16xf32>,
        %mul3A_1197 = arith.mulf %exp3A_679, %gather3A_1196 : vector<16xf32>
        tpu.vector_store_idx %arg20[%add3A_71, %broadcast_in_dim3A_1195], %mul3A_1197 : memref<64x128xf32, #tpu.memory_space<vmem>>[vector<16xi32>, vector<16xi32>], vector<16xf32>,
        %broadcast_in_dim3A_1198 = arith.constant 77 : i32
        %broadcast_in_dim3A_1199 = vector.broadcast %broadcast_in_dim3A_1198 : i32 to vector<16xi32>
        %gather3A_1200 = tpu.vector_load_idx %arg20[%add3A_71, %broadcast_in_dim3A_1199] : memref<64x128xf32, #tpu.memory_space<vmem>>[vector<16xi32>, vector<16xi32>], vector<16xf32>,
        %mul3A_1201 = arith.mulf %exp3A_679, %gather3A_1200 : vector<16xf32>
        tpu.vector_store_idx %arg20[%add3A_71, %broadcast_in_dim3A_1199], %mul3A_1201 : memref<64x128xf32, #tpu.memory_space<vmem>>[vector<16xi32>, vector<16xi32>], vector<16xf32>,
        %broadcast_in_dim3A_1202 = arith.constant 78 : i32
        %broadcast_in_dim3A_1203 = vector.broadcast %broadcast_in_dim3A_1202 : i32 to vector<16xi32>
        %gather3A_1204 = tpu.vector_load_idx %arg20[%add3A_71, %broadcast_in_dim3A_1203] : memref<64x128xf32, #tpu.memory_space<vmem>>[vector<16xi32>, vector<16xi32>], vector<16xf32>,
        %mul3A_1205 = arith.mulf %exp3A_679, %gather3A_1204 : vector<16xf32>
        tpu.vector_store_idx %arg20[%add3A_71, %broadcast_in_dim3A_1203], %mul3A_1205 : memref<64x128xf32, #tpu.memory_space<vmem>>[vector<16xi32>, vector<16xi32>], vector<16xf32>,
        %broadcast_in_dim3A_1206 = arith.constant 79 : i32
        %broadcast_in_dim3A_1207 = vector.broadcast %broadcast_in_dim3A_1206 : i32 to vector<16xi32>
        %gather3A_1208 = tpu.vector_load_idx %arg20[%add3A_71, %broadcast_in_dim3A_1207] : memref<64x128xf32, #tpu.memory_space<vmem>>[vector<16xi32>, vector<16xi32>], vector<16xf32>,
        %mul3A_1209 = arith.mulf %exp3A_679, %gather3A_1208 : vector<16xf32>
        tpu.vector_store_idx %arg20[%add3A_71, %broadcast_in_dim3A_1207], %mul3A_1209 : memref<64x128xf32, #tpu.memory_space<vmem>>[vector<16xi32>, vector<16xi32>], vector<16xf32>,
        %broadcast_in_dim3A_1210 = arith.constant 80 : i32
        %broadcast_in_dim3A_1211 = vector.broadcast %broadcast_in_dim3A_1210 : i32 to vector<16xi32>
        %gather3A_1212 = tpu.vector_load_idx %arg20[%add3A_71, %broadcast_in_dim3A_1211] : memref<64x128xf32, #tpu.memory_space<vmem>>[vector<16xi32>, vector<16xi32>], vector<16xf32>,
        %mul3A_1213 = arith.mulf %exp3A_679, %gather3A_1212 : vector<16xf32>
        tpu.vector_store_idx %arg20[%add3A_71, %broadcast_in_dim3A_1211], %mul3A_1213 : memref<64x128xf32, #tpu.memory_space<vmem>>[vector<16xi32>, vector<16xi32>], vector<16xf32>,
        %broadcast_in_dim3A_1214 = arith.constant 81 : i32
        %broadcast_in_dim3A_1215 = vector.broadcast %broadcast_in_dim3A_1214 : i32 to vector<16xi32>
        %gather3A_1216 = tpu.vector_load_idx %arg20[%add3A_71, %broadcast_in_dim3A_1215] : memref<64x128xf32, #tpu.memory_space<vmem>>[vector<16xi32>, vector<16xi32>], vector<16xf32>,
        %mul3A_1217 = arith.mulf %exp3A_679, %gather3A_1216 : vector<16xf32>
        tpu.vector_store_idx %arg20[%add3A_71, %broadcast_in_dim3A_1215], %mul3A_1217 : memref<64x128xf32, #tpu.memory_space<vmem>>[vector<16xi32>, vector<16xi32>], vector<16xf32>,
        %broadcast_in_dim3A_1218 = arith.constant 82 : i32
        %broadcast_in_dim3A_1219 = vector.broadcast %broadcast_in_dim3A_1218 : i32 to vector<16xi32>
        %gather3A_1220 = tpu.vector_load_idx %arg20[%add3A_71, %broadcast_in_dim3A_1219] : memref<64x128xf32, #tpu.memory_space<vmem>>[vector<16xi32>, vector<16xi32>], vector<16xf32>,
        %mul3A_1221 = arith.mulf %exp3A_679, %gather3A_1220 : vector<16xf32>
        tpu.vector_store_idx %arg20[%add3A_71, %broadcast_in_dim3A_1219], %mul3A_1221 : memref<64x128xf32, #tpu.memory_space<vmem>>[vector<16xi32>, vector<16xi32>], vector<16xf32>,
        %broadcast_in_dim3A_1222 = arith.constant 83 : i32
        %broadcast_in_dim3A_1223 = vector.broadcast %broadcast_in_dim3A_1222 : i32 to vector<16xi32>
        %gather3A_1224 = tpu.vector_load_idx %arg20[%add3A_71, %broadcast_in_dim3A_1223] : memref<64x128xf32, #tpu.memory_space<vmem>>[vector<16xi32>, vector<16xi32>], vector<16xf32>,
        %mul3A_1225 = arith.mulf %exp3A_679, %gather3A_1224 : vector<16xf32>
        tpu.vector_store_idx %arg20[%add3A_71, %broadcast_in_dim3A_1223], %mul3A_1225 : memref<64x128xf32, #tpu.memory_space<vmem>>[vector<16xi32>, vector<16xi32>], vector<16xf32>,
        %broadcast_in_dim3A_1226 = arith.constant 84 : i32
        %broadcast_in_dim3A_1227 = vector.broadcast %broadcast_in_dim3A_1226 : i32 to vector<16xi32>
        %gather3A_1228 = tpu.vector_load_idx %arg20[%add3A_71, %broadcast_in_dim3A_1227] : memref<64x128xf32, #tpu.memory_space<vmem>>[vector<16xi32>, vector<16xi32>], vector<16xf32>,
        %mul3A_1229 = arith.mulf %exp3A_679, %gather3A_1228 : vector<16xf32>
        tpu.vector_store_idx %arg20[%add3A_71, %broadcast_in_dim3A_1227], %mul3A_1229 : memref<64x128xf32, #tpu.memory_space<vmem>>[vector<16xi32>, vector<16xi32>], vector<16xf32>,
        %broadcast_in_dim3A_1230 = arith.constant 85 : i32
        %broadcast_in_dim3A_1231 = vector.broadcast %broadcast_in_dim3A_1230 : i32 to vector<16xi32>
        %gather3A_1232 = tpu.vector_load_idx %arg20[%add3A_71, %broadcast_in_dim3A_1231] : memref<64x128xf32, #tpu.memory_space<vmem>>[vector<16xi32>, vector<16xi32>], vector<16xf32>,
        %mul3A_1233 = arith.mulf %exp3A_679, %gather3A_1232 : vector<16xf32>
        tpu.vector_store_idx %arg20[%add3A_71, %broadcast_in_dim3A_1231], %mul3A_1233 : memref<64x128xf32, #tpu.memory_space<vmem>>[vector<16xi32>, vector<16xi32>], vector<16xf32>,
        %broadcast_in_dim3A_1234 = arith.constant 86 : i32
        %broadcast_in_dim3A_1235 = vector.broadcast %broadcast_in_dim3A_1234 : i32 to vector<16xi32>
        %gather3A_1236 = tpu.vector_load_idx %arg20[%add3A_71, %broadcast_in_dim3A_1235] : memref<64x128xf32, #tpu.memory_space<vmem>>[vector<16xi32>, vector<16xi32>], vector<16xf32>,
        %mul3A_1237 = arith.mulf %exp3A_679, %gather3A_1236 : vector<16xf32>
        tpu.vector_store_idx %arg20[%add3A_71, %broadcast_in_dim3A_1235], %mul3A_1237 : memref<64x128xf32, #tpu.memory_space<vmem>>[vector<16xi32>, vector<16xi32>], vector<16xf32>,
        %broadcast_in_dim3A_1238 = arith.constant 87 : i32
        %broadcast_in_dim3A_1239 = vector.broadcast %broadcast_in_dim3A_1238 : i32 to vector<16xi32>
        %gather3A_1240 = tpu.vector_load_idx %arg20[%add3A_71, %broadcast_in_dim3A_1239] : memref<64x128xf32, #tpu.memory_space<vmem>>[vector<16xi32>, vector<16xi32>], vector<16xf32>,
        %mul3A_1241 = arith.mulf %exp3A_679, %gather3A_1240 : vector<16xf32>
        tpu.vector_store_idx %arg20[%add3A_71, %broadcast_in_dim3A_1239], %mul3A_1241 : memref<64x128xf32, #tpu.memory_space<vmem>>[vector<16xi32>, vector<16xi32>], vector<16xf32>,
        %broadcast_in_dim3A_1242 = arith.constant 88 : i32
        %broadcast_in_dim3A_1243 = vector.broadcast %broadcast_in_dim3A_1242 : i32 to vector<16xi32>
        %gather3A_1244 = tpu.vector_load_idx %arg20[%add3A_71, %broadcast_in_dim3A_1243] : memref<64x128xf32, #tpu.memory_space<vmem>>[vector<16xi32>, vector<16xi32>], vector<16xf32>,
        %mul3A_1245 = arith.mulf %exp3A_679, %gather3A_1244 : vector<16xf32>
        tpu.vector_store_idx %arg20[%add3A_71, %broadcast_in_dim3A_1243], %mul3A_1245 : memref<64x128xf32, #tpu.memory_space<vmem>>[vector<16xi32>, vector<16xi32>], vector<16xf32>,
        %broadcast_in_dim3A_1246 = arith.constant 89 : i32
        %broadcast_in_dim3A_1247 = vector.broadcast %broadcast_in_dim3A_1246 : i32 to vector<16xi32>
        %gather3A_1248 = tpu.vector_load_idx %arg20[%add3A_71, %broadcast_in_dim3A_1247] : memref<64x128xf32, #tpu.memory_space<vmem>>[vector<16xi32>, vector<16xi32>], vector<16xf32>,
        %mul3A_1249 = arith.mulf %exp3A_679, %gather3A_1248 : vector<16xf32>
        tpu.vector_store_idx %arg20[%add3A_71, %broadcast_in_dim3A_1247], %mul3A_1249 : memref<64x128xf32, #tpu.memory_space<vmem>>[vector<16xi32>, vector<16xi32>], vector<16xf32>,
        %broadcast_in_dim3A_1250 = arith.constant 90 : i32
        %broadcast_in_dim3A_1251 = vector.broadcast %broadcast_in_dim3A_1250 : i32 to vector<16xi32>
        %gather3A_1252 = tpu.vector_load_idx %arg20[%add3A_71, %broadcast_in_dim3A_1251] : memref<64x128xf32, #tpu.memory_space<vmem>>[vector<16xi32>, vector<16xi32>], vector<16xf32>,
        %mul3A_1253 = arith.mulf %exp3A_679, %gather3A_1252 : vector<16xf32>
        tpu.vector_store_idx %arg20[%add3A_71, %broadcast_in_dim3A_1251], %mul3A_1253 : memref<64x128xf32, #tpu.memory_space<vmem>>[vector<16xi32>, vector<16xi32>], vector<16xf32>,
        %broadcast_in_dim3A_1254 = arith.constant 91 : i32
        %broadcast_in_dim3A_1255 = vector.broadcast %broadcast_in_dim3A_1254 : i32 to vector<16xi32>
        %gather3A_1256 = tpu.vector_load_idx %arg20[%add3A_71, %broadcast_in_dim3A_1255] : memref<64x128xf32, #tpu.memory_space<vmem>>[vector<16xi32>, vector<16xi32>], vector<16xf32>,
        %mul3A_1257 = arith.mulf %exp3A_679, %gather3A_1256 : vector<16xf32>
        tpu.vector_store_idx %arg20[%add3A_71, %broadcast_in_dim3A_1255], %mul3A_1257 : memref<64x128xf32, #tpu.memory_space<vmem>>[vector<16xi32>, vector<16xi32>], vector<16xf32>,
        %broadcast_in_dim3A_1258 = arith.constant 92 : i32
        %broadcast_in_dim3A_1259 = vector.broadcast %broadcast_in_dim3A_1258 : i32 to vector<16xi32>
        %gather3A_1260 = tpu.vector_load_idx %arg20[%add3A_71, %broadcast_in_dim3A_1259] : memref<64x128xf32, #tpu.memory_space<vmem>>[vector<16xi32>, vector<16xi32>], vector<16xf32>,
        %mul3A_1261 = arith.mulf %exp3A_679, %gather3A_1260 : vector<16xf32>
        tpu.vector_store_idx %arg20[%add3A_71, %broadcast_in_dim3A_1259], %mul3A_1261 : memref<64x128xf32, #tpu.memory_space<vmem>>[vector<16xi32>, vector<16xi32>], vector<16xf32>,
        %broadcast_in_dim3A_1262 = arith.constant 93 : i32
        %broadcast_in_dim3A_1263 = vector.broadcast %broadcast_in_dim3A_1262 : i32 to vector<16xi32>
        %gather3A_1264 = tpu.vector_load_idx %arg20[%add3A_71, %broadcast_in_dim3A_1263] : memref<64x128xf32, #tpu.memory_space<vmem>>[vector<16xi32>, vector<16xi32>], vector<16xf32>,
        %mul3A_1265 = arith.mulf %exp3A_679, %gather3A_1264 : vector<16xf32>
        tpu.vector_store_idx %arg20[%add3A_71, %broadcast_in_dim3A_1263], %mul3A_1265 : memref<64x128xf32, #tpu.memory_space<vmem>>[vector<16xi32>, vector<16xi32>], vector<16xf32>,
        %broadcast_in_dim3A_1266 = arith.constant 94 : i32
        %broadcast_in_dim3A_1267 = vector.broadcast %broadcast_in_dim3A_1266 : i32 to vector<16xi32>
        %gather3A_1268 = tpu.vector_load_idx %arg20[%add3A_71, %broadcast_in_dim3A_1267] : memref<64x128xf32, #tpu.memory_space<vmem>>[vector<16xi32>, vector<16xi32>], vector<16xf32>,
        %mul3A_1269 = arith.mulf %exp3A_679, %gather3A_1268 : vector<16xf32>
        tpu.vector_store_idx %arg20[%add3A_71, %broadcast_in_dim3A_1267], %mul3A_1269 : memref<64x128xf32, #tpu.memory_space<vmem>>[vector<16xi32>, vector<16xi32>], vector<16xf32>,
        %broadcast_in_dim3A_1270 = arith.constant 95 : i32
        %broadcast_in_dim3A_1271 = vector.broadcast %broadcast_in_dim3A_1270 : i32 to vector<16xi32>
        %gather3A_1272 = tpu.vector_load_idx %arg20[%add3A_71, %broadcast_in_dim3A_1271] : memref<64x128xf32, #tpu.memory_space<vmem>>[vector<16xi32>, vector<16xi32>], vector<16xf32>,
        %mul3A_1273 = arith.mulf %exp3A_679, %gather3A_1272 : vector<16xf32>
        tpu.vector_store_idx %arg20[%add3A_71, %broadcast_in_dim3A_1271], %mul3A_1273 : memref<64x128xf32, #tpu.memory_space<vmem>>[vector<16xi32>, vector<16xi32>], vector<16xf32>,
        %broadcast_in_dim3A_1274 = arith.constant 96 : i32
        %broadcast_in_dim3A_1275 = vector.broadcast %broadcast_in_dim3A_1274 : i32 to vector<16xi32>
        %gather3A_1276 = tpu.vector_load_idx %arg20[%add3A_71, %broadcast_in_dim3A_1275] : memref<64x128xf32, #tpu.memory_space<vmem>>[vector<16xi32>, vector<16xi32>], vector<16xf32>,
        %mul3A_1277 = arith.mulf %exp3A_884, %gather3A_1276 : vector<16xf32>
        tpu.vector_store_idx %arg20[%add3A_71, %broadcast_in_dim3A_1275], %mul3A_1277 : memref<64x128xf32, #tpu.memory_space<vmem>>[vector<16xi32>, vector<16xi32>], vector<16xf32>,
        %broadcast_in_dim3A_1278 = arith.constant 97 : i32
        %broadcast_in_dim3A_1279 = vector.broadcast %broadcast_in_dim3A_1278 : i32 to vector<16xi32>
        %gather3A_1280 = tpu.vector_load_idx %arg20[%add3A_71, %broadcast_in_dim3A_1279] : memref<64x128xf32, #tpu.memory_space<vmem>>[vector<16xi32>, vector<16xi32>], vector<16xf32>,
        %mul3A_1281 = arith.mulf %exp3A_884, %gather3A_1280 : vector<16xf32>
        tpu.vector_store_idx %arg20[%add3A_71, %broadcast_in_dim3A_1279], %mul3A_1281 : memref<64x128xf32, #tpu.memory_space<vmem>>[vector<16xi32>, vector<16xi32>], vector<16xf32>,
        %broadcast_in_dim3A_1282 = arith.constant 98 : i32
        %broadcast_in_dim3A_1283 = vector.broadcast %broadcast_in_dim3A_1282 : i32 to vector<16xi32>
        %gather3A_1284 = tpu.vector_load_idx %arg20[%add3A_71, %broadcast_in_dim3A_1283] : memref<64x128xf32, #tpu.memory_space<vmem>>[vector<16xi32>, vector<16xi32>], vector<16xf32>,
        %mul3A_1285 = arith.mulf %exp3A_884, %gather3A_1284 : vector<16xf32>
        tpu.vector_store_idx %arg20[%add3A_71, %broadcast_in_dim3A_1283], %mul3A_1285 : memref<64x128xf32, #tpu.memory_space<vmem>>[vector<16xi32>, vector<16xi32>], vector<16xf32>,
        %broadcast_in_dim3A_1286 = arith.constant 99 : i32
        %broadcast_in_dim3A_1287 = vector.broadcast %broadcast_in_dim3A_1286 : i32 to vector<16xi32>
        %gather3A_1288 = tpu.vector_load_idx %arg20[%add3A_71, %broadcast_in_dim3A_1287] : memref<64x128xf32, #tpu.memory_space<vmem>>[vector<16xi32>, vector<16xi32>], vector<16xf32>,
        %mul3A_1289 = arith.mulf %exp3A_884, %gather3A_1288 : vector<16xf32>
        tpu.vector_store_idx %arg20[%add3A_71, %broadcast_in_dim3A_1287], %mul3A_1289 : memref<64x128xf32, #tpu.memory_space<vmem>>[vector<16xi32>, vector<16xi32>], vector<16xf32>,
        %broadcast_in_dim3A_1290 = arith.constant 100 : i32
        %broadcast_in_dim3A_1291 = vector.broadcast %broadcast_in_dim3A_1290 : i32 to vector<16xi32>
        %gather3A_1292 = tpu.vector_load_idx %arg20[%add3A_71, %broadcast_in_dim3A_1291] : memref<64x128xf32, #tpu.memory_space<vmem>>[vector<16xi32>, vector<16xi32>], vector<16xf32>,
        %mul3A_1293 = arith.mulf %exp3A_884, %gather3A_1292 : vector<16xf32>
        tpu.vector_store_idx %arg20[%add3A_71, %broadcast_in_dim3A_1291], %mul3A_1293 : memref<64x128xf32, #tpu.memory_space<vmem>>[vector<16xi32>, vector<16xi32>], vector<16xf32>,
        %broadcast_in_dim3A_1294 = arith.constant 101 : i32
        %broadcast_in_dim3A_1295 = vector.broadcast %broadcast_in_dim3A_1294 : i32 to vector<16xi32>
        %gather3A_1296 = tpu.vector_load_idx %arg20[%add3A_71, %broadcast_in_dim3A_1295] : memref<64x128xf32, #tpu.memory_space<vmem>>[vector<16xi32>, vector<16xi32>], vector<16xf32>,
        %mul3A_1297 = arith.mulf %exp3A_884, %gather3A_1296 : vector<16xf32>
        tpu.vector_store_idx %arg20[%add3A_71, %broadcast_in_dim3A_1295], %mul3A_1297 : memref<64x128xf32, #tpu.memory_space<vmem>>[vector<16xi32>, vector<16xi32>], vector<16xf32>,
        %broadcast_in_dim3A_1298 = arith.constant 102 : i32
        %broadcast_in_dim3A_1299 = vector.broadcast %broadcast_in_dim3A_1298 : i32 to vector<16xi32>
        %gather3A_1300 = tpu.vector_load_idx %arg20[%add3A_71, %broadcast_in_dim3A_1299] : memref<64x128xf32, #tpu.memory_space<vmem>>[vector<16xi32>, vector<16xi32>], vector<16xf32>,
        %mul3A_1301 = arith.mulf %exp3A_884, %gather3A_1300 : vector<16xf32>
        tpu.vector_store_idx %arg20[%add3A_71, %broadcast_in_dim3A_1299], %mul3A_1301 : memref<64x128xf32, #tpu.memory_space<vmem>>[vector<16xi32>, vector<16xi32>], vector<16xf32>,
        %broadcast_in_dim3A_1302 = arith.constant 103 : i32
        %broadcast_in_dim3A_1303 = vector.broadcast %broadcast_in_dim3A_1302 : i32 to vector<16xi32>
        %gather3A_1304 = tpu.vector_load_idx %arg20[%add3A_71, %broadcast_in_dim3A_1303] : memref<64x128xf32, #tpu.memory_space<vmem>>[vector<16xi32>, vector<16xi32>], vector<16xf32>,
        %mul3A_1305 = arith.mulf %exp3A_884, %gather3A_1304 : vector<16xf32>
        tpu.vector_store_idx %arg20[%add3A_71, %broadcast_in_dim3A_1303], %mul3A_1305 : memref<64x128xf32, #tpu.memory_space<vmem>>[vector<16xi32>, vector<16xi32>], vector<16xf32>,
        %broadcast_in_dim3A_1306 = arith.constant 104 : i32
        %broadcast_in_dim3A_1307 = vector.broadcast %broadcast_in_dim3A_1306 : i32 to vector<16xi32>
        %gather3A_1308 = tpu.vector_load_idx %arg20[%add3A_71, %broadcast_in_dim3A_1307] : memref<64x128xf32, #tpu.memory_space<vmem>>[vector<16xi32>, vector<16xi32>], vector<16xf32>,
        %mul3A_1309 = arith.mulf %exp3A_884, %gather3A_1308 : vector<16xf32>
        tpu.vector_store_idx %arg20[%add3A_71, %broadcast_in_dim3A_1307], %mul3A_1309 : memref<64x128xf32, #tpu.memory_space<vmem>>[vector<16xi32>, vector<16xi32>], vector<16xf32>,
        %broadcast_in_dim3A_1310 = arith.constant 105 : i32
        %broadcast_in_dim3A_1311 = vector.broadcast %broadcast_in_dim3A_1310 : i32 to vector<16xi32>
        %gather3A_1312 = tpu.vector_load_idx %arg20[%add3A_71, %broadcast_in_dim3A_1311] : memref<64x128xf32, #tpu.memory_space<vmem>>[vector<16xi32>, vector<16xi32>], vector<16xf32>,
        %mul3A_1313 = arith.mulf %exp3A_884, %gather3A_1312 : vector<16xf32>
        tpu.vector_store_idx %arg20[%add3A_71, %broadcast_in_dim3A_1311], %mul3A_1313 : memref<64x128xf32, #tpu.memory_space<vmem>>[vector<16xi32>, vector<16xi32>], vector<16xf32>,
        %broadcast_in_dim3A_1314 = arith.constant 106 : i32
        %broadcast_in_dim3A_1315 = vector.broadcast %broadcast_in_dim3A_1314 : i32 to vector<16xi32>
        %gather3A_1316 = tpu.vector_load_idx %arg20[%add3A_71, %broadcast_in_dim3A_1315] : memref<64x128xf32, #tpu.memory_space<vmem>>[vector<16xi32>, vector<16xi32>], vector<16xf32>,
        %mul3A_1317 = arith.mulf %exp3A_884, %gather3A_1316 : vector<16xf32>
        tpu.vector_store_idx %arg20[%add3A_71, %broadcast_in_dim3A_1315], %mul3A_1317 : memref<64x128xf32, #tpu.memory_space<vmem>>[vector<16xi32>, vector<16xi32>], vector<16xf32>,
        %broadcast_in_dim3A_1318 = arith.constant 107 : i32
        %broadcast_in_dim3A_1319 = vector.broadcast %broadcast_in_dim3A_1318 : i32 to vector<16xi32>
        %gather3A_1320 = tpu.vector_load_idx %arg20[%add3A_71, %broadcast_in_dim3A_1319] : memref<64x128xf32, #tpu.memory_space<vmem>>[vector<16xi32>, vector<16xi32>], vector<16xf32>,
        %mul3A_1321 = arith.mulf %exp3A_884, %gather3A_1320 : vector<16xf32>
        tpu.vector_store_idx %arg20[%add3A_71, %broadcast_in_dim3A_1319], %mul3A_1321 : memref<64x128xf32, #tpu.memory_space<vmem>>[vector<16xi32>, vector<16xi32>], vector<16xf32>,
        %broadcast_in_dim3A_1322 = arith.constant 108 : i32
        %broadcast_in_dim3A_1323 = vector.broadcast %broadcast_in_dim3A_1322 : i32 to vector<16xi32>
        %gather3A_1324 = tpu.vector_load_idx %arg20[%add3A_71, %broadcast_in_dim3A_1323] : memref<64x128xf32, #tpu.memory_space<vmem>>[vector<16xi32>, vector<16xi32>], vector<16xf32>,
        %mul3A_1325 = arith.mulf %exp3A_884, %gather3A_1324 : vector<16xf32>
        tpu.vector_store_idx %arg20[%add3A_71, %broadcast_in_dim3A_1323], %mul3A_1325 : memref<64x128xf32, #tpu.memory_space<vmem>>[vector<16xi32>, vector<16xi32>], vector<16xf32>,
        %broadcast_in_dim3A_1326 = arith.constant 109 : i32
        %broadcast_in_dim3A_1327 = vector.broadcast %broadcast_in_dim3A_1326 : i32 to vector<16xi32>
        %gather3A_1328 = tpu.vector_load_idx %arg20[%add3A_71, %broadcast_in_dim3A_1327] : memref<64x128xf32, #tpu.memory_space<vmem>>[vector<16xi32>, vector<16xi32>], vector<16xf32>,
        %mul3A_1329 = arith.mulf %exp3A_884, %gather3A_1328 : vector<16xf32>
        tpu.vector_store_idx %arg20[%add3A_71, %broadcast_in_dim3A_1327], %mul3A_1329 : memref<64x128xf32, #tpu.memory_space<vmem>>[vector<16xi32>, vector<16xi32>], vector<16xf32>,
        %broadcast_in_dim3A_1330 = arith.constant 110 : i32
        %broadcast_in_dim3A_1331 = vector.broadcast %broadcast_in_dim3A_1330 : i32 to vector<16xi32>
        %gather3A_1332 = tpu.vector_load_idx %arg20[%add3A_71, %broadcast_in_dim3A_1331] : memref<64x128xf32, #tpu.memory_space<vmem>>[vector<16xi32>, vector<16xi32>], vector<16xf32>,
        %mul3A_1333 = arith.mulf %exp3A_884, %gather3A_1332 : vector<16xf32>
        tpu.vector_store_idx %arg20[%add3A_71, %broadcast_in_dim3A_1331], %mul3A_1333 : memref<64x128xf32, #tpu.memory_space<vmem>>[vector<16xi32>, vector<16xi32>], vector<16xf32>,
        %broadcast_in_dim3A_1334 = arith.constant 111 : i32
        %broadcast_in_dim3A_1335 = vector.broadcast %broadcast_in_dim3A_1334 : i32 to vector<16xi32>
        %gather3A_1336 = tpu.vector_load_idx %arg20[%add3A_71, %broadcast_in_dim3A_1335] : memref<64x128xf32, #tpu.memory_space<vmem>>[vector<16xi32>, vector<16xi32>], vector<16xf32>,
        %mul3A_1337 = arith.mulf %exp3A_884, %gather3A_1336 : vector<16xf32>
        tpu.vector_store_idx %arg20[%add3A_71, %broadcast_in_dim3A_1335], %mul3A_1337 : memref<64x128xf32, #tpu.memory_space<vmem>>[vector<16xi32>, vector<16xi32>], vector<16xf32>,
        %broadcast_in_dim3A_1338 = arith.constant 112 : i32
        %broadcast_in_dim3A_1339 = vector.broadcast %broadcast_in_dim3A_1338 : i32 to vector<16xi32>
        %gather3A_1340 = tpu.vector_load_idx %arg20[%add3A_71, %broadcast_in_dim3A_1339] : memref<64x128xf32, #tpu.memory_space<vmem>>[vector<16xi32>, vector<16xi32>], vector<16xf32>,
        %mul3A_1341 = arith.mulf %exp3A_884, %gather3A_1340 : vector<16xf32>
        tpu.vector_store_idx %arg20[%add3A_71, %broadcast_in_dim3A_1339], %mul3A_1341 : memref<64x128xf32, #tpu.memory_space<vmem>>[vector<16xi32>, vector<16xi32>], vector<16xf32>,
        %broadcast_in_dim3A_1342 = arith.constant 113 : i32
        %broadcast_in_dim3A_1343 = vector.broadcast %broadcast_in_dim3A_1342 : i32 to vector<16xi32>
        %gather3A_1344 = tpu.vector_load_idx %arg20[%add3A_71, %broadcast_in_dim3A_1343] : memref<64x128xf32, #tpu.memory_space<vmem>>[vector<16xi32>, vector<16xi32>], vector<16xf32>,
        %mul3A_1345 = arith.mulf %exp3A_884, %gather3A_1344 : vector<16xf32>
        tpu.vector_store_idx %arg20[%add3A_71, %broadcast_in_dim3A_1343], %mul3A_1345 : memref<64x128xf32, #tpu.memory_space<vmem>>[vector<16xi32>, vector<16xi32>], vector<16xf32>,
        %broadcast_in_dim3A_1346 = arith.constant 114 : i32
        %broadcast_in_dim3A_1347 = vector.broadcast %broadcast_in_dim3A_1346 : i32 to vector<16xi32>
        %gather3A_1348 = tpu.vector_load_idx %arg20[%add3A_71, %broadcast_in_dim3A_1347] : memref<64x128xf32, #tpu.memory_space<vmem>>[vector<16xi32>, vector<16xi32>], vector<16xf32>,
        %mul3A_1349 = arith.mulf %exp3A_884, %gather3A_1348 : vector<16xf32>
        tpu.vector_store_idx %arg20[%add3A_71, %broadcast_in_dim3A_1347], %mul3A_1349 : memref<64x128xf32, #tpu.memory_space<vmem>>[vector<16xi32>, vector<16xi32>], vector<16xf32>,
        %broadcast_in_dim3A_1350 = arith.constant 115 : i32
        %broadcast_in_dim3A_1351 = vector.broadcast %broadcast_in_dim3A_1350 : i32 to vector<16xi32>
        %gather3A_1352 = tpu.vector_load_idx %arg20[%add3A_71, %broadcast_in_dim3A_1351] : memref<64x128xf32, #tpu.memory_space<vmem>>[vector<16xi32>, vector<16xi32>], vector<16xf32>,
        %mul3A_1353 = arith.mulf %exp3A_884, %gather3A_1352 : vector<16xf32>
        tpu.vector_store_idx %arg20[%add3A_71, %broadcast_in_dim3A_1351], %mul3A_1353 : memref<64x128xf32, #tpu.memory_space<vmem>>[vector<16xi32>, vector<16xi32>], vector<16xf32>,
        %broadcast_in_dim3A_1354 = arith.constant 116 : i32
        %broadcast_in_dim3A_1355 = vector.broadcast %broadcast_in_dim3A_1354 : i32 to vector<16xi32>
        %gather3A_1356 = tpu.vector_load_idx %arg20[%add3A_71, %broadcast_in_dim3A_1355] : memref<64x128xf32, #tpu.memory_space<vmem>>[vector<16xi32>, vector<16xi32>], vector<16xf32>,
        %mul3A_1357 = arith.mulf %exp3A_884, %gather3A_1356 : vector<16xf32>
        tpu.vector_store_idx %arg20[%add3A_71, %broadcast_in_dim3A_1355], %mul3A_1357 : memref<64x128xf32, #tpu.memory_space<vmem>>[vector<16xi32>, vector<16xi32>], vector<16xf32>,
        %broadcast_in_dim3A_1358 = arith.constant 117 : i32
        %broadcast_in_dim3A_1359 = vector.broadcast %broadcast_in_dim3A_1358 : i32 to vector<16xi32>
        %gather3A_1360 = tpu.vector_load_idx %arg20[%add3A_71, %broadcast_in_dim3A_1359] : memref<64x128xf32, #tpu.memory_space<vmem>>[vector<16xi32>, vector<16xi32>], vector<16xf32>,
        %mul3A_1361 = arith.mulf %exp3A_884, %gather3A_1360 : vector<16xf32>
        tpu.vector_store_idx %arg20[%add3A_71, %broadcast_in_dim3A_1359], %mul3A_1361 : memref<64x128xf32, #tpu.memory_space<vmem>>[vector<16xi32>, vector<16xi32>], vector<16xf32>,
        %broadcast_in_dim3A_1362 = arith.constant 118 : i32
        %broadcast_in_dim3A_1363 = vector.broadcast %broadcast_in_dim3A_1362 : i32 to vector<16xi32>
        %gather3A_1364 = tpu.vector_load_idx %arg20[%add3A_71, %broadcast_in_dim3A_1363] : memref<64x128xf32, #tpu.memory_space<vmem>>[vector<16xi32>, vector<16xi32>], vector<16xf32>,
        %mul3A_1365 = arith.mulf %exp3A_884, %gather3A_1364 : vector<16xf32>
        tpu.vector_store_idx %arg20[%add3A_71, %broadcast_in_dim3A_1363], %mul3A_1365 : memref<64x128xf32, #tpu.memory_space<vmem>>[vector<16xi32>, vector<16xi32>], vector<16xf32>,
        %broadcast_in_dim3A_1366 = arith.constant 119 : i32
        %broadcast_in_dim3A_1367 = vector.broadcast %broadcast_in_dim3A_1366 : i32 to vector<16xi32>
        %gather3A_1368 = tpu.vector_load_idx %arg20[%add3A_71, %broadcast_in_dim3A_1367] : memref<64x128xf32, #tpu.memory_space<vmem>>[vector<16xi32>, vector<16xi32>], vector<16xf32>,
        %mul3A_1369 = arith.mulf %exp3A_884, %gather3A_1368 : vector<16xf32>
        tpu.vector_store_idx %arg20[%add3A_71, %broadcast_in_dim3A_1367], %mul3A_1369 : memref<64x128xf32, #tpu.memory_space<vmem>>[vector<16xi32>, vector<16xi32>], vector<16xf32>,
        %broadcast_in_dim3A_1370 = arith.constant 120 : i32
        %broadcast_in_dim3A_1371 = vector.broadcast %broadcast_in_dim3A_1370 : i32 to vector<16xi32>
        %gather3A_1372 = tpu.vector_load_idx %arg20[%add3A_71, %broadcast_in_dim3A_1371] : memref<64x128xf32, #tpu.memory_space<vmem>>[vector<16xi32>, vector<16xi32>], vector<16xf32>,
        %mul3A_1373 = arith.mulf %exp3A_884, %gather3A_1372 : vector<16xf32>
        tpu.vector_store_idx %arg20[%add3A_71, %broadcast_in_dim3A_1371], %mul3A_1373 : memref<64x128xf32, #tpu.memory_space<vmem>>[vector<16xi32>, vector<16xi32>], vector<16xf32>,
        %broadcast_in_dim3A_1374 = arith.constant 121 : i32
        %broadcast_in_dim3A_1375 = vector.broadcast %broadcast_in_dim3A_1374 : i32 to vector<16xi32>
        %gather3A_1376 = tpu.vector_load_idx %arg20[%add3A_71, %broadcast_in_dim3A_1375] : memref<64x128xf32, #tpu.memory_space<vmem>>[vector<16xi32>, vector<16xi32>], vector<16xf32>,
        %mul3A_1377 = arith.mulf %exp3A_884, %gather3A_1376 : vector<16xf32>
        tpu.vector_store_idx %arg20[%add3A_71, %broadcast_in_dim3A_1375], %mul3A_1377 : memref<64x128xf32, #tpu.memory_space<vmem>>[vector<16xi32>, vector<16xi32>], vector<16xf32>,
        %broadcast_in_dim3A_1378 = arith.constant 122 : i32
        %broadcast_in_dim3A_1379 = vector.broadcast %broadcast_in_dim3A_1378 : i32 to vector<16xi32>
        %gather3A_1380 = tpu.vector_load_idx %arg20[%add3A_71, %broadcast_in_dim3A_1379] : memref<64x128xf32, #tpu.memory_space<vmem>>[vector<16xi32>, vector<16xi32>], vector<16xf32>,
        %mul3A_1381 = arith.mulf %exp3A_884, %gather3A_1380 : vector<16xf32>
        tpu.vector_store_idx %arg20[%add3A_71, %broadcast_in_dim3A_1379], %mul3A_1381 : memref<64x128xf32, #tpu.memory_space<vmem>>[vector<16xi32>, vector<16xi32>], vector<16xf32>,
        %broadcast_in_dim3A_1382 = arith.constant 123 : i32
        %broadcast_in_dim3A_1383 = vector.broadcast %broadcast_in_dim3A_1382 : i32 to vector<16xi32>
        %gather3A_1384 = tpu.vector_load_idx %arg20[%add3A_71, %broadcast_in_dim3A_1383] : memref<64x128xf32, #tpu.memory_space<vmem>>[vector<16xi32>, vector<16xi32>], vector<16xf32>,
        %mul3A_1385 = arith.mulf %exp3A_884, %gather3A_1384 : vector<16xf32>
        tpu.vector_store_idx %arg20[%add3A_71, %broadcast_in_dim3A_1383], %mul3A_1385 : memref<64x128xf32, #tpu.memory_space<vmem>>[vector<16xi32>, vector<16xi32>], vector<16xf32>,
        %broadcast_in_dim3A_1386 = arith.constant 124 : i32
        %broadcast_in_dim3A_1387 = vector.broadcast %broadcast_in_dim3A_1386 : i32 to vector<16xi32>
        %gather3A_1388 = tpu.vector_load_idx %arg20[%add3A_71, %broadcast_in_dim3A_1387] : memref<64x128xf32, #tpu.memory_space<vmem>>[vector<16xi32>, vector<16xi32>], vector<16xf32>,
        %mul3A_1389 = arith.mulf %exp3A_884, %gather3A_1388 : vector<16xf32>
        tpu.vector_store_idx %arg20[%add3A_71, %broadcast_in_dim3A_1387], %mul3A_1389 : memref<64x128xf32, #tpu.memory_space<vmem>>[vector<16xi32>, vector<16xi32>], vector<16xf32>,
        %broadcast_in_dim3A_1390 = arith.constant 125 : i32
        %broadcast_in_dim3A_1391 = vector.broadcast %broadcast_in_dim3A_1390 : i32 to vector<16xi32>
        %gather3A_1392 = tpu.vector_load_idx %arg20[%add3A_71, %broadcast_in_dim3A_1391] : memref<64x128xf32, #tpu.memory_space<vmem>>[vector<16xi32>, vector<16xi32>], vector<16xf32>,
        %mul3A_1393 = arith.mulf %exp3A_884, %gather3A_1392 : vector<16xf32>
        tpu.vector_store_idx %arg20[%add3A_71, %broadcast_in_dim3A_1391], %mul3A_1393 : memref<64x128xf32, #tpu.memory_space<vmem>>[vector<16xi32>, vector<16xi32>], vector<16xf32>,
        %broadcast_in_dim3A_1394 = arith.constant 126 : i32
        %broadcast_in_dim3A_1395 = vector.broadcast %broadcast_in_dim3A_1394 : i32 to vector<16xi32>
        %gather3A_1396 = tpu.vector_load_idx %arg20[%add3A_71, %broadcast_in_dim3A_1395] : memref<64x128xf32, #tpu.memory_space<vmem>>[vector<16xi32>, vector<16xi32>], vector<16xf32>,
        %mul3A_1397 = arith.mulf %exp3A_884, %gather3A_1396 : vector<16xf32>
        tpu.vector_store_idx %arg20[%add3A_71, %broadcast_in_dim3A_1395], %mul3A_1397 : memref<64x128xf32, #tpu.memory_space<vmem>>[vector<16xi32>, vector<16xi32>], vector<16xf32>,
        %broadcast_in_dim3A_1398 = arith.constant 127 : i32
        %broadcast_in_dim3A_1399 = vector.broadcast %broadcast_in_dim3A_1398 : i32 to vector<16xi32>
        %gather3A_1400 = tpu.vector_load_idx %arg20[%add3A_71, %broadcast_in_dim3A_1399] : memref<64x128xf32, #tpu.memory_space<vmem>>[vector<16xi32>, vector<16xi32>], vector<16xf32>,
        %mul3A_1401 = arith.mulf %exp3A_884, %gather3A_1400 : vector<16xf32>
        tpu.vector_store_idx %arg20[%add3A_71, %broadcast_in_dim3A_1399], %mul3A_1401 : memref<64x128xf32, #tpu.memory_space<vmem>>[vector<16xi32>, vector<16xi32>], vector<16xf32>,
      }
      %scan3A_54 = arith.constant 4 : i32
      %dma_start3A_55 = arith.constant 0 : i32
      %dma_start3A_56 = arith.constant 0 : i32
      %dma_start3A_57 = tpu.memref_slice %arg13[%dma_start3A_55, %dma_start3A_56] : memref<10240x128xf32, #tpu.memory_space<vmem_shared>> -> memref<10240x128xf32, #tpu.memory_space<vmem_shared>>
      tpu.enqueue_indirect_dma source(%arg20 : memref<64x128xf32, #tpu.memory_space<vmem>>) target(%dma_start3A_57 : memref<10240x128xf32, #tpu.memory_space<vmem_shared>>) offsets(%arg16 : memref<64xi32, #tpu.memory_space<vmem>>) semaphore(%arg23 : memref<!tpu.dma_semaphore, #tpu.memory_space<semaphore_mem>>) {add = true}
      %dma_start3A_58 = arith.constant 0 : i32
      %dma_start3A_59 = arith.constant 0 : i32
      %dma_start3A_60 = tpu.memref_slice %arg14[%dma_start3A_58, %dma_start3A_59] : memref<10240x8xf32, #tpu.memory_space<vmem_shared>> -> memref<10240x8xf32, #tpu.memory_space<vmem_shared>>
      tpu.enqueue_indirect_dma source(%arg22 : memref<64x8xf32, #tpu.memory_space<vmem>>) target(%dma_start3A_60 : memref<10240x8xf32, #tpu.memory_space<vmem_shared>>) offsets(%arg16 : memref<64xi32, #tpu.memory_space<vmem>>) semaphore(%arg24 : memref<!tpu.dma_semaphore, #tpu.memory_space<semaphore_mem>>) {add = true}
      %dma_wait3A_61 = arith.constant 0 : i32
      %dma_wait3A_62 = arith.constant 0 : i32
      %dma_wait3A_63 = tpu.memref_slice %arg13[%dma_wait3A_61, %dma_wait3A_62] : memref<10240x128xf32, #tpu.memory_space<vmem_shared>> -> memref<10240x128xf32, #tpu.memory_space<vmem_shared>>
      tpu.wait_indirect_dma semaphore(%arg23 : memref<!tpu.dma_semaphore, #tpu.memory_space<semaphore_mem>>) src(%arg20 : memref<64x128xf32, #tpu.memory_space<vmem>>) dst(%dma_wait3A_63 : memref<10240x128xf32, #tpu.memory_space<vmem_shared>>)
      %dma_wait3A_64 = arith.constant 0 : i32
      %dma_wait3A_65 = arith.constant 0 : i32
      %dma_wait3A_66 = tpu.memref_slice %arg14[%dma_wait3A_64, %dma_wait3A_65] : memref<10240x8xf32, #tpu.memory_space<vmem_shared>> -> memref<10240x8xf32, #tpu.memory_space<vmem_shared>>
      tpu.wait_indirect_dma semaphore(%arg24 : memref<!tpu.dma_semaphore, #tpu.memory_space<semaphore_mem>>) src(%arg22 : memref<64x8xf32, #tpu.memory_space<vmem>>) dst(%dma_wait3A_66 : memref<10240x8xf32, #tpu.memory_space<vmem_shared>>)
    }
    %scan3A_9 = arith.constant 160 : i32
    %barrier3A_10 = arith.constant 0 : index
    tpu.barrier barrier_id(%barrier3A_10)
    "tpu.region"() ({
      %run_scoped3A = tpu.sem_alloc : memref<!tpu.dma_semaphore, #tpu.memory_space<semaphore_mem>>
      %dma_start3A = arith.constant 0 : i32
      %dma_start3A_11 = tpu.memref_slice %arg11[%arg0, %mul3A_2, %dma_start3A] : memref<2x10240x128xf32, #tpu.memory_space<hbm>> -> memref<1x640x128xf32, #tpu.memory_space<hbm>>
      %dma_start3A_12 = tpu.memref_squeeze %dma_start3A_11 : memref<1x640x128xf32, #tpu.memory_space<hbm>> -> memref<640x128xf32, #tpu.memory_space<hbm>>
      %dma_start3A_13 = arith.constant 0 : i32
      %dma_start3A_14 = tpu.memref_slice %arg13[%mul3A_2, %dma_start3A_13] : memref<10240x128xf32, #tpu.memory_space<vmem_shared>> -> memref<640x128xf32, #tpu.memory_space<vmem_shared>>
      tpu.enqueue_dma source(%dma_start3A_14 : memref<640x128xf32, #tpu.memory_space<vmem_shared>>) target(%dma_start3A_12 : memref<640x128xf32, #tpu.memory_space<hbm>>) target_semaphore(%run_scoped3A : memref<!tpu.dma_semaphore, #tpu.memory_space<semaphore_mem>>)
      %dma_wait3A = arith.constant 0 : i32
      %dma_wait3A_15 = tpu.memref_slice %arg11[%arg0, %mul3A_2, %dma_wait3A] : memref<2x10240x128xf32, #tpu.memory_space<hbm>> -> memref<1x640x128xf32, #tpu.memory_space<hbm>>
      %dma_wait3A_16 = tpu.memref_squeeze %dma_wait3A_15 : memref<1x640x128xf32, #tpu.memory_space<hbm>> -> memref<640x128xf32, #tpu.memory_space<hbm>>
      %dma_wait3A_17 = arith.constant 0 : i32
      %dma_wait3A_18 = tpu.memref_slice %arg13[%mul3A_2, %dma_wait3A_17] : memref<10240x128xf32, #tpu.memory_space<vmem_shared>> -> memref<640x128xf32, #tpu.memory_space<vmem_shared>>
      tpu.wait_dma2 semaphore(%run_scoped3A : memref<!tpu.dma_semaphore, #tpu.memory_space<semaphore_mem>>) src(%dma_wait3A_18 : memref<640x128xf32, #tpu.memory_space<vmem_shared>>) dst(%dma_wait3A_16 : memref<640x128xf32, #tpu.memory_space<hbm>>)
      tpu.yield
    }) : () -> ()
    "tpu.region"() ({
      %run_scoped3A = tpu.sem_alloc : memref<!tpu.dma_semaphore, #tpu.memory_space<semaphore_mem>>
      %dma_start3A = arith.constant 0 : i32
      %dma_start3A_11 = tpu.memref_slice %arg12[%arg0, %mul3A_2, %dma_start3A] : memref<2x10240x8xf32, #tpu.memory_space<hbm>> -> memref<1x640x8xf32, #tpu.memory_space<hbm>>
      %dma_start3A_12 = tpu.memref_squeeze %dma_start3A_11 : memref<1x640x8xf32, #tpu.memory_space<hbm>> -> memref<640x8xf32, #tpu.memory_space<hbm>>
      %dma_start3A_13 = arith.constant 0 : i32
      %dma_start3A_14 = tpu.memref_slice %arg14[%mul3A_2, %dma_start3A_13] : memref<10240x8xf32, #tpu.memory_space<vmem_shared>> -> memref<640x8xf32, #tpu.memory_space<vmem_shared>>
      tpu.enqueue_dma source(%dma_start3A_14 : memref<640x8xf32, #tpu.memory_space<vmem_shared>>) target(%dma_start3A_12 : memref<640x8xf32, #tpu.memory_space<hbm>>) target_semaphore(%run_scoped3A : memref<!tpu.dma_semaphore, #tpu.memory_space<semaphore_mem>>)
      %dma_wait3A = arith.constant 0 : i32
      %dma_wait3A_15 = tpu.memref_slice %arg12[%arg0, %mul3A_2, %dma_wait3A] : memref<2x10240x8xf32, #tpu.memory_space<hbm>> -> memref<1x640x8xf32, #tpu.memory_space<hbm>>
      %dma_wait3A_16 = tpu.memref_squeeze %dma_wait3A_15 : memref<1x640x8xf32, #tpu.memory_space<hbm>> -> memref<640x8xf32, #tpu.memory_space<hbm>>
      %dma_wait3A_17 = arith.constant 0 : i32
      %dma_wait3A_18 = tpu.memref_slice %arg14[%mul3A_2, %dma_wait3A_17] : memref<10240x8xf32, #tpu.memory_space<vmem_shared>> -> memref<640x8xf32, #tpu.memory_space<vmem_shared>>
      tpu.wait_dma2 semaphore(%run_scoped3A : memref<!tpu.dma_semaphore, #tpu.memory_space<semaphore_mem>>) src(%dma_wait3A_18 : memref<640x8xf32, #tpu.memory_space<vmem_shared>>) dst(%dma_wait3A_16 : memref<640x8xf32, #tpu.memory_space<hbm>>)
      tpu.yield
    }) : () -> ()
    return
  }
}

#map = affine_map<(d0, d1) -> (0, 0)>
#map1 = affine_map<(d0, d1) -> (0)>
#map2 = affine_map<(d0, d1) -> (0, 0, 0)>
module attributes {stable_mosaic.version = 14 : i64} {
  func.func @_edge2_body(%arg0: i32, %arg1: i32, %arg2: memref<10240x16xf32, #tpu.memory_space<hbm>>, %arg3: memref<327680xi32, #tpu.memory_space<hbm>>, %arg4: memref<327680xi32, #tpu.memory_space<hbm>>, %arg5: memref<327680xf32, #tpu.memory_space<hbm>>, %arg6: memref<16xf32, #tpu.memory_space<hbm>>, %arg7: memref<10240x16xf32, #tpu.memory_space<hbm>>, %arg8: memref<2x10240x16xf32, #tpu.memory_space<hbm>>, %arg9: memref<10240x16xf32, #tpu.memory_space<vmem_shared>>, %arg10: memref<128xi32, #tpu.memory_space<vmem>>, %arg11: memref<128xi32, #tpu.memory_space<vmem>>, %arg12: memref<128xf32, #tpu.memory_space<vmem>>, %arg13: memref<128x16xf32, #tpu.memory_space<vmem>>, %arg14: memref<128x16xf32, #tpu.memory_space<vmem>>, %arg15: memref<128x16xf32, #tpu.memory_space<vmem>>, %arg16: memref<16xf32, #tpu.memory_space<vmem>>, %arg17: memref<!tpu.dma_semaphore, #tpu.memory_space<semaphore_mem>>, %arg18: memref<!tpu.dma_semaphore, #tpu.memory_space<semaphore_mem>>) attributes {dimension_semantics = [#tpu.dimension_semantics<core_parallel>, #tpu.dimension_semantics<subcore_parallel>], iteration_bounds = array<i64: 2, 16>, scalar_prefetch = 0 : i64, scratch_operands = 10 : i64, tpu.core_type = #tpu.core_type<sc_vector_subcore>, window_params = [{transform_indices = #map}, {transform_indices = #map1}, {transform_indices = #map1}, {transform_indices = #map1}, {transform_indices = #map1}, {transform_indices = #map}, {transform_indices = #map2}]} {
    %mul3A = arith.constant 2 : i32
    %mul3A_0 = arith.muli %arg1, %mul3A : i32
    %add3A = arith.addi %mul3A_0, %arg0 : i32
    %mul3A_1 = arith.constant 640 : i32
    %mul3A_2 = arith.muli %arg1, %mul3A_1 : i32
    "tpu.region"() ({
      %run_scoped3A = tpu.sem_alloc : memref<!tpu.dma_semaphore, #tpu.memory_space<semaphore_mem>>
      %dma_start3A = arith.constant 0 : i32
      %dma_start3A_24 = tpu.memref_slice %arg9[%mul3A_2, %dma_start3A] : memref<10240x16xf32, #tpu.memory_space<vmem_shared>> -> memref<640x16xf32, #tpu.memory_space<vmem_shared>>
      %dma_start3A_25 = arith.constant 0 : i32
      %dma_start3A_26 = tpu.memref_slice %arg7[%mul3A_2, %dma_start3A_25] : memref<10240x16xf32, #tpu.memory_space<hbm>> -> memref<640x16xf32, #tpu.memory_space<hbm>>
      tpu.enqueue_dma source(%dma_start3A_26 : memref<640x16xf32, #tpu.memory_space<hbm>>) target(%dma_start3A_24 : memref<640x16xf32, #tpu.memory_space<vmem_shared>>) target_semaphore(%run_scoped3A : memref<!tpu.dma_semaphore, #tpu.memory_space<semaphore_mem>>)
      %dma_wait3A = arith.constant 0 : i32
      %dma_wait3A_27 = tpu.memref_slice %arg9[%mul3A_2, %dma_wait3A] : memref<10240x16xf32, #tpu.memory_space<vmem_shared>> -> memref<640x16xf32, #tpu.memory_space<vmem_shared>>
      %dma_wait3A_28 = arith.constant 0 : i32
      %dma_wait3A_29 = tpu.memref_slice %arg7[%mul3A_2, %dma_wait3A_28] : memref<10240x16xf32, #tpu.memory_space<hbm>> -> memref<640x16xf32, #tpu.memory_space<hbm>>
      tpu.wait_dma2 semaphore(%run_scoped3A : memref<!tpu.dma_semaphore, #tpu.memory_space<semaphore_mem>>) src(%dma_wait3A_29 : memref<640x16xf32, #tpu.memory_space<hbm>>) dst(%dma_wait3A_27 : memref<640x16xf32, #tpu.memory_space<vmem_shared>>)
      tpu.yield
    }) : () -> ()
    "tpu.region"() ({
      %run_scoped3A = tpu.sem_alloc : memref<!tpu.dma_semaphore, #tpu.memory_space<semaphore_mem>>
      tpu.enqueue_dma source(%arg6 : memref<16xf32, #tpu.memory_space<hbm>>) target(%arg16 : memref<16xf32, #tpu.memory_space<vmem>>) target_semaphore(%run_scoped3A : memref<!tpu.dma_semaphore, #tpu.memory_space<semaphore_mem>>)
      tpu.wait_dma2 semaphore(%run_scoped3A : memref<!tpu.dma_semaphore, #tpu.memory_space<semaphore_mem>>) src(%arg6 : memref<16xf32, #tpu.memory_space<hbm>>) dst(%arg16 : memref<16xf32, #tpu.memory_space<vmem>>)
      tpu.yield
    }) : () -> ()
    %broadcast_in_dim3A = arith.constant 0.000000e+00 : f32
    %broadcast_in_dim3A_3 = vector.broadcast %broadcast_in_dim3A : f32 to vector<16xf32>
    %scan3A = arith.constant 0 : i32
    %scan3A_4 = arith.constant 0 : i32
    %scan3A_5 = arith.constant 128 : i32
    %scan3A_6 = arith.addi %scan3A_4, %scan3A_5 : i32
    %scan3A_7 = arith.constant 1 : i32
    scf.for %scan3A_24 = %scan3A_4 to %scan3A_6 step %scan3A_7  : i32 {
      %swap3A = arith.index_cast %scan3A_24 : i32 to index
      %swap3A_25 = arith.constant 0 : index
      %swap3A_26 = tpu.vector_load %arg15[%swap3A, %swap3A_25] {strides = array<i32>} : memref<128x16xf32, #tpu.memory_space<vmem>>, vector<16xf32>,
      tpu.vector_store %arg15[%swap3A, %swap3A_25], %broadcast_in_dim3A_3 {strides = array<i32>} : memref<128x16xf32, #tpu.memory_space<vmem>>, vector<16xf32>,
    }
    %scan3A_8 = arith.constant 128 : i32
    %barrier3A = arith.constant 0 : index
    tpu.barrier barrier_id(%barrier3A)
    %mul3A_9 = arith.constant 10240 : i32
    %mul3A_10 = arith.muli %add3A, %mul3A_9 : i32
    %iota3A = tpu.iota {dimensions = array<i32: 0>} : vector<16xi32>
    %broadcast_in_dim3A_11 = arith.constant 0 : i32
    %broadcast_in_dim3A_12 = vector.broadcast %broadcast_in_dim3A_11 : i32 to vector<16xi32>
    %broadcast_in_dim3A_13 = arith.constant 1 : i32
    %broadcast_in_dim3A_14 = vector.broadcast %broadcast_in_dim3A_13 : i32 to vector<16xi32>
    %broadcast_in_dim3A_15 = arith.constant 2 : i32
    %broadcast_in_dim3A_16 = vector.broadcast %broadcast_in_dim3A_15 : i32 to vector<16xi32>
    %scan3A_17 = arith.constant 0 : i32
    %scan3A_18 = arith.constant 0 : i32
    %scan3A_19 = arith.constant 80 : i32
    %scan3A_20 = arith.addi %scan3A_18, %scan3A_19 : i32
    %scan3A_21 = arith.constant 1 : i32
    scf.for %scan3A_24 = %scan3A_18 to %scan3A_20 step %scan3A_21  : i32 {
      %mul3A_25 = arith.constant 128 : i32
      %mul3A_26 = arith.muli %scan3A_24, %mul3A_25 : i32
      %add3A_27 = arith.addi %mul3A_10, %mul3A_26 : i32
      %dma_start3A = tpu.memref_slice %arg3[%add3A_27] : memref<327680xi32, #tpu.memory_space<hbm>> -> memref<128xi32, #tpu.memory_space<hbm>>
      %dma_start3A_28 = tpu.memref_slice %arg3[%add3A_27] : memref<327680xi32, #tpu.memory_space<hbm>> -> memref<128xi32, #tpu.memory_space<hbm>>
      tpu.enqueue_dma source(%dma_start3A_28 : memref<128xi32, #tpu.memory_space<hbm>>) target(%arg10 : memref<128xi32, #tpu.memory_space<vmem>>) target_semaphore(%arg17 : memref<!tpu.dma_semaphore, #tpu.memory_space<semaphore_mem>>)
      %dma_start3A_29 = tpu.memref_slice %arg4[%add3A_27] : memref<327680xi32, #tpu.memory_space<hbm>> -> memref<128xi32, #tpu.memory_space<hbm>>
      %dma_start3A_30 = tpu.memref_slice %arg4[%add3A_27] : memref<327680xi32, #tpu.memory_space<hbm>> -> memref<128xi32, #tpu.memory_space<hbm>>
      tpu.enqueue_dma source(%dma_start3A_30 : memref<128xi32, #tpu.memory_space<hbm>>) target(%arg11 : memref<128xi32, #tpu.memory_space<vmem>>) target_semaphore(%arg18 : memref<!tpu.dma_semaphore, #tpu.memory_space<semaphore_mem>>)
      %dma_start3A_31 = tpu.memref_slice %arg5[%add3A_27] : memref<327680xf32, #tpu.memory_space<hbm>> -> memref<128xf32, #tpu.memory_space<hbm>>
      %dma_start3A_32 = tpu.memref_slice %arg5[%add3A_27] : memref<327680xf32, #tpu.memory_space<hbm>> -> memref<128xf32, #tpu.memory_space<hbm>>
      tpu.enqueue_dma source(%dma_start3A_32 : memref<128xf32, #tpu.memory_space<hbm>>) target(%arg12 : memref<128xf32, #tpu.memory_space<vmem>>) target_semaphore(%arg17 : memref<!tpu.dma_semaphore, #tpu.memory_space<semaphore_mem>>)
      %dma_wait3A = tpu.memref_slice %arg3[%add3A_27] : memref<327680xi32, #tpu.memory_space<hbm>> -> memref<128xi32, #tpu.memory_space<hbm>>
      %dma_wait3A_33 = tpu.memref_slice %arg3[%add3A_27] : memref<327680xi32, #tpu.memory_space<hbm>> -> memref<128xi32, #tpu.memory_space<hbm>>
      tpu.wait_dma2 semaphore(%arg17 : memref<!tpu.dma_semaphore, #tpu.memory_space<semaphore_mem>>) src(%dma_wait3A_33 : memref<128xi32, #tpu.memory_space<hbm>>) dst(%arg10 : memref<128xi32, #tpu.memory_space<vmem>>)
      %dma_wait3A_34 = tpu.memref_slice %arg4[%add3A_27] : memref<327680xi32, #tpu.memory_space<hbm>> -> memref<128xi32, #tpu.memory_space<hbm>>
      %dma_wait3A_35 = tpu.memref_slice %arg4[%add3A_27] : memref<327680xi32, #tpu.memory_space<hbm>> -> memref<128xi32, #tpu.memory_space<hbm>>
      tpu.wait_dma2 semaphore(%arg18 : memref<!tpu.dma_semaphore, #tpu.memory_space<semaphore_mem>>) src(%dma_wait3A_35 : memref<128xi32, #tpu.memory_space<hbm>>) dst(%arg11 : memref<128xi32, #tpu.memory_space<vmem>>)
      %dma_wait3A_36 = tpu.memref_slice %arg5[%add3A_27] : memref<327680xf32, #tpu.memory_space<hbm>> -> memref<128xf32, #tpu.memory_space<hbm>>
      %dma_wait3A_37 = tpu.memref_slice %arg5[%add3A_27] : memref<327680xf32, #tpu.memory_space<hbm>> -> memref<128xf32, #tpu.memory_space<hbm>>
      tpu.wait_dma2 semaphore(%arg17 : memref<!tpu.dma_semaphore, #tpu.memory_space<semaphore_mem>>) src(%dma_wait3A_37 : memref<128xf32, #tpu.memory_space<hbm>>) dst(%arg12 : memref<128xf32, #tpu.memory_space<vmem>>)
      %dma_start3A_38 = arith.constant 0 : i32
      %dma_start3A_39 = arith.constant 0 : i32
      %dma_start3A_40 = tpu.memref_slice %arg2[%dma_start3A_38, %dma_start3A_39] : memref<10240x16xf32, #tpu.memory_space<hbm>> -> memref<10240x16xf32, #tpu.memory_space<hbm>>
      tpu.enqueue_indirect_dma source(%dma_start3A_40 : memref<10240x16xf32, #tpu.memory_space<hbm>>) target(%arg13 : memref<128x16xf32, #tpu.memory_space<vmem>>) offsets(%arg11 : memref<128xi32, #tpu.memory_space<vmem>>) semaphore(%arg17 : memref<!tpu.dma_semaphore, #tpu.memory_space<semaphore_mem>>)
      %dma_start3A_41 = arith.constant 0 : i32
      %dma_start3A_42 = arith.constant 0 : i32
      %dma_start3A_43 = tpu.memref_slice %arg2[%dma_start3A_41, %dma_start3A_42] : memref<10240x16xf32, #tpu.memory_space<hbm>> -> memref<10240x16xf32, #tpu.memory_space<hbm>>
      tpu.enqueue_indirect_dma source(%dma_start3A_43 : memref<10240x16xf32, #tpu.memory_space<hbm>>) target(%arg14 : memref<128x16xf32, #tpu.memory_space<vmem>>) offsets(%arg10 : memref<128xi32, #tpu.memory_space<vmem>>) semaphore(%arg18 : memref<!tpu.dma_semaphore, #tpu.memory_space<semaphore_mem>>)
      %dma_wait3A_44 = arith.constant 0 : i32
      %dma_wait3A_45 = arith.constant 0 : i32
      %dma_wait3A_46 = tpu.memref_slice %arg2[%dma_wait3A_44, %dma_wait3A_45] : memref<10240x16xf32, #tpu.memory_space<hbm>> -> memref<10240x16xf32, #tpu.memory_space<hbm>>
      tpu.wait_indirect_dma semaphore(%arg17 : memref<!tpu.dma_semaphore, #tpu.memory_space<semaphore_mem>>) src(%dma_wait3A_46 : memref<10240x16xf32, #tpu.memory_space<hbm>>) dst(%arg13 : memref<128x16xf32, #tpu.memory_space<vmem>>)
      %dma_wait3A_47 = arith.constant 0 : i32
      %dma_wait3A_48 = arith.constant 0 : i32
      %dma_wait3A_49 = tpu.memref_slice %arg2[%dma_wait3A_47, %dma_wait3A_48] : memref<10240x16xf32, #tpu.memory_space<hbm>> -> memref<10240x16xf32, #tpu.memory_space<hbm>>
      tpu.wait_indirect_dma semaphore(%arg18 : memref<!tpu.dma_semaphore, #tpu.memory_space<semaphore_mem>>) src(%dma_wait3A_49 : memref<10240x16xf32, #tpu.memory_space<hbm>>) dst(%arg14 : memref<128x16xf32, #tpu.memory_space<vmem>>)
      %get3A = arith.constant 0 : index
      %get3A_50 = tpu.vector_load %arg16[%get3A] {strides = array<i32>} : memref<16xf32, #tpu.memory_space<vmem>>, vector<16xf32>,
      %scan3A_51 = arith.constant 0 : i32
      %scan3A_52 = arith.constant 0 : i32
      %scan3A_53 = arith.constant 8 : i32
      %scan3A_54 = arith.addi %scan3A_52, %scan3A_53 : i32
      %scan3A_55 = arith.constant 1 : i32
      scf.for %scan3A_57 = %scan3A_52 to %scan3A_54 step %scan3A_55  : i32 {
        %mul3A_58 = arith.constant 16 : i32
        %mul3A_59 = arith.muli %scan3A_57, %mul3A_58 : i32
        %add3A_60 = vector.broadcast %mul3A_59 : i32 to vector<16xi32>
        %add3A_61 = arith.addi %iota3A, %add3A_60 : vector<16xi32>
        %gather3A = tpu.vector_load_idx %arg12[%add3A_61] : memref<128xf32, #tpu.memory_space<vmem>>[vector<16xi32>], vector<16xf32>,
        %gather3A_62 = tpu.vector_load_idx %arg13[%add3A_61, %broadcast_in_dim3A_12] : memref<128x16xf32, #tpu.memory_space<vmem>>[vector<16xi32>, vector<16xi32>], vector<16xf32>,
        %gather3A_63 = tpu.vector_load_idx %arg14[%add3A_61, %broadcast_in_dim3A_14] : memref<128x16xf32, #tpu.memory_space<vmem>>[vector<16xi32>, vector<16xi32>], vector<16xf32>,
        %gather3A_64 = tpu.vector_load_idx %arg14[%add3A_61, %broadcast_in_dim3A_16] : memref<128x16xf32, #tpu.memory_space<vmem>>[vector<16xi32>, vector<16xi32>], vector<16xf32>,
        %mul3A_65 = arith.mulf %gather3A, %get3A_50 : vector<16xf32>
        %add3A_66 = arith.addf %gather3A_63, %mul3A_65 : vector<16xf32>
        %mul3A_67 = arith.mulf %gather3A_62, %add3A_66 : vector<16xf32>
        %exp3A = math.exp %mul3A_67 : vector<16xf32>
        %add3A_68 = arith.addf %gather3A_64, %mul3A_65 : vector<16xf32>
        %mul3A_69 = arith.mulf %exp3A, %add3A_68 : vector<16xf32>
        tpu.vector_store_idx %arg15[%add3A_61, %broadcast_in_dim3A_12], %mul3A_69 : memref<128x16xf32, #tpu.memory_space<vmem>>[vector<16xi32>, vector<16xi32>], vector<16xf32>,
        tpu.vector_store_idx %arg15[%add3A_61, %broadcast_in_dim3A_14], %exp3A : memref<128x16xf32, #tpu.memory_space<vmem>>[vector<16xi32>, vector<16xi32>], vector<16xf32>,
      }
      %scan3A_56 = arith.constant 8 : i32
      "tpu.region"() ({
        %run_scoped3A = tpu.sem_alloc : memref<!tpu.dma_semaphore, #tpu.memory_space<semaphore_mem>>
        %dma_start3A_57 = arith.constant 0 : i32
        %dma_start3A_58 = arith.constant 0 : i32
        %dma_start3A_59 = tpu.memref_slice %arg9[%dma_start3A_57, %dma_start3A_58] : memref<10240x16xf32, #tpu.memory_space<vmem_shared>> -> memref<10240x16xf32, #tpu.memory_space<vmem_shared>>
        tpu.enqueue_indirect_dma source(%arg15 : memref<128x16xf32, #tpu.memory_space<vmem>>) target(%dma_start3A_59 : memref<10240x16xf32, #tpu.memory_space<vmem_shared>>) offsets(%arg11 : memref<128xi32, #tpu.memory_space<vmem>>) semaphore(%run_scoped3A : memref<!tpu.dma_semaphore, #tpu.memory_space<semaphore_mem>>) {add = true}
        %dma_wait3A_60 = arith.constant 0 : i32
        %dma_wait3A_61 = arith.constant 0 : i32
        %dma_wait3A_62 = tpu.memref_slice %arg9[%dma_wait3A_60, %dma_wait3A_61] : memref<10240x16xf32, #tpu.memory_space<vmem_shared>> -> memref<10240x16xf32, #tpu.memory_space<vmem_shared>>
        tpu.wait_indirect_dma semaphore(%run_scoped3A : memref<!tpu.dma_semaphore, #tpu.memory_space<semaphore_mem>>) src(%arg15 : memref<128x16xf32, #tpu.memory_space<vmem>>) dst(%dma_wait3A_62 : memref<10240x16xf32, #tpu.memory_space<vmem_shared>>)
        tpu.yield
      }) : () -> ()
    }
    %scan3A_22 = arith.constant 80 : i32
    %barrier3A_23 = arith.constant 0 : index
    tpu.barrier barrier_id(%barrier3A_23)
    "tpu.region"() ({
      %run_scoped3A = tpu.sem_alloc : memref<!tpu.dma_semaphore, #tpu.memory_space<semaphore_mem>>
      %dma_start3A = arith.constant 0 : i32
      %dma_start3A_24 = tpu.memref_slice %arg8[%arg0, %mul3A_2, %dma_start3A] : memref<2x10240x16xf32, #tpu.memory_space<hbm>> -> memref<1x640x16xf32, #tpu.memory_space<hbm>>
      %dma_start3A_25 = tpu.memref_squeeze %dma_start3A_24 : memref<1x640x16xf32, #tpu.memory_space<hbm>> -> memref<640x16xf32, #tpu.memory_space<hbm>>
      %dma_start3A_26 = arith.constant 0 : i32
      %dma_start3A_27 = tpu.memref_slice %arg9[%mul3A_2, %dma_start3A_26] : memref<10240x16xf32, #tpu.memory_space<vmem_shared>> -> memref<640x16xf32, #tpu.memory_space<vmem_shared>>
      tpu.enqueue_dma source(%dma_start3A_27 : memref<640x16xf32, #tpu.memory_space<vmem_shared>>) target(%dma_start3A_25 : memref<640x16xf32, #tpu.memory_space<hbm>>) target_semaphore(%run_scoped3A : memref<!tpu.dma_semaphore, #tpu.memory_space<semaphore_mem>>)
      %dma_wait3A = arith.constant 0 : i32
      %dma_wait3A_28 = tpu.memref_slice %arg8[%arg0, %mul3A_2, %dma_wait3A] : memref<2x10240x16xf32, #tpu.memory_space<hbm>> -> memref<1x640x16xf32, #tpu.memory_space<hbm>>
      %dma_wait3A_29 = tpu.memref_squeeze %dma_wait3A_28 : memref<1x640x16xf32, #tpu.memory_space<hbm>> -> memref<640x16xf32, #tpu.memory_space<hbm>>
      %dma_wait3A_30 = arith.constant 0 : i32
      %dma_wait3A_31 = tpu.memref_slice %arg9[%mul3A_2, %dma_wait3A_30] : memref<10240x16xf32, #tpu.memory_space<vmem_shared>> -> memref<640x16xf32, #tpu.memory_space<vmem_shared>>
      tpu.wait_dma2 semaphore(%run_scoped3A : memref<!tpu.dma_semaphore, #tpu.memory_space<semaphore_mem>>) src(%dma_wait3A_31 : memref<640x16xf32, #tpu.memory_space<vmem_shared>>) dst(%dma_wait3A_29 : memref<640x16xf32, #tpu.memory_space<hbm>>)
      tpu.yield
    }) : () -> ()
    return
  }
}

module attributes {stable_mosaic.version = 14 : i64} {
  func.func @_dense0_body(%arg0: i32, %arg1: memref<128x128xf32, #tpu.memory_space<vmem>>, %arg2: memref<128x128xf32, #tpu.memory_space<vmem>>, %arg3: memref<128x128xf32, #tpu.memory_space<vmem>>, %arg4: memref<128x128xf32, #tpu.memory_space<vmem>>, %arg5: memref<128x128xf32, #tpu.memory_space<vmem>>, %arg6: memref<1x128xf32, #tpu.memory_space<vmem>>, %arg7: memref<1x128xf32, #tpu.memory_space<vmem>>, %arg8: memref<1x128xf32, #tpu.memory_space<vmem>>, %arg9: memref<1x128xf32, #tpu.memory_space<vmem>>, %arg10: memref<128x8xf32, #tpu.memory_space<vmem>>, %arg11: memref<128x128xf32, #tpu.memory_space<vmem>>, %arg12: memref<128x128xf32, #tpu.memory_space<vmem>>, %arg13: memref<128x128xf32, #tpu.memory_space<vmem>>, %arg14: memref<128x128xf32, #tpu.memory_space<vmem>>, %arg15: memref<128x8xf32, #tpu.memory_space<vmem>>) attributes {dimension_semantics = [#tpu.dimension_semantics<arbitrary>], iteration_bounds = array<i64: 80>, scalar_prefetch = 0 : i64, scratch_operands = 0 : i64, tpu.core_type = #tpu.core_type<tc>, window_params = [{transform_indices = @transform_0, window_bounds = array<i64: 128, 128>}, {pipeline_mode = #tpu.pipeline_mode<synchronous>, transform_indices = @transform_1, window_bounds = array<i64: 128, 128>}, {pipeline_mode = #tpu.pipeline_mode<synchronous>, transform_indices = @transform_2, window_bounds = array<i64: 128, 128>}, {pipeline_mode = #tpu.pipeline_mode<synchronous>, transform_indices = @transform_3, window_bounds = array<i64: 128, 128>}, {pipeline_mode = #tpu.pipeline_mode<synchronous>, transform_indices = @transform_4, window_bounds = array<i64: 128, 128>}, {pipeline_mode = #tpu.pipeline_mode<synchronous>, transform_indices = @transform_5, window_bounds = array<i64: 1, 128>}, {pipeline_mode = #tpu.pipeline_mode<synchronous>, transform_indices = @transform_6, window_bounds = array<i64: 1, 128>}, {pipeline_mode = #tpu.pipeline_mode<synchronous>, transform_indices = @transform_7, window_bounds = array<i64: 1, 128>}, {pipeline_mode = #tpu.pipeline_mode<synchronous>, transform_indices = @transform_8, window_bounds = array<i64: 1, 128>}, {pipeline_mode = #tpu.pipeline_mode<synchronous>, transform_indices = @transform_9, window_bounds = array<i64: 128, 8>}, {transform_indices = @transform_10, window_bounds = array<i64: 128, 128>}, {transform_indices = @transform_11, window_bounds = array<i64: 128, 128>}, {transform_indices = @transform_12, window_bounds = array<i64: 128, 128>}, {transform_indices = @transform_13, window_bounds = array<i64: 128, 128>}, {transform_indices = @transform_14, window_bounds = array<i64: 128, 8>}]} {
    %get3A = arith.constant 0 : index
    %get3A_0 = arith.constant 0 : index
    %get3A_1 = vector.load %arg1[%get3A, %get3A_0] : memref<128x128xf32, #tpu.memory_space<vmem>>, vector<128x128xf32>
    %get3A_2 = arith.constant 0 : index
    %get3A_3 = arith.constant 0 : index
    %get3A_4 = vector.load %arg2[%get3A_2, %get3A_3] : memref<128x128xf32, #tpu.memory_space<vmem>>, vector<128x128xf32>
    %dot_general3A = arith.constant dense<0.000000e+00> : vector<128x128xf32>
    %dot_general3A_5 = tpu.matmul %get3A_1, %get3A_4, %dot_general3A {dimension_numbers = #tpu.dot_dimension_numbers<[1], [0], [0], [1], [0, 0, 1, 1], [], []>, transpose_lhs_hint = false} : vector<128x128xf32>, vector<128x128xf32>, vector<128x128xf32> -> vector<128x128xf32>
    %get3A_6 = arith.constant 0 : index
    %get3A_7 = arith.constant 0 : index
    %get3A_8 = vector.load %arg6[%get3A_6, %get3A_7] : memref<1x128xf32, #tpu.memory_space<vmem>>, vector<1x128xf32>
    %add3A = vector.broadcast %get3A_8 : vector<1x128xf32> to vector<128x128xf32>
    %add3A_9 = arith.addf %dot_general3A_5, %add3A : vector<128x128xf32>
    %mul3A = arith.constant 0.176776692 : f32
    %mul3A_10 = vector.broadcast %mul3A : f32 to vector<128x128xf32>
    %mul3A_11 = arith.mulf %add3A_9, %mul3A_10 : vector<128x128xf32>
    %swap3A = arith.constant 0 : index
    %swap3A_12 = arith.constant 0 : index
    %swap3A_13 = vector.load %arg11[%swap3A, %swap3A_12] : memref<128x128xf32, #tpu.memory_space<vmem>>, vector<128x128xf32>
    tpu.vector_store %arg11[%swap3A, %swap3A_12], %mul3A_11 {strides = array<i32>} : memref<128x128xf32, #tpu.memory_space<vmem>>, vector<128x128xf32>,
    %get3A_14 = arith.constant 0 : index
    %get3A_15 = arith.constant 0 : index
    %get3A_16 = vector.load %arg3[%get3A_14, %get3A_15] : memref<128x128xf32, #tpu.memory_space<vmem>>, vector<128x128xf32>
    %dot_general3A_17 = arith.constant dense<0.000000e+00> : vector<128x128xf32>
    %dot_general3A_18 = tpu.matmul %get3A_1, %get3A_16, %dot_general3A_17 {dimension_numbers = #tpu.dot_dimension_numbers<[1], [0], [0], [1], [0, 0, 1, 1], [], []>, transpose_lhs_hint = false} : vector<128x128xf32>, vector<128x128xf32>, vector<128x128xf32> -> vector<128x128xf32>
    %get3A_19 = arith.constant 0 : index
    %get3A_20 = arith.constant 0 : index
    %get3A_21 = vector.load %arg7[%get3A_19, %get3A_20] : memref<1x128xf32, #tpu.memory_space<vmem>>, vector<1x128xf32>
    %add3A_22 = vector.broadcast %get3A_21 : vector<1x128xf32> to vector<128x128xf32>
    %add3A_23 = arith.addf %dot_general3A_18, %add3A_22 : vector<128x128xf32>
    %swap3A_24 = arith.constant 0 : index
    %swap3A_25 = arith.constant 0 : index
    %swap3A_26 = vector.load %arg12[%swap3A_24, %swap3A_25] : memref<128x128xf32, #tpu.memory_space<vmem>>, vector<128x128xf32>
    tpu.vector_store %arg12[%swap3A_24, %swap3A_25], %add3A_23 {strides = array<i32>} : memref<128x128xf32, #tpu.memory_space<vmem>>, vector<128x128xf32>,
    %get3A_27 = arith.constant 0 : index
    %get3A_28 = arith.constant 0 : index
    %get3A_29 = vector.load %arg4[%get3A_27, %get3A_28] : memref<128x128xf32, #tpu.memory_space<vmem>>, vector<128x128xf32>
    %dot_general3A_30 = arith.constant dense<0.000000e+00> : vector<128x128xf32>
    %dot_general3A_31 = tpu.matmul %get3A_1, %get3A_29, %dot_general3A_30 {dimension_numbers = #tpu.dot_dimension_numbers<[1], [0], [0], [1], [0, 0, 1, 1], [], []>, transpose_lhs_hint = false} : vector<128x128xf32>, vector<128x128xf32>, vector<128x128xf32> -> vector<128x128xf32>
    %get3A_32 = arith.constant 0 : index
    %get3A_33 = arith.constant 0 : index
    %get3A_34 = vector.load %arg8[%get3A_32, %get3A_33] : memref<1x128xf32, #tpu.memory_space<vmem>>, vector<1x128xf32>
    %add3A_35 = vector.broadcast %get3A_34 : vector<1x128xf32> to vector<128x128xf32>
    %add3A_36 = arith.addf %dot_general3A_31, %add3A_35 : vector<128x128xf32>
    %swap3A_37 = arith.constant 0 : index
    %swap3A_38 = arith.constant 0 : index
    %swap3A_39 = vector.load %arg13[%swap3A_37, %swap3A_38] : memref<128x128xf32, #tpu.memory_space<vmem>>, vector<128x128xf32>
    tpu.vector_store %arg13[%swap3A_37, %swap3A_38], %add3A_36 {strides = array<i32>} : memref<128x128xf32, #tpu.memory_space<vmem>>, vector<128x128xf32>,
    %get3A_40 = arith.constant 0 : index
    %get3A_41 = arith.constant 0 : index
    %get3A_42 = vector.load %arg5[%get3A_40, %get3A_41] : memref<128x128xf32, #tpu.memory_space<vmem>>, vector<128x128xf32>
    %dot_general3A_43 = arith.constant dense<0.000000e+00> : vector<128x128xf32>
    %dot_general3A_44 = tpu.matmul %get3A_1, %get3A_42, %dot_general3A_43 {dimension_numbers = #tpu.dot_dimension_numbers<[1], [0], [0], [1], [0, 0, 1, 1], [], []>, transpose_lhs_hint = false} : vector<128x128xf32>, vector<128x128xf32>, vector<128x128xf32> -> vector<128x128xf32>
    %get3A_45 = arith.constant 0 : index
    %get3A_46 = arith.constant 0 : index
    %get3A_47 = vector.load %arg9[%get3A_45, %get3A_46] : memref<1x128xf32, #tpu.memory_space<vmem>>, vector<1x128xf32>
    %add3A_48 = vector.broadcast %get3A_47 : vector<1x128xf32> to vector<128x128xf32>
    %add3A_49 = arith.addf %dot_general3A_44, %add3A_48 : vector<128x128xf32>
    %swap3A_50 = arith.constant 0 : index
    %swap3A_51 = arith.constant 0 : index
    %swap3A_52 = vector.load %arg14[%swap3A_50, %swap3A_51] : memref<128x128xf32, #tpu.memory_space<vmem>>, vector<128x128xf32>
    tpu.vector_store %arg14[%swap3A_50, %swap3A_51], %add3A_49 {strides = array<i32>} : memref<128x128xf32, #tpu.memory_space<vmem>>, vector<128x128xf32>,
    %get3A_53 = arith.constant 0 : index
    %get3A_54 = arith.constant 0 : index
    %get3A_55 = vector.load %arg10[%get3A_53, %get3A_54] : memref<128x8xf32, #tpu.memory_space<vmem>>, vector<128x8xf32>
    %dot_general3A_56 = arith.constant dense<0.000000e+00> : vector<128x8xf32>
    %dot_general3A_57 = tpu.matmul %mul3A_11, %get3A_55, %dot_general3A_56 {dimension_numbers = #tpu.dot_dimension_numbers<[1], [0], [0], [1], [0, 0, 1, 1], [], []>, transpose_lhs_hint = false} : vector<128x128xf32>, vector<128x8xf32>, vector<128x8xf32> -> vector<128x8xf32>
    %swap3A_58 = arith.constant 0 : index
    %swap3A_59 = arith.constant 0 : index
    %swap3A_60 = vector.load %arg15[%swap3A_58, %swap3A_59] : memref<128x8xf32, #tpu.memory_space<vmem>>, vector<128x8xf32>
    tpu.vector_store %arg15[%swap3A_58, %swap3A_59], %dot_general3A_57 {strides = array<i32>} : memref<128x8xf32, #tpu.memory_space<vmem>>, vector<128x8xf32>,
    return
  }
  func.func @transform_0(%arg0: i32) -> (i32, i32) {
    %c0_i32 = arith.constant 0 : i32
    %c0_i32_0 = arith.constant 0 : i32
    return %arg0, %c0_i32 : i32, i32
  }
  func.func @transform_1(%arg0: i32) -> (i32, i32) {
    %c0_i32 = arith.constant 0 : i32
    %c0_i32_0 = arith.constant 0 : i32
    %c0_i32_1 = arith.constant 0 : i32
    return %c0_i32, %c0_i32_0 : i32, i32
  }
  func.func @transform_2(%arg0: i32) -> (i32, i32) {
    %c0_i32 = arith.constant 0 : i32
    %c0_i32_0 = arith.constant 0 : i32
    %c0_i32_1 = arith.constant 0 : i32
    return %c0_i32, %c0_i32_0 : i32, i32
  }
  func.func @transform_3(%arg0: i32) -> (i32, i32) {
    %c0_i32 = arith.constant 0 : i32
    %c0_i32_0 = arith.constant 0 : i32
    %c0_i32_1 = arith.constant 0 : i32
    return %c0_i32, %c0_i32_0 : i32, i32
  }
  func.func @transform_4(%arg0: i32) -> (i32, i32) {
    %c0_i32 = arith.constant 0 : i32
    %c0_i32_0 = arith.constant 0 : i32
    %c0_i32_1 = arith.constant 0 : i32
    return %c0_i32, %c0_i32_0 : i32, i32
  }
  func.func @transform_5(%arg0: i32) -> (i32, i32) {
    %c0_i32 = arith.constant 0 : i32
    %c0_i32_0 = arith.constant 0 : i32
    %c0_i32_1 = arith.constant 0 : i32
    return %c0_i32, %c0_i32_0 : i32, i32
  }
  func.func @transform_6(%arg0: i32) -> (i32, i32) {
    %c0_i32 = arith.constant 0 : i32
    %c0_i32_0 = arith.constant 0 : i32
    %c0_i32_1 = arith.constant 0 : i32
    return %c0_i32, %c0_i32_0 : i32, i32
  }
  func.func @transform_7(%arg0: i32) -> (i32, i32) {
    %c0_i32 = arith.constant 0 : i32
    %c0_i32_0 = arith.constant 0 : i32
    %c0_i32_1 = arith.constant 0 : i32
    return %c0_i32, %c0_i32_0 : i32, i32
  }
  func.func @transform_8(%arg0: i32) -> (i32, i32) {
    %c0_i32 = arith.constant 0 : i32
    %c0_i32_0 = arith.constant 0 : i32
    %c0_i32_1 = arith.constant 0 : i32
    return %c0_i32, %c0_i32_0 : i32, i32
  }
  func.func @transform_9(%arg0: i32) -> (i32, i32) {
    %c0_i32 = arith.constant 0 : i32
    %c0_i32_0 = arith.constant 0 : i32
    %c0_i32_1 = arith.constant 0 : i32
    return %c0_i32, %c0_i32_0 : i32, i32
  }
  func.func @transform_10(%arg0: i32) -> (i32, i32) {
    %c0_i32 = arith.constant 0 : i32
    %c0_i32_0 = arith.constant 0 : i32
    return %arg0, %c0_i32 : i32, i32
  }
  func.func @transform_11(%arg0: i32) -> (i32, i32) {
    %c0_i32 = arith.constant 0 : i32
    %c0_i32_0 = arith.constant 0 : i32
    return %arg0, %c0_i32 : i32, i32
  }
  func.func @transform_12(%arg0: i32) -> (i32, i32) {
    %c0_i32 = arith.constant 0 : i32
    %c0_i32_0 = arith.constant 0 : i32
    return %arg0, %c0_i32 : i32, i32
  }
  func.func @transform_13(%arg0: i32) -> (i32, i32) {
    %c0_i32 = arith.constant 0 : i32
    %c0_i32_0 = arith.constant 0 : i32
    return %arg0, %c0_i32 : i32, i32
  }
  func.func @transform_14(%arg0: i32) -> (i32, i32) {
    %c0_i32 = arith.constant 0 : i32
    %c0_i32_0 = arith.constant 0 : i32
    return %arg0, %c0_i32 : i32, i32
  }
}

module attributes {stable_mosaic.version = 14 : i64} {
  func.func @_post0_body(%arg0: i32, %arg1: memref<1x128x128xf32, #tpu.memory_space<vmem>>, %arg2: memref<1x128x128xf32, #tpu.memory_space<vmem>>, %arg3: memref<1x128x8xf32, #tpu.memory_space<vmem>>, %arg4: memref<1x128x8xf32, #tpu.memory_space<vmem>>, %arg5: memref<128x128xf32, #tpu.memory_space<vmem>>, %arg6: memref<1x128xf32, #tpu.memory_space<vmem>>, %arg7: memref<4x128xf32, #tpu.memory_space<vmem>>, %arg8: memref<128x16xf32, #tpu.memory_space<vmem>>, %arg9: memref<1x16xf32, #tpu.memory_space<vmem>>, %arg10: memref<128x16xf32, #tpu.memory_space<vmem>>) attributes {dimension_semantics = [#tpu.dimension_semantics<arbitrary>], iteration_bounds = array<i64: 80>, scalar_prefetch = 0 : i64, scratch_operands = 0 : i64, tpu.core_type = #tpu.core_type<tc>, window_params = [{transform_indices = @transform_0, window_bounds = array<i64: 1, 128, 128>}, {transform_indices = @transform_1, window_bounds = array<i64: 1, 128, 128>}, {transform_indices = @transform_2, window_bounds = array<i64: 1, 128, 8>}, {transform_indices = @transform_3, window_bounds = array<i64: 1, 128, 8>}, {transform_indices = @transform_4, window_bounds = array<i64: 128, 128>}, {pipeline_mode = #tpu.pipeline_mode<synchronous>, transform_indices = @transform_5, window_bounds = array<i64: 1, 128>}, {pipeline_mode = #tpu.pipeline_mode<synchronous>, transform_indices = @transform_6, window_bounds = array<i64: 4, 128>}, {pipeline_mode = #tpu.pipeline_mode<synchronous>, transform_indices = @transform_7, window_bounds = array<i64: 128, 16>}, {pipeline_mode = #tpu.pipeline_mode<synchronous>, transform_indices = @transform_8, window_bounds = array<i64: 1, 16>}, {transform_indices = @transform_9, window_bounds = array<i64: 128, 16>}]} {
    %get3A = arith.constant 0 : index
    %get3A_0 = arith.constant 0 : index
    %get3A_1 = arith.constant 0 : index
    %get3A_2 = vector.load %arg1[%get3A, %get3A_0, %get3A_1] : memref<1x128x128xf32, #tpu.memory_space<vmem>>, vector<1x128x128xf32>
    %get3A_3 = vector.shape_cast %get3A_2 : vector<1x128x128xf32> to vector<128x128xf32>
    %get3A_4 = arith.constant 0 : index
    %get3A_5 = arith.constant 0 : index
    %get3A_6 = arith.constant 0 : index
    %get3A_7 = vector.load %arg2[%get3A_4, %get3A_5, %get3A_6] : memref<1x128x128xf32, #tpu.memory_space<vmem>>, vector<1x128x128xf32>
    %get3A_8 = vector.shape_cast %get3A_7 : vector<1x128x128xf32> to vector<128x128xf32>
    %add3A = arith.addf %get3A_3, %get3A_8 : vector<128x128xf32>
    %get3A_9 = arith.constant 0 : index
    %get3A_10 = arith.constant 0 : index
    %get3A_11 = arith.constant 0 : index
    %get3A_12 = vector.load %arg3[%get3A_9, %get3A_10, %get3A_11] : memref<1x128x8xf32, #tpu.memory_space<vmem>>, vector<1x128x8xf32>
    %get3A_13 = vector.shape_cast %get3A_12 : vector<1x128x8xf32> to vector<128x8xf32>
    %get3A_14 = arith.constant 0 : index
    %get3A_15 = arith.constant 0 : index
    %get3A_16 = arith.constant 0 : index
    %get3A_17 = vector.load %arg4[%get3A_14, %get3A_15, %get3A_16] : memref<1x128x8xf32, #tpu.memory_space<vmem>>, vector<1x128x8xf32>
    %get3A_18 = vector.shape_cast %get3A_17 : vector<1x128x8xf32> to vector<128x8xf32>
    %add3A_19 = arith.addf %get3A_13, %get3A_18 : vector<128x8xf32>
    %slice3A = vector.extract_strided_slice %add3A_19 {offsets = [0, 0], sizes = [128, 4], strides = [1, 1]} : vector<128x8xf32> to vector<128x4xf32>
    %get3A_20 = arith.constant 0 : index
    %get3A_21 = arith.constant 0 : index
    %get3A_22 = vector.load %arg7[%get3A_20, %get3A_21] : memref<4x128xf32, #tpu.memory_space<vmem>>, vector<4x128xf32>
    %dot_general3A = arith.constant dense<0.000000e+00> : vector<128x128xf32>
    %dot_general3A_23 = tpu.matmul %slice3A, %get3A_22, %dot_general3A {dimension_numbers = #tpu.dot_dimension_numbers<[1], [0], [0], [1], [0, 0, 1, 1], [], []>, transpose_lhs_hint = false} : vector<128x4xf32>, vector<4x128xf32>, vector<128x128xf32> -> vector<128x128xf32>
    %slice3A_24 = vector.extract_strided_slice %add3A_19 {offsets = [0, 4], sizes = [128, 4], strides = [1, 1]} : vector<128x8xf32> to vector<128x4xf32>
    %get3A_25 = arith.constant 0 : index
    %get3A_26 = arith.constant 0 : index
    %get3A_27 = vector.load %arg7[%get3A_25, %get3A_26] : memref<4x128xf32, #tpu.memory_space<vmem>>, vector<4x128xf32>
    %dot_general3A_28 = arith.constant dense<0.000000e+00> : vector<128x128xf32>
    %dot_general3A_29 = tpu.matmul %slice3A_24, %get3A_27, %dot_general3A_28 {dimension_numbers = #tpu.dot_dimension_numbers<[1], [0], [0], [1], [0, 0, 1, 1], [], []>, transpose_lhs_hint = false} : vector<128x4xf32>, vector<4x128xf32>, vector<128x128xf32> -> vector<128x128xf32>
    %get3A_30 = arith.constant 0 : index
    %get3A_31 = arith.constant 0 : index
    %get3A_32 = vector.load %arg6[%get3A_30, %get3A_31] : memref<1x128xf32, #tpu.memory_space<vmem>>, vector<1x128xf32>
    %mul3A = vector.broadcast %get3A_32 : vector<1x128xf32> to vector<128x128xf32>
    %mul3A_33 = arith.mulf %mul3A, %dot_general3A_29 : vector<128x128xf32>
    %add3A_34 = arith.addf %add3A, %mul3A_33 : vector<128x128xf32>
    %add3A_35 = arith.constant 1.000000e-16 : f32
    %add3A_36 = vector.broadcast %add3A_35 : f32 to vector<128x128xf32>
    %add3A_37 = arith.addf %dot_general3A_23, %add3A_36 : vector<128x128xf32>
    %div3A = arith.divf %add3A_34, %add3A_37 : vector<128x128xf32>
    %get3A_38 = arith.constant 0 : index
    %get3A_39 = arith.constant 0 : index
    %get3A_40 = vector.load %arg5[%get3A_38, %get3A_39] : memref<128x128xf32, #tpu.memory_space<vmem>>, vector<128x128xf32>
    %add3A_41 = arith.addf %div3A, %get3A_40 : vector<128x128xf32>
    %ge3A = arith.constant 0.000000e+00 : f32
    %ge3A_42 = vector.broadcast %ge3A : f32 to vector<128x128xf32>
    %ge3A_43 = arith.cmpf oge, %add3A_41, %ge3A_42 : vector<128x128xf32>
    %mul3A_44 = arith.constant 0.00999999977 : f32
    %mul3A_45 = vector.broadcast %mul3A_44 : f32 to vector<128x128xf32>
    %mul3A_46 = arith.mulf %mul3A_45, %add3A_41 : vector<128x128xf32>
    %select_n3A = arith.select %ge3A_43, %add3A_41, %mul3A_46 : vector<128x128xi1>, vector<128x128xf32>
    %get3A_47 = arith.constant 0 : index
    %get3A_48 = arith.constant 0 : index
    %get3A_49 = vector.load %arg8[%get3A_47, %get3A_48] : memref<128x16xf32, #tpu.memory_space<vmem>>, vector<128x16xf32>
    %dot_general3A_50 = arith.constant dense<0.000000e+00> : vector<128x16xf32>
    %dot_general3A_51 = tpu.matmul %select_n3A, %get3A_49, %dot_general3A_50 {dimension_numbers = #tpu.dot_dimension_numbers<[1], [0], [0], [1], [0, 0, 1, 1], [], []>, transpose_lhs_hint = false} : vector<128x128xf32>, vector<128x16xf32>, vector<128x16xf32> -> vector<128x16xf32>
    %get3A_52 = arith.constant 0 : index
    %get3A_53 = arith.constant 0 : index
    %get3A_54 = vector.load %arg9[%get3A_52, %get3A_53] : memref<1x16xf32, #tpu.memory_space<vmem>>, vector<1x16xf32>
    %add3A_55 = vector.broadcast %get3A_54 : vector<1x16xf32> to vector<128x16xf32>
    %add3A_56 = arith.addf %dot_general3A_51, %add3A_55 : vector<128x16xf32>
    %swap3A = arith.constant 0 : index
    %swap3A_57 = arith.constant 0 : index
    %swap3A_58 = vector.load %arg10[%swap3A, %swap3A_57] : memref<128x16xf32, #tpu.memory_space<vmem>>, vector<128x16xf32>
    tpu.vector_store %arg10[%swap3A, %swap3A_57], %add3A_56 {strides = array<i32>} : memref<128x16xf32, #tpu.memory_space<vmem>>, vector<128x16xf32>,
    return
  }
  func.func @transform_0(%arg0: i32) -> (i32, i32, i32) {
    %c0_i32 = arith.constant 0 : i32
    %c0_i32_0 = arith.constant 0 : i32
    %c0_i32_1 = arith.constant 0 : i32
    return %c0_i32, %arg0, %c0_i32_0 : i32, i32, i32
  }
  func.func @transform_1(%arg0: i32) -> (i32, i32, i32) {
    %c1_i32 = arith.constant 1 : i32
    %c0_i32 = arith.constant 0 : i32
    %c0_i32_0 = arith.constant 0 : i32
    return %c1_i32, %arg0, %c0_i32 : i32, i32, i32
  }
  func.func @transform_2(%arg0: i32) -> (i32, i32, i32) {
    %c0_i32 = arith.constant 0 : i32
    %c0_i32_0 = arith.constant 0 : i32
    %c0_i32_1 = arith.constant 0 : i32
    return %c0_i32, %arg0, %c0_i32_0 : i32, i32, i32
  }
  func.func @transform_3(%arg0: i32) -> (i32, i32, i32) {
    %c1_i32 = arith.constant 1 : i32
    %c0_i32 = arith.constant 0 : i32
    %c0_i32_0 = arith.constant 0 : i32
    return %c1_i32, %arg0, %c0_i32 : i32, i32, i32
  }
  func.func @transform_4(%arg0: i32) -> (i32, i32) {
    %c0_i32 = arith.constant 0 : i32
    %c0_i32_0 = arith.constant 0 : i32
    return %arg0, %c0_i32 : i32, i32
  }
  func.func @transform_5(%arg0: i32) -> (i32, i32) {
    %c0_i32 = arith.constant 0 : i32
    %c0_i32_0 = arith.constant 0 : i32
    %c0_i32_1 = arith.constant 0 : i32
    return %c0_i32, %c0_i32_0 : i32, i32
  }
  func.func @transform_6(%arg0: i32) -> (i32, i32) {
    %c0_i32 = arith.constant 0 : i32
    %c0_i32_0 = arith.constant 0 : i32
    %c0_i32_1 = arith.constant 0 : i32
    return %c0_i32, %c0_i32_0 : i32, i32
  }
  func.func @transform_7(%arg0: i32) -> (i32, i32) {
    %c0_i32 = arith.constant 0 : i32
    %c0_i32_0 = arith.constant 0 : i32
    %c0_i32_1 = arith.constant 0 : i32
    return %c0_i32, %c0_i32_0 : i32, i32
  }
  func.func @transform_8(%arg0: i32) -> (i32, i32) {
    %c0_i32 = arith.constant 0 : i32
    %c0_i32_0 = arith.constant 0 : i32
    %c0_i32_1 = arith.constant 0 : i32
    return %c0_i32, %c0_i32_0 : i32, i32
  }
  func.func @transform_9(%arg0: i32) -> (i32, i32) {
    %c0_i32 = arith.constant 0 : i32
    %c0_i32_0 = arith.constant 0 : i32
    return %arg0, %c0_i32 : i32, i32
  }
}

module attributes {stable_mosaic.version = 14 : i64} {
  func.func @_post2_body(%arg0: i32, %arg1: memref<1x1024x16xf32, #tpu.memory_space<vmem>>, %arg2: memref<1x1024x16xf32, #tpu.memory_space<vmem>>, %arg3: memref<1024x16xf32, #tpu.memory_space<vmem>>, %arg4: memref<1024x1xf32, #tpu.memory_space<vmem>>) attributes {dimension_semantics = [#tpu.dimension_semantics<arbitrary>], iteration_bounds = array<i64: 10>, scalar_prefetch = 0 : i64, scratch_operands = 0 : i64, tpu.core_type = #tpu.core_type<tc>, window_params = [{transform_indices = @transform_0, window_bounds = array<i64: 1, 1024, 16>}, {transform_indices = @transform_1, window_bounds = array<i64: 1, 1024, 16>}, {transform_indices = @transform_2, window_bounds = array<i64: 1024, 16>}, {transform_indices = @transform_3, window_bounds = array<i64: 1024, 1>}]} {
    %get3A = arith.constant 0 : index
    %get3A_0 = arith.constant 0 : index
    %get3A_1 = arith.constant 0 : index
    %get3A_2 = vector.load %arg1[%get3A, %get3A_0, %get3A_1] : memref<1x1024x16xf32, #tpu.memory_space<vmem>>, vector<1x1024x16xf32>
    %get3A_3 = vector.shape_cast %get3A_2 : vector<1x1024x16xf32> to vector<1024x16xf32>
    %get3A_4 = arith.constant 0 : index
    %get3A_5 = arith.constant 0 : index
    %get3A_6 = arith.constant 0 : index
    %get3A_7 = vector.load %arg2[%get3A_4, %get3A_5, %get3A_6] : memref<1x1024x16xf32, #tpu.memory_space<vmem>>, vector<1x1024x16xf32>
    %get3A_8 = vector.shape_cast %get3A_7 : vector<1x1024x16xf32> to vector<1024x16xf32>
    %add3A = arith.addf %get3A_3, %get3A_8 : vector<1024x16xf32>
    %get3A_9 = arith.constant 0 : index
    %get3A_10 = arith.constant 0 : index
    %get3A_11 = vector.load %arg3[%get3A_9, %get3A_10] : memref<1024x16xf32, #tpu.memory_space<vmem>>, vector<1024x16xf32>
    %slice3A = vector.extract_strided_slice %get3A_11 {offsets = [0, 3], sizes = [1024, 1], strides = [1, 1]} : vector<1024x16xf32> to vector<1024x1xf32>
    %slice3A_12 = vector.extract_strided_slice %add3A {offsets = [0, 0], sizes = [1024, 1], strides = [1, 1]} : vector<1024x16xf32> to vector<1024x1xf32>
    %slice3A_13 = vector.extract_strided_slice %add3A {offsets = [0, 1], sizes = [1024, 1], strides = [1, 1]} : vector<1024x16xf32> to vector<1024x1xf32>
    %add3A_14 = arith.constant 1.000000e-16 : f32
    %add3A_15 = vector.broadcast %add3A_14 : f32 to vector<1024x1xf32>
    %add3A_16 = arith.addf %slice3A_13, %add3A_15 : vector<1024x1xf32>
    %div3A = arith.divf %slice3A_12, %add3A_16 : vector<1024x1xf32>
    %add3A_17 = arith.addf %div3A, %slice3A : vector<1024x1xf32>
    %swap3A = arith.constant 0 : index
    %swap3A_18 = arith.constant 0 : index
    %swap3A_19 = vector.load %arg4[%swap3A, %swap3A_18] : memref<1024x1xf32, #tpu.memory_space<vmem>>, vector<1024x1xf32>
    tpu.vector_store %arg4[%swap3A, %swap3A_18], %add3A_17 {strides = array<i32>} : memref<1024x1xf32, #tpu.memory_space<vmem>>, vector<1024x1xf32>,
    return
  }
  func.func @transform_0(%arg0: i32) -> (i32, i32, i32) {
    %c0_i32 = arith.constant 0 : i32
    %c0_i32_0 = arith.constant 0 : i32
    %c0_i32_1 = arith.constant 0 : i32
    return %c0_i32, %arg0, %c0_i32_0 : i32, i32, i32
  }
  func.func @transform_1(%arg0: i32) -> (i32, i32, i32) {
    %c1_i32 = arith.constant 1 : i32
    %c0_i32 = arith.constant 0 : i32
    %c0_i32_0 = arith.constant 0 : i32
    return %c1_i32, %arg0, %c0_i32 : i32, i32, i32
  }
  func.func @transform_2(%arg0: i32) -> (i32, i32) {
    %c0_i32 = arith.constant 0 : i32
    %c0_i32_0 = arith.constant 0 : i32
    return %arg0, %c0_i32 : i32, i32
  }
  func.func @transform_3(%arg0: i32) -> (i32, i32) {
    %c0_i32 = arith.constant 0 : i32
    %c0_i32_0 = arith.constant 0 : i32
    return %arg0, %c0_i32 : i32, i32
  }
}

</mosaic_0001>

<sc_bundles>
// kernel: kernel.10.cloned.1.call-start
scs
__scs_entry_jumppad:
0x0: {  	(pc) =	sbr.rel $0x88, $3  }
0x1: {  	(tag) =	ssettag $0x0;
	lr =	simm.s32 $0x1  }
0x2: {  	[smem:$0x3F8C] =	sst lr;
	_ =	strace $0xD0000000  }
0x3: {  	_ = 	snop  }
0x4: {  	_ = 	snop  }
0x5: {  	_ = 	snop  }
0x6: {  	_ = 	snop  }
0x7: {  	_ = 	snop  }
__scs_overlays_trampoline_lowered:
0x8: {  	[smem:$0x3F9B] =	sst s0  }
0x9: {  	[smem:$0x3F9C] =	sst s1  }
0xa: {  	[smem:$0x3F9D] =	sst s2  }
0xb: {  	[smem:$0x3F9E] =	sst s3  }
0xc: {  	[smem:$0x3F9F] =	sst s4  }
0xd: {  	[smem:$0x3FA0] =	sst s5  }
0xe: {  	[smem:$0x3FA1] =	sst s6  }
0xf: {  	[smem:$0x3FA2] =	sst s7  }
0x10: {  	[smem:$0x3FA3] =	sst s8  }
0x11: {  	[smem:$0x3FA4] =	sst s9;
	s0 =	simm.s32 @!p0 $0x0  }
0x12: {  	s1 =	sld [smem:$0x3F8A];
	s0 =	simm.s32 @p0 $0x1  }
0x13: {  	[smem:$0x3FA5] =	sst s0;
	s0 =	simm.s32 @!p1 $0x0  }
0x14: {  	s2 =	sld [smem:$0x3F89];
	s0 =	simm.s32 @p1 $0x1  }
0x15: {  	[smem:$0x3FA6] =	sst s0;
	s0 =	simm.s32 @!p2 $0x0  }
0x16: {  	s3 =	sld [smem:$0x3FDB];
	s0 =	simm.s32 @p2 $0x1  }
0x17: {  	s4 =	simm.s32 $0x1BF5;
	[smem:$0x3FA8] =	sst s0  }
0x18: {  	s0 =	sld [smem:$0x3F8B];
	_ =	swait.ge [sflag:s4], $0x0  }
0x19: {  	s7 =	sld [smem:$0x3F8C]  }
0x1a: {  	s8 =	sadd.s32 $0xFFFFE003, lr  }
0x1b: {  	s9 =	sadd.s32 $0xFFFFFEF7, lr;
	s5 =	simm.s32 $0xFFFFFFFF;
	p2 =	slt.u32 s8, $0xFFFFF086  }
0x1c: {  	p1 =	slt.u32 s9, $0xF7A;
	s5 =	simm.s32 @!p2 $0x0  }
0x1d: {  	s5 =	simm.s32 @p1 $0x1;
	p0 =	seq.s32 s7, s2  }
0x1e: {  	s7 =	smul.u32 @!p0 $0xF7A, s2;
	p2 =	seq.s32 @!p0 s5, $0x0  }
0x1f: {  	s9 =	smul.u32 $0xF7A, s1;
	s8 =	simm.s32 @!p0 $0x1BF5;
	p2 =	por !p2, p0  }
0x20: {  	[sflag:s8] =	ssyncset.s32 @!p0 $0xFFFFF086;
	s6 =	sadd.s32 @!p0 s3, s7;
	s7 =	simm.s32 @!p0 $0x108  }
0x21: {  	s3 =	sadd.s32 s3, s9;
	s6 =	sadd.s32 @!p0 $0x88, s6;
	s7 =	simm.s32 @p2 $0x1082  }
0x22: {  	[simem:s7], [sflag:s8] =	dma.local @!p0 [hbm:s6], $0xF7A  }
0x23: {  	s9 =	sor.u32 $0xD0000000, s2;
	s6 =	simm.s32 $0x108;
	_ =	swait.ge @!p0 [sflag:s8], $0x0  }
0x24: {  	s3 =	sadd.s32 $0x88, s3;
	s6 =	simm.s32 @!p1 $0x1082;
	[sflag:s4] =	ssyncset.s32 $0xFFFFF086  }
0x25: {  	[simem:s6], [sflag:s4] =	dma.local [hbm:s3], $0xF7A  }
0x26: {  	[smem:$0x3F8C] =	sst s1;
	(tag) =	ssettag s2;
	_ =	strace s9  }
0x27: {  	s1 =	sld [smem:$0x3F9C]  }
0x28: {  	s2 =	sld [smem:$0x3F9D]  }
0x29: {  	s4 =	sld [smem:$0x3F9F]  }
0x2a: {  	p0 =	seq.s32 s5, $0x0;
	s5 =	sld [smem:$0x3FA0]  }
0x2b: {  	s6 =	sld [smem:$0x3FA1]  }
0x2c: {  	s7 =	sld [smem:$0x3FA2]  }
0x2d: {  	s3 =	simm.s32 $0x108;
	s8 =	sld [smem:$0x3FA3]  }
0x2e: {  	s3 =	simm.s32 @!p0 $0x1082;
	s9 =	sld [smem:$0x3FA4]  }
0x2f: {  	lr =	sadd.s32 s0, s3;
	s0 =	sld [smem:$0x3F9B]  }
0x30: {  	s3 =	sld [smem:$0x3F9E]  }
0x31: {  	[smem:$0x3FA7] =	sst s10  }
0x32: {  	s10 =	sld [smem:$0x3FA5];
	_ =	sdelay $0x3  }
0x33: {  	p0 =	seq.s32 s10, $0x1;
	s10 =	sld [smem:$0x3FA7];
	_ =	sdelay $0x3  }
0x34: {  	[smem:$0x3FA7] =	sst s10  }
0x35: {  	s10 =	sld [smem:$0x3FA6];
	_ =	sdelay $0x3  }
0x36: {  	p1 =	seq.s32 s10, $0x1;
	s10 =	sld [smem:$0x3FA7];
	_ =	sdelay $0x3  }
0x37: {  	[smem:$0x3FA7] =	sst s10  }
0x38: {  	s10 =	sld [smem:$0x3FA8]  }
0x39: {  	_ = 	snop;
	(pc) =	sbr.ind lr, $3  }
0x3a: {  	_ = 	snop  }
0x3b: {  	_ = 	snop  }
0x3c: {  	p2 =	seq.s32 s10, $0x1;
	s10 =	sld [smem:$0x3FA7]  }
0x3d: {  	_ =	shalt  }
0x3e: {  	_ =	shalt  }
0x3f: {  	_ =	shalt  }
0x40: {  	_ =	shalt  }
0x41: {  	_ =	shalt  }
0x42: {  	_ =	shalt  }
0x43: {  	_ =	shalt  }
0x44: {  	_ =	shalt  }
0x45: {  	_ =	shalt  }
0x46: {  	_ =	shalt  }
0x47: {  	_ =	shalt  }
0x48: {  	_ =	shalt  }
0x49: {  	_ =	shalt  }
0x4a: {  	_ =	shalt  }
0x4b: {  	_ =	shalt  }
0x4c: {  	_ =	shalt  }
0x4d: {  	_ =	shalt  }
0x4e: {  	_ =	shalt  }
0x4f: {  	_ =	shalt  }
0x50: {  	_ =	shalt  }
0x51: {  	_ =	shalt  }
0x52: {  	_ =	shalt  }
0x53: {  	_ =	shalt  }
0x54: {  	_ =	shalt  }
0x55: {  	_ =	shalt  }
0x56: {  	_ =	shalt  }
0x57: {  	_ =	shalt  }
0x58: {  	_ =	shalt  }
0x59: {  	_ =	shalt  }
0x5a: {  	_ =	shalt  }
0x5b: {  	_ =	shalt  }
0x5c: {  	_ =	shalt  }
0x5d: {  	_ =	shalt  }
0x5e: {  	_ =	shalt  }
0x5f: {  	_ =	shalt  }
0x60: {  	_ =	shalt  }
0x61: {  	_ =	shalt  }
0x62: {  	_ =	shalt  }
0x63: {  	_ =	shalt  }
0x64: {  	_ =	shalt  }
0x65: {  	_ =	shalt  }
0x66: {  	_ =	shalt  }
0x67: {  	_ =	shalt  }
0x68: {  	_ =	shalt  }
0x69: {  	_ =	shalt  }
0x6a: {  	_ =	shalt  }
0x6b: {  	_ =	shalt  }
0x6c: {  	_ =	shalt  }
0x6d: {  	_ =	shalt  }
0x6e: {  	_ =	shalt  }
0x6f: {  	_ =	shalt  }
0x70: {  	_ =	shalt  }
0x71: {  	_ =	shalt  }
0x72: {  	_ =	shalt  }
0x73: {  	_ =	shalt  }
0x74: {  	_ =	shalt  }
0x75: {  	_ =	shalt  }
0x76: {  	_ =	shalt  }
0x77: {  	_ =	shalt  }
0x78: {  	_ =	shalt  }
0x79: {  	_ =	shalt  }
0x7a: {  	_ =	shalt  }
0x7b: {  	_ =	shalt  }
0x7c: {  	_ =	shalt  }
0x7d: {  	_ =	shalt  }
0x7e: {  	_ =	shalt  }
0x7f: {  	_ =	shalt  }
0x80: {  	_ =	shalt  }
0x81: {  	_ =	shalt  }
0x82: {  	_ =	shalt  }
0x83: {  	_ =	shalt  }
0x84: {  	_ =	shalt  }
0x85: {  	_ =	shalt  }
0x86: {  	_ =	shalt  }
0x87: {  	_ =	shalt  }
.Lfunc_end0:
.L_simem_size_0:
called_computation.1_lowered:
.L_overlay_start_0:
0x88: {  	s2 =	sld [smem:$0x3FD9]  }
0x89: {  	s3 =	sld [smem:$0x3FFE];
	_ =	sdelay $0x1  }
0x8a: {  	s1 =	srdreg.scid  }
0x8b: {  	s0 =	sand.u32 $0x1, s1  }
0x8c: {  	s16 =	sshll.u32 s0, $0xA;
	s2 =	sadd.s32 s3, s2  }
0x8d: {  	s2 =	sadd.s32 s2, s16  }
0x8e: {  	[smem:$0x3FB3] =	sst s2  }
0x8f: {  	_ = 	snop  }
0x90: {  	(tm) =	ssettm $0x1  }
0x91: {  	s17 =	sld [smem:$0x3FFB];
	_ =	sdelay $0x3  }
0x92: {  	_ =	strace s17  }
0x93: {  	s2 =	sld [smem:$0x3FFC];
	_ =	sdelay $0x3  }
0x94: {  	_ =	strace s2  }
0x95: {  	s2 =	sld [smem:$0x3FFD];
	_ =	sdelay $0x3  }
0x96: {  	_ =	strace s2  }
0x97: {  	_ =	strace $0x8FFFFFFF  }
0x98: {  	s18 =	sld [smem:$0x3FDB];
	_ =	sdelay $0x1  }
0x99: {  	s19 =	simm.s32 $_scs_section_size  }
0x9a: {  	s4 =	simm.s32 $_size__tile_overlayer_lowered;
	s5 =	simm.s32 $_tile_overlayer_lowered  }
0x9b: {  	s22 =	simm.s32 $0x1BFF;
	s21 =	sshll.u32 s5, $0x1;
	s2 =	sadd.s32 s19, s18  }
0x9c: {  	s6 =	simm.s32 $0x0;
	s20 =	sshll.u32 s4, $0x1;
	s4 =	sadd.s32 s21, s2  }
0x9d: {  	[timem:s6], [sflag:s22] =	dma.local [hbm:s4], s20  }
0x9e: {  	_ =	swait.ge [sflag:s22], s20  }
0x9f: {  	s3 =	ssub.s32 $0x0, s20;
	[sflag:s22] =	ssyncset.done $0x0  }
0xa0: {  	[sflag:s22] =	ssyncadd.s32 s3;
	_ =	sdelay $0x1  }
0xa1: {  	s23 =	simm.s32 $0x1B8B  }
0xa2: {  	_ =	swait.ge [sflag:s23], $0x1  }
0xa3: {  	[sflag:s23] =	ssyncset.done $0x0  }
0xa4: {  	s25 =	simm.s32 $0x1B8E;
	s24 =	sld [smem:$0x3FFE];
	[sflag:s23] =	ssyncadd.s32 $0xFFFFFFFF  }
0xa5: {  	s26 =	simm.s32 $execute0_lowered;
	[smem:$0x3FD2] =	sst s25  }
0xa6: {  	s4 =	sshll.u32 s26, $0x1;
	_ =	strace $0x80000049;
	[dreg:$0x1] =	wrdreg $0xFFFFFFFF  }
0xa7: {  	s28 =	simm.s32 $_size_execute0_lowered;
	s2 =	sadd.s32 s2, s4;
	[dreg:$0x0] =	wrdreg $0x0  }
0xa8: {  	s4 =	sshll.u32 s28, $0x1;
	[dreg:$0x2] =	wrdreg s2  }
0xa9: {  	[dreg:$0x3] =	wrdreg s4  }
0xaa: {  	[dreg:$0x4] =	wrdreg $0xC0  }
0xab: {  	_ =	task [dreg:s6], $0x5FFFF  }
0xac: {  	[dreg:$0x1] =	wrdreg $0xFFFFFFFF  }
0xad: {  	[dreg:$0x0] =	wrdreg $0x60  }
0xae: {  	[dreg:$0x2] =	wrdreg s24  }
0xaf: {  	[dreg:$0x3] =	wrdreg $0x0  }
0xb0: {  	[dreg:$0x4] =	wrdreg $0x9  }
0xb1: {  	_ =	task.clear_ibuf [dreg:s6], $0x5FFFF;
	_ =	strace $0x90000049  }
0xb2: {  	s29 =	simm.s32 $0x9;
	_ =	strace $0x8000004B  }
0xb3: {  	_ =	swait.ge [sflag:s29], $0x1  }
0xb4: {  	[sflag:s29] =	ssyncadd.s32 $0xFFFFFFFF  }
0xb5: {  	_ =	strace $0x9000004B  }
0xb6: {  	_ =	sfence  }
0xb7: {  	s30 =	sld [smem:$0x0];
	_ =	sdelay $0x2  }
0xb8: {  	s31 =	sshll.u32 s1, $0xD;
	s1 =	sshrl.u32 s1, $0x2  }
0xb9: {  	s3 =	sand.u32 $0x4000, s31;
	s1 =	sadd.s32 s1, s30  }
0xba: {  	s0 =	sor.u32 s3, s0;
	s1 =	sshll.u32 s1, $0x11  }
0xbb: {  	s0 =	sor.u32 s1, s0  }
0xbc: {  	s0 =	sadd.s32 $0x8F2B, s0  }
0xbd: {  	[sflag:s0] =	ssyncadd.remote.s32 $0x1  }
0xbe: {  	_ =	sfence.sel $0xFFFF  }
0xbf: {  	[dreg:$0x0] =	wrdreg $0xFFFFFFFF;
	(pc) =	sbr.abs _section_cstart, $3  }
0xc0: {  	[dreg:$0x1] =	wrdreg $0xFFFFFFFF  }
0xc1: {  	_ =	task.clear_ibuf [dreg:s6], $0x2FFFF;
	_ =	strace $0x9FFFFFFF  }
0xc2: {  	(tm) =	ssettm $0x7FFFFFFF  }
0xc3: {  	_ =	shalt  }
tec
execute0_lowered:
.L_overlay_start_1:
0x0: {  	(tag) =	ssettag $0x1  }
0x1: {  	s9 =	rddreg [dreg:$0x0]  }
0x2: {  	s2 =	rddreg [dreg:$0x1]  }
0x3: {  	s0 =	rddreg [dreg:$0x2];
	s3 =	simm.s32 $0x0  }
0x4: {  	s1 =	stileid.u32;
	s4 =	srdreg.scid;
	s16 =	simm.s32 $0x4180  }
0x5: {  	s17 =	simm.s32 $0x2800;
	s18 =	simm.s32 $0x2880;
	s19 =	simm.s32 $0x2900  }
0x6: {  	s20 =	simm.s32 $0x1;
	s21 =	simm.s32 $0x2;
	s22 =	simm.s32 $0x80  }
0x7: {  	s23 =	simm.s32 $0x2980;
	s24 =	simm.s32 $0x3180;
	s25 =	simm.s32 $0x3980  }
0x8: {  	s26 =	simm.s32 $0x0;
	[smem:$0x7FF] =	sst s3;
	s10 =	smul.u32 $0x2800, s1  }
0x9: {  	s11 =	sand.u32 $0x1, s4;
	s4 =	sadd.s32 $0x2A00, s9;
	s5 =	sadd.s32 $0x34A00, s9  }
0xa: {  	s6 =	sadd.s32 $0x2AA00, s9;
	s7 =	sadd.s32 $0x3EA00, s9;
	s8 =	sadd.s32 $0xCA00, s9  }
0xb: {  	s29 =	sshll.u32 s1, $0x1;
	s31 =	sshll.u32 s1, $0x6;
	_ =	strace $0x8000004A  }
0xc: {  	s12 =	smul.u32 $0x28000, s11;
	s14 =	ssub.s32 $0x2, s11;
	s11 =	sor.u32 s11, s29  }
0xd: {  	s13 =	sshrl.u32 s10, $0x3;
	s15 =	sshrl.u32 s14, $0x1;
	s30 =	sadd.s32 s10, s2  }
0xe: {  	s11 =	smul.u32 $0x2800, s11;
	s12 =	sadd.s32 s10, s12;
	s13 =	sadd.s32 s13, s9  }
0xf: {  	s14 =	ssub.s32 s14, s15;
	s10 =	sor.u32 $0x1C03, s31;
	s12 =	sshrl.u32 s12, $0x3  }
0x10: {  	v0 =	vlaneseq.u32;
	s15 =	simm.s32 $0x3;
	s12 =	sadd.s32 s12, s9;
	s9 =	sadd.s32 $0x7A00, s13  }
0x11: {  	v1 =	vimm.f32 $0.0e+00;
	v2 =	vor.u32 $0xFFFFFFF8, v0;
	s13 =	smax.u32 s14, $0x1;
	s14 =	sshrl.u32 s30, $0x3;
	s12 =	sadd.s32 $0xCC00, s12  }
.LBB2_1:
0x12: {  	[spmem:s14], [sflag:s10] =	dma.local [hbm:s9], $0x500  }
0x13: {  	_ =	swait.ge [sflag:s15], $0x500  }
0x14: {  	[sflag:s15] =	ssyncset.done $0x0  }
0x15: {  	[sflag:s15] =	ssyncadd.s32 $0xFFFFFB00  }
0x16: {  	[tilespmem:s16], [sflag:$0x3] =	stream.linear.gather [hbm4b:s8+s3], $0x10, $0x38;
	[tilespmem:$0x4190] =	vst v63  }
0x17: {  	_ =	swait.ge [sflag:s15], $0x10  }
0x18: {  	[sflag:s15] =	ssyncset.done $0x0  }
0x19: {  	s28 =	simm.s32 $0x40;
	s29 =	simm.s32 $0x0;
	[sflag:s15] =	ssyncadd.s32 $0xFFFFFFF0  }
.LBB2_2:
0x1a: {  	p0 =	sne.s32 s28, $0x1FC0;
	[tilespmem:s29+$0x3980] =	vst v1;
	s29 =	smov.u32 s28;
	s28 =	sadd.s32 $0x40, s28  }
.Ltmp0:
0x1b: {  	(pc) =	sbr.rel @p0 .LBB2_2-.Ltmp0, $2  }
0x1c: {  	_ =	sdelay $0x2  }
0x1d: {  	s29 =	sshra.s32 s29, $0x2  }
0x1e: {  	[tilespmem:s29+$0x3980] =	vst v1  }
0x1f: {  	s28 =	simm.s32 $0x0;
	s29 =	simm.s32 $0x0;
	[bflag:$0x0] =	sbarrier.arrive $0xFFFF  }
.LBB2_4:
0x20: {  	s30 =	sshll.u32 s29, $0x7  }
0x21: {  	s30 =	sadd.s32 s11, s30  }
0x22: {  	s30 =	sshrl.u32 s30, $0x3  }
0x23: {  	s31 =	sadd.s32 s5, s30  }
0x24: {  	[tilespmem:s17], [sflag:$0x1] =	stream.linear.gather [hbm4b:s31+s28], $0x80, $0x38;
	[tilespmem:$0x4190] =	vst v63  }
0x25: {  	s31 =	sadd.s32 s6, s30  }
0x26: {  	[tilespmem:s18], [sflag:$0x2] =	stream.linear.gather [hbm4b:s31+s28], $0x80, $0x38;
	[tilespmem:$0x4190] =	vst v63  }
0x27: {  	s30 =	sadd.s32 s7, s30  }
0x28: {  	[tilespmem:s19], [sflag:$0x1] =	stream.linear.gather [hbm4b:s30+s28], $0x80, $0x38;
	[tilespmem:$0x4190] =	vst v63  }
0x29: {  	_ =	swait.ge [sflag:s20], $0x80  }
0x2a: {  	[sflag:s20] =	ssyncset.done $0x0  }
0x2b: {  	[sflag:s20] =	ssyncadd.s32 $0xFFFFFF80  }
0x2c: {  	_ =	swait.ge [sflag:s21], $0x80  }
0x2d: {  	[sflag:s21] =	ssyncset.done $0x0  }
0x2e: {  	[sflag:s21] =	ssyncadd.s32 $0xFFFFFF80  }
0x2f: {  	_ =	swait.ge [sflag:s20], $0x80  }
0x30: {  	[sflag:s20] =	ssyncset.done $0x0  }
0x31: {  	[sflag:s20] =	ssyncadd.s32 $0xFFFFFF80  }
0x32: {  	[tilespmem:s23], [sflag:$0x1] =	stream.indirect.gather [hbm4b:s4+s22], $0x10, s18, s22, $0xb8;
	[tilespmem:$0x4190] =	vst v63  }
0x33: {  	_ = 	snop  }
0x34: {  	[tilespmem:s24], [sflag:$0x2] =	stream.indirect.gather [hbm4b:s4+s22], $0x10, s17, s22, $0xb8;
	[tilespmem:$0x4190] =	vst v63  }
0x35: {  	_ =	swait.ge [sflag:s20], $0x800  }
0x36: {  	v3 =	vor.u32 s28, v0;
	[sflag:s20] =	ssyncset.done $0x0  }
0x37: {  	v6 =	vand.u32 v2, v3;
	[sflag:s20] =	ssyncadd.s32 $0xFFFFF800  }
0x38: {  	v4 =	vshll.u32 v3, $0x4;
	_ =	swait.ge [sflag:s21], $0x800  }
0x39: {  	v5 =	vor.u32 $0x1, v4;
	[sflag:s21] =	ssyncset.done $0x0  }
0x3a: {  	[sflag:s21] =	ssyncadd.s32 $0xFFFFF800  }
0x3b: {  	v3 =	vld [tilespmem:$0x4180]  }
0x3c: {  	v6 =	vld.idx.msk [tilespmem:v6+s19+$0x0], $0xffff;
	_ =	sdelay $0x1  }
0x3d: {  	v7 =	vld.idx.msk [tilespmem:v5+s24+$0x0], $0xffff;
	_ =	sdelay $0x1  }
0x3e: {  	v8 =	vld.idx.msk [tilespmem:v4+s23+$0x0], $0xffff  }
0x3f: {  	v6 =	vmul.f32 v6, v3;
	_ =	sdelay $0x1  }
0x40: {  	v7 =	vadd.f32 v7, v6;
	_ =	sdelay $0x1  }
0x41: {  	v7 =	vmul.f32 v7, v8;
	_ =	sdelay $0x1  }
0x42: {  	v8 =	vor.u32 $0x2, v4;
	v7 =	vmul.f32 $1.442695020e+00, v7;
	_ =	sdelay $0x1  }
0x43: {  	(erf) = vpow2.f32 v7;
	_ =	sdelay $0x2  }
0x44: {  	v7 =	vld.idx.msk [tilespmem:v8+s24+$0x0], $0xffff;
	_ =	sdelay $0x3  }
0x45: {  	s30 =	simm.s32 $0x10  }
0x46: {  	v8 =	vor.u32 s30, v0;
	v9 =	vadd.f32 v7, v6  }
0x47: {  	s30 =	simm.s32 $0x20;
	v6 =	vand.u32 v2, v8;
	v7 =	vpop (erf)  }
.LBB2_5:
0x48: {  	p0 =	sne.s32 s30, $0x70;
	v8 =	vshll.u32 v8, $0x4;
	v9 =	vmul.f32 v7, v9  }
0x49: {  	v10 =	vor.u32 $0x1, v8  }
0x4a: {  	[tilespmem:v4+s25+$0x0] =	vst.idx.msk $0xffff, v9;
	v4 =	vmov v8  }
0x4b: {  	[tilespmem:v5+s25+$0x0] =	vst.idx.msk $0xffff, v7;
	v5 =	vmov v10  }
0x4c: {  	v6 =	vld.idx.msk [tilespmem:v6+s19+$0x0], $0xffff;
	_ =	sdelay $0x1  }
0x4d: {  	v7 =	vld.idx.msk [tilespmem:v10+s24+$0x0], $0xffff;
	_ =	sdelay $0x1  }
0x4e: {  	v8 =	vld.idx.msk [tilespmem:v8+s23+$0x0], $0xffff;
	_ =	sdelay $0x1  }
0x4f: {  	v6 =	vmul.f32 v6, v3;
	_ =	sdelay $0x1  }
0x50: {  	v7 =	vadd.f32 v7, v6;
	_ =	sdelay $0x1  }
0x51: {  	v7 =	vmul.f32 v7, v8  }
0x52: {  	v8 =	vor.u32 $0x2, v4  }
0x53: {  	v7 =	vmul.f32 $1.442695020e+00, v7;
	_ =	sdelay $0x1  }
0x54: {  	(erf) = vpow2.f32 v7;
	_ =	sdelay $0x1  }
0x55: {  	v7 =	vld.idx.msk [tilespmem:v8+s24+$0x0], $0xffff;
	_ =	sdelay $0x2  }
.Ltmp1:
0x56: {  	(pc) =	sbr.rel @p0 .LBB2_5-.Ltmp1, $3  }
0x57: {  	_ =	sdelay $0x1  }
0x58: {  	v8 =	vor.u32 s30, v0;
	v9 =	vadd.f32 v7, v6  }
0x59: {  	s30 =	sadd.s32 $0x10, s30;
	v6 =	vand.u32 v2, v8;
	v7 =	vpop (erf)  }
0x5a: {  	_ =	sdelay $0x1  }
0x5b: {  	v8 =	vshll.u32 v8, $0x4;
	v9 =	vmul.f32 v7, v9  }
0x5c: {  	v10 =	vor.u32 $0x1, v8  }
0x5d: {  	[tilespmem:v4+s25+$0x0] =	vst.idx.msk $0xffff, v9  }
0x5e: {  	[tilespmem:v5+s25+$0x0] =	vst.idx.msk $0xffff, v7  }
0x5f: {  	v4 =	vld.idx.msk [tilespmem:v6+s19+$0x0], $0xffff;
	_ =	sdelay $0x1  }
0x60: {  	v5 =	vld.idx.msk [tilespmem:v10+s24+$0x0], $0xffff;
	_ =	sdelay $0x1  }
0x61: {  	v60 =	vld.idx.msk [tilespmem:v8+s23+$0x0], $0xffff  }
0x62: {  	v3 =	vmul.f32 v4, v3;
	_ =	sdelay $0x1  }
0x63: {  	v4 =	vadd.f32 v5, v3;
	_ =	sdelay $0x1  }
0x64: {  	v4 =	vmul.f32 v4, v60;
	_ =	sdelay $0x1  }
0x65: {  	v61 =	vor.u32 $0x2, v8;
	v4 =	vmul.f32 $1.442695020e+00, v4;
	_ =	sdelay $0x1  }
0x66: {  	(erf) = vpow2.f32 v4;
	_ =	sdelay $0x2  }
0x67: {  	v62 =	vld.idx.msk [tilespmem:v61+s24+$0x0], $0xffff;
	_ =	sdelay $0x4  }
0x68: {  	v3 =	vadd.f32 v62, v3  }
0x69: {  	v63 =	vpop (erf)  }
0x6a: {  	v3 =	vmul.f32 v63, v3  }
0x6b: {  	s29 =	sadd.s32 $0x1, s29  }
0x6c: {  	p0 =	sne.s32 s29, $0x50;
	[tilespmem:v8+s25+$0x0] =	vst.idx.msk $0xffff, v3  }
.Ltmp2:
0x6d: {  	[tilespmem:v10+s25+$0x0] =	vst.idx.msk $0xffff, v63;
	(pc) =	sbr.rel @p0 .LBB2_4-.Ltmp2, $4  }
0x6e: {  	[spmem:s2] =	stream.indirect.scatter.add.f32 [tilespmem:s25], [sflag:$0x3], $0x10, s18, s22, $0xb8;
	[tilespmem:$0x4190] =	vst v63  }
0x6f: {  	_ =	swait.ge [sflag:s15], $0x800  }
0x70: {  	[sflag:s15] =	ssyncset.done $0x0  }
0x71: {  	[sflag:s15] =	ssyncadd.s32 $0xFFFFF800  }
0x72: {  	s26 =	sadd.s32 $0x1, s26  }
0x73: {  	p0 =	sne.s32 s26, s13  }
.Ltmp3:
0x74: {  	[bflag:$0x0] =	sbarrier.arrive $0xFFFF;
	(pc) =	sbr.rel @p0 .LBB2_1-.Ltmp3, $4  }
0x75: {  	[hbm:s12], [sflag:s10] =	dma.local [spmem:s14], $0x500  }
0x76: {  	_ =	swait.ge [sflag:s15], $0x500  }
0x77: {  	[sflag:s15] =	ssyncset.done $0x0  }
0x78: {  	[sflag:s15] =	ssyncadd.s32 $0xFFFFFB00  }
0x79: {  	_ =	sfence.sel $0x180000  }
0x7a: {  	[bflag:$0x0] =	sbarrier.arrive $0xFFFF  }
0x7b: {  	p0 =	sne.s32 s1, $0x0;
	_ =	strace $0x9000004A  }
0x7c: {  	s0 =	sadd.s32 @!p0 $0x100000, s0;
	[bflag:$0x2] =	sbarrier.arrive $0xFFFF  }
0x7d: {  	[sflag:s0] =	ssyncadd.tile.s32 @!p0 $0x1;
	_ =	shalt  }
.Lfunc_end2:
_tile_overlayer_lowered:
.L_overlay_start_2:
0x7e: {  	(tag) =	ssettag $0x2  }
0x7f: {  	s0 =	rddreg [dreg:$0x0];
	s2 =	stileid.u32  }
0x80: {  	s1 =	rddreg [dreg:$0x1];
	p0 =	sne.s32 s2, $0x0  }
0x81: {  	s3 =	rddreg [dreg:$0x2];
	[bflag:$0x3] =	sbarrier.arrive $0xFFFF;
	s2 =	simm.s32 @!p0 $0x1C03  }
0x82: {  	[timem:s3], [sflag:s2] =	dma.local @!p0 [hbm:s0], s1  }
0x83: {  	s0 =	simm.s32 @!p0 $0x3  }
0x84: {  	_ =	swait.ge @!p0 [sflag:s0], s1  }
0x85: {  	s1 =	ssub.s32 @!p0 $0x0, s1;
	[sflag:s0] =	ssyncset.done @!p0 $0x0  }
0x86: {  	[sflag:s0] =	ssyncadd.s32 @!p0 s1  }
0x87: {  	[bflag:$0x3] =	sbarrier.arrive $0xFFFF  }
0x88: {  	_ =	shalt  }

// kernel: kernel.7.cloned.1.call-start
scs
__scs_entry_jumppad:
0x0: {  	(pc) =	sbr.rel $0x88, $3  }
0x1: {  	(tag) =	ssettag $0x0;
	lr =	simm.s32 $0x1  }
0x2: {  	[smem:$0x3F8C] =	sst lr;
	_ =	strace $0xD0000000  }
0x3: {  	_ = 	snop  }
0x4: {  	_ = 	snop  }
0x5: {  	_ = 	snop  }
0x6: {  	_ = 	snop  }
0x7: {  	_ = 	snop  }
__scs_overlays_trampoline_lowered:
0x8: {  	[smem:$0x3F9B] =	sst s0  }
0x9: {  	[smem:$0x3F9C] =	sst s1  }
0xa: {  	[smem:$0x3F9D] =	sst s2  }
0xb: {  	[smem:$0x3F9E] =	sst s3  }
0xc: {  	[smem:$0x3F9F] =	sst s4  }
0xd: {  	[smem:$0x3FA0] =	sst s5  }
0xe: {  	[smem:$0x3FA1] =	sst s6  }
0xf: {  	[smem:$0x3FA2] =	sst s7  }
0x10: {  	[smem:$0x3FA3] =	sst s8  }
0x11: {  	[smem:$0x3FA4] =	sst s9;
	s0 =	simm.s32 @!p0 $0x0  }
0x12: {  	s1 =	sld [smem:$0x3F8A];
	s0 =	simm.s32 @p0 $0x1  }
0x13: {  	[smem:$0x3FA5] =	sst s0;
	s0 =	simm.s32 @!p1 $0x0  }
0x14: {  	s2 =	sld [smem:$0x3F89];
	s0 =	simm.s32 @p1 $0x1  }
0x15: {  	[smem:$0x3FA6] =	sst s0;
	s0 =	simm.s32 @!p2 $0x0  }
0x16: {  	s3 =	sld [smem:$0x3FDB];
	s0 =	simm.s32 @p2 $0x1  }
0x17: {  	s4 =	simm.s32 $0x1BF5;
	[smem:$0x3FA8] =	sst s0  }
0x18: {  	s0 =	sld [smem:$0x3F8B];
	_ =	swait.ge [sflag:s4], $0x0  }
0x19: {  	s7 =	sld [smem:$0x3F8C]  }
0x1a: {  	s8 =	sadd.s32 $0xFFFFE003, lr  }
0x1b: {  	s9 =	sadd.s32 $0xFFFFFEF7, lr;
	s5 =	simm.s32 $0xFFFFFFFF;
	p2 =	slt.u32 s8, $0xFFFFF086  }
0x1c: {  	p1 =	slt.u32 s9, $0xF7A;
	s5 =	simm.s32 @!p2 $0x0  }
0x1d: {  	s5 =	simm.s32 @p1 $0x1;
	p0 =	seq.s32 s7, s2  }
0x1e: {  	s7 =	smul.u32 @!p0 $0xF7A, s2;
	p2 =	seq.s32 @!p0 s5, $0x0  }
0x1f: {  	s9 =	smul.u32 $0xF7A, s1;
	s8 =	simm.s32 @!p0 $0x1BF5;
	p2 =	por !p2, p0  }
0x20: {  	[sflag:s8] =	ssyncset.s32 @!p0 $0xFFFFF086;
	s6 =	sadd.s32 @!p0 s3, s7;
	s7 =	simm.s32 @!p0 $0x108  }
0x21: {  	s3 =	sadd.s32 s3, s9;
	s6 =	sadd.s32 @!p0 $0x88, s6;
	s7 =	simm.s32 @p2 $0x1082  }
0x22: {  	[simem:s7], [sflag:s8] =	dma.local @!p0 [hbm:s6], $0xF7A  }
0x23: {  	s9 =	sor.u32 $0xD0000000, s2;
	s6 =	simm.s32 $0x108;
	_ =	swait.ge @!p0 [sflag:s8], $0x0  }
0x24: {  	s3 =	sadd.s32 $0x88, s3;
	s6 =	simm.s32 @!p1 $0x1082;
	[sflag:s4] =	ssyncset.s32 $0xFFFFF086  }
0x25: {  	[simem:s6], [sflag:s4] =	dma.local [hbm:s3], $0xF7A  }
0x26: {  	[smem:$0x3F8C] =	sst s1;
	(tag) =	ssettag s2;
	_ =	strace s9  }
0x27: {  	s1 =	sld [smem:$0x3F9C]  }
0x28: {  	s2 =	sld [smem:$0x3F9D]  }
0x29: {  	s4 =	sld [smem:$0x3F9F]  }
0x2a: {  	p0 =	seq.s32 s5, $0x0;
	s5 =	sld [smem:$0x3FA0]  }
0x2b: {  	s6 =	sld [smem:$0x3FA1]  }
0x2c: {  	s7 =	sld [smem:$0x3FA2]  }
0x2d: {  	s3 =	simm.s32 $0x108;
	s8 =	sld [smem:$0x3FA3]  }
0x2e: {  	s3 =	simm.s32 @!p0 $0x1082;
	s9 =	sld [smem:$0x3FA4]  }
0x2f: {  	lr =	sadd.s32 s0, s3;
	s0 =	sld [smem:$0x3F9B]  }
0x30: {  	s3 =	sld [smem:$0x3F9E]  }
0x31: {  	[smem:$0x3FA7] =	sst s10  }
0x32: {  	s10 =	sld [smem:$0x3FA5];
	_ =	sdelay $0x3  }
0x33: {  	p0 =	seq.s32 s10, $0x1;
	s10 =	sld [smem:$0x3FA7];
	_ =	sdelay $0x3  }
0x34: {  	[smem:$0x3FA7] =	sst s10  }
0x35: {  	s10 =	sld [smem:$0x3FA6];
	_ =	sdelay $0x3  }
0x36: {  	p1 =	seq.s32 s10, $0x1;
	s10 =	sld [smem:$0x3FA7];
	_ =	sdelay $0x3  }
0x37: {  	[smem:$0x3FA7] =	sst s10  }
0x38: {  	s10 =	sld [smem:$0x3FA8]  }
0x39: {  	_ = 	snop;
	(pc) =	sbr.ind lr, $3  }
0x3a: {  	_ = 	snop  }
0x3b: {  	_ = 	snop  }
0x3c: {  	p2 =	seq.s32 s10, $0x1;
	s10 =	sld [smem:$0x3FA7]  }
0x3d: {  	_ =	shalt  }
0x3e: {  	_ =	shalt  }
0x3f: {  	_ =	shalt  }
0x40: {  	_ =	shalt  }
0x41: {  	_ =	shalt  }
0x42: {  	_ =	shalt  }
0x43: {  	_ =	shalt  }
0x44: {  	_ =	shalt  }
0x45: {  	_ =	shalt  }
0x46: {  	_ =	shalt  }
0x47: {  	_ =	shalt  }
0x48: {  	_ =	shalt  }
0x49: {  	_ =	shalt  }
0x4a: {  	_ =	shalt  }
0x4b: {  	_ =	shalt  }
0x4c: {  	_ =	shalt  }
0x4d: {  	_ =	shalt  }
0x4e: {  	_ =	shalt  }
0x4f: {  	_ =	shalt  }
0x50: {  	_ =	shalt  }
0x51: {  	_ =	shalt  }
0x52: {  	_ =	shalt  }
0x53: {  	_ =	shalt  }
0x54: {  	_ =	shalt  }
0x55: {  	_ =	shalt  }
0x56: {  	_ =	shalt  }
0x57: {  	_ =	shalt  }
0x58: {  	_ =	shalt  }
0x59: {  	_ =	shalt  }
0x5a: {  	_ =	shalt  }
0x5b: {  	_ =	shalt  }
0x5c: {  	_ =	shalt  }
0x5d: {  	_ =	shalt  }
0x5e: {  	_ =	shalt  }
0x5f: {  	_ =	shalt  }
0x60: {  	_ =	shalt  }
0x61: {  	_ =	shalt  }
0x62: {  	_ =	shalt  }
0x63: {  	_ =	shalt  }
0x64: {  	_ =	shalt  }
0x65: {  	_ =	shalt  }
0x66: {  	_ =	shalt  }
0x67: {  	_ =	shalt  }
0x68: {  	_ =	shalt  }
0x69: {  	_ =	shalt  }
0x6a: {  	_ =	shalt  }
0x6b: {  	_ =	shalt  }
0x6c: {  	_ =	shalt  }
0x6d: {  	_ =	shalt  }
0x6e: {  	_ =	shalt  }
0x6f: {  	_ =	shalt  }
0x70: {  	_ =	shalt  }
0x71: {  	_ =	shalt  }
0x72: {  	_ =	shalt  }
0x73: {  	_ =	shalt  }
0x74: {  	_ =	shalt  }
0x75: {  	_ =	shalt  }
0x76: {  	_ =	shalt  }
0x77: {  	_ =	shalt  }
0x78: {  	_ =	shalt  }
0x79: {  	_ =	shalt  }
0x7a: {  	_ =	shalt  }
0x7b: {  	_ =	shalt  }
0x7c: {  	_ =	shalt  }
0x7d: {  	_ =	shalt  }
0x7e: {  	_ =	shalt  }
0x7f: {  	_ =	shalt  }
0x80: {  	_ =	shalt  }
0x81: {  	_ =	shalt  }
0x82: {  	_ =	shalt  }
0x83: {  	_ =	shalt  }
0x84: {  	_ =	shalt  }
0x85: {  	_ =	shalt  }
0x86: {  	_ =	shalt  }
0x87: {  	_ =	shalt  }
.Lfunc_end0:
.L_simem_size_0:
called_computation_lowered:
.L_overlay_start_0:
0x88: {  	s2 =	sld [smem:$0x3FD9]  }
0x89: {  	s3 =	sld [smem:$0x3FFE];
	_ =	sdelay $0x1  }
0x8a: {  	s1 =	srdreg.scid  }
0x8b: {  	s0 =	sand.u32 $0x1, s1  }
0x8c: {  	s16 =	sshll.u32 s0, $0xA;
	s2 =	sadd.s32 s3, s2  }
0x8d: {  	s2 =	sadd.s32 s2, s16  }
0x8e: {  	[smem:$0x3FB3] =	sst s2  }
0x8f: {  	_ = 	snop  }
0x90: {  	(tm) =	ssettm $0x1  }
0x91: {  	s17 =	sld [smem:$0x3FFB];
	_ =	sdelay $0x3  }
0x92: {  	_ =	strace s17  }
0x93: {  	s2 =	sld [smem:$0x3FFC];
	_ =	sdelay $0x3  }
0x94: {  	_ =	strace s2  }
0x95: {  	s2 =	sld [smem:$0x3FFD];
	_ =	sdelay $0x3  }
0x96: {  	_ =	strace s2  }
0x97: {  	_ =	strace $0x8FFFFFFF  }
0x98: {  	s18 =	sld [smem:$0x3FDB];
	_ =	sdelay $0x1  }
0x99: {  	s19 =	simm.s32 $_scs_section_size  }
0x9a: {  	s4 =	simm.s32 $_size__tile_overlayer_lowered;
	s5 =	simm.s32 $_tile_overlayer_lowered  }
0x9b: {  	s22 =	simm.s32 $0x1BFF;
	s21 =	sshll.u32 s5, $0x1;
	s2 =	sadd.s32 s19, s18  }
0x9c: {  	s6 =	simm.s32 $0x0;
	s20 =	sshll.u32 s4, $0x1;
	s4 =	sadd.s32 s21, s2  }
0x9d: {  	[timem:s6], [sflag:s22] =	dma.local [hbm:s4], s20  }
0x9e: {  	_ =	swait.ge [sflag:s22], s20  }
0x9f: {  	s3 =	ssub.s32 $0x0, s20;
	[sflag:s22] =	ssyncset.done $0x0  }
0xa0: {  	[sflag:s22] =	ssyncadd.s32 s3;
	_ =	sdelay $0x1  }
0xa1: {  	s23 =	simm.s32 $0x1B8B  }
0xa2: {  	_ =	swait.ge [sflag:s23], $0x1  }
0xa3: {  	[sflag:s23] =	ssyncset.done $0x0  }
0xa4: {  	s25 =	simm.s32 $0x1B8E;
	s24 =	sld [smem:$0x3FFE];
	[sflag:s23] =	ssyncadd.s32 $0xFFFFFFFF  }
0xa5: {  	s26 =	simm.s32 $execute0_lowered;
	[smem:$0x3FD2] =	sst s25  }
0xa6: {  	s4 =	sshll.u32 s26, $0x1;
	_ =	strace $0x80000046;
	[dreg:$0x1] =	wrdreg $0xFFFFFFFF  }
0xa7: {  	s28 =	simm.s32 $_size_execute0_lowered;
	s2 =	sadd.s32 s2, s4;
	[dreg:$0x0] =	wrdreg $0x0  }
0xa8: {  	s4 =	sshll.u32 s28, $0x1;
	[dreg:$0x2] =	wrdreg s2  }
0xa9: {  	[dreg:$0x3] =	wrdreg s4  }
0xaa: {  	[dreg:$0x4] =	wrdreg $0xC0  }
0xab: {  	_ =	task [dreg:s6], $0x5FFFF  }
0xac: {  	[dreg:$0x1] =	wrdreg $0xFFFFFFFF  }
0xad: {  	[dreg:$0x0] =	wrdreg $0x60  }
0xae: {  	[dreg:$0x2] =	wrdreg s24  }
0xaf: {  	[dreg:$0x3] =	wrdreg $0x0  }
0xb0: {  	[dreg:$0x4] =	wrdreg $0x140000  }
0xb1: {  	[dreg:$0x5] =	wrdreg $0x9  }
0xb2: {  	_ =	task.clear_ibuf [dreg:s6], $0x6FFFF;
	_ =	strace $0x90000046  }
0xb3: {  	s29 =	simm.s32 $0x9;
	_ =	strace $0x80000048  }
0xb4: {  	_ =	swait.ge [sflag:s29], $0x1  }
0xb5: {  	[sflag:s29] =	ssyncadd.s32 $0xFFFFFFFF  }
0xb6: {  	_ =	strace $0x90000048  }
0xb7: {  	_ =	sfence  }
0xb8: {  	s30 =	sld [smem:$0x0];
	_ =	sdelay $0x2  }
0xb9: {  	s31 =	sshll.u32 s1, $0xD;
	s1 =	sshrl.u32 s1, $0x2  }
0xba: {  	s3 =	sand.u32 $0x4000, s31;
	s1 =	sadd.s32 s1, s30  }
0xbb: {  	s0 =	sor.u32 s3, s0;
	s1 =	sshll.u32 s1, $0x11  }
0xbc: {  	s0 =	sor.u32 s1, s0  }
0xbd: {  	s0 =	sadd.s32 $0x8F2B, s0  }
0xbe: {  	[sflag:s0] =	ssyncadd.remote.s32 $0x1  }
0xbf: {  	_ =	sfence.sel $0xFFFF  }
0xc0: {  	[dreg:$0x0] =	wrdreg $0xFFFFFFFF;
	(pc) =	sbr.abs _section_cstart, $3  }
0xc1: {  	[dreg:$0x1] =	wrdreg $0xFFFFFFFF  }
0xc2: {  	_ =	task.clear_ibuf [dreg:s6], $0x2FFFF;
	_ =	strace $0x9FFFFFFF  }
0xc3: {  	(tm) =	ssettm $0x7FFFFFFF  }
tec
execute0_lowered:
.L_overlay_start_1:
0x0: {  	(tag) =	ssettag $0x1  }
0x1: {  	s0 =	rddreg [dreg:$0x0]  }
0x2: {  	s1 =	rddreg [dreg:$0x1]  }
0x3: {  	s2 =	rddreg [dreg:$0x2];
	s3 =	simm.s32 $0x0  }
0x4: {  	s20 =	stileid.u32;
	s10 =	srdreg.scid;
	s28 =	simm.s32 $0x3  }
0x5: {  	s29 =	simm.s32 $0x40;
	s30 =	simm.s32 $0x154C0;
	s31 =	simm.s32 $0x174C0  }
0x6: {  	[smem:$0x7FF] =	sst s3;
	s5 =	sadd.s32 $0x52A00, s0;
	s6 =	sadd.s32 $0x7AA00, s0  }
0x7: {  	s7 =	sadd.s32 $0x2A00, s0;
	s8 =	sadd.s32 $0xA2A00, s0;
	s4 =	smul.u32 $0x14000, s20  }
0x8: {  	s9 =	sadd.s32 $0x34A00, s0;
	s12 =	smul.u32 $0x1400, s20;
	s13 =	sand.u32 $0x1, s10  }
0x9: {  	s10 =	sadd.s32 $0x2AA00, s0;
	s11 =	sadd.s32 $0x3EA00, s0;
	s23 =	sshll.u32 s20, $0x1  }
0xa: {  	s24 =	sshll.u32 s20, $0x6;
	s20 =	simm.s32 $0x5;
	s14 =	smul.u32 $0x140000, s13  }
0xb: {  	_ =	strace $0x80000047;
	s17 =	smul.u32 $0x14000, s13;
	s18 =	ssub.s32 $0x2, s13  }
0xc: {  	s15 =	sshrl.u32 s4, $0x3;
	s16 =	sshrl.u32 s12, $0x3;
	s19 =	sshrl.u32 s18, $0x1  }
0xd: {  	s15 =	sadd.s32 s15, s0;
	s16 =	sadd.s32 s16, s0;
	s14 =	sadd.s32 s4, s14  }
0xe: {  	s17 =	sadd.s32 s12, s17;
	s22 =	ssub.s32 s18, s19;
	s18 =	sor.u32 s13, s23  }
0xf: {  	s4 =	sadd.s32 s4, s1;
	s13 =	sor.u32 $0x1C05, s24;
	s12 =	sadd.s32 s12, s2  }
0x10: {  	s23 =	simm.s32 $0x15440;
	s24 =	simm.s32 $0x15480;
	s14 =	sshrl.u32 s14, $0x3  }
0x11: {  	s17 =	sshrl.u32 s17, $0x3;
	s15 =	sadd.s32 $0xA5200, s15;
	s25 =	sadd.s32 $0x48A00, s16  }
0x12: {  	s26 =	smax.u32 s22, $0x1;
	s22 =	simm.s32 $0x15400;
	[dreg:$0x4] =	wrdreg s15  }
0x13: {  	s14 =	sadd.s32 s14, s0;
	s0 =	sadd.s32 s17, s0;
	[dreg:$0x5] =	wrdreg s25  }
0x14: {  	s15 =	smul.u32 $0x2800, s18;
	[dreg:$0x8] =	wrdreg s26;
	s17 =	sshrl.u32 s4, $0x3  }
0x15: {  	s18 =	sshrl.u32 s12, $0x3;
	s25 =	simm.s32 $0x1;
	s26 =	simm.s32 $0x2  }
0x16: {  	v0 =	vlaneseq.u32;
	s4 =	simm.s32 $0x1B4C0;
	s14 =	sadd.s32 $0xCD200, s14;
	[dreg:$0x9] =	wrdreg s18  }
0x17: {  	v1 =	vor.u32 $0xFFFFFFF8, v0;
	s12 =	simm.s32 $0x4;
	s0 =	sadd.s32 $0x4B200, s0;
	[dreg:$0x6] =	wrdreg s14  }
0x18: {  	[tilespmem:$0x1FFF0] =	vst v1;
	[dreg:$0x7] =	wrdreg s0;
	s0 =	simm.s32 $0x194C0;
	s14 =	simm.s32 $0x1B6C0  }
.LBB2_1:
0x19: {  	s16 =	rddreg [dreg:$0x4]  }
0x1a: {  	[spmem:s17], [sflag:s13] =	dma.local [hbm:s16], $0x2800  }
0x1b: {  	_ =	swait.ge [sflag:s20], $0x2800  }
0x1c: {  	[sflag:s20] =	ssyncset.done $0x0  }
0x1d: {  	s19 =	rddreg [dreg:$0x5];
	[sflag:s20] =	ssyncadd.s32 $0xFFFFD800  }
0x1e: {  	[spmem:s18], [sflag:s13] =	dma.local [hbm:s19], $0x280  }
0x1f: {  	_ =	swait.ge [sflag:s20], $0x280  }
0x20: {  	[sflag:s20] =	ssyncset.done $0x0  }
0x21: {  	[sflag:s20] =	ssyncadd.s32 $0xFFFFFD80  }
0x22: {  	s21 =	smov.u32 s17;
	s16 =	simm.s32 $0x0;
	[bflag:$0x0] =	sbarrier.arrive $0xFFFF  }
.LBB2_2:
0x23: {  	s17 =	sshll.u32 s16, $0x6  }
0x24: {  	s17 =	sadd.s32 s15, s17  }
0x25: {  	s18 =	sshrl.u32 s17, $0x3  }
0x26: {  	s17 =	simm.s32 $0x0;
	s19 =	sadd.s32 s9, s18  }
0x27: {  	[tilespmem:s22], [sflag:$0x1] =	stream.linear.gather [hbm4b:s19+s17], $0x40, $0x38;
	[tilespmem:$0x1B8C0] =	vst v63  }
0x28: {  	s19 =	sadd.s32 s10, s18  }
0x29: {  	[tilespmem:s23], [sflag:$0x2] =	stream.linear.gather [hbm4b:s19+s17], $0x40, $0x38;
	[tilespmem:$0x1B8C0] =	vst v63  }
0x2a: {  	s18 =	sadd.s32 s11, s18  }
0x2b: {  	[tilespmem:s24], [sflag:$0x3] =	stream.linear.gather [hbm4b:s18+s17], $0x40, $0x38;
	[tilespmem:$0x1B8C0] =	vst v63  }
0x2c: {  	_ =	swait.ge [sflag:s25], $0x40  }
0x2d: {  	[sflag:s25] =	ssyncset.done $0x0  }
0x2e: {  	[sflag:s25] =	ssyncadd.s32 $0xFFFFFFC0  }
0x2f: {  	_ =	swait.ge [sflag:s26], $0x40  }
0x30: {  	[sflag:s26] =	ssyncset.done $0x0  }
0x31: {  	[sflag:s26] =	ssyncadd.s32 $0xFFFFFFC0  }
0x32: {  	_ =	swait.ge [sflag:s28], $0x40  }
0x33: {  	[sflag:s28] =	ssyncset.done $0x0  }
0x34: {  	[sflag:s28] =	ssyncadd.s32 $0xFFFFFFC0  }
0x35: {  	[tilespmem:s30], [sflag:$0x1] =	stream.indirect.gather [hbm4b:s5+s29], $0x80, s23, s29, $0xb8;
	[tilespmem:$0x1B8C0] =	vst v63  }
0x36: {  	_ = 	snop  }
0x37: {  	[tilespmem:s31], [sflag:$0x2] =	stream.indirect.gather [hbm4b:s6+s29], $0x80, s22, s29, $0xb8;
	[tilespmem:$0x1B8C0] =	vst v63  }
0x38: {  	_ = 	snop  }
0x39: {  	[tilespmem:s0], [sflag:$0x3] =	stream.indirect.gather [hbm4b:s7+s29], $0x80, s22, s29, $0xb8;
	[tilespmem:$0x1B8C0] =	vst v63  }
0x3a: {  	_ = 	snop  }
0x3b: {  	[tilespmem:s4], [sflag:$0x4] =	stream.indirect.gather [hbm4b:s8+s29], $0x8, s23, s29, $0xb8;
	[tilespmem:$0x1B8C0] =	vst v63  }
0x3c: {  	_ =	swait.ge [sflag:s25], $0x2000  }
0x3d: {  	[sflag:s25] =	ssyncset.done $0x0  }
0x3e: {  	[sflag:s25] =	ssyncadd.s32 $0xFFFFE000  }
0x3f: {  	_ =	swait.ge [sflag:s26], $0x2000  }
0x40: {  	[sflag:s26] =	ssyncset.done $0x0  }
0x41: {  	[sflag:s26] =	ssyncadd.s32 $0xFFFFE000  }
0x42: {  	_ =	swait.ge [sflag:s28], $0x2000  }
0x43: {  	[sflag:s28] =	ssyncset.done $0x0  }
0x44: {  	[sflag:s28] =	ssyncadd.s32 $0xFFFFE000  }
0x45: {  	_ =	swait.ge [sflag:s12], $0x200  }
0x46: {  	[sflag:s12] =	ssyncset.done $0x0  }
0x47: {  	[sflag:s12] =	ssyncadd.s32 $0xFFFFFE00  }
.LBB2_3:
0x48: {  	v0 =	vlaneseq.u32  }
0x49: {  	v0 =	vor.u32 s17, v0  }
0x4a: {  	v8 =	vshll.u32 v0, $0x7;
	_ =	sdelay $0x1  }
0x4b: {  	v1 =	vld [tilespmem:$0x1FFF0];
	v4 =	vor.u32 $0x1, v8;
	_ =	sdelay $0x1  }
0x4c: {  	v6 =	vor.u32 $0x2, v8  }
0x4d: {  	v43 =	vld.idx.msk [tilespmem:v8+s30+$0x0], $0xffff  }
0x4e: {  	v7 =	vor.u32 $0x3, v8;
	v2 =	vld.idx.msk [tilespmem:v8+s31+$0x0], $0xffff  }
0x4f: {  	v1 =	vand.u32 v1, v0;
	v3 =	vld.idx.msk [tilespmem:v4+s30+$0x0], $0xffff  }
0x50: {  	[tilespmem:$0x1FB10] =	vst v4;
	v4 =	vld.idx.msk [tilespmem:v4+s31+$0x0], $0xffff  }
0x51: {  	v9 =	vor.u32 $0x4, v8;
	v5 =	vld.idx.msk [tilespmem:v6+s30+$0x0], $0xffff  }
0x52: {  	[tilespmem:$0x1FB20] =	vst v6;
	v6 =	vld.idx.msk [tilespmem:v6+s31+$0x0], $0xffff  }
0x53: {  	v11 =	vor.u32 $0x5, v8;
	v44 =	vld.idx.msk [tilespmem:v7+s30+$0x0], $0xffff  }
0x54: {  	v13 =	vld.idx.msk [tilespmem:v1+s24+$0x0], $0xffff;
	v1 =	vmul.f32 v2, v43  }
0x55: {  	v12 =	vor.u32 $0x6, v8;
	[tilespmem:$0x1FB30] =	vst v7;
	v7 =	vld.idx.msk [tilespmem:v7+s31+$0x0], $0xffff  }
0x56: {  	v45 =	vld.idx.msk [tilespmem:v9+s30+$0x0], $0xffff;
	v3 =	vmul.f32 v4, v3;
	v1 =	vadd.f32 $0.0e+00, v1  }
0x57: {  	v10 =	vor.u32 $0x7, v8;
	[tilespmem:$0x1FB40] =	vst v9;
	v9 =	vld.idx.msk [tilespmem:v9+s31+$0x0], $0xffff  }
0x58: {  	v47 =	vld.idx.msk [tilespmem:v11+s30+$0x0], $0xffff;
	v46 =	vmul.f32 v6, v5;
	v1 =	vadd.f32 v3, v1  }
0x59: {  	v49 =	vor.u32 $0x8, v8;
	v48 =	vld.idx.msk [tilespmem:v11+s31+$0x0], $0xffff  }
0x5a: {  	v50 =	vld.idx.msk [tilespmem:v12+s30+$0x0], $0xffff;
	v2 =	vmul.f32 v7, v44;
	v1 =	vadd.f32 v46, v1  }
0x5b: {  	v52 =	vor.u32 $0x9, v8;
	v51 =	vld.idx.msk [tilespmem:v12+s31+$0x0], $0xffff  }
0x5c: {  	v54 =	vld.idx.msk [tilespmem:v10+s30+$0x0], $0xffff;
	v53 =	vmul.f32 v9, v45;
	v1 =	vadd.f32 v2, v1  }
0x5d: {  	v56 =	vor.u32 $0xA, v8;
	v55 =	vld.idx.msk [tilespmem:v10+s31+$0x0], $0xffff  }
0x5e: {  	v58 =	vld.idx.msk [tilespmem:v49+s30+$0x0], $0xffff;
	v57 =	vmul.f32 v48, v47;
	v1 =	vadd.f32 v53, v1  }
0x5f: {  	v60 =	vor.u32 $0xB, v8;
	v59 =	vld.idx.msk [tilespmem:v49+s31+$0x0], $0xffff  }
0x60: {  	v62 =	vld.idx.msk [tilespmem:v52+s30+$0x0], $0xffff;
	v61 =	vmul.f32 v51, v50;
	v1 =	vadd.f32 v57, v1  }
0x61: {  	v16 =	vor.u32 $0xC, v8;
	v63 =	vld.idx.msk [tilespmem:v52+s31+$0x0], $0xffff  }
0x62: {  	v18 =	vld.idx.msk [tilespmem:v56+s30+$0x0], $0xffff;
	v17 =	vmul.f32 v55, v54;
	v1 =	vadd.f32 v61, v1  }
0x63: {  	v20 =	vor.u32 $0xD, v8;
	v19 =	vld.idx.msk [tilespmem:v56+s31+$0x0], $0xffff  }
0x64: {  	v22 =	vld.idx.msk [tilespmem:v60+s30+$0x0], $0xffff;
	v21 =	vmul.f32 v59, v58;
	v1 =	vadd.f32 v17, v1  }
0x65: {  	v24 =	vor.u32 $0xE, v8;
	v23 =	vld.idx.msk [tilespmem:v60+s31+$0x0], $0xffff  }
0x66: {  	v26 =	vld.idx.msk [tilespmem:v16+s30+$0x0], $0xffff;
	v25 =	vmul.f32 v63, v62;
	v1 =	vadd.f32 v21, v1  }
0x67: {  	v28 =	vor.u32 $0xF, v8;
	v27 =	vld.idx.msk [tilespmem:v16+s31+$0x0], $0xffff  }
0x68: {  	v30 =	vld.idx.msk [tilespmem:v20+s30+$0x0], $0xffff;
	v29 =	vmul.f32 v19, v18;
	v1 =	vadd.f32 v25, v1  }
0x69: {  	v32 =	vor.u32 $0x10, v8;
	v31 =	vld.idx.msk [tilespmem:v20+s31+$0x0], $0xffff  }
0x6a: {  	v34 =	vld.idx.msk [tilespmem:v24+s30+$0x0], $0xffff;
	v33 =	vmul.f32 v23, v22;
	v1 =	vadd.f32 v29, v1  }
0x6b: {  	v36 =	vor.u32 $0x11, v8;
	v35 =	vld.idx.msk [tilespmem:v24+s31+$0x0], $0xffff  }
0x6c: {  	v38 =	vld.idx.msk [tilespmem:v28+s30+$0x0], $0xffff;
	v37 =	vmul.f32 v27, v26;
	v1 =	vadd.f32 v33, v1  }
0x6d: {  	v40 =	vor.u32 $0x12, v8;
	v39 =	vld.idx.msk [tilespmem:v28+s31+$0x0], $0xffff  }
0x6e: {  	v42 =	vld.idx.msk [tilespmem:v32+s30+$0x0], $0xffff;
	v41 =	vmul.f32 v31, v30;
	v1 =	vadd.f32 v37, v1  }
0x6f: {  	v43 =	vld.idx.msk [tilespmem:v32+s31+$0x0], $0xffff;
	v44 =	vor.u32 $0x13, v8  }
0x70: {  	v45 =	vmul.f32 v35, v34;
	v47 =	vld.idx.msk [tilespmem:v36+s31+$0x0], $0xffff;
	v1 =	vadd.f32 v41, v1  }
0x71: {  	v48 =	vor.u32 $0x14, v8;
	v46 =	vld.idx.msk [tilespmem:v36+s30+$0x0], $0xffff  }
0x72: {  	[tilespmem:$0x1FB80] =	vst v49;
	v49 =	vmul.f32 v39, v38;
	v50 =	vld.idx.msk [tilespmem:v40+s30+$0x0], $0xffff;
	v1 =	vadd.f32 v45, v1  }
0x73: {  	[tilespmem:$0x1FB90] =	vst v52;
	v52 =	vor.u32 $0x15, v8;
	v51 =	vld.idx.msk [tilespmem:v40+s31+$0x0], $0xffff  }
0x74: {  	v54 =	vld.idx.msk [tilespmem:v44+s30+$0x0], $0xffff;
	v53 =	vmul.f32 v43, v42;
	v1 =	vadd.f32 v49, v1  }
0x75: {  	[tilespmem:$0x1FBA0] =	vst v56;
	v56 =	vor.u32 $0x16, v8;
	v55 =	vld.idx.msk [tilespmem:v44+s31+$0x0], $0xffff  }
0x76: {  	v58 =	vld.idx.msk [tilespmem:v48+s30+$0x0], $0xffff;
	v57 =	vmul.f32 v47, v46;
	v1 =	vadd.f32 v53, v1  }
0x77: {  	[tilespmem:$0x1FBB0] =	vst v60;
	v60 =	vor.u32 $0x17, v8;
	v59 =	vld.idx.msk [tilespmem:v48+s31+$0x0], $0xffff  }
0x78: {  	v62 =	vld.idx.msk [tilespmem:v52+s30+$0x0], $0xffff;
	v61 =	vmul.f32 v51, v50;
	v1 =	vadd.f32 v57, v1  }
0x79: {  	[tilespmem:$0x1FBC0] =	vst v16;
	v16 =	vor.u32 $0x18, v8;
	v63 =	vld.idx.msk [tilespmem:v52+s31+$0x0], $0xffff  }
0x7a: {  	v18 =	vld.idx.msk [tilespmem:v56+s30+$0x0], $0xffff;
	v17 =	vmul.f32 v55, v54;
	v1 =	vadd.f32 v61, v1  }
0x7b: {  	[tilespmem:$0x1FBD0] =	vst v20;
	v20 =	vor.u32 $0x19, v8;
	v19 =	vld.idx.msk [tilespmem:v56+s31+$0x0], $0xffff  }
0x7c: {  	v22 =	vld.idx.msk [tilespmem:v60+s30+$0x0], $0xffff;
	v21 =	vmul.f32 v59, v58;
	v1 =	vadd.f32 v17, v1  }
0x7d: {  	[tilespmem:$0x1FBE0] =	vst v24;
	v24 =	vor.u32 $0x1A, v8;
	v23 =	vld.idx.msk [tilespmem:v60+s31+$0x0], $0xffff  }
0x7e: {  	v26 =	vld.idx.msk [tilespmem:v16+s30+$0x0], $0xffff;
	v25 =	vmul.f32 v63, v62;
	v1 =	vadd.f32 v21, v1  }
0x7f: {  	[tilespmem:$0x1FBF0] =	vst v28;
	v28 =	vor.u32 $0x1B, v8;
	v27 =	vld.idx.msk [tilespmem:v16+s31+$0x0], $0xffff  }
0x80: {  	v30 =	vld.idx.msk [tilespmem:v20+s30+$0x0], $0xffff;
	v29 =	vmul.f32 v19, v18;
	v1 =	vadd.f32 v25, v1  }
0x81: {  	[tilespmem:$0x1FC00] =	vst v32;
	v32 =	vor.u32 $0x1C, v8;
	v31 =	vld.idx.msk [tilespmem:v20+s31+$0x0], $0xffff  }
0x82: {  	v34 =	vld.idx.msk [tilespmem:v24+s30+$0x0], $0xffff;
	v33 =	vmul.f32 v23, v22;
	v1 =	vadd.f32 v29, v1  }
0x83: {  	[tilespmem:$0x1FC10] =	vst v36;
	v35 =	vld.idx.msk [tilespmem:v24+s31+$0x0], $0xffff;
	v36 =	vor.u32 $0x1D, v8  }
0x84: {  	[tilespmem:$0x1FC20] =	vst v40;
	v38 =	vld.idx.msk [tilespmem:v28+s30+$0x0], $0xffff;
	v40 =	vor.u32 $0x1E, v8;
	v37 =	vmul.f32 v27, v26;
	v1 =	vadd.f32 v33, v1  }
0x85: {  	v39 =	vld.idx.msk [tilespmem:v28+s31+$0x0], $0xffff;
	[tilespmem:$0x1FC40] =	vst v48;
	v48 =	vmov v40  }
0x86: {  	v42 =	vld.idx.msk [tilespmem:v32+s30+$0x0], $0xffff;
	v41 =	vmul.f32 v31, v30;
	v1 =	vadd.f32 v37, v1  }
0x87: {  	[tilespmem:$0x1FC30] =	vst v44;
	v44 =	vor.u32 $0x1F, v8;
	v43 =	vld.idx.msk [tilespmem:v32+s31+$0x0], $0xffff  }
0x88: {  	v46 =	vld.idx.msk [tilespmem:v36+s30+$0x0], $0xffff;
	v45 =	vmul.f32 v35, v34;
	v1 =	vadd.f32 v41, v1  }
0x89: {  	v47 =	vld.idx.msk [tilespmem:v36+s31+$0x0], $0xffff  }
0x8a: {  	[tilespmem:$0x1FB60] =	vst v12;
	v12 =	vshll.u32 v0, $0x3;
	v3 =	vmul.f32 v39, v38;
	v50 =	vld.idx.msk [tilespmem:v48+s31+$0x0], $0xffff;
	v1 =	vadd.f32 v45, v1  }
0x8b: {  	v49 =	vld.idx.msk [tilespmem:v40+s30+$0x0], $0xffff  }
0x8c: {  	[tilespmem:$0x1FC50] =	vst v52;
	v52 =	vld.idx.msk [tilespmem:v44+s30+$0x0], $0xffff;
	v51 =	vmul.f32 v43, v42;
	v1 =	vadd.f32 v3, v1  }
0x8d: {  	v53 =	vld.idx.msk [tilespmem:v44+s31+$0x0], $0xffff  }
0x8e: {  	v54 =	vmul.f32 v47, v46;
	v1 =	vadd.f32 v51, v1  }
0x8f: {  	v55 =	vld.idx.msk [tilespmem:v12+s4+$0x0], $0xffff  }
0x90: {  	v0 =	vmul.f32 v50, v49;
	v1 =	vadd.f32 v54, v1;
	_ =	sdelay $0x1  }
0x91: {  	[tilespmem:$0x1FC60] =	vst v56;
	v56 =	vmul.f32 v53, v52;
	v0 =	vadd.f32 v0, v1;
	_ =	sdelay $0x1  }
0x92: {  	v57 =	vmul.f32 v55, v13;
	v0 =	vadd.f32 v56, v0;
	_ =	sdelay $0x1  }
0x93: {  	v0 =	vadd.f32 v57, v0;
	_ =	sdelay $0x1  }
0x94: {  	v0 =	vmul.f32 $1.442695020e+00, v0;
	_ =	sdelay $0x1  }
0x95: {  	(erf) = vpow2.f32 v0;
	_ =	sdelay $0x6  }
0x96: {  	v58 =	vor.u32 $0x4, v12  }
0x97: {  	v59 =	vor.u32 $0x20, v8  }
0x98: {  	v43 =	vpop (erf)  }
0x99: {  	[tilespmem:$0x1FC70] =	vst v60;
	v61 =	vor.u32 $0x21, v8;
	v60 =	vmul.f32 v43, v13  }
0x9a: {  	v14 =	vmov v61;
	[tilespmem:v12+s14+$0x0] =	vst.idx.msk $0xffff, v43  }
0x9b: {  	v62 =	vor.u32 $0x22, v8;
	[tilespmem:v58+s14+$0x0] =	vst.idx.msk $0xffff, v60  }
0x9c: {  	v17 =	vmov v62;
	v0 =	vld.idx.msk [tilespmem:v59+s30+$0x0], $0xffff  }
0x9d: {  	v63 =	vor.u32 $0x23, v8;
	v1 =	vld.idx.msk [tilespmem:v59+s31+$0x0], $0xffff  }
0x9e: {  	v3 =	vld.idx.msk [tilespmem:v61+s30+$0x0], $0xffff  }
0x9f: {  	[tilespmem:$0x1FC80] =	vst v16;
	v16 =	vor.u32 $0x24, v8;
	v15 =	vld.idx.msk [tilespmem:v14+s31+$0x0], $0xffff  }
0xa0: {  	v5 =	vld.idx.msk [tilespmem:v62+s30+$0x0], $0xffff  }
0xa1: {  	v19 =	vor.u32 $0x25, v8;
	v18 =	vld.idx.msk [tilespmem:v17+s31+$0x0], $0xffff  }
0xa2: {  	[tilespmem:$0x1FC90] =	vst v20;
	v20 =	vld.idx.msk [tilespmem:v63+s30+$0x0], $0xffff;
	v0 =	vmul.f32 v1, v0  }
0xa3: {  	v21 =	vor.u32 $0x26, v8;
	v7 =	vld.idx.msk [tilespmem:v63+s31+$0x0], $0xffff  }
0xa4: {  	v22 =	vld.idx.msk [tilespmem:v16+s30+$0x0], $0xffff;
	v3 =	vmul.f32 v15, v3;
	v0 =	vadd.f32 $0.0e+00, v0  }
0xa5: {  	v23 =	vor.u32 $0x27, v8;
	v9 =	vld.idx.msk [tilespmem:v16+s31+$0x0], $0xffff  }
0xa6: {  	[tilespmem:$0x1FCA0] =	vst v24;
	v25 =	vld.idx.msk [tilespmem:v19+s30+$0x0], $0xffff;
	v24 =	vmul.f32 v18, v5;
	v0 =	vadd.f32 v3, v0  }
0xa7: {  	v27 =	vor.u32 $0x28, v8;
	v26 =	vld.idx.msk [tilespmem:v19+s31+$0x0], $0xffff  }
0xa8: {  	[tilespmem:$0x1FCB0] =	vst v28;
	v28 =	vld.idx.msk [tilespmem:v21+s30+$0x0], $0xffff;
	v1 =	vmul.f32 v7, v20;
	v0 =	vadd.f32 v24, v0  }
0xa9: {  	v30 =	vor.u32 $0x29, v8;
	v29 =	vld.idx.msk [tilespmem:v21+s31+$0x0], $0xffff  }
0xaa: {  	[tilespmem:$0x1FCC0] =	vst v32;
	v32 =	vld.idx.msk [tilespmem:v23+s30+$0x0], $0xffff;
	v31 =	vmul.f32 v9, v22;
	v0 =	vadd.f32 v1, v0  }
0xab: {  	v34 =	vor.u32 $0x2A, v8;
	v33 =	vld.idx.msk [tilespmem:v23+s31+$0x0], $0xffff  }
0xac: {  	[tilespmem:$0x1FCD0] =	vst v36;
	v36 =	vld.idx.msk [tilespmem:v27+s30+$0x0], $0xffff;
	v35 =	vmul.f32 v26, v25;
	v0 =	vadd.f32 v31, v0  }
0xad: {  	v38 =	vor.u32 $0x2B, v8;
	v37 =	vld.idx.msk [tilespmem:v27+s31+$0x0], $0xffff  }
0xae: {  	[tilespmem:$0x1FCE0] =	vst v40;
	v40 =	vld.idx.msk [tilespmem:v30+s30+$0x0], $0xffff;
	v39 =	vmul.f32 v29, v28;
	v0 =	vadd.f32 v35, v0  }
0xaf: {  	v42 =	vor.u32 $0x2C, v8;
	v41 =	vld.idx.msk [tilespmem:v30+s31+$0x0], $0xffff  }
0xb0: {  	[tilespmem:$0x1FCF0] =	vst v44;
	v45 =	vld.idx.msk [tilespmem:v34+s30+$0x0], $0xffff;
	v44 =	vmul.f32 v33, v32;
	v0 =	vadd.f32 v39, v0  }
0xb1: {  	v47 =	vor.u32 $0x2D, v8;
	v46 =	vld.idx.msk [tilespmem:v34+s31+$0x0], $0xffff  }
0xb2: {  	v49 =	vld.idx.msk [tilespmem:v38+s30+$0x0], $0xffff;
	v48 =	vmul.f32 v37, v36;
	v0 =	vadd.f32 v44, v0  }
0xb3: {  	v51 =	vor.u32 $0x2E, v8;
	v50 =	vld.idx.msk [tilespmem:v38+s31+$0x0], $0xffff  }
0xb4: {  	v53 =	vld.idx.msk [tilespmem:v42+s30+$0x0], $0xffff;
	v52 =	vmul.f32 v41, v40;
	v0 =	vadd.f32 v48, v0  }
0xb5: {  	v55 =	vor.u32 $0x2F, v8;
	v54 =	vld.idx.msk [tilespmem:v42+s31+$0x0], $0xffff  }
0xb6: {  	[tilespmem:$0x1FD00] =	vst v59;
	v57 =	vld.idx.msk [tilespmem:v47+s30+$0x0], $0xffff;
	v56 =	vmul.f32 v46, v45;
	v0 =	vadd.f32 v52, v0  }
0xb7: {  	[tilespmem:$0x1FD20] =	vst v62;
	v58 =	vld.idx.msk [tilespmem:v47+s31+$0x0], $0xffff;
	v59 =	vor.u32 $0x30, v8  }
0xb8: {  	[tilespmem:$0x1FD10] =	vst v61;
	v61 =	vld.idx.msk [tilespmem:v51+s30+$0x0], $0xffff;
	v60 =	vmul.f32 v50, v49;
	v0 =	vadd.f32 v56, v0  }
0xb9: {  	[tilespmem:$0x1FD30] =	vst v63;
	v62 =	vld.idx.msk [tilespmem:v51+s31+$0x0], $0xffff;
	v63 =	vor.u32 $0x31, v8  }
0xba: {  	[tilespmem:$0x1FD40] =	vst v16;
	v16 =	vld.idx.msk [tilespmem:v55+s31+$0x0], $0xffff;
	v14 =	vmul.f32 v54, v53;
	v0 =	vadd.f32 v60, v0  }
0xbb: {  	[tilespmem:$0x1FB50] =	vst v11;
	v17 =	vor.u32 $0x32, v8;
	v15 =	vld.idx.msk [tilespmem:v55+s30+$0x0], $0xffff  }
0xbc: {  	[tilespmem:$0x1FD50] =	vst v19;
	v18 =	vmul.f32 v58, v57;
	v19 =	vld.idx.msk [tilespmem:v59+s30+$0x0], $0xffff;
	v0 =	vadd.f32 v14, v0  }
0xbd: {  	[tilespmem:$0x1FD60] =	vst v21;
	v21 =	vor.u32 $0x33, v8;
	v20 =	vld.idx.msk [tilespmem:v59+s31+$0x0], $0xffff  }
0xbe: {  	[tilespmem:$0x1FD70] =	vst v23;
	v22 =	vmul.f32 v62, v61;
	v23 =	vld.idx.msk [tilespmem:v63+s30+$0x0], $0xffff;
	v0 =	vadd.f32 v18, v0  }
0xbf: {  	[tilespmem:$0x1FB70] =	vst v10;
	v25 =	vor.u32 $0x34, v8;
	v24 =	vld.idx.msk [tilespmem:v63+s31+$0x0], $0xffff  }
0xc0: {  	[tilespmem:$0x1FD80] =	vst v27;
	v27 =	vld.idx.msk [tilespmem:v17+s30+$0x0], $0xffff;
	v26 =	vmul.f32 v16, v15;
	v0 =	vadd.f32 v22, v0  }
0xc1: {  	[tilespmem:$0x1FDB0] =	vst v38;
	v28 =	vld.idx.msk [tilespmem:v17+s31+$0x0], $0xffff;
	v29 =	vor.u32 $0x35, v8  }
0xc2: {  	[tilespmem:$0x1FD90] =	vst v30;
	v32 =	vld.idx.msk [tilespmem:v21+s31+$0x0], $0xffff;
	v30 =	vmul.f32 v20, v19;
	v0 =	vadd.f32 v26, v0  }
0xc3: {  	[tilespmem:$0x1FDC0] =	vst v42;
	v33 =	vor.u32 $0x36, v8;
	v31 =	vld.idx.msk [tilespmem:v21+s30+$0x0], $0xffff  }
0xc4: {  	[tilespmem:$0x1FDA0] =	vst v34;
	v36 =	vld.idx.msk [tilespmem:v25+s31+$0x0], $0xffff;
	v34 =	vmul.f32 v24, v23;
	v0 =	vadd.f32 v30, v0  }
0xc5: {  	[tilespmem:$0x1FDD0] =	vst v47;
	v37 =	vor.u32 $0x37, v8;
	v35 =	vld.idx.msk [tilespmem:v25+s30+$0x0], $0xffff  }
0xc6: {  	[tilespmem:$0x1FDF0] =	vst v55;
	v38 =	vmul.f32 v28, v27;
	v40 =	vld.idx.msk [tilespmem:v29+s31+$0x0], $0xffff;
	v0 =	vadd.f32 v34, v0  }
0xc7: {  	[tilespmem:$0x1FDE0] =	vst v51;
	v41 =	vor.u32 $0x38, v8;
	v39 =	vld.idx.msk [tilespmem:v29+s30+$0x0], $0xffff  }
0xc8: {  	[tilespmem:$0x1FE00] =	vst v59;
	v45 =	vld.idx.msk [tilespmem:v33+s31+$0x0], $0xffff;
	v42 =	vmul.f32 v32, v31;
	v0 =	vadd.f32 v38, v0  }
0xc9: {  	[tilespmem:$0x1FE10] =	vst v63;
	v46 =	vor.u32 $0x39, v8;
	v44 =	vld.idx.msk [tilespmem:v33+s30+$0x0], $0xffff  }
0xca: {  	[tilespmem:$0x1FE20] =	vst v17;
	v49 =	vld.idx.msk [tilespmem:v37+s31+$0x0], $0xffff;
	v47 =	vmul.f32 v36, v35;
	v0 =	vadd.f32 v42, v0  }
0xcb: {  	[tilespmem:$0x1FE30] =	vst v21;
	v50 =	vor.u32 $0x3A, v8;
	v48 =	vld.idx.msk [tilespmem:v37+s30+$0x0], $0xffff  }
0xcc: {  	[tilespmem:$0x1FE40] =	vst v25;
	v53 =	vld.idx.msk [tilespmem:v41+s31+$0x0], $0xffff;
	v51 =	vmul.f32 v40, v39;
	v0 =	vadd.f32 v47, v0  }
0xcd: {  	v54 =	vor.u32 $0x3B, v8;
	[tilespmem:$0x1FE50] =	vst v29;
	v52 =	vld.idx.msk [tilespmem:v41+s30+$0x0], $0xffff  }
0xce: {  	[tilespmem:$0x1FE60] =	vst v33;
	v57 =	vld.idx.msk [tilespmem:v46+s31+$0x0], $0xffff;
	v55 =	vmul.f32 v45, v44;
	v0 =	vadd.f32 v51, v0  }
0xcf: {  	v58 =	vor.u32 $0x3C, v8;
	[tilespmem:$0x1FE70] =	vst v37;
	v56 =	vld.idx.msk [tilespmem:v46+s30+$0x0], $0xffff  }
0xd0: {  	[tilespmem:$0x1FE80] =	vst v41;
	v61 =	vld.idx.msk [tilespmem:v50+s31+$0x0], $0xffff;
	v59 =	vmul.f32 v49, v48;
	v0 =	vadd.f32 v55, v0  }
0xd1: {  	v62 =	vor.u32 $0x3D, v8;
	[tilespmem:$0x1FE90] =	vst v46;
	v60 =	vld.idx.msk [tilespmem:v50+s30+$0x0], $0xffff  }
0xd2: {  	[tilespmem:$0x1FEA0] =	vst v50;
	v15 =	vld.idx.msk [tilespmem:v54+s31+$0x0], $0xffff;
	v63 =	vmul.f32 v53, v52;
	v0 =	vadd.f32 v59, v0  }
0xd3: {  	[tilespmem:$0x1FEB0] =	vst v54;
	v16 =	vor.u32 $0x3E, v8;
	v14 =	vld.idx.msk [tilespmem:v54+s30+$0x0], $0xffff  }
0xd4: {  	[tilespmem:$0x1FEC0] =	vst v58;
	v19 =	vld.idx.msk [tilespmem:v58+s31+$0x0], $0xffff;
	v17 =	vmul.f32 v57, v56;
	v0 =	vadd.f32 v63, v0  }
0xd5: {  	[tilespmem:$0x1FED0] =	vst v62;
	v20 =	vor.u32 $0x3F, v8;
	v18 =	vld.idx.msk [tilespmem:v58+s30+$0x0], $0xffff  }
0xd6: {  	v21 =	vmul.f32 v61, v60;
	v22 =	vld.idx.msk [tilespmem:v62+s30+$0x0], $0xffff;
	v0 =	vadd.f32 v17, v0  }
0xd7: {  	v23 =	vld.idx.msk [tilespmem:v62+s31+$0x0], $0xffff  }
0xd8: {  	v25 =	vld.idx.msk [tilespmem:v16+s30+$0x0], $0xffff;
	v24 =	vmul.f32 v15, v14;
	v26 =	vor.u32 $0x1, v12;
	v0 =	vadd.f32 v21, v0  }
0xd9: {  	v27 =	vld.idx.msk [tilespmem:v16+s31+$0x0], $0xffff  }
0xda: {  	v29 =	vld.idx.msk [tilespmem:v20+s30+$0x0], $0xffff;
	v28 =	vmul.f32 v19, v18;
	v0 =	vadd.f32 v24, v0  }
0xdb: {  	v30 =	vld.idx.msk [tilespmem:v20+s31+$0x0], $0xffff  }
0xdc: {  	v31 =	vmul.f32 v23, v22;
	v0 =	vadd.f32 v28, v0  }
0xdd: {  	v32 =	vld.idx.msk [tilespmem:v26+s4+$0x0], $0xffff  }
0xde: {  	v33 =	vmul.f32 v27, v25;
	v0 =	vadd.f32 v31, v0;
	_ =	sdelay $0x1  }
0xdf: {  	v34 =	vmul.f32 v30, v29;
	v0 =	vadd.f32 v33, v0;
	_ =	sdelay $0x1  }
0xe0: {  	v35 =	vmul.f32 v32, v13;
	v0 =	vadd.f32 v34, v0;
	_ =	sdelay $0x1  }
0xe1: {  	v0 =	vadd.f32 v35, v0;
	_ =	sdelay $0x1  }
0xe2: {  	v0 =	vmul.f32 $1.442695020e+00, v0;
	_ =	sdelay $0x1  }
0xe3: {  	(erf) = vpow2.f32 v0;
	_ =	sdelay $0x6  }
0xe4: {  	v36 =	vor.u32 $0x5, v12  }
0xe5: {  	v37 =	vor.u32 $0x40, v8  }
0xe6: {  	v1 =	vpop (erf)  }
0xe7: {  	v39 =	vor.u32 $0x41, v8;
	v38 =	vmul.f32 v1, v13  }
0xe8: {  	v42 =	vmov v39;
	[tilespmem:v26+s14+$0x0] =	vst.idx.msk $0xffff, v1  }
0xe9: {  	v40 =	vor.u32 $0x42, v8;
	[tilespmem:v36+s14+$0x0] =	vst.idx.msk $0xffff, v38  }
0xea: {  	v46 =	vmov v40;
	v0 =	vld.idx.msk [tilespmem:v37+s30+$0x0], $0xffff  }
0xeb: {  	v41 =	vor.u32 $0x43, v8;
	v3 =	vld.idx.msk [tilespmem:v37+s31+$0x0], $0xffff  }
0xec: {  	v4 =	vld.idx.msk [tilespmem:v39+s30+$0x0], $0xffff  }
0xed: {  	v45 =	vor.u32 $0x44, v8;
	v44 =	vld.idx.msk [tilespmem:v42+s31+$0x0], $0xffff  }
0xee: {  	v6 =	vld.idx.msk [tilespmem:v40+s30+$0x0], $0xffff  }
0xef: {  	v47 =	vor.u32 $0x45, v8;
	v7 =	vld.idx.msk [tilespmem:v46+s31+$0x0], $0xffff  }
0xf0: {  	v48 =	vld.idx.msk [tilespmem:v41+s30+$0x0], $0xffff;
	v0 =	vmul.f32 v3, v0  }
0xf1: {  	v14 =	vor.u32 $0x46, v8;
	v9 =	vld.idx.msk [tilespmem:v41+s31+$0x0], $0xffff  }
0xf2: {  	v49 =	vld.idx.msk [tilespmem:v45+s30+$0x0], $0xffff;
	v4 =	vmul.f32 v44, v4;
	v0 =	vadd.f32 $0.0e+00, v0  }
0xf3: {  	v50 =	vor.u32 $0x47, v8;
	v10 =	vld.idx.msk [tilespmem:v45+s31+$0x0], $0xffff  }
0xf4: {  	v52 =	vld.idx.msk [tilespmem:v47+s30+$0x0], $0xffff;
	v51 =	vmul.f32 v7, v6;
	v0 =	vadd.f32 v4, v0  }
0xf5: {  	v54 =	vor.u32 $0x48, v8;
	v53 =	vld.idx.msk [tilespmem:v47+s31+$0x0], $0xffff  }
0xf6: {  	v55 =	vld.idx.msk [tilespmem:v14+s30+$0x0], $0xffff;
	v3 =	vmul.f32 v9, v48;
	v0 =	vadd.f32 v51, v0  }
0xf7: {  	v57 =	vor.u32 $0x49, v8;
	v56 =	vld.idx.msk [tilespmem:v14+s31+$0x0], $0xffff  }
0xf8: {  	v59 =	vld.idx.msk [tilespmem:v50+s30+$0x0], $0xffff;
	v58 =	vmul.f32 v10, v49;
	v0 =	vadd.f32 v3, v0  }
0xf9: {  	v61 =	vor.u32 $0x4A, v8;
	v60 =	vld.idx.msk [tilespmem:v50+s31+$0x0], $0xffff  }
0xfa: {  	v63 =	vld.idx.msk [tilespmem:v54+s30+$0x0], $0xffff;
	v62 =	vmul.f32 v53, v52;
	v0 =	vadd.f32 v58, v0  }
0xfb: {  	[tilespmem:$0x1FEE0] =	vst v16;
	v17 =	vor.u32 $0x4B, v8;
	v16 =	vld.idx.msk [tilespmem:v54+s31+$0x0], $0xffff  }
0xfc: {  	v19 =	vld.idx.msk [tilespmem:v57+s30+$0x0], $0xffff;
	v18 =	vmul.f32 v56, v55;
	v0 =	vadd.f32 v62, v0  }
0xfd: {  	[tilespmem:$0x1FEF0] =	vst v20;
	v21 =	vor.u32 $0x4C, v8;
	v20 =	vld.idx.msk [tilespmem:v57+s31+$0x0], $0xffff  }
0xfe: {  	v23 =	vld.idx.msk [tilespmem:v61+s30+$0x0], $0xffff;
	v22 =	vmul.f32 v60, v59;
	v0 =	vadd.f32 v18, v0  }
0xff: {  	v25 =	vor.u32 $0x4D, v8;
	v24 =	vld.idx.msk [tilespmem:v61+s31+$0x0], $0xffff  }
0x100: {  	v27 =	vld.idx.msk [tilespmem:v17+s30+$0x0], $0xffff;
	v26 =	vmul.f32 v16, v63;
	v0 =	vadd.f32 v22, v0  }
0x101: {  	v29 =	vor.u32 $0x4E, v8;
	v28 =	vld.idx.msk [tilespmem:v17+s31+$0x0], $0xffff  }
0x102: {  	v31 =	vld.idx.msk [tilespmem:v21+s30+$0x0], $0xffff;
	v30 =	vmul.f32 v20, v19;
	v0 =	vadd.f32 v26, v0  }
0x103: {  	v32 =	vld.idx.msk [tilespmem:v21+s31+$0x0], $0xffff;
	v63 =	vor.u32 $0x4F, v8  }
0x104: {  	v34 =	vld.idx.msk [tilespmem:v25+s30+$0x0], $0xffff;
	v33 =	vmul.f32 v24, v23;
	v0 =	vadd.f32 v30, v0  }
0x105: {  	[tilespmem:$0x1FF00] =	vst v37;
	v35 =	vld.idx.msk [tilespmem:v25+s31+$0x0], $0xffff;
	v62 =	vor.u32 $0x50, v8  }
0x106: {  	[tilespmem:$0x1FF10] =	vst v39;
	v37 =	vld.idx.msk [tilespmem:v29+s30+$0x0], $0xffff;
	v36 =	vmul.f32 v28, v27;
	v0 =	vadd.f32 v33, v0  }
0x107: {  	[tilespmem:$0x1FFA0] =	vst v61;
	v38 =	vld.idx.msk [tilespmem:v29+s31+$0x0], $0xffff;
	v61 =	vor.u32 $0x51, v8  }
0x108: {  	[tilespmem:$0x1FF20] =	vst v40;
	v39 =	vmul.f32 v32, v31;
	v40 =	vld.idx.msk [tilespmem:v63+s30+$0x0], $0xffff;
	v0 =	vadd.f32 v36, v0  }
0x109: {  	[tilespmem:$0x1FF30] =	vst v41;
	v60 =	vor.u32 $0x52, v8;
	v41 =	vld.idx.msk [tilespmem:v63+s31+$0x0], $0xffff  }
0x10a: {  	v42 =	vmul.f32 v35, v34;
	v44 =	vld.idx.msk [tilespmem:v62+s30+$0x0], $0xffff;
	v0 =	vadd.f32 v39, v0  }
0x10b: {  	[tilespmem:$0x1FF40] =	vst v45;
	v59 =	vor.u32 $0x53, v8;
	v45 =	vld.idx.msk [tilespmem:v62+s31+$0x0], $0xffff  }
0x10c: {  	[tilespmem:$0x1FF50] =	vst v47;
	v46 =	vmul.f32 v38, v37;
	v47 =	vld.idx.msk [tilespmem:v61+s30+$0x0], $0xffff;
	v0 =	vadd.f32 v42, v0  }
0x10d: {  	v48 =	vld.idx.msk [tilespmem:v61+s31+$0x0], $0xffff;
	v58 =	vor.u32 $0x54, v8  }
0x10e: {  	[tilespmem:$0x1FF70] =	vst v50;
	v50 =	vld.idx.msk [tilespmem:v60+s30+$0x0], $0xffff;
	v49 =	vmul.f32 v41, v40;
	v0 =	vadd.f32 v46, v0  }
0x10f: {  	[tilespmem:$0x1FF90] =	vst v57;
	v57 =	vor.u32 $0x55, v8;
	v51 =	vld.idx.msk [tilespmem:v60+s31+$0x0], $0xffff  }
0x110: {  	[tilespmem:$0x1FF60] =	vst v14;
	v14 =	vld.idx.msk [tilespmem:v59+s30+$0x0], $0xffff;
	v53 =	vmul.f32 v45, v44;
	v0 =	vadd.f32 v49, v0  }
0x111: {  	v56 =	vor.u32 $0x56, v8;
	v15 =	vld.idx.msk [tilespmem:v59+s31+$0x0], $0xffff  }
0x112: {  	[tilespmem:$0x1FFB0] =	vst v17;
	v16 =	vmul.f32 v48, v47;
	v17 =	vld.idx.msk [tilespmem:v58+s30+$0x0], $0xffff;
	v0 =	vadd.f32 v53, v0  }
0x113: {  	v55 =	vor.u32 $0x57, v8;
	v18 =	vld.idx.msk [tilespmem:v58+s31+$0x0], $0xffff  }
0x114: {  	[tilespmem:$0x1FF80] =	vst v54;
	v20 =	vld.idx.msk [tilespmem:v57+s30+$0x0], $0xffff;
	v19 =	vmul.f32 v51, v50;
	v0 =	vadd.f32 v16, v0  }
0x115: {  	[tilespmem:$0x1FFC0] =	vst v21;
	v54 =	vor.u32 $0x58, v8;
	v21 =	vld.idx.msk [tilespmem:v57+s31+$0x0], $0xffff  }
0x116: {  	v23 =	vld.idx.msk [tilespmem:v56+s30+$0x0], $0xffff;
	v22 =	vmul.f32 v15, v14;
	v0 =	vadd.f32 v19, v0  }
0x117: {  	v24 =	vld.idx.msk [tilespmem:v56+s31+$0x0], $0xffff;
	v53 =	vor.u32 $0x59, v8  }
0x118: {  	[tilespmem:$0x1FFD0] =	vst v25;
	v27 =	vld.idx.msk [tilespmem:v55+s31+$0x0], $0xffff;
	v25 =	vmul.f32 v18, v17;
	v0 =	vadd.f32 v22, v0  }
0x119: {  	v52 =	vor.u32 $0x5A, v8;
	v26 =	vld.idx.msk [tilespmem:v55+s30+$0x0], $0xffff  }
0x11a: {  	[tilespmem:$0x1FFE0] =	vst v29;
	v29 =	vld.idx.msk [tilespmem:v54+s30+$0x0], $0xffff;
	v28 =	vmul.f32 v21, v20;
	v0 =	vadd.f32 v25, v0  }
0x11b: {  	v51 =	vor.u32 $0x5B, v8;
	v30 =	vld.idx.msk [tilespmem:v54+s31+$0x0], $0xffff  }
0x11c: {  	v31 =	vmul.f32 v24, v23;
	v32 =	vld.idx.msk [tilespmem:v53+s30+$0x0], $0xffff;
	v0 =	vadd.f32 v28, v0  }
0x11d: {  	v50 =	vor.u32 $0x5C, v8;
	v33 =	vld.idx.msk [tilespmem:v53+s31+$0x0], $0xffff  }
0x11e: {  	v35 =	vld.idx.msk [tilespmem:v52+s30+$0x0], $0xffff;
	v34 =	vmul.f32 v27, v26;
	v0 =	vadd.f32 v31, v0  }
0x11f: {  	v36 =	vld.idx.msk [tilespmem:v52+s31+$0x0], $0xffff;
	v49 =	vor.u32 $0x5D, v8  }
0x120: {  	v38 =	vld.idx.msk [tilespmem:v51+s30+$0x0], $0xffff;
	v37 =	vmul.f32 v30, v29;
	v0 =	vadd.f32 v34, v0  }
0x121: {  	v48 =	vor.u32 $0x5E, v8;
	v39 =	vld.idx.msk [tilespmem:v51+s31+$0x0], $0xffff  }
0x122: {  	v41 =	vld.idx.msk [tilespmem:v50+s30+$0x0], $0xffff;
	v40 =	vmul.f32 v33, v32;
	v0 =	vadd.f32 v37, v0  }
0x123: {  	v47 =	vor.u32 $0x5F, v8;
	v42 =	vld.idx.msk [tilespmem:v50+s31+$0x0], $0xffff  }
0x124: {  	v45 =	vmul.f32 v36, v35;
	v46 =	vld.idx.msk [tilespmem:v49+s30+$0x0], $0xffff;
	v0 =	vadd.f32 v40, v0  }
0x125: {  	v14 =	vld.idx.msk [tilespmem:v49+s31+$0x0], $0xffff  }
0x126: {  	v17 =	vor.u32 $0x2, v12;
	v18 =	vld.idx.msk [tilespmem:v48+s31+$0x0], $0xffff;
	v15 =	vmul.f32 v39, v38;
	v0 =	vadd.f32 v45, v0  }
0x127: {  	v16 =	vld.idx.msk [tilespmem:v48+s30+$0x0], $0xffff  }
0x128: {  	v20 =	vld.idx.msk [tilespmem:v47+s30+$0x0], $0xffff;
	v19 =	vmul.f32 v42, v41;
	v0 =	vadd.f32 v15, v0  }
0x129: {  	v21 =	vld.idx.msk [tilespmem:v47+s31+$0x0], $0xffff  }
0x12a: {  	v22 =	vmul.f32 v14, v46;
	v0 =	vadd.f32 v19, v0  }
0x12b: {  	v23 =	vld.idx.msk [tilespmem:v17+s4+$0x0], $0xffff  }
0x12c: {  	v24 =	vmul.f32 v18, v16;
	v0 =	vadd.f32 v22, v0;
	_ =	sdelay $0x1  }
0x12d: {  	v25 =	vmul.f32 v21, v20;
	v0 =	vadd.f32 v24, v0;
	_ =	sdelay $0x1  }
0x12e: {  	v26 =	vmul.f32 v23, v13;
	v0 =	vadd.f32 v25, v0;
	_ =	sdelay $0x1  }
0x12f: {  	v0 =	vadd.f32 v26, v0;
	_ =	sdelay $0x1  }
0x130: {  	v0 =	vmul.f32 $1.442695020e+00, v0;
	_ =	sdelay $0x1  }
0x131: {  	(erf) = vpow2.f32 v0;
	_ =	sdelay $0x6  }
0x132: {  	v27 =	vor.u32 $0x6, v12  }
0x133: {  	v40 =	vor.u32 $0x60, v8  }
0x134: {  	v0 =	vpop (erf)  }
0x135: {  	v41 =	vor.u32 $0x61, v8;
	v28 =	vmul.f32 v0, v13  }
0x136: {  	[tilespmem:v17+s14+$0x0] =	vst.idx.msk $0xffff, v0  }
0x137: {  	v42 =	vor.u32 $0x62, v8;
	[tilespmem:v27+s14+$0x0] =	vst.idx.msk $0xffff, v28  }
0x138: {  	v3 =	vld.idx.msk [tilespmem:v40+s30+$0x0], $0xffff  }
0x139: {  	v44 =	vor.u32 $0x63, v8;
	v4 =	vld.idx.msk [tilespmem:v40+s31+$0x0], $0xffff  }
0x13a: {  	v29 =	vld.idx.msk [tilespmem:v41+s30+$0x0], $0xffff  }
0x13b: {  	v45 =	vor.u32 $0x64, v8;
	v30 =	vld.idx.msk [tilespmem:v41+s31+$0x0], $0xffff  }
0x13c: {  	v31 =	vld.idx.msk [tilespmem:v42+s30+$0x0], $0xffff  }
0x13d: {  	v46 =	vor.u32 $0x65, v8;
	v9 =	vld.idx.msk [tilespmem:v42+s31+$0x0], $0xffff  }
0x13e: {  	v32 =	vld.idx.msk [tilespmem:v44+s30+$0x0], $0xffff;
	v3 =	vmul.f32 v4, v3  }
0x13f: {  	v39 =	vor.u32 $0x66, v8;
	v33 =	vld.idx.msk [tilespmem:v44+s31+$0x0], $0xffff  }
0x140: {  	v34 =	vld.idx.msk [tilespmem:v45+s30+$0x0], $0xffff;
	v5 =	vmul.f32 v30, v29;
	v3 =	vadd.f32 $0.0e+00, v3  }
0x141: {  	v38 =	vor.u32 $0x67, v8;
	v35 =	vld.idx.msk [tilespmem:v45+s31+$0x0], $0xffff  }
0x142: {  	v15 =	vld.idx.msk [tilespmem:v46+s30+$0x0], $0xffff;
	v14 =	vmul.f32 v9, v31;
	v3 =	vadd.f32 v5, v3  }
0x143: {  	v37 =	vor.u32 $0x68, v8;
	v16 =	vld.idx.msk [tilespmem:v46+s31+$0x0], $0xffff  }
0x144: {  	v17 =	vld.idx.msk [tilespmem:v39+s30+$0x0], $0xffff;
	v4 =	vmul.f32 v33, v32;
	v3 =	vadd.f32 v14, v3  }
0x145: {  	v36 =	vor.u32 $0x69, v8;
	v18 =	vld.idx.msk [tilespmem:v39+s31+$0x0], $0xffff  }
0x146: {  	v20 =	vld.idx.msk [tilespmem:v38+s30+$0x0], $0xffff;
	v19 =	vmul.f32 v35, v34;
	v3 =	vadd.f32 v4, v3  }
0x147: {  	v21 =	vld.idx.msk [tilespmem:v38+s31+$0x0], $0xffff;
	v35 =	vor.u32 $0x6A, v8  }
0x148: {  	v23 =	vld.idx.msk [tilespmem:v37+s30+$0x0], $0xffff;
	v22 =	vmul.f32 v16, v15;
	v3 =	vadd.f32 v19, v3  }
0x149: {  	v24 =	vld.idx.msk [tilespmem:v37+s31+$0x0], $0xffff;
	v34 =	vor.u32 $0x6B, v8  }
0x14a: {  	v26 =	vld.idx.msk [tilespmem:v36+s30+$0x0], $0xffff;
	v25 =	vmul.f32 v18, v17;
	v3 =	vadd.f32 v22, v3  }
0x14b: {  	v27 =	vld.idx.msk [tilespmem:v36+s31+$0x0], $0xffff;
	v33 =	vor.u32 $0x6C, v8  }
0x14c: {  	v2 =	vmul.f32 v21, v20;
	v15 =	vld.idx.msk [tilespmem:v35+s31+$0x0], $0xffff;
	v3 =	vadd.f32 v25, v3  }
0x14d: {  	v32 =	vor.u32 $0x6D, v8;
	v14 =	vld.idx.msk [tilespmem:v35+s30+$0x0], $0xffff  }
0x14e: {  	v16 =	vmul.f32 v24, v23;
	v17 =	vld.idx.msk [tilespmem:v34+s30+$0x0], $0xffff;
	v3 =	vadd.f32 v2, v3  }
0x14f: {  	v31 =	vor.u32 $0x6E, v8;
	v18 =	vld.idx.msk [tilespmem:v34+s31+$0x0], $0xffff  }
0x150: {  	v20 =	vld.idx.msk [tilespmem:v33+s30+$0x0], $0xffff;
	v19 =	vmul.f32 v27, v26;
	v3 =	vadd.f32 v16, v3  }
0x151: {  	v30 =	vor.u32 $0x6F, v8;
	v21 =	vld.idx.msk [tilespmem:v33+s31+$0x0], $0xffff  }
0x152: {  	v23 =	vld.idx.msk [tilespmem:v32+s30+$0x0], $0xffff;
	v22 =	vmul.f32 v15, v14;
	v3 =	vadd.f32 v19, v3  }
0x153: {  	v29 =	vor.u32 $0x70, v8;
	v14 =	vld.idx.msk [tilespmem:v32+s31+$0x0], $0xffff  }
0x154: {  	v15 =	vmul.f32 v18, v17;
	v17 =	vld.idx.msk [tilespmem:v31+s31+$0x0], $0xffff;
	v3 =	vadd.f32 v22, v3  }
0x155: {  	v28 =	vor.u32 $0x71, v8;
	v16 =	vld.idx.msk [tilespmem:v31+s30+$0x0], $0xffff  }
0x156: {  	v18 =	vmul.f32 v21, v20;
	v20 =	vld.idx.msk [tilespmem:v30+s31+$0x0], $0xffff;
	v3 =	vadd.f32 v15, v3  }
0x157: {  	v27 =	vor.u32 $0x72, v8;
	v19 =	vld.idx.msk [tilespmem:v30+s30+$0x0], $0xffff  }
0x158: {  	v21 =	vmul.f32 v14, v23;
	v23 =	vld.idx.msk [tilespmem:v29+s31+$0x0], $0xffff;
	v3 =	vadd.f32 v18, v3  }
0x159: {  	v26 =	vor.u32 $0x73, v8;
	v22 =	vld.idx.msk [tilespmem:v29+s30+$0x0], $0xffff  }
0x15a: {  	v14 =	vmul.f32 v17, v16;
	v16 =	vld.idx.msk [tilespmem:v28+s31+$0x0], $0xffff;
	v3 =	vadd.f32 v21, v3  }
0x15b: {  	v25 =	vor.u32 $0x74, v8;
	v15 =	vld.idx.msk [tilespmem:v28+s30+$0x0], $0xffff  }
0x15c: {  	v5 =	vld.idx.msk [tilespmem:v27+s30+$0x0], $0xffff;
	v2 =	vmul.f32 v20, v19;
	v3 =	vadd.f32 v14, v3  }
0x15d: {  	v24 =	vor.u32 $0x75, v8;
	v14 =	vld.idx.msk [tilespmem:v27+s31+$0x0], $0xffff  }
0x15e: {  	v19 =	vld.idx.msk [tilespmem:v26+s31+$0x0], $0xffff;
	v17 =	vmul.f32 v23, v22;
	v3 =	vadd.f32 v2, v3  }
0x15f: {  	v18 =	vld.idx.msk [tilespmem:v26+s30+$0x0], $0xffff;
	v23 =	vor.u32 $0x76, v8  }
0x160: {  	v15 =	vmul.f32 v16, v15;
	v16 =	vld.idx.msk [tilespmem:v25+s30+$0x0], $0xffff;
	v3 =	vadd.f32 v17, v3  }
0x161: {  	v22 =	vor.u32 $0x77, v8;
	v17 =	vld.idx.msk [tilespmem:v25+s31+$0x0], $0xffff  }
0x162: {  	v10 =	vld.idx.msk [tilespmem:v24+s30+$0x0], $0xffff;
	v14 =	vmul.f32 v14, v5;
	v3 =	vadd.f32 v15, v3  }
0x163: {  	v21 =	vor.u32 $0x78, v8;
	v15 =	vld.idx.msk [tilespmem:v24+s31+$0x0], $0xffff  }
0x164: {  	v2 =	vmul.f32 v19, v18;
	v11 =	vld.idx.msk [tilespmem:v23+s30+$0x0], $0xffff;
	v3 =	vadd.f32 v14, v3  }
0x165: {  	v20 =	vor.u32 $0x79, v8;
	v6 =	vld.idx.msk [tilespmem:v23+s31+$0x0], $0xffff  }
0x166: {  	v7 =	vld.idx.msk [tilespmem:v22+s30+$0x0], $0xffff;
	v14 =	vmul.f32 v17, v16;
	v2 =	vadd.f32 v2, v3  }
0x167: {  	v4 =	vld.idx.msk [tilespmem:v22+s31+$0x0], $0xffff;
	v19 =	vor.u32 $0x7A, v8  }
0x168: {  	v9 =	vld.idx.msk [tilespmem:v21+s30+$0x0], $0xffff;
	v15 =	vmul.f32 v15, v10;
	v2 =	vadd.f32 v14, v2  }
0x169: {  	v18 =	vor.u32 $0x7B, v8;
	v5 =	vld.idx.msk [tilespmem:v21+s31+$0x0], $0xffff  }
0x16a: {  	v14 =	vmul.f32 v6, v11;
	v11 =	vld.idx.msk [tilespmem:v20+s30+$0x0], $0xffff;
	v2 =	vadd.f32 v15, v2  }
0x16b: {  	v17 =	vor.u32 $0x7C, v8;
	v6 =	vld.idx.msk [tilespmem:v20+s31+$0x0], $0xffff  }
0x16c: {  	v10 =	vld.idx.msk [tilespmem:v19+s30+$0x0], $0xffff;
	v2 =	vadd.f32 v14, v2;
	v14 =	vmul.f32 v4, v7  }
0x16d: {  	v16 =	vor.u32 $0x7D, v8;
	v7 =	vld.idx.msk [tilespmem:v19+s31+$0x0], $0xffff  }
0x16e: {  	v3 =	vmul.f32 v5, v9;
	v9 =	vld.idx.msk [tilespmem:v18+s30+$0x0], $0xffff;
	v2 =	vadd.f32 v14, v2  }
0x16f: {  	v15 =	vor.u32 $0x7E, v8;
	v4 =	vld.idx.msk [tilespmem:v18+s31+$0x0], $0xffff  }
0x170: {  	v5 =	vld.idx.msk [tilespmem:v17+s31+$0x0], $0xffff;
	v6 =	vmul.f32 v6, v11;
	v2 =	vadd.f32 v3, v2  }
0x171: {  	v11 =	vld.idx.msk [tilespmem:v17+s30+$0x0], $0xffff;
	v14 =	vor.u32 $0x7F, v8  }
0x172: {  	v3 =	vmul.f32 v7, v10;
	v7 =	vld.idx.msk [tilespmem:v16+s30+$0x0], $0xffff;
	v2 =	vadd.f32 v6, v2  }
0x173: {  	v10 =	vld.idx.msk [tilespmem:v16+s31+$0x0], $0xffff  }
0x174: {  	v4 =	vmul.f32 v4, v9;
	v9 =	vor.u32 $0x3, v12;
	v6 =	vld.idx.msk [tilespmem:v15+s30+$0x0], $0xffff;
	v2 =	vadd.f32 v3, v2  }
0x175: {  	v3 =	vld.idx.msk [tilespmem:v15+s31+$0x0], $0xffff  }
0x176: {  	v2 =	vadd.f32 v4, v2;
	v4 =	vmul.f32 v5, v11;
	v5 =	vld.idx.msk [tilespmem:v14+s30+$0x0], $0xffff  }
0x177: {  	v11 =	vld.idx.msk [tilespmem:v14+s31+$0x0], $0xffff  }
0x178: {  	v10 =	vmul.f32 v10, v7;
	v2 =	vadd.f32 v4, v2  }
0x179: {  	v7 =	vld.idx.msk [tilespmem:v9+s4+$0x0], $0xffff  }
0x17a: {  	v3 =	vmul.f32 v3, v6;
	v2 =	vadd.f32 v10, v2;
	_ =	sdelay $0x1  }
0x17b: {  	v10 =	vmul.f32 v11, v5;
	v2 =	vadd.f32 v3, v2;
	_ =	sdelay $0x1  }
0x17c: {  	v11 =	vmul.f32 v7, v13;
	v2 =	vadd.f32 v10, v2;
	_ =	sdelay $0x1  }
0x17d: {  	v2 =	vadd.f32 v11, v2;
	_ =	sdelay $0x1  }
0x17e: {  	v2 =	vmul.f32 $1.442695020e+00, v2;
	_ =	sdelay $0x1  }
0x17f: {  	(erf) = vpow2.f32 v2;
	_ =	sdelay $0x6  }
0x180: {  	v12 =	vor.u32 $0x7, v12;
	_ =	sdelay $0x1  }
0x181: {  	v2 =	vpop (erf)  }
0x182: {  	v10 =	vmul.f32 v2, v13  }
0x183: {  	[tilespmem:v9+s14+$0x0] =	vst.idx.msk $0xffff, v2  }
0x184: {  	v11 =	vld [tilespmem:$0x1FB10];
	[tilespmem:v12+s14+$0x0] =	vst.idx.msk $0xffff, v10  }
0x185: {  	v3 =	vld.idx.msk [tilespmem:v8+s0+$0x0], $0xffff;
	_ =	sdelay $0x4  }
0x186: {  	v3 =	vmul.f32 v3, v43;
	_ =	sdelay $0x1  }
0x187: {  	v12 =	vld [tilespmem:$0x1FB20];
	[tilespmem:v8+s0+$0x0] =	vst.idx.msk $0xffff, v3  }
0x188: {  	v3 =	vld.idx.msk [tilespmem:v11+s0+$0x0], $0xffff;
	_ =	sdelay $0x4  }
0x189: {  	v3 =	vmul.f32 v3, v43;
	_ =	sdelay $0x1  }
0x18a: {  	v13 =	vld [tilespmem:$0x1FB30];
	[tilespmem:v11+s0+$0x0] =	vst.idx.msk $0xffff, v3  }
0x18b: {  	v3 =	vld.idx.msk [tilespmem:v12+s0+$0x0], $0xffff;
	_ =	sdelay $0x4  }
0x18c: {  	v3 =	vmul.f32 v3, v43;
	_ =	sdelay $0x1  }
0x18d: {  	v8 =	vld [tilespmem:$0x1FB40];
	[tilespmem:v12+s0+$0x0] =	vst.idx.msk $0xffff, v3  }
0x18e: {  	v3 =	vld.idx.msk [tilespmem:v13+s0+$0x0], $0xffff;
	_ =	sdelay $0x4  }
0x18f: {  	v3 =	vmul.f32 v3, v43;
	_ =	sdelay $0x1  }
0x190: {  	v9 =	vld [tilespmem:$0x1FB50];
	[tilespmem:v13+s0+$0x0] =	vst.idx.msk $0xffff, v3  }
0x191: {  	v3 =	vld.idx.msk [tilespmem:v8+s0+$0x0], $0xffff;
	_ =	sdelay $0x4  }
0x192: {  	v3 =	vmul.f32 v3, v43;
	_ =	sdelay $0x1  }
0x193: {  	v10 =	vld [tilespmem:$0x1FB60];
	[tilespmem:v8+s0+$0x0] =	vst.idx.msk $0xffff, v3  }
0x194: {  	v3 =	vld.idx.msk [tilespmem:v9+s0+$0x0], $0xffff;
	_ =	sdelay $0x4  }
0x195: {  	v3 =	vmul.f32 v3, v43;
	_ =	sdelay $0x1  }
0x196: {  	v11 =	vld [tilespmem:$0x1FB70];
	[tilespmem:v9+s0+$0x0] =	vst.idx.msk $0xffff, v3  }
0x197: {  	v3 =	vld.idx.msk [tilespmem:v10+s0+$0x0], $0xffff;
	_ =	sdelay $0x4  }
0x198: {  	v3 =	vmul.f32 v3, v43;
	_ =	sdelay $0x1  }
0x199: {  	v12 =	vld [tilespmem:$0x1FB80];
	[tilespmem:v10+s0+$0x0] =	vst.idx.msk $0xffff, v3  }
0x19a: {  	v3 =	vld.idx.msk [tilespmem:v11+s0+$0x0], $0xffff;
	_ =	sdelay $0x4  }
0x19b: {  	v3 =	vmul.f32 v3, v43;
	_ =	sdelay $0x1  }
0x19c: {  	v13 =	vld [tilespmem:$0x1FB90];
	[tilespmem:v11+s0+$0x0] =	vst.idx.msk $0xffff, v3  }
0x19d: {  	v3 =	vld.idx.msk [tilespmem:v12+s0+$0x0], $0xffff;
	_ =	sdelay $0x4  }
0x19e: {  	v3 =	vmul.f32 v3, v43;
	_ =	sdelay $0x1  }
0x19f: {  	v8 =	vld [tilespmem:$0x1FBA0];
	[tilespmem:v12+s0+$0x0] =	vst.idx.msk $0xffff, v3  }
0x1a0: {  	v3 =	vld.idx.msk [tilespmem:v13+s0+$0x0], $0xffff;
	_ =	sdelay $0x4  }
0x1a1: {  	v3 =	vmul.f32 v3, v43;
	_ =	sdelay $0x1  }
0x1a2: {  	v9 =	vld [tilespmem:$0x1FBB0];
	[tilespmem:v13+s0+$0x0] =	vst.idx.msk $0xffff, v3  }
0x1a3: {  	v3 =	vld.idx.msk [tilespmem:v8+s0+$0x0], $0xffff;
	_ =	sdelay $0x4  }
0x1a4: {  	v3 =	vmul.f32 v3, v43;
	_ =	sdelay $0x1  }
0x1a5: {  	v10 =	vld [tilespmem:$0x1FBC0];
	[tilespmem:v8+s0+$0x0] =	vst.idx.msk $0xffff, v3  }
0x1a6: {  	v3 =	vld.idx.msk [tilespmem:v9+s0+$0x0], $0xffff;
	_ =	sdelay $0x4  }
0x1a7: {  	v3 =	vmul.f32 v3, v43;
	_ =	sdelay $0x1  }
0x1a8: {  	v11 =	vld [tilespmem:$0x1FBD0];
	[tilespmem:v9+s0+$0x0] =	vst.idx.msk $0xffff, v3  }
0x1a9: {  	v3 =	vld.idx.msk [tilespmem:v10+s0+$0x0], $0xffff;
	_ =	sdelay $0x4  }
0x1aa: {  	v3 =	vmul.f32 v3, v43;
	_ =	sdelay $0x1  }
0x1ab: {  	v12 =	vld [tilespmem:$0x1FBE0];
	[tilespmem:v10+s0+$0x0] =	vst.idx.msk $0xffff, v3  }
0x1ac: {  	v3 =	vld.idx.msk [tilespmem:v11+s0+$0x0], $0xffff;
	_ =	sdelay $0x4  }
0x1ad: {  	v3 =	vmul.f32 v3, v43;
	_ =	sdelay $0x1  }
0x1ae: {  	v13 =	vld [tilespmem:$0x1FBF0];
	[tilespmem:v11+s0+$0x0] =	vst.idx.msk $0xffff, v3  }
0x1af: {  	v3 =	vld.idx.msk [tilespmem:v12+s0+$0x0], $0xffff;
	_ =	sdelay $0x4  }
0x1b0: {  	v3 =	vmul.f32 v3, v43;
	_ =	sdelay $0x1  }
0x1b1: {  	v8 =	vld [tilespmem:$0x1FC00];
	[tilespmem:v12+s0+$0x0] =	vst.idx.msk $0xffff, v3  }
0x1b2: {  	v3 =	vld.idx.msk [tilespmem:v13+s0+$0x0], $0xffff;
	_ =	sdelay $0x4  }
0x1b3: {  	v3 =	vmul.f32 v3, v43;
	_ =	sdelay $0x1  }
0x1b4: {  	v9 =	vld [tilespmem:$0x1FC10];
	[tilespmem:v13+s0+$0x0] =	vst.idx.msk $0xffff, v3  }
0x1b5: {  	v3 =	vld.idx.msk [tilespmem:v8+s0+$0x0], $0xffff;
	_ =	sdelay $0x4  }
0x1b6: {  	v3 =	vmul.f32 v3, v43;
	_ =	sdelay $0x1  }
0x1b7: {  	v10 =	vld [tilespmem:$0x1FC20];
	[tilespmem:v8+s0+$0x0] =	vst.idx.msk $0xffff, v3  }
0x1b8: {  	v3 =	vld.idx.msk [tilespmem:v9+s0+$0x0], $0xffff;
	_ =	sdelay $0x4  }
0x1b9: {  	v3 =	vmul.f32 v3, v43;
	_ =	sdelay $0x1  }
0x1ba: {  	v11 =	vld [tilespmem:$0x1FC30];
	[tilespmem:v9+s0+$0x0] =	vst.idx.msk $0xffff, v3  }
0x1bb: {  	v3 =	vld.idx.msk [tilespmem:v10+s0+$0x0], $0xffff;
	_ =	sdelay $0x4  }
0x1bc: {  	v3 =	vmul.f32 v3, v43;
	_ =	sdelay $0x1  }
0x1bd: {  	v12 =	vld [tilespmem:$0x1FC40];
	[tilespmem:v10+s0+$0x0] =	vst.idx.msk $0xffff, v3  }
0x1be: {  	v3 =	vld.idx.msk [tilespmem:v11+s0+$0x0], $0xffff;
	_ =	sdelay $0x4  }
0x1bf: {  	v3 =	vmul.f32 v3, v43;
	_ =	sdelay $0x1  }
0x1c0: {  	v13 =	vld [tilespmem:$0x1FC50];
	[tilespmem:v11+s0+$0x0] =	vst.idx.msk $0xffff, v3  }
0x1c1: {  	v3 =	vld.idx.msk [tilespmem:v12+s0+$0x0], $0xffff;
	_ =	sdelay $0x4  }
0x1c2: {  	v3 =	vmul.f32 v3, v43;
	_ =	sdelay $0x1  }
0x1c3: {  	v8 =	vld [tilespmem:$0x1FC60];
	[tilespmem:v12+s0+$0x0] =	vst.idx.msk $0xffff, v3  }
0x1c4: {  	v3 =	vld.idx.msk [tilespmem:v13+s0+$0x0], $0xffff;
	_ =	sdelay $0x4  }
0x1c5: {  	v3 =	vmul.f32 v3, v43;
	_ =	sdelay $0x1  }
0x1c6: {  	v9 =	vld [tilespmem:$0x1FC70];
	[tilespmem:v13+s0+$0x0] =	vst.idx.msk $0xffff, v3  }
0x1c7: {  	v3 =	vld.idx.msk [tilespmem:v8+s0+$0x0], $0xffff;
	_ =	sdelay $0x4  }
0x1c8: {  	v3 =	vmul.f32 v3, v43;
	_ =	sdelay $0x1  }
0x1c9: {  	v10 =	vld [tilespmem:$0x1FC80];
	[tilespmem:v8+s0+$0x0] =	vst.idx.msk $0xffff, v3  }
0x1ca: {  	v3 =	vld.idx.msk [tilespmem:v9+s0+$0x0], $0xffff;
	_ =	sdelay $0x4  }
0x1cb: {  	v3 =	vmul.f32 v3, v43;
	_ =	sdelay $0x1  }
0x1cc: {  	v11 =	vld [tilespmem:$0x1FC90];
	[tilespmem:v9+s0+$0x0] =	vst.idx.msk $0xffff, v3  }
0x1cd: {  	v3 =	vld.idx.msk [tilespmem:v10+s0+$0x0], $0xffff;
	_ =	sdelay $0x4  }
0x1ce: {  	v3 =	vmul.f32 v3, v43;
	_ =	sdelay $0x1  }
0x1cf: {  	v12 =	vld [tilespmem:$0x1FCA0];
	[tilespmem:v10+s0+$0x0] =	vst.idx.msk $0xffff, v3  }
0x1d0: {  	v3 =	vld.idx.msk [tilespmem:v11+s0+$0x0], $0xffff;
	_ =	sdelay $0x4  }
0x1d1: {  	v3 =	vmul.f32 v3, v43;
	_ =	sdelay $0x1  }
0x1d2: {  	v13 =	vld [tilespmem:$0x1FCB0];
	[tilespmem:v11+s0+$0x0] =	vst.idx.msk $0xffff, v3  }
0x1d3: {  	v3 =	vld.idx.msk [tilespmem:v12+s0+$0x0], $0xffff;
	_ =	sdelay $0x4  }
0x1d4: {  	v3 =	vmul.f32 v3, v43;
	_ =	sdelay $0x1  }
0x1d5: {  	v8 =	vld [tilespmem:$0x1FCC0];
	[tilespmem:v12+s0+$0x0] =	vst.idx.msk $0xffff, v3  }
0x1d6: {  	v3 =	vld.idx.msk [tilespmem:v13+s0+$0x0], $0xffff;
	_ =	sdelay $0x4  }
0x1d7: {  	v3 =	vmul.f32 v3, v43;
	_ =	sdelay $0x1  }
0x1d8: {  	v9 =	vld [tilespmem:$0x1FCD0];
	[tilespmem:v13+s0+$0x0] =	vst.idx.msk $0xffff, v3  }
0x1d9: {  	v3 =	vld.idx.msk [tilespmem:v8+s0+$0x0], $0xffff;
	_ =	sdelay $0x4  }
0x1da: {  	v3 =	vmul.f32 v3, v43;
	_ =	sdelay $0x1  }
0x1db: {  	v10 =	vld [tilespmem:$0x1FCE0];
	[tilespmem:v8+s0+$0x0] =	vst.idx.msk $0xffff, v3  }
0x1dc: {  	v3 =	vld.idx.msk [tilespmem:v9+s0+$0x0], $0xffff;
	_ =	sdelay $0x4  }
0x1dd: {  	v3 =	vmul.f32 v3, v43;
	_ =	sdelay $0x1  }
0x1de: {  	v11 =	vld [tilespmem:$0x1FCF0];
	[tilespmem:v9+s0+$0x0] =	vst.idx.msk $0xffff, v3  }
0x1df: {  	v3 =	vld.idx.msk [tilespmem:v10+s0+$0x0], $0xffff;
	_ =	sdelay $0x4  }
0x1e0: {  	v3 =	vmul.f32 v3, v43;
	_ =	sdelay $0x1  }
0x1e1: {  	v12 =	vld [tilespmem:$0x1FD00];
	[tilespmem:v10+s0+$0x0] =	vst.idx.msk $0xffff, v3  }
0x1e2: {  	v3 =	vld.idx.msk [tilespmem:v11+s0+$0x0], $0xffff;
	_ =	sdelay $0x4  }
0x1e3: {  	v3 =	vmul.f32 v3, v43;
	_ =	sdelay $0x1  }
0x1e4: {  	v13 =	vld [tilespmem:$0x1FD10];
	[tilespmem:v11+s0+$0x0] =	vst.idx.msk $0xffff, v3  }
0x1e5: {  	v3 =	vld.idx.msk [tilespmem:v12+s0+$0x0], $0xffff;
	_ =	sdelay $0x4  }
0x1e6: {  	v3 =	vmul.f32 v3, v1;
	_ =	sdelay $0x1  }
0x1e7: {  	v43 =	vld [tilespmem:$0x1FD20];
	[tilespmem:v12+s0+$0x0] =	vst.idx.msk $0xffff, v3  }
0x1e8: {  	v3 =	vld.idx.msk [tilespmem:v13+s0+$0x0], $0xffff;
	_ =	sdelay $0x4  }
0x1e9: {  	v3 =	vmul.f32 v3, v1;
	_ =	sdelay $0x1  }
0x1ea: {  	v8 =	vld [tilespmem:$0x1FD30];
	[tilespmem:v13+s0+$0x0] =	vst.idx.msk $0xffff, v3  }
0x1eb: {  	v3 =	vld.idx.msk [tilespmem:v43+s0+$0x0], $0xffff;
	_ =	sdelay $0x4  }
0x1ec: {  	v3 =	vmul.f32 v3, v1;
	_ =	sdelay $0x1  }
0x1ed: {  	v9 =	vld [tilespmem:$0x1FD40];
	[tilespmem:v43+s0+$0x0] =	vst.idx.msk $0xffff, v3  }
0x1ee: {  	v3 =	vld.idx.msk [tilespmem:v8+s0+$0x0], $0xffff;
	_ =	sdelay $0x4  }
0x1ef: {  	v3 =	vmul.f32 v3, v1;
	_ =	sdelay $0x1  }
0x1f0: {  	v10 =	vld [tilespmem:$0x1FD50];
	[tilespmem:v8+s0+$0x0] =	vst.idx.msk $0xffff, v3  }
0x1f1: {  	v3 =	vld.idx.msk [tilespmem:v9+s0+$0x0], $0xffff;
	_ =	sdelay $0x4  }
0x1f2: {  	v3 =	vmul.f32 v3, v1;
	_ =	sdelay $0x1  }
0x1f3: {  	v11 =	vld [tilespmem:$0x1FD60];
	[tilespmem:v9+s0+$0x0] =	vst.idx.msk $0xffff, v3  }
0x1f4: {  	v3 =	vld.idx.msk [tilespmem:v10+s0+$0x0], $0xffff;
	_ =	sdelay $0x4  }
0x1f5: {  	v3 =	vmul.f32 v3, v1;
	_ =	sdelay $0x1  }
0x1f6: {  	v12 =	vld [tilespmem:$0x1FD70];
	[tilespmem:v10+s0+$0x0] =	vst.idx.msk $0xffff, v3  }
0x1f7: {  	v3 =	vld.idx.msk [tilespmem:v11+s0+$0x0], $0xffff;
	_ =	sdelay $0x4  }
0x1f8: {  	v3 =	vmul.f32 v3, v1;
	_ =	sdelay $0x1  }
0x1f9: {  	v13 =	vld [tilespmem:$0x1FD80];
	[tilespmem:v11+s0+$0x0] =	vst.idx.msk $0xffff, v3  }
0x1fa: {  	v3 =	vld.idx.msk [tilespmem:v12+s0+$0x0], $0xffff;
	_ =	sdelay $0x4  }
0x1fb: {  	v3 =	vmul.f32 v3, v1;
	_ =	sdelay $0x1  }
0x1fc: {  	v43 =	vld [tilespmem:$0x1FD90];
	[tilespmem:v12+s0+$0x0] =	vst.idx.msk $0xffff, v3  }
0x1fd: {  	v3 =	vld.idx.msk [tilespmem:v13+s0+$0x0], $0xffff;
	_ =	sdelay $0x4  }
0x1fe: {  	v3 =	vmul.f32 v3, v1;
	_ =	sdelay $0x1  }
0x1ff: {  	v8 =	vld [tilespmem:$0x1FDA0];
	[tilespmem:v13+s0+$0x0] =	vst.idx.msk $0xffff, v3  }
0x200: {  	v3 =	vld.idx.msk [tilespmem:v43+s0+$0x0], $0xffff;
	_ =	sdelay $0x4  }
0x201: {  	v3 =	vmul.f32 v3, v1;
	_ =	sdelay $0x1  }
0x202: {  	v9 =	vld [tilespmem:$0x1FDB0];
	[tilespmem:v43+s0+$0x0] =	vst.idx.msk $0xffff, v3  }
0x203: {  	v3 =	vld.idx.msk [tilespmem:v8+s0+$0x0], $0xffff;
	_ =	sdelay $0x4  }
0x204: {  	v3 =	vmul.f32 v3, v1;
	_ =	sdelay $0x1  }
0x205: {  	v10 =	vld [tilespmem:$0x1FDC0];
	[tilespmem:v8+s0+$0x0] =	vst.idx.msk $0xffff, v3  }
0x206: {  	v3 =	vld.idx.msk [tilespmem:v9+s0+$0x0], $0xffff;
	_ =	sdelay $0x4  }
0x207: {  	v3 =	vmul.f32 v3, v1;
	_ =	sdelay $0x1  }
0x208: {  	v11 =	vld [tilespmem:$0x1FDD0];
	[tilespmem:v9+s0+$0x0] =	vst.idx.msk $0xffff, v3  }
0x209: {  	v3 =	vld.idx.msk [tilespmem:v10+s0+$0x0], $0xffff;
	_ =	sdelay $0x4  }
0x20a: {  	v3 =	vmul.f32 v3, v1;
	_ =	sdelay $0x1  }
0x20b: {  	v12 =	vld [tilespmem:$0x1FDE0];
	[tilespmem:v10+s0+$0x0] =	vst.idx.msk $0xffff, v3  }
0x20c: {  	v3 =	vld.idx.msk [tilespmem:v11+s0+$0x0], $0xffff;
	_ =	sdelay $0x4  }
0x20d: {  	v3 =	vmul.f32 v3, v1;
	_ =	sdelay $0x1  }
0x20e: {  	v13 =	vld [tilespmem:$0x1FDF0];
	[tilespmem:v11+s0+$0x0] =	vst.idx.msk $0xffff, v3  }
0x20f: {  	v3 =	vld.idx.msk [tilespmem:v12+s0+$0x0], $0xffff;
	_ =	sdelay $0x4  }
0x210: {  	v3 =	vmul.f32 v3, v1;
	_ =	sdelay $0x1  }
0x211: {  	v43 =	vld [tilespmem:$0x1FE00];
	[tilespmem:v12+s0+$0x0] =	vst.idx.msk $0xffff, v3  }
0x212: {  	v3 =	vld.idx.msk [tilespmem:v13+s0+$0x0], $0xffff;
	_ =	sdelay $0x4  }
0x213: {  	v3 =	vmul.f32 v3, v1;
	_ =	sdelay $0x1  }
0x214: {  	v8 =	vld [tilespmem:$0x1FE10];
	[tilespmem:v13+s0+$0x0] =	vst.idx.msk $0xffff, v3  }
0x215: {  	v3 =	vld.idx.msk [tilespmem:v43+s0+$0x0], $0xffff;
	_ =	sdelay $0x4  }
0x216: {  	v3 =	vmul.f32 v3, v1;
	_ =	sdelay $0x1  }
0x217: {  	v9 =	vld [tilespmem:$0x1FE20];
	[tilespmem:v43+s0+$0x0] =	vst.idx.msk $0xffff, v3  }
0x218: {  	v3 =	vld.idx.msk [tilespmem:v8+s0+$0x0], $0xffff;
	_ =	sdelay $0x4  }
0x219: {  	v3 =	vmul.f32 v3, v1;
	_ =	sdelay $0x1  }
0x21a: {  	v10 =	vld [tilespmem:$0x1FE30];
	[tilespmem:v8+s0+$0x0] =	vst.idx.msk $0xffff, v3  }
0x21b: {  	v3 =	vld.idx.msk [tilespmem:v9+s0+$0x0], $0xffff;
	_ =	sdelay $0x4  }
0x21c: {  	v3 =	vmul.f32 v3, v1;
	_ =	sdelay $0x1  }
0x21d: {  	v11 =	vld [tilespmem:$0x1FE40];
	[tilespmem:v9+s0+$0x0] =	vst.idx.msk $0xffff, v3  }
0x21e: {  	v3 =	vld.idx.msk [tilespmem:v10+s0+$0x0], $0xffff;
	_ =	sdelay $0x4  }
0x21f: {  	v3 =	vmul.f32 v3, v1;
	_ =	sdelay $0x1  }
0x220: {  	v12 =	vld [tilespmem:$0x1FE50];
	[tilespmem:v10+s0+$0x0] =	vst.idx.msk $0xffff, v3  }
0x221: {  	v3 =	vld.idx.msk [tilespmem:v11+s0+$0x0], $0xffff;
	_ =	sdelay $0x4  }
0x222: {  	v3 =	vmul.f32 v3, v1;
	_ =	sdelay $0x1  }
0x223: {  	v13 =	vld [tilespmem:$0x1FE60];
	[tilespmem:v11+s0+$0x0] =	vst.idx.msk $0xffff, v3  }
0x224: {  	v3 =	vld.idx.msk [tilespmem:v12+s0+$0x0], $0xffff;
	_ =	sdelay $0x4  }
0x225: {  	v3 =	vmul.f32 v3, v1;
	_ =	sdelay $0x1  }
0x226: {  	v43 =	vld [tilespmem:$0x1FE70];
	[tilespmem:v12+s0+$0x0] =	vst.idx.msk $0xffff, v3  }
0x227: {  	v3 =	vld.idx.msk [tilespmem:v13+s0+$0x0], $0xffff;
	_ =	sdelay $0x4  }
0x228: {  	v3 =	vmul.f32 v3, v1;
	_ =	sdelay $0x1  }
0x229: {  	v8 =	vld [tilespmem:$0x1FE80];
	[tilespmem:v13+s0+$0x0] =	vst.idx.msk $0xffff, v3  }
0x22a: {  	v3 =	vld.idx.msk [tilespmem:v43+s0+$0x0], $0xffff;
	_ =	sdelay $0x4  }
0x22b: {  	v3 =	vmul.f32 v3, v1;
	_ =	sdelay $0x1  }
0x22c: {  	v9 =	vld [tilespmem:$0x1FE90];
	[tilespmem:v43+s0+$0x0] =	vst.idx.msk $0xffff, v3  }
0x22d: {  	v3 =	vld.idx.msk [tilespmem:v8+s0+$0x0], $0xffff;
	_ =	sdelay $0x4  }
0x22e: {  	v3 =	vmul.f32 v3, v1;
	_ =	sdelay $0x1  }
0x22f: {  	v10 =	vld [tilespmem:$0x1FEA0];
	[tilespmem:v8+s0+$0x0] =	vst.idx.msk $0xffff, v3  }
0x230: {  	v3 =	vld.idx.msk [tilespmem:v9+s0+$0x0], $0xffff;
	_ =	sdelay $0x4  }
0x231: {  	v3 =	vmul.f32 v3, v1;
	_ =	sdelay $0x1  }
0x232: {  	v11 =	vld [tilespmem:$0x1FEB0];
	[tilespmem:v9+s0+$0x0] =	vst.idx.msk $0xffff, v3  }
0x233: {  	v3 =	vld.idx.msk [tilespmem:v10+s0+$0x0], $0xffff;
	_ =	sdelay $0x4  }
0x234: {  	v3 =	vmul.f32 v3, v1;
	_ =	sdelay $0x1  }
0x235: {  	v12 =	vld [tilespmem:$0x1FEC0];
	[tilespmem:v10+s0+$0x0] =	vst.idx.msk $0xffff, v3  }
0x236: {  	v3 =	vld.idx.msk [tilespmem:v11+s0+$0x0], $0xffff;
	_ =	sdelay $0x4  }
0x237: {  	v3 =	vmul.f32 v3, v1;
	_ =	sdelay $0x1  }
0x238: {  	v13 =	vld [tilespmem:$0x1FED0];
	[tilespmem:v11+s0+$0x0] =	vst.idx.msk $0xffff, v3  }
0x239: {  	v3 =	vld.idx.msk [tilespmem:v12+s0+$0x0], $0xffff;
	_ =	sdelay $0x4  }
0x23a: {  	v3 =	vmul.f32 v3, v1;
	_ =	sdelay $0x1  }
0x23b: {  	v43 =	vld [tilespmem:$0x1FEE0];
	[tilespmem:v12+s0+$0x0] =	vst.idx.msk $0xffff, v3  }
0x23c: {  	v3 =	vld.idx.msk [tilespmem:v13+s0+$0x0], $0xffff;
	_ =	sdelay $0x4  }
0x23d: {  	v3 =	vmul.f32 v3, v1;
	_ =	sdelay $0x1  }
0x23e: {  	v8 =	vld [tilespmem:$0x1FEF0];
	[tilespmem:v13+s0+$0x0] =	vst.idx.msk $0xffff, v3  }
0x23f: {  	v3 =	vld.idx.msk [tilespmem:v43+s0+$0x0], $0xffff;
	_ =	sdelay $0x4  }
0x240: {  	v3 =	vmul.f32 v3, v1;
	_ =	sdelay $0x1  }
0x241: {  	v9 =	vld [tilespmem:$0x1FF00];
	[tilespmem:v43+s0+$0x0] =	vst.idx.msk $0xffff, v3  }
0x242: {  	v3 =	vld.idx.msk [tilespmem:v8+s0+$0x0], $0xffff;
	_ =	sdelay $0x4  }
0x243: {  	v1 =	vmul.f32 v3, v1;
	_ =	sdelay $0x1  }
0x244: {  	v10 =	vld [tilespmem:$0x1FF10];
	[tilespmem:v8+s0+$0x0] =	vst.idx.msk $0xffff, v1  }
0x245: {  	v1 =	vld.idx.msk [tilespmem:v9+s0+$0x0], $0xffff;
	_ =	sdelay $0x4  }
0x246: {  	v1 =	vmul.f32 v1, v0;
	_ =	sdelay $0x1  }
0x247: {  	v11 =	vld [tilespmem:$0x1FF20];
	[tilespmem:v9+s0+$0x0] =	vst.idx.msk $0xffff, v1  }
0x248: {  	v1 =	vld.idx.msk [tilespmem:v10+s0+$0x0], $0xffff;
	_ =	sdelay $0x4  }
0x249: {  	v1 =	vmul.f32 v1, v0;
	_ =	sdelay $0x1  }
0x24a: {  	v12 =	vld [tilespmem:$0x1FF30];
	[tilespmem:v10+s0+$0x0] =	vst.idx.msk $0xffff, v1  }
0x24b: {  	v1 =	vld.idx.msk [tilespmem:v11+s0+$0x0], $0xffff;
	_ =	sdelay $0x4  }
0x24c: {  	v1 =	vmul.f32 v1, v0;
	_ =	sdelay $0x1  }
0x24d: {  	v13 =	vld [tilespmem:$0x1FF40];
	[tilespmem:v11+s0+$0x0] =	vst.idx.msk $0xffff, v1  }
0x24e: {  	v1 =	vld.idx.msk [tilespmem:v12+s0+$0x0], $0xffff;
	_ =	sdelay $0x4  }
0x24f: {  	v1 =	vmul.f32 v1, v0;
	_ =	sdelay $0x1  }
0x250: {  	v43 =	vld [tilespmem:$0x1FF50];
	[tilespmem:v12+s0+$0x0] =	vst.idx.msk $0xffff, v1  }
0x251: {  	v1 =	vld.idx.msk [tilespmem:v13+s0+$0x0], $0xffff;
	_ =	sdelay $0x4  }
0x252: {  	v1 =	vmul.f32 v1, v0;
	_ =	sdelay $0x1  }
0x253: {  	v6 =	vld [tilespmem:$0x1FF60];
	[tilespmem:v13+s0+$0x0] =	vst.idx.msk $0xffff, v1  }
0x254: {  	v1 =	vld.idx.msk [tilespmem:v43+s0+$0x0], $0xffff;
	_ =	sdelay $0x4  }
0x255: {  	v1 =	vmul.f32 v1, v0;
	_ =	sdelay $0x1  }
0x256: {  	v7 =	vld [tilespmem:$0x1FF70];
	[tilespmem:v43+s0+$0x0] =	vst.idx.msk $0xffff, v1  }
0x257: {  	v1 =	vld.idx.msk [tilespmem:v6+s0+$0x0], $0xffff;
	_ =	sdelay $0x4  }
0x258: {  	v1 =	vmul.f32 v1, v0;
	_ =	sdelay $0x1  }
0x259: {  	v8 =	vld [tilespmem:$0x1FF80];
	[tilespmem:v6+s0+$0x0] =	vst.idx.msk $0xffff, v1  }
0x25a: {  	v1 =	vld.idx.msk [tilespmem:v7+s0+$0x0], $0xffff;
	_ =	sdelay $0x4  }
0x25b: {  	v1 =	vmul.f32 v1, v0;
	_ =	sdelay $0x1  }
0x25c: {  	v9 =	vld [tilespmem:$0x1FF90];
	[tilespmem:v7+s0+$0x0] =	vst.idx.msk $0xffff, v1  }
0x25d: {  	v1 =	vld.idx.msk [tilespmem:v8+s0+$0x0], $0xffff;
	_ =	sdelay $0x4  }
0x25e: {  	v1 =	vmul.f32 v1, v0;
	_ =	sdelay $0x1  }
0x25f: {  	v10 =	vld [tilespmem:$0x1FFA0];
	[tilespmem:v8+s0+$0x0] =	vst.idx.msk $0xffff, v1  }
0x260: {  	v1 =	vld.idx.msk [tilespmem:v9+s0+$0x0], $0xffff;
	_ =	sdelay $0x4  }
0x261: {  	v1 =	vmul.f32 v1, v0;
	_ =	sdelay $0x1  }
0x262: {  	v11 =	vld [tilespmem:$0x1FFB0];
	[tilespmem:v9+s0+$0x0] =	vst.idx.msk $0xffff, v1  }
0x263: {  	v1 =	vld.idx.msk [tilespmem:v10+s0+$0x0], $0xffff;
	_ =	sdelay $0x4  }
0x264: {  	v1 =	vmul.f32 v1, v0;
	_ =	sdelay $0x1  }
0x265: {  	v12 =	vld [tilespmem:$0x1FFC0];
	[tilespmem:v10+s0+$0x0] =	vst.idx.msk $0xffff, v1  }
0x266: {  	v1 =	vld.idx.msk [tilespmem:v11+s0+$0x0], $0xffff;
	_ =	sdelay $0x4  }
0x267: {  	v1 =	vmul.f32 v1, v0;
	_ =	sdelay $0x1  }
0x268: {  	v13 =	vld [tilespmem:$0x1FFD0];
	[tilespmem:v11+s0+$0x0] =	vst.idx.msk $0xffff, v1  }
0x269: {  	v1 =	vld.idx.msk [tilespmem:v12+s0+$0x0], $0xffff;
	_ =	sdelay $0x4  }
0x26a: {  	v1 =	vmul.f32 v1, v0;
	_ =	sdelay $0x1  }
0x26b: {  	v43 =	vld [tilespmem:$0x1FFE0];
	[tilespmem:v12+s0+$0x0] =	vst.idx.msk $0xffff, v1  }
0x26c: {  	v1 =	vld.idx.msk [tilespmem:v13+s0+$0x0], $0xffff;
	_ =	sdelay $0x4  }
0x26d: {  	v1 =	vmul.f32 v1, v0;
	_ =	sdelay $0x1  }
0x26e: {  	[tilespmem:v13+s0+$0x0] =	vst.idx.msk $0xffff, v1  }
0x26f: {  	v1 =	vld.idx.msk [tilespmem:v43+s0+$0x0], $0xffff;
	_ =	sdelay $0x4  }
0x270: {  	v1 =	vmul.f32 v1, v0;
	_ =	sdelay $0x1  }
0x271: {  	[tilespmem:v43+s0+$0x0] =	vst.idx.msk $0xffff, v1  }
0x272: {  	v1 =	vld.idx.msk [tilespmem:v63+s0+$0x0], $0xffff;
	_ =	sdelay $0x4  }
0x273: {  	v1 =	vmul.f32 v1, v0;
	_ =	sdelay $0x1  }
0x274: {  	[tilespmem:v63+s0+$0x0] =	vst.idx.msk $0xffff, v1  }
0x275: {  	v1 =	vld.idx.msk [tilespmem:v62+s0+$0x0], $0xffff;
	_ =	sdelay $0x4  }
0x276: {  	v1 =	vmul.f32 v1, v0;
	_ =	sdelay $0x1  }
0x277: {  	[tilespmem:v62+s0+$0x0] =	vst.idx.msk $0xffff, v1  }
0x278: {  	v1 =	vld.idx.msk [tilespmem:v61+s0+$0x0], $0xffff;
	_ =	sdelay $0x4  }
0x279: {  	v1 =	vmul.f32 v1, v0;
	_ =	sdelay $0x1  }
0x27a: {  	[tilespmem:v61+s0+$0x0] =	vst.idx.msk $0xffff, v1  }
0x27b: {  	v1 =	vld.idx.msk [tilespmem:v60+s0+$0x0], $0xffff;
	_ =	sdelay $0x4  }
0x27c: {  	v1 =	vmul.f32 v1, v0;
	_ =	sdelay $0x1  }
0x27d: {  	[tilespmem:v60+s0+$0x0] =	vst.idx.msk $0xffff, v1  }
0x27e: {  	v1 =	vld.idx.msk [tilespmem:v59+s0+$0x0], $0xffff;
	_ =	sdelay $0x4  }
0x27f: {  	v1 =	vmul.f32 v1, v0;
	_ =	sdelay $0x1  }
0x280: {  	[tilespmem:v59+s0+$0x0] =	vst.idx.msk $0xffff, v1  }
0x281: {  	v1 =	vld.idx.msk [tilespmem:v58+s0+$0x0], $0xffff;
	_ =	sdelay $0x4  }
0x282: {  	v1 =	vmul.f32 v1, v0;
	_ =	sdelay $0x1  }
0x283: {  	[tilespmem:v58+s0+$0x0] =	vst.idx.msk $0xffff, v1  }
0x284: {  	v1 =	vld.idx.msk [tilespmem:v57+s0+$0x0], $0xffff;
	_ =	sdelay $0x4  }
0x285: {  	v1 =	vmul.f32 v1, v0;
	_ =	sdelay $0x1  }
0x286: {  	[tilespmem:v57+s0+$0x0] =	vst.idx.msk $0xffff, v1  }
0x287: {  	v1 =	vld.idx.msk [tilespmem:v56+s0+$0x0], $0xffff;
	_ =	sdelay $0x4  }
0x288: {  	v1 =	vmul.f32 v1, v0;
	_ =	sdelay $0x1  }
0x289: {  	[tilespmem:v56+s0+$0x0] =	vst.idx.msk $0xffff, v1  }
0x28a: {  	v1 =	vld.idx.msk [tilespmem:v55+s0+$0x0], $0xffff;
	_ =	sdelay $0x4  }
0x28b: {  	v1 =	vmul.f32 v1, v0;
	_ =	sdelay $0x1  }
0x28c: {  	[tilespmem:v55+s0+$0x0] =	vst.idx.msk $0xffff, v1  }
0x28d: {  	v1 =	vld.idx.msk [tilespmem:v54+s0+$0x0], $0xffff;
	_ =	sdelay $0x4  }
0x28e: {  	v1 =	vmul.f32 v1, v0;
	_ =	sdelay $0x1  }
0x28f: {  	[tilespmem:v54+s0+$0x0] =	vst.idx.msk $0xffff, v1  }
0x290: {  	v1 =	vld.idx.msk [tilespmem:v53+s0+$0x0], $0xffff;
	_ =	sdelay $0x4  }
0x291: {  	v1 =	vmul.f32 v1, v0;
	_ =	sdelay $0x1  }
0x292: {  	[tilespmem:v53+s0+$0x0] =	vst.idx.msk $0xffff, v1  }
0x293: {  	v1 =	vld.idx.msk [tilespmem:v52+s0+$0x0], $0xffff;
	_ =	sdelay $0x4  }
0x294: {  	v1 =	vmul.f32 v1, v0;
	_ =	sdelay $0x1  }
0x295: {  	[tilespmem:v52+s0+$0x0] =	vst.idx.msk $0xffff, v1  }
0x296: {  	v1 =	vld.idx.msk [tilespmem:v51+s0+$0x0], $0xffff;
	_ =	sdelay $0x4  }
0x297: {  	v1 =	vmul.f32 v1, v0;
	_ =	sdelay $0x1  }
0x298: {  	[tilespmem:v51+s0+$0x0] =	vst.idx.msk $0xffff, v1  }
0x299: {  	v1 =	vld.idx.msk [tilespmem:v50+s0+$0x0], $0xffff;
	_ =	sdelay $0x4  }
0x29a: {  	v1 =	vmul.f32 v1, v0;
	_ =	sdelay $0x1  }
0x29b: {  	[tilespmem:v50+s0+$0x0] =	vst.idx.msk $0xffff, v1  }
0x29c: {  	v1 =	vld.idx.msk [tilespmem:v49+s0+$0x0], $0xffff;
	_ =	sdelay $0x4  }
0x29d: {  	v1 =	vmul.f32 v1, v0;
	_ =	sdelay $0x1  }
0x29e: {  	[tilespmem:v49+s0+$0x0] =	vst.idx.msk $0xffff, v1  }
0x29f: {  	v1 =	vld.idx.msk [tilespmem:v48+s0+$0x0], $0xffff;
	_ =	sdelay $0x4  }
0x2a0: {  	v1 =	vmul.f32 v1, v0;
	_ =	sdelay $0x1  }
0x2a1: {  	[tilespmem:v48+s0+$0x0] =	vst.idx.msk $0xffff, v1  }
0x2a2: {  	v1 =	vld.idx.msk [tilespmem:v47+s0+$0x0], $0xffff;
	_ =	sdelay $0x4  }
0x2a3: {  	v0 =	vmul.f32 v1, v0;
	_ =	sdelay $0x1  }
0x2a4: {  	[tilespmem:v47+s0+$0x0] =	vst.idx.msk $0xffff, v0  }
0x2a5: {  	v0 =	vld.idx.msk [tilespmem:v40+s0+$0x0], $0xffff;
	_ =	sdelay $0x4  }
0x2a6: {  	v0 =	vmul.f32 v0, v2;
	_ =	sdelay $0x1  }
0x2a7: {  	[tilespmem:v40+s0+$0x0] =	vst.idx.msk $0xffff, v0  }
0x2a8: {  	v0 =	vld.idx.msk [tilespmem:v41+s0+$0x0], $0xffff;
	_ =	sdelay $0x4  }
0x2a9: {  	v0 =	vmul.f32 v0, v2;
	_ =	sdelay $0x1  }
0x2aa: {  	[tilespmem:v41+s0+$0x0] =	vst.idx.msk $0xffff, v0  }
0x2ab: {  	v0 =	vld.idx.msk [tilespmem:v42+s0+$0x0], $0xffff;
	_ =	sdelay $0x4  }
0x2ac: {  	v0 =	vmul.f32 v0, v2;
	_ =	sdelay $0x1  }
0x2ad: {  	[tilespmem:v42+s0+$0x0] =	vst.idx.msk $0xffff, v0  }
0x2ae: {  	v0 =	vld.idx.msk [tilespmem:v44+s0+$0x0], $0xffff;
	_ =	sdelay $0x4  }
0x2af: {  	v0 =	vmul.f32 v0, v2;
	_ =	sdelay $0x1  }
0x2b0: {  	[tilespmem:v44+s0+$0x0] =	vst.idx.msk $0xffff, v0  }
0x2b1: {  	v0 =	vld.idx.msk [tilespmem:v45+s0+$0x0], $0xffff;
	_ =	sdelay $0x4  }
0x2b2: {  	v0 =	vmul.f32 v0, v2;
	_ =	sdelay $0x1  }
0x2b3: {  	[tilespmem:v45+s0+$0x0] =	vst.idx.msk $0xffff, v0  }
0x2b4: {  	v0 =	vld.idx.msk [tilespmem:v46+s0+$0x0], $0xffff;
	_ =	sdelay $0x4  }
0x2b5: {  	v0 =	vmul.f32 v0, v2;
	_ =	sdelay $0x1  }
0x2b6: {  	[tilespmem:v46+s0+$0x0] =	vst.idx.msk $0xffff, v0  }
0x2b7: {  	v0 =	vld.idx.msk [tilespmem:v39+s0+$0x0], $0xffff;
	_ =	sdelay $0x4  }
0x2b8: {  	v0 =	vmul.f32 v0, v2;
	_ =	sdelay $0x1  }
0x2b9: {  	[tilespmem:v39+s0+$0x0] =	vst.idx.msk $0xffff, v0  }
0x2ba: {  	v0 =	vld.idx.msk [tilespmem:v38+s0+$0x0], $0xffff;
	_ =	sdelay $0x4  }
0x2bb: {  	v0 =	vmul.f32 v0, v2;
	_ =	sdelay $0x1  }
0x2bc: {  	[tilespmem:v38+s0+$0x0] =	vst.idx.msk $0xffff, v0  }
0x2bd: {  	v0 =	vld.idx.msk [tilespmem:v37+s0+$0x0], $0xffff;
	_ =	sdelay $0x4  }
0x2be: {  	v0 =	vmul.f32 v0, v2;
	_ =	sdelay $0x1  }
0x2bf: {  	[tilespmem:v37+s0+$0x0] =	vst.idx.msk $0xffff, v0  }
0x2c0: {  	v0 =	vld.idx.msk [tilespmem:v36+s0+$0x0], $0xffff;
	_ =	sdelay $0x4  }
0x2c1: {  	v0 =	vmul.f32 v0, v2;
	_ =	sdelay $0x1  }
0x2c2: {  	[tilespmem:v36+s0+$0x0] =	vst.idx.msk $0xffff, v0  }
0x2c3: {  	v0 =	vld.idx.msk [tilespmem:v35+s0+$0x0], $0xffff;
	_ =	sdelay $0x4  }
0x2c4: {  	v0 =	vmul.f32 v0, v2;
	_ =	sdelay $0x1  }
0x2c5: {  	[tilespmem:v35+s0+$0x0] =	vst.idx.msk $0xffff, v0  }
0x2c6: {  	v0 =	vld.idx.msk [tilespmem:v34+s0+$0x0], $0xffff;
	_ =	sdelay $0x4  }
0x2c7: {  	v0 =	vmul.f32 v0, v2;
	_ =	sdelay $0x1  }
0x2c8: {  	[tilespmem:v34+s0+$0x0] =	vst.idx.msk $0xffff, v0  }
0x2c9: {  	v0 =	vld.idx.msk [tilespmem:v33+s0+$0x0], $0xffff;
	_ =	sdelay $0x4  }
0x2ca: {  	v0 =	vmul.f32 v0, v2;
	_ =	sdelay $0x1  }
0x2cb: {  	[tilespmem:v33+s0+$0x0] =	vst.idx.msk $0xffff, v0  }
0x2cc: {  	v0 =	vld.idx.msk [tilespmem:v32+s0+$0x0], $0xffff;
	_ =	sdelay $0x4  }
0x2cd: {  	v0 =	vmul.f32 v0, v2;
	_ =	sdelay $0x1  }
0x2ce: {  	[tilespmem:v32+s0+$0x0] =	vst.idx.msk $0xffff, v0  }
0x2cf: {  	v0 =	vld.idx.msk [tilespmem:v31+s0+$0x0], $0xffff;
	_ =	sdelay $0x4  }
0x2d0: {  	v0 =	vmul.f32 v0, v2;
	_ =	sdelay $0x1  }
0x2d1: {  	[tilespmem:v31+s0+$0x0] =	vst.idx.msk $0xffff, v0  }
0x2d2: {  	v0 =	vld.idx.msk [tilespmem:v30+s0+$0x0], $0xffff;
	_ =	sdelay $0x4  }
0x2d3: {  	v0 =	vmul.f32 v0, v2;
	_ =	sdelay $0x1  }
0x2d4: {  	[tilespmem:v30+s0+$0x0] =	vst.idx.msk $0xffff, v0  }
0x2d5: {  	v0 =	vld.idx.msk [tilespmem:v29+s0+$0x0], $0xffff;
	_ =	sdelay $0x4  }
0x2d6: {  	v0 =	vmul.f32 v0, v2;
	_ =	sdelay $0x1  }
0x2d7: {  	[tilespmem:v29+s0+$0x0] =	vst.idx.msk $0xffff, v0  }
0x2d8: {  	v0 =	vld.idx.msk [tilespmem:v28+s0+$0x0], $0xffff;
	_ =	sdelay $0x4  }
0x2d9: {  	v0 =	vmul.f32 v0, v2;
	_ =	sdelay $0x1  }
0x2da: {  	[tilespmem:v28+s0+$0x0] =	vst.idx.msk $0xffff, v0  }
0x2db: {  	v0 =	vld.idx.msk [tilespmem:v27+s0+$0x0], $0xffff;
	_ =	sdelay $0x4  }
0x2dc: {  	v0 =	vmul.f32 v0, v2;
	_ =	sdelay $0x1  }
0x2dd: {  	[tilespmem:v27+s0+$0x0] =	vst.idx.msk $0xffff, v0  }
0x2de: {  	v0 =	vld.idx.msk [tilespmem:v26+s0+$0x0], $0xffff;
	_ =	sdelay $0x4  }
0x2df: {  	v0 =	vmul.f32 v0, v2;
	_ =	sdelay $0x1  }
0x2e0: {  	[tilespmem:v26+s0+$0x0] =	vst.idx.msk $0xffff, v0  }
0x2e1: {  	v0 =	vld.idx.msk [tilespmem:v25+s0+$0x0], $0xffff;
	_ =	sdelay $0x4  }
0x2e2: {  	v0 =	vmul.f32 v0, v2;
	_ =	sdelay $0x1  }
0x2e3: {  	[tilespmem:v25+s0+$0x0] =	vst.idx.msk $0xffff, v0  }
0x2e4: {  	v0 =	vld.idx.msk [tilespmem:v24+s0+$0x0], $0xffff;
	_ =	sdelay $0x4  }
0x2e5: {  	v0 =	vmul.f32 v0, v2;
	_ =	sdelay $0x1  }
0x2e6: {  	[tilespmem:v24+s0+$0x0] =	vst.idx.msk $0xffff, v0  }
0x2e7: {  	v0 =	vld.idx.msk [tilespmem:v23+s0+$0x0], $0xffff;
	_ =	sdelay $0x4  }
0x2e8: {  	v0 =	vmul.f32 v0, v2;
	_ =	sdelay $0x1  }
0x2e9: {  	[tilespmem:v23+s0+$0x0] =	vst.idx.msk $0xffff, v0  }
0x2ea: {  	v0 =	vld.idx.msk [tilespmem:v22+s0+$0x0], $0xffff;
	_ =	sdelay $0x4  }
0x2eb: {  	v0 =	vmul.f32 v0, v2;
	_ =	sdelay $0x1  }
0x2ec: {  	[tilespmem:v22+s0+$0x0] =	vst.idx.msk $0xffff, v0  }
0x2ed: {  	v0 =	vld.idx.msk [tilespmem:v21+s0+$0x0], $0xffff;
	_ =	sdelay $0x4  }
0x2ee: {  	v0 =	vmul.f32 v0, v2;
	_ =	sdelay $0x1  }
0x2ef: {  	[tilespmem:v21+s0+$0x0] =	vst.idx.msk $0xffff, v0  }
0x2f0: {  	v0 =	vld.idx.msk [tilespmem:v20+s0+$0x0], $0xffff;
	_ =	sdelay $0x4  }
0x2f1: {  	v0 =	vmul.f32 v0, v2;
	_ =	sdelay $0x1  }
0x2f2: {  	[tilespmem:v20+s0+$0x0] =	vst.idx.msk $0xffff, v0  }
0x2f3: {  	v0 =	vld.idx.msk [tilespmem:v19+s0+$0x0], $0xffff;
	_ =	sdelay $0x4  }
0x2f4: {  	v0 =	vmul.f32 v0, v2;
	_ =	sdelay $0x1  }
0x2f5: {  	[tilespmem:v19+s0+$0x0] =	vst.idx.msk $0xffff, v0  }
0x2f6: {  	v0 =	vld.idx.msk [tilespmem:v18+s0+$0x0], $0xffff;
	_ =	sdelay $0x4  }
0x2f7: {  	v0 =	vmul.f32 v0, v2;
	_ =	sdelay $0x1  }
0x2f8: {  	[tilespmem:v18+s0+$0x0] =	vst.idx.msk $0xffff, v0  }
0x2f9: {  	v0 =	vld.idx.msk [tilespmem:v17+s0+$0x0], $0xffff;
	_ =	sdelay $0x4  }
0x2fa: {  	v0 =	vmul.f32 v0, v2;
	_ =	sdelay $0x1  }
0x2fb: {  	[tilespmem:v17+s0+$0x0] =	vst.idx.msk $0xffff, v0  }
0x2fc: {  	v0 =	vld.idx.msk [tilespmem:v16+s0+$0x0], $0xffff;
	_ =	sdelay $0x4  }
0x2fd: {  	v0 =	vmul.f32 v0, v2;
	_ =	sdelay $0x1  }
0x2fe: {  	[tilespmem:v16+s0+$0x0] =	vst.idx.msk $0xffff, v0  }
0x2ff: {  	v0 =	vld.idx.msk [tilespmem:v15+s0+$0x0], $0xffff;
	_ =	sdelay $0x4  }
0x300: {  	v0 =	vmul.f32 v0, v2;
	_ =	sdelay $0x1  }
0x301: {  	[tilespmem:v15+s0+$0x0] =	vst.idx.msk $0xffff, v0  }
0x302: {  	v0 =	vld.idx.msk [tilespmem:v14+s0+$0x0], $0xffff;
	_ =	sdelay $0x1  }
0x303: {  	p0 =	sne.s32 s17, $0x30  }
.Ltmp0:
0x304: {  	_ = 	snop;
	(pc) =	sbr.rel @p0 .LBB2_3-.Ltmp0, $3  }
0x305: {  	_ = 	snop  }
0x306: {  	v0 =	vmul.f32 v0, v2;
	_ =	sdelay $0x1  }
0x307: {  	s17 =	sadd.s32 $0x10, s17;
	[tilespmem:v14+s0+$0x0] =	vst.idx.msk $0xffff, v0  }
0x308: {  	[spmem:s1] =	stream.indirect.scatter.add.f32 [tilespmem:s0], [sflag:$0x1], $0x80, s23, s29, $0xb8;
	[tilespmem:$0x1B8C0] =	vst v63  }
0x309: {  	s16 =	sadd.s32 $0x1, s16  }
0x30a: {  	[spmem:s2] =	stream.indirect.scatter.add.f32 [tilespmem:s14], [sflag:$0x2], $0x8, s23, s29, $0xb8;
	[tilespmem:$0x1B8C0] =	vst v63  }
0x30b: {  	p0 =	sne.s32 s16, $0xA0;
	_ =	swait.ge [sflag:s25], $0x2000  }
.Ltmp1:
0x30c: {  	[sflag:s25] =	ssyncset.done $0x0;
	(pc) =	sbr.rel @p0 .LBB2_2-.Ltmp1, $4  }
0x30d: {  	[sflag:s25] =	ssyncadd.s32 $0xFFFFE000  }
0x30e: {  	_ =	swait.ge [sflag:s26], $0x200  }
0x30f: {  	[sflag:s26] =	ssyncset.done $0x0  }
0x310: {  	[sflag:s26] =	ssyncadd.s32 $0xFFFFFE00  }
0x311: {  	[bflag:$0x0] =	sbarrier.arrive $0xFFFF  }
0x312: {  	s16 =	rddreg [dreg:$0x6]  }
0x313: {  	[hbm:s16], [sflag:s13] =	dma.local [spmem:s21], $0x2800  }
0x314: {  	_ =	swait.ge [sflag:s20], $0x2800  }
0x315: {  	[sflag:s20] =	ssyncset.done $0x0;
	s19 =	rddreg [dreg:$0x7]  }
0x316: {  	s18 =	rddreg [dreg:$0x9];
	[sflag:s20] =	ssyncadd.s32 $0xFFFFD800  }
0x317: {  	[hbm:s19], [sflag:s13] =	dma.local [spmem:s18], $0x280  }
0x318: {  	_ =	swait.ge [sflag:s20], $0x280  }
0x319: {  	s17 =	smov.u32 s21;
	s3 =	sadd.s32 $0x1, s3;
	s21 =	rddreg [dreg:$0x8]  }
0x31a: {  	p0 =	sne.s32 s3, s21  }
.Ltmp2:
0x31b: {  	_ = 	snop;
	(pc) =	sbr.rel @p0 .LBB2_1-.Ltmp2, $3  }
0x31c: {  	_ =	sdelay $0x1  }
0x31d: {  	[sflag:s20] =	ssyncset.done $0x0  }
0x31e: {  	[sflag:s20] =	ssyncadd.s32 $0xFFFFFD80  }
0x31f: {  	_ =	sfence.sel $0x180000  }
0x320: {  	[bflag:$0x0] =	sbarrier.arrive $0xFFFF  }
0x321: {  	_ =	strace $0x90000047  }
0x322: {  	s0 =	stileid.u32;
	[bflag:$0x2] =	sbarrier.arrive $0xFFFF  }
0x323: {  	p0 =	sne.s32 s0, $0x0;
	s0 =	rddreg [dreg:$0x3]  }
0x324: {  	s0 =	sadd.s32 @!p0 $0x100000, s0  }
0x325: {  	[sflag:s0] =	ssyncadd.tile.s32 @!p0 $0x1;
	_ =	shalt  }
.Lfunc_end2:
_tile_overlayer_lowered:
.L_overlay_start_2:
0x326: {  	(tag) =	ssettag $0x2  }
0x327: {  	s0 =	rddreg [dreg:$0x0];
	s2 =	stileid.u32  }
0x328: {  	s1 =	rddreg [dreg:$0x1];
	p0 =	sne.s32 s2, $0x0  }
0x329: {  	s3 =	rddreg [dreg:$0x2];
	[bflag:$0x3] =	sbarrier.arrive $0xFFFF;
	s2 =	simm.s32 @!p0 $0x1C05  }
0x32a: {  	[timem:s3], [sflag:s2] =	dma.local @!p0 [hbm:s0], s1  }
0x32b: {  	s0 =	simm.s32 @!p0 $0x5  }
0x32c: {  	_ =	swait.ge @!p0 [sflag:s0], s1  }
0x32d: {  	s1 =	ssub.s32 @!p0 $0x0, s1;
	[sflag:s0] =	ssyncset.done @!p0 $0x0  }
0x32e: {  	[sflag:s0] =	ssyncadd.s32 @!p0 s1  }
0x32f: {  	[bflag:$0x3] =	sbarrier.arrive $0xFFFF  }
0x330: {  	_ =	shalt  }

</sc_bundles>
